<compile_context>
chip_gen: v7x
topology: tpu7x:2x2x1
jax: 0.10.2.dev20260603
libtpu: 0.0.44.dev20260713+nightly
codegen_flags: <defaults>
</compile_context>

<pallas_src>
import functools

import jax
import jax.numpy as jnp
from jax import lax
from jax.experimental import pallas as pl
from jax.experimental.pallas import tpu as pltpu
from jax.experimental.pallas import tpu_sc as plsc

R = 16384
COLS = 2048
NC = 2
NS = 16
NW = NC * NS
ROWS_W = R // NW
BR = 8
BC = COLS
NCHUNK = ROWS_W // BR
NTRIP = (NCHUNK + 2) // 3
TBL_PAD = 4104

MAGIC_IN = 12615680.0
BIAS = 1262485504


def _build_lut(i, tbl_v, lut_v):
    v = (i * 16 - 32768) + lax.iota(jnp.int32, 16)
    vc = jnp.minimum(jnp.maximum(v, -2048), 2048) + 2048
    s = plsc.load_gather(tbl_v, [vc])
    prod = v * s
    q0 = lax.shift_right_arithmetic(prod, 8)
    r = lax.bitwise_and(prod, 255)
    inc = lax.shift_right_arithmetic(r + lax.bitwise_and(q0, 1) + 127, 8)
    yq = q0 + inc
    lut_v[pl.ds(i * 16, 16)] = yq.astype(jnp.float32) * (1.0 / 256.0)


def _silu_body(x_hbm, tbl_hbm, out_hbm, tbl_v, lut_v,
               x0, x1, x2, si0, si1, si2, so0, so1, so2):
    wid = lax.axis_index("s") * NC + lax.axis_index("c")
    row_base = wid * ROWS_W
    bufs = (x0, x1, x2)
    isems, osems = (si0, si1, si2), (so0, so1, so2)

    def block_slice(ci):
        return pl.ds(row_base + ci * BR, BR)

    for b in range(2):
        pltpu.async_copy(x_hbm.at[block_slice(b)], bufs[b], isems[b])

    pltpu.sync_copy(tbl_hbm, tbl_v)

    zeros = jnp.zeros((16,), jnp.float32)

    @plsc.parallel_loop(0, 1920, unroll=8)
    def _(i):
        lut_v[pl.ds(i * 16, 16)] = zeros

    @plsc.parallel_loop(1920, 2177, unroll=4)
    def _(i):
        _build_lut(i, tbl_v, lut_v)

    @plsc.parallel_loop(2177, 4096, unroll=8)
    def _(i):
        v = (i * 16 - 32768) + lax.iota(jnp.int32, 16)
        lut_v[pl.ds(i * 16, 16)] = v.astype(jnp.float32) * (1.0 / 256.0)

    def do_trip(p, carry):
        for b in range(3):
            ci = p * 3 + b

            @pl.when(ci < NCHUNK)
            def _():
                xb, isem, osem = bufs[b], isems[b], osems[b]
                pltpu.make_async_copy(x_hbm.at[pl.ds(0, BR)], xb, isem).wait()

                for r in range(BR):
                    @plsc.parallel_loop(0, BC // 16, unroll=8)
                    def _(vi):
                        xv = xb[r, pl.ds(vi * 16, 16)]
                        t = xv * 256.0 + MAGIC_IN
                        bits = plsc.bitcast(t, jnp.int32)
                        idx = jnp.minimum(jnp.maximum(bits, BIAS),
                                          BIAS + 65535) - BIAS
                        xb[r, pl.ds(vi * 16, 16)] = plsc.load_gather(
                            lut_v, [idx])

                pltpu.async_copy(xb, out_hbm.at[block_slice(ci)], osem)

                @pl.when(ci + 2 < NCHUNK)
                def _():
                    b2 = (b + 2) % 3

                    @pl.when(ci >= 1)
                    def _():
                        pltpu.make_async_copy(
                            bufs[b2], out_hbm.at[pl.ds(0, BR)],
                            osems[b2]).wait()

                    pltpu.async_copy(x_hbm.at[block_slice(ci + 2)],
                                     bufs[b2], isems[b2])
        return carry

    lax.fori_loop(0, NTRIP, do_trip, 0)

    for ci in range(NCHUNK - 3, NCHUNK):
        b = ci % 3
        pltpu.make_async_copy(bufs[b], out_hbm.at[pl.ds(0, BR)],
                              osems[b]).wait()


@jax.jit
def _silu_sc(x2, tbl32):
    mesh = plsc.VectorSubcoreMesh(core_axis_name="c", subcore_axis_name="s")
    fn = pl.kernel(
        _silu_body,
        mesh=mesh,
        compiler_params=pltpu.CompilerParams(
            needs_layout_passes=False, use_tc_tiling_on_sc=True),
        out_type=jax.ShapeDtypeStruct((R, COLS), jnp.float32),
        scratch_types=[
            pltpu.VMEM((TBL_PAD,), jnp.int32),
            pltpu.VMEM((65536,), jnp.float32),
            pltpu.VMEM((BR, BC), jnp.float32),
            pltpu.VMEM((BR, BC), jnp.float32),
            pltpu.VMEM((BR, BC), jnp.float32),
            pltpu.SemaphoreType.DMA,
            pltpu.SemaphoreType.DMA,
            pltpu.SemaphoreType.DMA,
            pltpu.SemaphoreType.DMA,
            pltpu.SemaphoreType.DMA,
            pltpu.SemaphoreType.DMA,
        ],
    )
    return fn(x2, tbl32)


def kernel(x, table):
    tbl32 = jnp.pad(table.astype(jnp.int32), (0, TBL_PAD - table.shape[0]))
    y = _silu_sc(x.reshape(R, COLS), tbl32)
    return y.reshape(x.shape)

# --- scband reference (transcript-rebuilt; emitter-appended) ---
"""Pipeline reference for scband-int16-si-lulut-30983894073633 (READ-ONLY COPY).

The authoritative reference and input builder live on the scoring server;
editing this copy changes nothing except your own understanding.
"""

import jax, jax.numpy as jnp
import numpy as np

X_MIN = -8.0
X_MAX = 8.0


def _to_q88(x):
    t = jnp.round(x * 256.0)
    t = jnp.clip(t, -32768.0, 32767.0)
    return t.astype(jnp.int16)


def _build_table():
    n = int(round((X_MAX - X_MIN) * 256))
    xs = jnp.linspace(X_MIN, X_MAX, n + 1, dtype=jnp.float32)
    ys = jax.nn.sigmoid(xs)
    return _to_q88(ys)


def _rne_rshift(x, shift=8):
    # round-to-nearest-even right shift on signed integers (Q8.8 -> Q8.8 after product)
    sgn = jnp.where(x < 0, -1, 1)
    mag = jnp.where(x < 0, -x, x)
    q = mag >> shift
    r = mag & ((1 << shift) - 1)
    half = 1 << (shift - 1)
    tie = r == half
    gt = r > half
    inc = jnp.where(gt | (tie & ((q & 1) == 1)), 1, 0)
    q = q + inc
    return jnp.where(sgn < 0, -q, q)


def setup_inputs(seed: int = 0) -> dict:
    key = jax.random.key(seed)
    x = jax.random.normal(key, (4, 4096, 2048), dtype=jnp.float32)
    table = _build_table()  # int16[4097] Q8.8 sigmoid LUT (constant, derived from init kwargs)
    return {"x": x, "table": table}


def reference(x, table):
    # quantize input to Q8.8 int16
    x_q = _to_q88(x)
    # LUT lookup of sigmoid(x)
    x_f = x_q.astype(jnp.float32) / 256.0
    x_c = jnp.clip(x_f, X_MIN, X_MAX)
    idx = jnp.round((x_c - X_MIN) * 256.0).astype(jnp.int32)
    s_q = jnp.take(table, idx)
    # SiLU = x * sigmoid(x) in fixed point: Q8.8 * Q8.8 -> Q16.16, RNE shift back to Q8.8
    prod = x_q.astype(jnp.int32) * s_q.astype(jnp.int32)
    y_q = _rne_rshift(prod, 8).astype(jnp.int16)
    return y_q.astype(jnp.float32) / 256.0

if __name__ == "__main__":
    import jax
    _d = setup_inputs()
    print(jax.jit(kernel)(*tuple(_d.values())))

</pallas_src>

<mosaic_0001>
#map = affine_map<(d0, d1) -> (0, 0)>
#map1 = affine_map<(d0, d1) -> (0)>
module attributes {stable_mosaic.version = 14 : i64} {
  func.func @_silu_body(%arg0: i32, %arg1: i32, %arg2: memref<16384x2048xf32, #tpu.memory_space<hbm>>, %arg3: memref<4104xi32, #tpu.memory_space<hbm>>, %arg4: memref<16384x2048xf32, #tpu.memory_space<hbm>>, %arg5: memref<4104xi32, #tpu.memory_space<vmem>>, %arg6: memref<65536xf32, #tpu.memory_space<vmem>>, %arg7: memref<8x2048xf32, #tpu.memory_space<vmem>>, %arg8: memref<8x2048xf32, #tpu.memory_space<vmem>>, %arg9: memref<8x2048xf32, #tpu.memory_space<vmem>>, %arg10: memref<!tpu.dma_semaphore, #tpu.memory_space<semaphore_mem>>, %arg11: memref<!tpu.dma_semaphore, #tpu.memory_space<semaphore_mem>>, %arg12: memref<!tpu.dma_semaphore, #tpu.memory_space<semaphore_mem>>, %arg13: memref<!tpu.dma_semaphore, #tpu.memory_space<semaphore_mem>>, %arg14: memref<!tpu.dma_semaphore, #tpu.memory_space<semaphore_mem>>, %arg15: memref<!tpu.dma_semaphore, #tpu.memory_space<semaphore_mem>>) attributes {dimension_semantics = [#tpu.dimension_semantics<core_parallel>, #tpu.dimension_semantics<subcore_parallel>], iteration_bounds = array<i64: 2, 16>, scalar_prefetch = 0 : i64, scratch_operands = 11 : i64, tpu.core_type = #tpu.core_type<sc_vector_subcore>, window_params = [{transform_indices = #map}, {transform_indices = #map1}, {transform_indices = #map}]} {
    %mul3A = arith.constant 2 : i32
    %mul3A_0 = arith.muli %arg1, %mul3A : i32
    %add3A = arith.addi %mul3A_0, %arg0 : i32
    %mul3A_1 = arith.constant 512 : i32
    %mul3A_2 = arith.muli %add3A, %mul3A_1 : i32
    %add3A_3 = arith.constant 0 : i32
    %add3A_4 = arith.addi %mul3A_2, %add3A_3 : i32
    %dma_start3A = arith.constant 0 : i32
    %dma_start3A_5 = tpu.memref_slice %arg2[%add3A_4, %dma_start3A] : memref<16384x2048xf32, #tpu.memory_space<hbm>> -> memref<8x2048xf32, #tpu.memory_space<hbm>>
    %dma_start3A_6 = arith.constant 0 : i32
    %dma_start3A_7 = tpu.memref_slice %arg2[%add3A_4, %dma_start3A_6] : memref<16384x2048xf32, #tpu.memory_space<hbm>> -> memref<8x2048xf32, #tpu.memory_space<hbm>>
    tpu.enqueue_dma source(%dma_start3A_7 : memref<8x2048xf32, #tpu.memory_space<hbm>>) target(%arg7 : memref<8x2048xf32, #tpu.memory_space<vmem>>) target_semaphore(%arg10 : memref<!tpu.dma_semaphore, #tpu.memory_space<semaphore_mem>>)
    %add3A_8 = arith.constant 8 : i32
    %add3A_9 = arith.addi %mul3A_2, %add3A_8 : i32
    %dma_start3A_10 = arith.constant 0 : i32
    %dma_start3A_11 = tpu.memref_slice %arg2[%add3A_9, %dma_start3A_10] : memref<16384x2048xf32, #tpu.memory_space<hbm>> -> memref<8x2048xf32, #tpu.memory_space<hbm>>
    %dma_start3A_12 = arith.constant 0 : i32
    %dma_start3A_13 = tpu.memref_slice %arg2[%add3A_9, %dma_start3A_12] : memref<16384x2048xf32, #tpu.memory_space<hbm>> -> memref<8x2048xf32, #tpu.memory_space<hbm>>
    tpu.enqueue_dma source(%dma_start3A_13 : memref<8x2048xf32, #tpu.memory_space<hbm>>) target(%arg8 : memref<8x2048xf32, #tpu.memory_space<vmem>>) target_semaphore(%arg11 : memref<!tpu.dma_semaphore, #tpu.memory_space<semaphore_mem>>)
    "tpu.region"() ({
      %run_scoped3A = tpu.sem_alloc : memref<!tpu.dma_semaphore, #tpu.memory_space<semaphore_mem>>
      tpu.enqueue_dma source(%arg3 : memref<4104xi32, #tpu.memory_space<hbm>>) target(%arg5 : memref<4104xi32, #tpu.memory_space<vmem>>) target_semaphore(%run_scoped3A : memref<!tpu.dma_semaphore, #tpu.memory_space<semaphore_mem>>)
      tpu.wait_dma2 semaphore(%run_scoped3A : memref<!tpu.dma_semaphore, #tpu.memory_space<semaphore_mem>>) src(%arg3 : memref<4104xi32, #tpu.memory_space<hbm>>) dst(%arg5 : memref<4104xi32, #tpu.memory_space<vmem>>)
      tpu.yield
    }) : () -> ()
    %broadcast_in_dim3A = arith.constant 0.000000e+00 : f32
    %broadcast_in_dim3A_14 = vector.broadcast %broadcast_in_dim3A : f32 to vector<16xf32>
    %parallel_loop3A = arith.constant 0 : i32
    %parallel_loop3A_15 = arith.constant 1920 : i32
    %parallel_loop3A_16 = arith.constant 1 : i32
    scf.for %parallel_loop3A_45 = %parallel_loop3A to %parallel_loop3A_15 step %parallel_loop3A_16  : i32 {
      %parallel_loop3A_46 = arith.constant 16 : i32
      %parallel_loop3A_47 = arith.muli %parallel_loop3A_45, %parallel_loop3A_46 : i32
      %parallel_loop3A_48 = arith.index_cast %parallel_loop3A_47 : i32 to index
      %parallel_loop3A_49 = tpu.vector_load %arg6[%parallel_loop3A_48] {strides = array<i32>} : memref<65536xf32, #tpu.memory_space<vmem>>, vector<16xf32>,
      tpu.vector_store %arg6[%parallel_loop3A_48], %broadcast_in_dim3A_14 {strides = array<i32>} : memref<65536xf32, #tpu.memory_space<vmem>>, vector<16xf32>,
    } {sc.loop_unroll_factor = 8 : i64, sc.parallel_access}
    %parallel_loop3A_17 = arith.constant 1920 : i32
    %parallel_loop3A_18 = arith.constant 2177 : i32
    %parallel_loop3A_19 = arith.constant 1 : i32
    scf.for %parallel_loop3A_45 = %parallel_loop3A_17 to %parallel_loop3A_18 step %parallel_loop3A_19  : i32 {
      %parallel_loop3A_46 = arith.constant 16 : i32
      %parallel_loop3A_47 = arith.muli %parallel_loop3A_45, %parallel_loop3A_46 : i32
      %parallel_loop3A_48 = arith.constant 32768 : i32
      %parallel_loop3A_49 = arith.subi %parallel_loop3A_47, %parallel_loop3A_48 : i32
      %parallel_loop3A_50 = tpu.iota {dimensions = array<i32: 0>} : vector<16xi32>
      %parallel_loop3A_51 = vector.broadcast %parallel_loop3A_49 : i32 to vector<16xi32>
      %parallel_loop3A_52 = arith.addi %parallel_loop3A_51, %parallel_loop3A_50 : vector<16xi32>
      %parallel_loop3A_53 = arith.constant -2048 : i32
      %parallel_loop3A_54 = vector.broadcast %parallel_loop3A_53 : i32 to vector<16xi32>
      %parallel_loop3A_55 = arith.maxsi %parallel_loop3A_52, %parallel_loop3A_54 : vector<16xi32>
      %parallel_loop3A_56 = arith.constant 2048 : i32
      %parallel_loop3A_57 = vector.broadcast %parallel_loop3A_56 : i32 to vector<16xi32>
      %parallel_loop3A_58 = arith.minsi %parallel_loop3A_55, %parallel_loop3A_57 : vector<16xi32>
      %parallel_loop3A_59 = arith.constant 2048 : i32
      %parallel_loop3A_60 = vector.broadcast %parallel_loop3A_59 : i32 to vector<16xi32>
      %parallel_loop3A_61 = arith.addi %parallel_loop3A_58, %parallel_loop3A_60 : vector<16xi32>
      %parallel_loop3A_62 = tpu.vector_load_idx %arg5[%parallel_loop3A_61] : memref<4104xi32, #tpu.memory_space<vmem>>[vector<16xi32>], vector<16xi32>,
      %parallel_loop3A_63 = arith.muli %parallel_loop3A_52, %parallel_loop3A_62 : vector<16xi32>
      %parallel_loop3A_64 = arith.constant 8 : i32
      %parallel_loop3A_65 = vector.broadcast %parallel_loop3A_64 : i32 to vector<16xi32>
      %parallel_loop3A_66 = arith.shrsi %parallel_loop3A_63, %parallel_loop3A_65 : vector<16xi32>
      %parallel_loop3A_67 = arith.constant 255 : i32
      %parallel_loop3A_68 = vector.broadcast %parallel_loop3A_67 : i32 to vector<16xi32>
      %parallel_loop3A_69 = arith.andi %parallel_loop3A_63, %parallel_loop3A_68 : vector<16xi32>
      %parallel_loop3A_70 = arith.constant 1 : i32
      %parallel_loop3A_71 = vector.broadcast %parallel_loop3A_70 : i32 to vector<16xi32>
      %parallel_loop3A_72 = arith.andi %parallel_loop3A_66, %parallel_loop3A_71 : vector<16xi32>
      %parallel_loop3A_73 = arith.addi %parallel_loop3A_69, %parallel_loop3A_72 : vector<16xi32>
      %parallel_loop3A_74 = arith.constant 127 : i32
      %parallel_loop3A_75 = vector.broadcast %parallel_loop3A_74 : i32 to vector<16xi32>
      %parallel_loop3A_76 = arith.addi %parallel_loop3A_73, %parallel_loop3A_75 : vector<16xi32>
      %parallel_loop3A_77 = arith.constant 8 : i32
      %parallel_loop3A_78 = vector.broadcast %parallel_loop3A_77 : i32 to vector<16xi32>
      %parallel_loop3A_79 = arith.shrsi %parallel_loop3A_76, %parallel_loop3A_78 : vector<16xi32>
      %parallel_loop3A_80 = arith.addi %parallel_loop3A_66, %parallel_loop3A_79 : vector<16xi32>
      %parallel_loop3A_81 = arith.sitofp %parallel_loop3A_80 : vector<16xi32> to vector<16xf32>
      %parallel_loop3A_82 = arith.constant 3.906250e-03 : f32
      %parallel_loop3A_83 = vector.broadcast %parallel_loop3A_82 : f32 to vector<16xf32>
      %parallel_loop3A_84 = arith.mulf %parallel_loop3A_81, %parallel_loop3A_83 : vector<16xf32>
      %parallel_loop3A_85 = arith.constant 16 : i32
      %parallel_loop3A_86 = arith.muli %parallel_loop3A_45, %parallel_loop3A_85 : i32
      %parallel_loop3A_87 = arith.index_cast %parallel_loop3A_86 : i32 to index
      %parallel_loop3A_88 = tpu.vector_load %arg6[%parallel_loop3A_87] {strides = array<i32>} : memref<65536xf32, #tpu.memory_space<vmem>>, vector<16xf32>,
      tpu.vector_store %arg6[%parallel_loop3A_87], %parallel_loop3A_84 {strides = array<i32>} : memref<65536xf32, #tpu.memory_space<vmem>>, vector<16xf32>,
    } {sc.loop_unroll_factor = 4 : i64, sc.parallel_access}
    %parallel_loop3A_20 = arith.constant 2177 : i32
    %parallel_loop3A_21 = arith.constant 4096 : i32
    %parallel_loop3A_22 = arith.constant 1 : i32
    scf.for %parallel_loop3A_45 = %parallel_loop3A_20 to %parallel_loop3A_21 step %parallel_loop3A_22  : i32 {
      %parallel_loop3A_46 = arith.constant 16 : i32
      %parallel_loop3A_47 = arith.muli %parallel_loop3A_45, %parallel_loop3A_46 : i32
      %parallel_loop3A_48 = arith.constant 32768 : i32
      %parallel_loop3A_49 = arith.subi %parallel_loop3A_47, %parallel_loop3A_48 : i32
      %parallel_loop3A_50 = tpu.iota {dimensions = array<i32: 0>} : vector<16xi32>
      %parallel_loop3A_51 = vector.broadcast %parallel_loop3A_49 : i32 to vector<16xi32>
      %parallel_loop3A_52 = arith.addi %parallel_loop3A_51, %parallel_loop3A_50 : vector<16xi32>
      %parallel_loop3A_53 = arith.sitofp %parallel_loop3A_52 : vector<16xi32> to vector<16xf32>
      %parallel_loop3A_54 = arith.constant 3.906250e-03 : f32
      %parallel_loop3A_55 = vector.broadcast %parallel_loop3A_54 : f32 to vector<16xf32>
      %parallel_loop3A_56 = arith.mulf %parallel_loop3A_53, %parallel_loop3A_55 : vector<16xf32>
      %parallel_loop3A_57 = arith.constant 16 : i32
      %parallel_loop3A_58 = arith.muli %parallel_loop3A_45, %parallel_loop3A_57 : i32
      %parallel_loop3A_59 = arith.index_cast %parallel_loop3A_58 : i32 to index
      %parallel_loop3A_60 = tpu.vector_load %arg6[%parallel_loop3A_59] {strides = array<i32>} : memref<65536xf32, #tpu.memory_space<vmem>>, vector<16xf32>,
      tpu.vector_store %arg6[%parallel_loop3A_59], %parallel_loop3A_56 {strides = array<i32>} : memref<65536xf32, #tpu.memory_space<vmem>>, vector<16xf32>,
    } {sc.loop_unroll_factor = 8 : i64, sc.parallel_access}
    %scan3A = arith.constant 0 : i32
    %scan3A_23 = arith.constant 0 : i32
    %scan3A_24 = arith.constant 22 : i32
    %scan3A_25 = arith.addi %scan3A_23, %scan3A_24 : i32
    %scan3A_26 = arith.constant 1 : i32
    scf.for %scan3A_45 = %scan3A_23 to %scan3A_25 step %scan3A_26  : i32 {
      %mul3A_46 = arith.constant 3 : i32
      %mul3A_47 = arith.muli %scan3A_45, %mul3A_46 : i32
      %add3A_48 = arith.constant 0 : i32
      %add3A_49 = arith.addi %mul3A_47, %add3A_48 : i32
      %lt3A = arith.constant 64 : i32
      %lt3A_50 = arith.cmpi slt, %add3A_49, %lt3A : i32
      %convert_element_type3A = arith.extui %lt3A_50 : i1 to i32
      %cond3A = arith.constant 0 : i32
      %cond3A_51 = arith.cmpi ne, %convert_element_type3A, %cond3A : i32
      scf.if %cond3A_51 {
        %dma_wait3A_70 = arith.constant 0 : i32
        %dma_wait3A_71 = arith.constant 0 : i32
        %dma_wait3A_72 = tpu.memref_slice %arg2[%dma_wait3A_70, %dma_wait3A_71] : memref<16384x2048xf32, #tpu.memory_space<hbm>> -> memref<8x2048xf32, #tpu.memory_space<hbm>>
        %dma_wait3A_73 = arith.constant 0 : i32
        %dma_wait3A_74 = arith.constant 0 : i32
        %dma_wait3A_75 = tpu.memref_slice %arg2[%dma_wait3A_73, %dma_wait3A_74] : memref<16384x2048xf32, #tpu.memory_space<hbm>> -> memref<8x2048xf32, #tpu.memory_space<hbm>>
        tpu.wait_dma2 semaphore(%arg10 : memref<!tpu.dma_semaphore, #tpu.memory_space<semaphore_mem>>) src(%dma_wait3A_75 : memref<8x2048xf32, #tpu.memory_space<hbm>>) dst(%arg7 : memref<8x2048xf32, #tpu.memory_space<vmem>>)
        %parallel_loop3A_76 = arith.constant 0 : i32
        %parallel_loop3A_77 = arith.constant 128 : i32
        %parallel_loop3A_78 = arith.constant 1 : i32
        scf.for %parallel_loop3A_114 = %parallel_loop3A_76 to %parallel_loop3A_77 step %parallel_loop3A_78  : i32 {
          %parallel_loop3A_115 = arith.constant 16 : i32
          %parallel_loop3A_116 = arith.muli %parallel_loop3A_114, %parallel_loop3A_115 : i32
          %parallel_loop3A_117 = arith.constant 0 : i32
          %parallel_loop3A_118 = arith.index_cast %parallel_loop3A_117 : i32 to index
          %parallel_loop3A_119 = arith.index_cast %parallel_loop3A_116 : i32 to index
          %parallel_loop3A_120 = tpu.vector_load %arg7[%parallel_loop3A_118, %parallel_loop3A_119] {strides = array<i32>} : memref<8x2048xf32, #tpu.memory_space<vmem>>, vector<16xf32>,
          %parallel_loop3A_121 = arith.constant 2.560000e+02 : f32
          %parallel_loop3A_122 = vector.broadcast %parallel_loop3A_121 : f32 to vector<16xf32>
          %parallel_loop3A_123 = arith.mulf %parallel_loop3A_120, %parallel_loop3A_122 : vector<16xf32>
          %parallel_loop3A_124 = arith.constant 0x4B408000 : f32
          %parallel_loop3A_125 = vector.broadcast %parallel_loop3A_124 : f32 to vector<16xf32>
          %parallel_loop3A_126 = arith.addf %parallel_loop3A_123, %parallel_loop3A_125 : vector<16xf32>
          %parallel_loop3A_127 = vector.bitcast %parallel_loop3A_126 : vector<16xf32> to vector<16xi32>
          %parallel_loop3A_128 = arith.constant 1262485504 : i32
          %parallel_loop3A_129 = vector.broadcast %parallel_loop3A_128 : i32 to vector<16xi32>
          %parallel_loop3A_130 = arith.maxsi %parallel_loop3A_127, %parallel_loop3A_129 : vector<16xi32>
          %parallel_loop3A_131 = arith.constant 1262551039 : i32
          %parallel_loop3A_132 = vector.broadcast %parallel_loop3A_131 : i32 to vector<16xi32>
          %parallel_loop3A_133 = arith.minsi %parallel_loop3A_130, %parallel_loop3A_132 : vector<16xi32>
          %parallel_loop3A_134 = arith.constant 1262485504 : i32
          %parallel_loop3A_135 = vector.broadcast %parallel_loop3A_134 : i32 to vector<16xi32>
          %parallel_loop3A_136 = arith.subi %parallel_loop3A_133, %parallel_loop3A_135 : vector<16xi32>
          %parallel_loop3A_137 = tpu.vector_load_idx %arg6[%parallel_loop3A_136] : memref<65536xf32, #tpu.memory_space<vmem>>[vector<16xi32>], vector<16xf32>,
          %parallel_loop3A_138 = arith.constant 16 : i32
          %parallel_loop3A_139 = arith.muli %parallel_loop3A_114, %parallel_loop3A_138 : i32
          %parallel_loop3A_140 = arith.constant 0 : i32
          %parallel_loop3A_141 = arith.index_cast %parallel_loop3A_140 : i32 to index
          %parallel_loop3A_142 = arith.index_cast %parallel_loop3A_139 : i32 to index
          %parallel_loop3A_143 = tpu.vector_load %arg7[%parallel_loop3A_141, %parallel_loop3A_142] {strides = array<i32>} : memref<8x2048xf32, #tpu.memory_space<vmem>>, vector<16xf32>,
          tpu.vector_store %arg7[%parallel_loop3A_141, %parallel_loop3A_142], %parallel_loop3A_137 {strides = array<i32>} : memref<8x2048xf32, #tpu.memory_space<vmem>>, vector<16xf32>,
        } {sc.loop_unroll_factor = 8 : i64, sc.parallel_access}
        %parallel_loop3A_79 = arith.constant 0 : i32
        %parallel_loop3A_80 = arith.constant 128 : i32
        %parallel_loop3A_81 = arith.constant 1 : i32
        scf.for %parallel_loop3A_114 = %parallel_loop3A_79 to %parallel_loop3A_80 step %parallel_loop3A_81  : i32 {
          %parallel_loop3A_115 = arith.constant 16 : i32
          %parallel_loop3A_116 = arith.muli %parallel_loop3A_114, %parallel_loop3A_115 : i32
          %parallel_loop3A_117 = arith.constant 1 : i32
          %parallel_loop3A_118 = arith.index_cast %parallel_loop3A_117 : i32 to index
          %parallel_loop3A_119 = arith.index_cast %parallel_loop3A_116 : i32 to index
          %parallel_loop3A_120 = tpu.vector_load %arg7[%parallel_loop3A_118, %parallel_loop3A_119] {strides = array<i32>} : memref<8x2048xf32, #tpu.memory_space<vmem>>, vector<16xf32>,
          %parallel_loop3A_121 = arith.constant 2.560000e+02 : f32
          %parallel_loop3A_122 = vector.broadcast %parallel_loop3A_121 : f32 to vector<16xf32>
          %parallel_loop3A_123 = arith.mulf %parallel_loop3A_120, %parallel_loop3A_122 : vector<16xf32>
          %parallel_loop3A_124 = arith.constant 0x4B408000 : f32
          %parallel_loop3A_125 = vector.broadcast %parallel_loop3A_124 : f32 to vector<16xf32>
          %parallel_loop3A_126 = arith.addf %parallel_loop3A_123, %parallel_loop3A_125 : vector<16xf32>
          %parallel_loop3A_127 = vector.bitcast %parallel_loop3A_126 : vector<16xf32> to vector<16xi32>
          %parallel_loop3A_128 = arith.constant 1262485504 : i32
          %parallel_loop3A_129 = vector.broadcast %parallel_loop3A_128 : i32 to vector<16xi32>
          %parallel_loop3A_130 = arith.maxsi %parallel_loop3A_127, %parallel_loop3A_129 : vector<16xi32>
          %parallel_loop3A_131 = arith.constant 1262551039 : i32
          %parallel_loop3A_132 = vector.broadcast %parallel_loop3A_131 : i32 to vector<16xi32>
          %parallel_loop3A_133 = arith.minsi %parallel_loop3A_130, %parallel_loop3A_132 : vector<16xi32>
          %parallel_loop3A_134 = arith.constant 1262485504 : i32
          %parallel_loop3A_135 = vector.broadcast %parallel_loop3A_134 : i32 to vector<16xi32>
          %parallel_loop3A_136 = arith.subi %parallel_loop3A_133, %parallel_loop3A_135 : vector<16xi32>
          %parallel_loop3A_137 = tpu.vector_load_idx %arg6[%parallel_loop3A_136] : memref<65536xf32, #tpu.memory_space<vmem>>[vector<16xi32>], vector<16xf32>,
          %parallel_loop3A_138 = arith.constant 16 : i32
          %parallel_loop3A_139 = arith.muli %parallel_loop3A_114, %parallel_loop3A_138 : i32
          %parallel_loop3A_140 = arith.constant 1 : i32
          %parallel_loop3A_141 = arith.index_cast %parallel_loop3A_140 : i32 to index
          %parallel_loop3A_142 = arith.index_cast %parallel_loop3A_139 : i32 to index
          %parallel_loop3A_143 = tpu.vector_load %arg7[%parallel_loop3A_141, %parallel_loop3A_142] {strides = array<i32>} : memref<8x2048xf32, #tpu.memory_space<vmem>>, vector<16xf32>,
          tpu.vector_store %arg7[%parallel_loop3A_141, %parallel_loop3A_142], %parallel_loop3A_137 {strides = array<i32>} : memref<8x2048xf32, #tpu.memory_space<vmem>>, vector<16xf32>,
        } {sc.loop_unroll_factor = 8 : i64, sc.parallel_access}
        %parallel_loop3A_82 = arith.constant 0 : i32
        %parallel_loop3A_83 = arith.constant 128 : i32
        %parallel_loop3A_84 = arith.constant 1 : i32
        scf.for %parallel_loop3A_114 = %parallel_loop3A_82 to %parallel_loop3A_83 step %parallel_loop3A_84  : i32 {
          %parallel_loop3A_115 = arith.constant 16 : i32
          %parallel_loop3A_116 = arith.muli %parallel_loop3A_114, %parallel_loop3A_115 : i32
          %parallel_loop3A_117 = arith.constant 2 : i32
          %parallel_loop3A_118 = arith.index_cast %parallel_loop3A_117 : i32 to index
          %parallel_loop3A_119 = arith.index_cast %parallel_loop3A_116 : i32 to index
          %parallel_loop3A_120 = tpu.vector_load %arg7[%parallel_loop3A_118, %parallel_loop3A_119] {strides = array<i32>} : memref<8x2048xf32, #tpu.memory_space<vmem>>, vector<16xf32>,
          %parallel_loop3A_121 = arith.constant 2.560000e+02 : f32
          %parallel_loop3A_122 = vector.broadcast %parallel_loop3A_121 : f32 to vector<16xf32>
          %parallel_loop3A_123 = arith.mulf %parallel_loop3A_120, %parallel_loop3A_122 : vector<16xf32>
          %parallel_loop3A_124 = arith.constant 0x4B408000 : f32
          %parallel_loop3A_125 = vector.broadcast %parallel_loop3A_124 : f32 to vector<16xf32>
          %parallel_loop3A_126 = arith.addf %parallel_loop3A_123, %parallel_loop3A_125 : vector<16xf32>
          %parallel_loop3A_127 = vector.bitcast %parallel_loop3A_126 : vector<16xf32> to vector<16xi32>
          %parallel_loop3A_128 = arith.constant 1262485504 : i32
          %parallel_loop3A_129 = vector.broadcast %parallel_loop3A_128 : i32 to vector<16xi32>
          %parallel_loop3A_130 = arith.maxsi %parallel_loop3A_127, %parallel_loop3A_129 : vector<16xi32>
          %parallel_loop3A_131 = arith.constant 1262551039 : i32
          %parallel_loop3A_132 = vector.broadcast %parallel_loop3A_131 : i32 to vector<16xi32>
          %parallel_loop3A_133 = arith.minsi %parallel_loop3A_130, %parallel_loop3A_132 : vector<16xi32>
          %parallel_loop3A_134 = arith.constant 1262485504 : i32
          %parallel_loop3A_135 = vector.broadcast %parallel_loop3A_134 : i32 to vector<16xi32>
          %parallel_loop3A_136 = arith.subi %parallel_loop3A_133, %parallel_loop3A_135 : vector<16xi32>
          %parallel_loop3A_137 = tpu.vector_load_idx %arg6[%parallel_loop3A_136] : memref<65536xf32, #tpu.memory_space<vmem>>[vector<16xi32>], vector<16xf32>,
          %parallel_loop3A_138 = arith.constant 16 : i32
          %parallel_loop3A_139 = arith.muli %parallel_loop3A_114, %parallel_loop3A_138 : i32
          %parallel_loop3A_140 = arith.constant 2 : i32
          %parallel_loop3A_141 = arith.index_cast %parallel_loop3A_140 : i32 to index
          %parallel_loop3A_142 = arith.index_cast %parallel_loop3A_139 : i32 to index
          %parallel_loop3A_143 = tpu.vector_load %arg7[%parallel_loop3A_141, %parallel_loop3A_142] {strides = array<i32>} : memref<8x2048xf32, #tpu.memory_space<vmem>>, vector<16xf32>,
          tpu.vector_store %arg7[%parallel_loop3A_141, %parallel_loop3A_142], %parallel_loop3A_137 {strides = array<i32>} : memref<8x2048xf32, #tpu.memory_space<vmem>>, vector<16xf32>,
        } {sc.loop_unroll_factor = 8 : i64, sc.parallel_access}
        %parallel_loop3A_85 = arith.constant 0 : i32
        %parallel_loop3A_86 = arith.constant 128 : i32
        %parallel_loop3A_87 = arith.constant 1 : i32
        scf.for %parallel_loop3A_114 = %parallel_loop3A_85 to %parallel_loop3A_86 step %parallel_loop3A_87  : i32 {
          %parallel_loop3A_115 = arith.constant 16 : i32
          %parallel_loop3A_116 = arith.muli %parallel_loop3A_114, %parallel_loop3A_115 : i32
          %parallel_loop3A_117 = arith.constant 3 : i32
          %parallel_loop3A_118 = arith.index_cast %parallel_loop3A_117 : i32 to index
          %parallel_loop3A_119 = arith.index_cast %parallel_loop3A_116 : i32 to index
          %parallel_loop3A_120 = tpu.vector_load %arg7[%parallel_loop3A_118, %parallel_loop3A_119] {strides = array<i32>} : memref<8x2048xf32, #tpu.memory_space<vmem>>, vector<16xf32>,
          %parallel_loop3A_121 = arith.constant 2.560000e+02 : f32
          %parallel_loop3A_122 = vector.broadcast %parallel_loop3A_121 : f32 to vector<16xf32>
          %parallel_loop3A_123 = arith.mulf %parallel_loop3A_120, %parallel_loop3A_122 : vector<16xf32>
          %parallel_loop3A_124 = arith.constant 0x4B408000 : f32
          %parallel_loop3A_125 = vector.broadcast %parallel_loop3A_124 : f32 to vector<16xf32>
          %parallel_loop3A_126 = arith.addf %parallel_loop3A_123, %parallel_loop3A_125 : vector<16xf32>
          %parallel_loop3A_127 = vector.bitcast %parallel_loop3A_126 : vector<16xf32> to vector<16xi32>
          %parallel_loop3A_128 = arith.constant 1262485504 : i32
          %parallel_loop3A_129 = vector.broadcast %parallel_loop3A_128 : i32 to vector<16xi32>
          %parallel_loop3A_130 = arith.maxsi %parallel_loop3A_127, %parallel_loop3A_129 : vector<16xi32>
          %parallel_loop3A_131 = arith.constant 1262551039 : i32
          %parallel_loop3A_132 = vector.broadcast %parallel_loop3A_131 : i32 to vector<16xi32>
          %parallel_loop3A_133 = arith.minsi %parallel_loop3A_130, %parallel_loop3A_132 : vector<16xi32>
          %parallel_loop3A_134 = arith.constant 1262485504 : i32
          %parallel_loop3A_135 = vector.broadcast %parallel_loop3A_134 : i32 to vector<16xi32>
          %parallel_loop3A_136 = arith.subi %parallel_loop3A_133, %parallel_loop3A_135 : vector<16xi32>
          %parallel_loop3A_137 = tpu.vector_load_idx %arg6[%parallel_loop3A_136] : memref<65536xf32, #tpu.memory_space<vmem>>[vector<16xi32>], vector<16xf32>,
          %parallel_loop3A_138 = arith.constant 16 : i32
          %parallel_loop3A_139 = arith.muli %parallel_loop3A_114, %parallel_loop3A_138 : i32
          %parallel_loop3A_140 = arith.constant 3 : i32
          %parallel_loop3A_141 = arith.index_cast %parallel_loop3A_140 : i32 to index
          %parallel_loop3A_142 = arith.index_cast %parallel_loop3A_139 : i32 to index
          %parallel_loop3A_143 = tpu.vector_load %arg7[%parallel_loop3A_141, %parallel_loop3A_142] {strides = array<i32>} : memref<8x2048xf32, #tpu.memory_space<vmem>>, vector<16xf32>,
          tpu.vector_store %arg7[%parallel_loop3A_141, %parallel_loop3A_142], %parallel_loop3A_137 {strides = array<i32>} : memref<8x2048xf32, #tpu.memory_space<vmem>>, vector<16xf32>,
        } {sc.loop_unroll_factor = 8 : i64, sc.parallel_access}
        %parallel_loop3A_88 = arith.constant 0 : i32
        %parallel_loop3A_89 = arith.constant 128 : i32
        %parallel_loop3A_90 = arith.constant 1 : i32
        scf.for %parallel_loop3A_114 = %parallel_loop3A_88 to %parallel_loop3A_89 step %parallel_loop3A_90  : i32 {
          %parallel_loop3A_115 = arith.constant 16 : i32
          %parallel_loop3A_116 = arith.muli %parallel_loop3A_114, %parallel_loop3A_115 : i32
          %parallel_loop3A_117 = arith.constant 4 : i32
          %parallel_loop3A_118 = arith.index_cast %parallel_loop3A_117 : i32 to index
          %parallel_loop3A_119 = arith.index_cast %parallel_loop3A_116 : i32 to index
          %parallel_loop3A_120 = tpu.vector_load %arg7[%parallel_loop3A_118, %parallel_loop3A_119] {strides = array<i32>} : memref<8x2048xf32, #tpu.memory_space<vmem>>, vector<16xf32>,
          %parallel_loop3A_121 = arith.constant 2.560000e+02 : f32
          %parallel_loop3A_122 = vector.broadcast %parallel_loop3A_121 : f32 to vector<16xf32>
          %parallel_loop3A_123 = arith.mulf %parallel_loop3A_120, %parallel_loop3A_122 : vector<16xf32>
          %parallel_loop3A_124 = arith.constant 0x4B408000 : f32
          %parallel_loop3A_125 = vector.broadcast %parallel_loop3A_124 : f32 to vector<16xf32>
          %parallel_loop3A_126 = arith.addf %parallel_loop3A_123, %parallel_loop3A_125 : vector<16xf32>
          %parallel_loop3A_127 = vector.bitcast %parallel_loop3A_126 : vector<16xf32> to vector<16xi32>
          %parallel_loop3A_128 = arith.constant 1262485504 : i32
          %parallel_loop3A_129 = vector.broadcast %parallel_loop3A_128 : i32 to vector<16xi32>
          %parallel_loop3A_130 = arith.maxsi %parallel_loop3A_127, %parallel_loop3A_129 : vector<16xi32>
          %parallel_loop3A_131 = arith.constant 1262551039 : i32
          %parallel_loop3A_132 = vector.broadcast %parallel_loop3A_131 : i32 to vector<16xi32>
          %parallel_loop3A_133 = arith.minsi %parallel_loop3A_130, %parallel_loop3A_132 : vector<16xi32>
          %parallel_loop3A_134 = arith.constant 1262485504 : i32
          %parallel_loop3A_135 = vector.broadcast %parallel_loop3A_134 : i32 to vector<16xi32>
          %parallel_loop3A_136 = arith.subi %parallel_loop3A_133, %parallel_loop3A_135 : vector<16xi32>
          %parallel_loop3A_137 = tpu.vector_load_idx %arg6[%parallel_loop3A_136] : memref<65536xf32, #tpu.memory_space<vmem>>[vector<16xi32>], vector<16xf32>,
          %parallel_loop3A_138 = arith.constant 16 : i32
          %parallel_loop3A_139 = arith.muli %parallel_loop3A_114, %parallel_loop3A_138 : i32
          %parallel_loop3A_140 = arith.constant 4 : i32
          %parallel_loop3A_141 = arith.index_cast %parallel_loop3A_140 : i32 to index
          %parallel_loop3A_142 = arith.index_cast %parallel_loop3A_139 : i32 to index
          %parallel_loop3A_143 = tpu.vector_load %arg7[%parallel_loop3A_141, %parallel_loop3A_142] {strides = array<i32>} : memref<8x2048xf32, #tpu.memory_space<vmem>>, vector<16xf32>,
          tpu.vector_store %arg7[%parallel_loop3A_141, %parallel_loop3A_142], %parallel_loop3A_137 {strides = array<i32>} : memref<8x2048xf32, #tpu.memory_space<vmem>>, vector<16xf32>,
        } {sc.loop_unroll_factor = 8 : i64, sc.parallel_access}
        %parallel_loop3A_91 = arith.constant 0 : i32
        %parallel_loop3A_92 = arith.constant 128 : i32
        %parallel_loop3A_93 = arith.constant 1 : i32
        scf.for %parallel_loop3A_114 = %parallel_loop3A_91 to %parallel_loop3A_92 step %parallel_loop3A_93  : i32 {
          %parallel_loop3A_115 = arith.constant 16 : i32
          %parallel_loop3A_116 = arith.muli %parallel_loop3A_114, %parallel_loop3A_115 : i32
          %parallel_loop3A_117 = arith.constant 5 : i32
          %parallel_loop3A_118 = arith.index_cast %parallel_loop3A_117 : i32 to index
          %parallel_loop3A_119 = arith.index_cast %parallel_loop3A_116 : i32 to index
          %parallel_loop3A_120 = tpu.vector_load %arg7[%parallel_loop3A_118, %parallel_loop3A_119] {strides = array<i32>} : memref<8x2048xf32, #tpu.memory_space<vmem>>, vector<16xf32>,
          %parallel_loop3A_121 = arith.constant 2.560000e+02 : f32
          %parallel_loop3A_122 = vector.broadcast %parallel_loop3A_121 : f32 to vector<16xf32>
          %parallel_loop3A_123 = arith.mulf %parallel_loop3A_120, %parallel_loop3A_122 : vector<16xf32>
          %parallel_loop3A_124 = arith.constant 0x4B408000 : f32
          %parallel_loop3A_125 = vector.broadcast %parallel_loop3A_124 : f32 to vector<16xf32>
          %parallel_loop3A_126 = arith.addf %parallel_loop3A_123, %parallel_loop3A_125 : vector<16xf32>
          %parallel_loop3A_127 = vector.bitcast %parallel_loop3A_126 : vector<16xf32> to vector<16xi32>
          %parallel_loop3A_128 = arith.constant 1262485504 : i32
          %parallel_loop3A_129 = vector.broadcast %parallel_loop3A_128 : i32 to vector<16xi32>
          %parallel_loop3A_130 = arith.maxsi %parallel_loop3A_127, %parallel_loop3A_129 : vector<16xi32>
          %parallel_loop3A_131 = arith.constant 1262551039 : i32
          %parallel_loop3A_132 = vector.broadcast %parallel_loop3A_131 : i32 to vector<16xi32>
          %parallel_loop3A_133 = arith.minsi %parallel_loop3A_130, %parallel_loop3A_132 : vector<16xi32>
          %parallel_loop3A_134 = arith.constant 1262485504 : i32
          %parallel_loop3A_135 = vector.broadcast %parallel_loop3A_134 : i32 to vector<16xi32>
          %parallel_loop3A_136 = arith.subi %parallel_loop3A_133, %parallel_loop3A_135 : vector<16xi32>
          %parallel_loop3A_137 = tpu.vector_load_idx %arg6[%parallel_loop3A_136] : memref<65536xf32, #tpu.memory_space<vmem>>[vector<16xi32>], vector<16xf32>,
          %parallel_loop3A_138 = arith.constant 16 : i32
          %parallel_loop3A_139 = arith.muli %parallel_loop3A_114, %parallel_loop3A_138 : i32
          %parallel_loop3A_140 = arith.constant 5 : i32
          %parallel_loop3A_141 = arith.index_cast %parallel_loop3A_140 : i32 to index
          %parallel_loop3A_142 = arith.index_cast %parallel_loop3A_139 : i32 to index
          %parallel_loop3A_143 = tpu.vector_load %arg7[%parallel_loop3A_141, %parallel_loop3A_142] {strides = array<i32>} : memref<8x2048xf32, #tpu.memory_space<vmem>>, vector<16xf32>,
          tpu.vector_store %arg7[%parallel_loop3A_141, %parallel_loop3A_142], %parallel_loop3A_137 {strides = array<i32>} : memref<8x2048xf32, #tpu.memory_space<vmem>>, vector<16xf32>,
        } {sc.loop_unroll_factor = 8 : i64, sc.parallel_access}
        %parallel_loop3A_94 = arith.constant 0 : i32
        %parallel_loop3A_95 = arith.constant 128 : i32
        %parallel_loop3A_96 = arith.constant 1 : i32
        scf.for %parallel_loop3A_114 = %parallel_loop3A_94 to %parallel_loop3A_95 step %parallel_loop3A_96  : i32 {
          %parallel_loop3A_115 = arith.constant 16 : i32
          %parallel_loop3A_116 = arith.muli %parallel_loop3A_114, %parallel_loop3A_115 : i32
          %parallel_loop3A_117 = arith.constant 6 : i32
          %parallel_loop3A_118 = arith.index_cast %parallel_loop3A_117 : i32 to index
          %parallel_loop3A_119 = arith.index_cast %parallel_loop3A_116 : i32 to index
          %parallel_loop3A_120 = tpu.vector_load %arg7[%parallel_loop3A_118, %parallel_loop3A_119] {strides = array<i32>} : memref<8x2048xf32, #tpu.memory_space<vmem>>, vector<16xf32>,
          %parallel_loop3A_121 = arith.constant 2.560000e+02 : f32
          %parallel_loop3A_122 = vector.broadcast %parallel_loop3A_121 : f32 to vector<16xf32>
          %parallel_loop3A_123 = arith.mulf %parallel_loop3A_120, %parallel_loop3A_122 : vector<16xf32>
          %parallel_loop3A_124 = arith.constant 0x4B408000 : f32
          %parallel_loop3A_125 = vector.broadcast %parallel_loop3A_124 : f32 to vector<16xf32>
          %parallel_loop3A_126 = arith.addf %parallel_loop3A_123, %parallel_loop3A_125 : vector<16xf32>
          %parallel_loop3A_127 = vector.bitcast %parallel_loop3A_126 : vector<16xf32> to vector<16xi32>
          %parallel_loop3A_128 = arith.constant 1262485504 : i32
          %parallel_loop3A_129 = vector.broadcast %parallel_loop3A_128 : i32 to vector<16xi32>
          %parallel_loop3A_130 = arith.maxsi %parallel_loop3A_127, %parallel_loop3A_129 : vector<16xi32>
          %parallel_loop3A_131 = arith.constant 1262551039 : i32
          %parallel_loop3A_132 = vector.broadcast %parallel_loop3A_131 : i32 to vector<16xi32>
          %parallel_loop3A_133 = arith.minsi %parallel_loop3A_130, %parallel_loop3A_132 : vector<16xi32>
          %parallel_loop3A_134 = arith.constant 1262485504 : i32
          %parallel_loop3A_135 = vector.broadcast %parallel_loop3A_134 : i32 to vector<16xi32>
          %parallel_loop3A_136 = arith.subi %parallel_loop3A_133, %parallel_loop3A_135 : vector<16xi32>
          %parallel_loop3A_137 = tpu.vector_load_idx %arg6[%parallel_loop3A_136] : memref<65536xf32, #tpu.memory_space<vmem>>[vector<16xi32>], vector<16xf32>,
          %parallel_loop3A_138 = arith.constant 16 : i32
          %parallel_loop3A_139 = arith.muli %parallel_loop3A_114, %parallel_loop3A_138 : i32
          %parallel_loop3A_140 = arith.constant 6 : i32
          %parallel_loop3A_141 = arith.index_cast %parallel_loop3A_140 : i32 to index
          %parallel_loop3A_142 = arith.index_cast %parallel_loop3A_139 : i32 to index
          %parallel_loop3A_143 = tpu.vector_load %arg7[%parallel_loop3A_141, %parallel_loop3A_142] {strides = array<i32>} : memref<8x2048xf32, #tpu.memory_space<vmem>>, vector<16xf32>,
          tpu.vector_store %arg7[%parallel_loop3A_141, %parallel_loop3A_142], %parallel_loop3A_137 {strides = array<i32>} : memref<8x2048xf32, #tpu.memory_space<vmem>>, vector<16xf32>,
        } {sc.loop_unroll_factor = 8 : i64, sc.parallel_access}
        %parallel_loop3A_97 = arith.constant 0 : i32
        %parallel_loop3A_98 = arith.constant 128 : i32
        %parallel_loop3A_99 = arith.constant 1 : i32
        scf.for %parallel_loop3A_114 = %parallel_loop3A_97 to %parallel_loop3A_98 step %parallel_loop3A_99  : i32 {
          %parallel_loop3A_115 = arith.constant 16 : i32
          %parallel_loop3A_116 = arith.muli %parallel_loop3A_114, %parallel_loop3A_115 : i32
          %parallel_loop3A_117 = arith.constant 7 : i32
          %parallel_loop3A_118 = arith.index_cast %parallel_loop3A_117 : i32 to index
          %parallel_loop3A_119 = arith.index_cast %parallel_loop3A_116 : i32 to index
          %parallel_loop3A_120 = tpu.vector_load %arg7[%parallel_loop3A_118, %parallel_loop3A_119] {strides = array<i32>} : memref<8x2048xf32, #tpu.memory_space<vmem>>, vector<16xf32>,
          %parallel_loop3A_121 = arith.constant 2.560000e+02 : f32
          %parallel_loop3A_122 = vector.broadcast %parallel_loop3A_121 : f32 to vector<16xf32>
          %parallel_loop3A_123 = arith.mulf %parallel_loop3A_120, %parallel_loop3A_122 : vector<16xf32>
          %parallel_loop3A_124 = arith.constant 0x4B408000 : f32
          %parallel_loop3A_125 = vector.broadcast %parallel_loop3A_124 : f32 to vector<16xf32>
          %parallel_loop3A_126 = arith.addf %parallel_loop3A_123, %parallel_loop3A_125 : vector<16xf32>
          %parallel_loop3A_127 = vector.bitcast %parallel_loop3A_126 : vector<16xf32> to vector<16xi32>
          %parallel_loop3A_128 = arith.constant 1262485504 : i32
          %parallel_loop3A_129 = vector.broadcast %parallel_loop3A_128 : i32 to vector<16xi32>
          %parallel_loop3A_130 = arith.maxsi %parallel_loop3A_127, %parallel_loop3A_129 : vector<16xi32>
          %parallel_loop3A_131 = arith.constant 1262551039 : i32
          %parallel_loop3A_132 = vector.broadcast %parallel_loop3A_131 : i32 to vector<16xi32>
          %parallel_loop3A_133 = arith.minsi %parallel_loop3A_130, %parallel_loop3A_132 : vector<16xi32>
          %parallel_loop3A_134 = arith.constant 1262485504 : i32
          %parallel_loop3A_135 = vector.broadcast %parallel_loop3A_134 : i32 to vector<16xi32>
          %parallel_loop3A_136 = arith.subi %parallel_loop3A_133, %parallel_loop3A_135 : vector<16xi32>
          %parallel_loop3A_137 = tpu.vector_load_idx %arg6[%parallel_loop3A_136] : memref<65536xf32, #tpu.memory_space<vmem>>[vector<16xi32>], vector<16xf32>,
          %parallel_loop3A_138 = arith.constant 16 : i32
          %parallel_loop3A_139 = arith.muli %parallel_loop3A_114, %parallel_loop3A_138 : i32
          %parallel_loop3A_140 = arith.constant 7 : i32
          %parallel_loop3A_141 = arith.index_cast %parallel_loop3A_140 : i32 to index
          %parallel_loop3A_142 = arith.index_cast %parallel_loop3A_139 : i32 to index
          %parallel_loop3A_143 = tpu.vector_load %arg7[%parallel_loop3A_141, %parallel_loop3A_142] {strides = array<i32>} : memref<8x2048xf32, #tpu.memory_space<vmem>>, vector<16xf32>,
          tpu.vector_store %arg7[%parallel_loop3A_141, %parallel_loop3A_142], %parallel_loop3A_137 {strides = array<i32>} : memref<8x2048xf32, #tpu.memory_space<vmem>>, vector<16xf32>,
        } {sc.loop_unroll_factor = 8 : i64, sc.parallel_access}
        %mul3A_100 = arith.constant 8 : i32
        %mul3A_101 = arith.muli %add3A_49, %mul3A_100 : i32
        %add3A_102 = arith.addi %mul3A_2, %mul3A_101 : i32
        %dma_start3A_103 = arith.constant 0 : i32
        %dma_start3A_104 = tpu.memref_slice %arg4[%add3A_102, %dma_start3A_103] : memref<16384x2048xf32, #tpu.memory_space<hbm>> -> memref<8x2048xf32, #tpu.memory_space<hbm>>
        %dma_start3A_105 = arith.constant 0 : i32
        %dma_start3A_106 = tpu.memref_slice %arg4[%add3A_102, %dma_start3A_105] : memref<16384x2048xf32, #tpu.memory_space<hbm>> -> memref<8x2048xf32, #tpu.memory_space<hbm>>
        tpu.enqueue_dma source(%arg7 : memref<8x2048xf32, #tpu.memory_space<vmem>>) target(%dma_start3A_106 : memref<8x2048xf32, #tpu.memory_space<hbm>>) target_semaphore(%arg13 : memref<!tpu.dma_semaphore, #tpu.memory_space<semaphore_mem>>)
        %add3A_107 = arith.constant 2 : i32
        %add3A_108 = arith.addi %add3A_49, %add3A_107 : i32
        %lt3A_109 = arith.constant 64 : i32
        %lt3A_110 = arith.cmpi slt, %add3A_108, %lt3A_109 : i32
        %convert_element_type3A_111 = arith.extui %lt3A_110 : i1 to i32
        %cond3A_112 = arith.constant 0 : i32
        %cond3A_113 = arith.cmpi ne, %convert_element_type3A_111, %cond3A_112 : i32
        scf.if %cond3A_113 {
          %ge3A = arith.constant 1 : i32
          %ge3A_114 = arith.cmpi sge, %add3A_49, %ge3A : i32
          %convert_element_type3A_115 = arith.extui %ge3A_114 : i1 to i32
          %cond3A_116 = arith.constant 0 : i32
          %cond3A_117 = arith.cmpi ne, %convert_element_type3A_115, %cond3A_116 : i32
          scf.if %cond3A_117 {
            %dma_wait3A_127 = arith.constant 0 : i32
            %dma_wait3A_128 = arith.constant 0 : i32
            %dma_wait3A_129 = tpu.memref_slice %arg4[%dma_wait3A_127, %dma_wait3A_128] : memref<16384x2048xf32, #tpu.memory_space<hbm>> -> memref<8x2048xf32, #tpu.memory_space<hbm>>
            %dma_wait3A_130 = arith.constant 0 : i32
            %dma_wait3A_131 = arith.constant 0 : i32
            %dma_wait3A_132 = tpu.memref_slice %arg4[%dma_wait3A_130, %dma_wait3A_131] : memref<16384x2048xf32, #tpu.memory_space<hbm>> -> memref<8x2048xf32, #tpu.memory_space<hbm>>
            tpu.wait_dma2 semaphore(%arg15 : memref<!tpu.dma_semaphore, #tpu.memory_space<semaphore_mem>>) src(%arg9 : memref<8x2048xf32, #tpu.memory_space<vmem>>) dst(%dma_wait3A_132 : memref<8x2048xf32, #tpu.memory_space<hbm>>)
          } else {
          }
          %add3A_118 = arith.constant 2 : i32
          %add3A_119 = arith.addi %add3A_49, %add3A_118 : i32
          %mul3A_120 = arith.constant 8 : i32
          %mul3A_121 = arith.muli %add3A_119, %mul3A_120 : i32
          %add3A_122 = arith.addi %mul3A_2, %mul3A_121 : i32
          %dma_start3A_123 = arith.constant 0 : i32
          %dma_start3A_124 = tpu.memref_slice %arg2[%add3A_122, %dma_start3A_123] : memref<16384x2048xf32, #tpu.memory_space<hbm>> -> memref<8x2048xf32, #tpu.memory_space<hbm>>
          %dma_start3A_125 = arith.constant 0 : i32
          %dma_start3A_126 = tpu.memref_slice %arg2[%add3A_122, %dma_start3A_125] : memref<16384x2048xf32, #tpu.memory_space<hbm>> -> memref<8x2048xf32, #tpu.memory_space<hbm>>
          tpu.enqueue_dma source(%dma_start3A_126 : memref<8x2048xf32, #tpu.memory_space<hbm>>) target(%arg9 : memref<8x2048xf32, #tpu.memory_space<vmem>>) target_semaphore(%arg12 : memref<!tpu.dma_semaphore, #tpu.memory_space<semaphore_mem>>)
        } else {
        }
      } else {
      }
      %mul3A_52 = arith.constant 3 : i32
      %mul3A_53 = arith.muli %scan3A_45, %mul3A_52 : i32
      %add3A_54 = arith.constant 1 : i32
      %add3A_55 = arith.addi %mul3A_53, %add3A_54 : i32
      %lt3A_56 = arith.constant 64 : i32
      %lt3A_57 = arith.cmpi slt, %add3A_55, %lt3A_56 : i32
      %convert_element_type3A_58 = arith.extui %lt3A_57 : i1 to i32
      %cond3A_59 = arith.constant 0 : i32
      %cond3A_60 = arith.cmpi ne, %convert_element_type3A_58, %cond3A_59 : i32
      scf.if %cond3A_60 {
        %dma_wait3A_70 = arith.constant 0 : i32
        %dma_wait3A_71 = arith.constant 0 : i32
        %dma_wait3A_72 = tpu.memref_slice %arg2[%dma_wait3A_70, %dma_wait3A_71] : memref<16384x2048xf32, #tpu.memory_space<hbm>> -> memref<8x2048xf32, #tpu.memory_space<hbm>>
        %dma_wait3A_73 = arith.constant 0 : i32
        %dma_wait3A_74 = arith.constant 0 : i32
        %dma_wait3A_75 = tpu.memref_slice %arg2[%dma_wait3A_73, %dma_wait3A_74] : memref<16384x2048xf32, #tpu.memory_space<hbm>> -> memref<8x2048xf32, #tpu.memory_space<hbm>>
        tpu.wait_dma2 semaphore(%arg11 : memref<!tpu.dma_semaphore, #tpu.memory_space<semaphore_mem>>) src(%dma_wait3A_75 : memref<8x2048xf32, #tpu.memory_space<hbm>>) dst(%arg8 : memref<8x2048xf32, #tpu.memory_space<vmem>>)
        %parallel_loop3A_76 = arith.constant 0 : i32
        %parallel_loop3A_77 = arith.constant 128 : i32
        %parallel_loop3A_78 = arith.constant 1 : i32
        scf.for %parallel_loop3A_114 = %parallel_loop3A_76 to %parallel_loop3A_77 step %parallel_loop3A_78  : i32 {
          %parallel_loop3A_115 = arith.constant 16 : i32
          %parallel_loop3A_116 = arith.muli %parallel_loop3A_114, %parallel_loop3A_115 : i32
          %parallel_loop3A_117 = arith.constant 0 : i32
          %parallel_loop3A_118 = arith.index_cast %parallel_loop3A_117 : i32 to index
          %parallel_loop3A_119 = arith.index_cast %parallel_loop3A_116 : i32 to index
          %parallel_loop3A_120 = tpu.vector_load %arg8[%parallel_loop3A_118, %parallel_loop3A_119] {strides = array<i32>} : memref<8x2048xf32, #tpu.memory_space<vmem>>, vector<16xf32>,
          %parallel_loop3A_121 = arith.constant 2.560000e+02 : f32
          %parallel_loop3A_122 = vector.broadcast %parallel_loop3A_121 : f32 to vector<16xf32>
          %parallel_loop3A_123 = arith.mulf %parallel_loop3A_120, %parallel_loop3A_122 : vector<16xf32>
          %parallel_loop3A_124 = arith.constant 0x4B408000 : f32
          %parallel_loop3A_125 = vector.broadcast %parallel_loop3A_124 : f32 to vector<16xf32>
          %parallel_loop3A_126 = arith.addf %parallel_loop3A_123, %parallel_loop3A_125 : vector<16xf32>
          %parallel_loop3A_127 = vector.bitcast %parallel_loop3A_126 : vector<16xf32> to vector<16xi32>
          %parallel_loop3A_128 = arith.constant 1262485504 : i32
          %parallel_loop3A_129 = vector.broadcast %parallel_loop3A_128 : i32 to vector<16xi32>
          %parallel_loop3A_130 = arith.maxsi %parallel_loop3A_127, %parallel_loop3A_129 : vector<16xi32>
          %parallel_loop3A_131 = arith.constant 1262551039 : i32
          %parallel_loop3A_132 = vector.broadcast %parallel_loop3A_131 : i32 to vector<16xi32>
          %parallel_loop3A_133 = arith.minsi %parallel_loop3A_130, %parallel_loop3A_132 : vector<16xi32>
          %parallel_loop3A_134 = arith.constant 1262485504 : i32
          %parallel_loop3A_135 = vector.broadcast %parallel_loop3A_134 : i32 to vector<16xi32>
          %parallel_loop3A_136 = arith.subi %parallel_loop3A_133, %parallel_loop3A_135 : vector<16xi32>
          %parallel_loop3A_137 = tpu.vector_load_idx %arg6[%parallel_loop3A_136] : memref<65536xf32, #tpu.memory_space<vmem>>[vector<16xi32>], vector<16xf32>,
          %parallel_loop3A_138 = arith.constant 16 : i32
          %parallel_loop3A_139 = arith.muli %parallel_loop3A_114, %parallel_loop3A_138 : i32
          %parallel_loop3A_140 = arith.constant 0 : i32
          %parallel_loop3A_141 = arith.index_cast %parallel_loop3A_140 : i32 to index
          %parallel_loop3A_142 = arith.index_cast %parallel_loop3A_139 : i32 to index
          %parallel_loop3A_143 = tpu.vector_load %arg8[%parallel_loop3A_141, %parallel_loop3A_142] {strides = array<i32>} : memref<8x2048xf32, #tpu.memory_space<vmem>>, vector<16xf32>,
          tpu.vector_store %arg8[%parallel_loop3A_141, %parallel_loop3A_142], %parallel_loop3A_137 {strides = array<i32>} : memref<8x2048xf32, #tpu.memory_space<vmem>>, vector<16xf32>,
        } {sc.loop_unroll_factor = 8 : i64, sc.parallel_access}
        %parallel_loop3A_79 = arith.constant 0 : i32
        %parallel_loop3A_80 = arith.constant 128 : i32
        %parallel_loop3A_81 = arith.constant 1 : i32
        scf.for %parallel_loop3A_114 = %parallel_loop3A_79 to %parallel_loop3A_80 step %parallel_loop3A_81  : i32 {
          %parallel_loop3A_115 = arith.constant 16 : i32
          %parallel_loop3A_116 = arith.muli %parallel_loop3A_114, %parallel_loop3A_115 : i32
          %parallel_loop3A_117 = arith.constant 1 : i32
          %parallel_loop3A_118 = arith.index_cast %parallel_loop3A_117 : i32 to index
          %parallel_loop3A_119 = arith.index_cast %parallel_loop3A_116 : i32 to index
          %parallel_loop3A_120 = tpu.vector_load %arg8[%parallel_loop3A_118, %parallel_loop3A_119] {strides = array<i32>} : memref<8x2048xf32, #tpu.memory_space<vmem>>, vector<16xf32>,
          %parallel_loop3A_121 = arith.constant 2.560000e+02 : f32
          %parallel_loop3A_122 = vector.broadcast %parallel_loop3A_121 : f32 to vector<16xf32>
          %parallel_loop3A_123 = arith.mulf %parallel_loop3A_120, %parallel_loop3A_122 : vector<16xf32>
          %parallel_loop3A_124 = arith.constant 0x4B408000 : f32
          %parallel_loop3A_125 = vector.broadcast %parallel_loop3A_124 : f32 to vector<16xf32>
          %parallel_loop3A_126 = arith.addf %parallel_loop3A_123, %parallel_loop3A_125 : vector<16xf32>
          %parallel_loop3A_127 = vector.bitcast %parallel_loop3A_126 : vector<16xf32> to vector<16xi32>
          %parallel_loop3A_128 = arith.constant 1262485504 : i32
          %parallel_loop3A_129 = vector.broadcast %parallel_loop3A_128 : i32 to vector<16xi32>
          %parallel_loop3A_130 = arith.maxsi %parallel_loop3A_127, %parallel_loop3A_129 : vector<16xi32>
          %parallel_loop3A_131 = arith.constant 1262551039 : i32
          %parallel_loop3A_132 = vector.broadcast %parallel_loop3A_131 : i32 to vector<16xi32>
          %parallel_loop3A_133 = arith.minsi %parallel_loop3A_130, %parallel_loop3A_132 : vector<16xi32>
          %parallel_loop3A_134 = arith.constant 1262485504 : i32
          %parallel_loop3A_135 = vector.broadcast %parallel_loop3A_134 : i32 to vector<16xi32>
          %parallel_loop3A_136 = arith.subi %parallel_loop3A_133, %parallel_loop3A_135 : vector<16xi32>
          %parallel_loop3A_137 = tpu.vector_load_idx %arg6[%parallel_loop3A_136] : memref<65536xf32, #tpu.memory_space<vmem>>[vector<16xi32>], vector<16xf32>,
          %parallel_loop3A_138 = arith.constant 16 : i32
          %parallel_loop3A_139 = arith.muli %parallel_loop3A_114, %parallel_loop3A_138 : i32
          %parallel_loop3A_140 = arith.constant 1 : i32
          %parallel_loop3A_141 = arith.index_cast %parallel_loop3A_140 : i32 to index
          %parallel_loop3A_142 = arith.index_cast %parallel_loop3A_139 : i32 to index
          %parallel_loop3A_143 = tpu.vector_load %arg8[%parallel_loop3A_141, %parallel_loop3A_142] {strides = array<i32>} : memref<8x2048xf32, #tpu.memory_space<vmem>>, vector<16xf32>,
          tpu.vector_store %arg8[%parallel_loop3A_141, %parallel_loop3A_142], %parallel_loop3A_137 {strides = array<i32>} : memref<8x2048xf32, #tpu.memory_space<vmem>>, vector<16xf32>,
        } {sc.loop_unroll_factor = 8 : i64, sc.parallel_access}
        %parallel_loop3A_82 = arith.constant 0 : i32
        %parallel_loop3A_83 = arith.constant 128 : i32
        %parallel_loop3A_84 = arith.constant 1 : i32
        scf.for %parallel_loop3A_114 = %parallel_loop3A_82 to %parallel_loop3A_83 step %parallel_loop3A_84  : i32 {
          %parallel_loop3A_115 = arith.constant 16 : i32
          %parallel_loop3A_116 = arith.muli %parallel_loop3A_114, %parallel_loop3A_115 : i32
          %parallel_loop3A_117 = arith.constant 2 : i32
          %parallel_loop3A_118 = arith.index_cast %parallel_loop3A_117 : i32 to index
          %parallel_loop3A_119 = arith.index_cast %parallel_loop3A_116 : i32 to index
          %parallel_loop3A_120 = tpu.vector_load %arg8[%parallel_loop3A_118, %parallel_loop3A_119] {strides = array<i32>} : memref<8x2048xf32, #tpu.memory_space<vmem>>, vector<16xf32>,
          %parallel_loop3A_121 = arith.constant 2.560000e+02 : f32
          %parallel_loop3A_122 = vector.broadcast %parallel_loop3A_121 : f32 to vector<16xf32>
          %parallel_loop3A_123 = arith.mulf %parallel_loop3A_120, %parallel_loop3A_122 : vector<16xf32>
          %parallel_loop3A_124 = arith.constant 0x4B408000 : f32
          %parallel_loop3A_125 = vector.broadcast %parallel_loop3A_124 : f32 to vector<16xf32>
          %parallel_loop3A_126 = arith.addf %parallel_loop3A_123, %parallel_loop3A_125 : vector<16xf32>
          %parallel_loop3A_127 = vector.bitcast %parallel_loop3A_126 : vector<16xf32> to vector<16xi32>
          %parallel_loop3A_128 = arith.constant 1262485504 : i32
          %parallel_loop3A_129 = vector.broadcast %parallel_loop3A_128 : i32 to vector<16xi32>
          %parallel_loop3A_130 = arith.maxsi %parallel_loop3A_127, %parallel_loop3A_129 : vector<16xi32>
          %parallel_loop3A_131 = arith.constant 1262551039 : i32
          %parallel_loop3A_132 = vector.broadcast %parallel_loop3A_131 : i32 to vector<16xi32>
          %parallel_loop3A_133 = arith.minsi %parallel_loop3A_130, %parallel_loop3A_132 : vector<16xi32>
          %parallel_loop3A_134 = arith.constant 1262485504 : i32
          %parallel_loop3A_135 = vector.broadcast %parallel_loop3A_134 : i32 to vector<16xi32>
          %parallel_loop3A_136 = arith.subi %parallel_loop3A_133, %parallel_loop3A_135 : vector<16xi32>
          %parallel_loop3A_137 = tpu.vector_load_idx %arg6[%parallel_loop3A_136] : memref<65536xf32, #tpu.memory_space<vmem>>[vector<16xi32>], vector<16xf32>,
          %parallel_loop3A_138 = arith.constant 16 : i32
          %parallel_loop3A_139 = arith.muli %parallel_loop3A_114, %parallel_loop3A_138 : i32
          %parallel_loop3A_140 = arith.constant 2 : i32
          %parallel_loop3A_141 = arith.index_cast %parallel_loop3A_140 : i32 to index
          %parallel_loop3A_142 = arith.index_cast %parallel_loop3A_139 : i32 to index
          %parallel_loop3A_143 = tpu.vector_load %arg8[%parallel_loop3A_141, %parallel_loop3A_142] {strides = array<i32>} : memref<8x2048xf32, #tpu.memory_space<vmem>>, vector<16xf32>,
          tpu.vector_store %arg8[%parallel_loop3A_141, %parallel_loop3A_142], %parallel_loop3A_137 {strides = array<i32>} : memref<8x2048xf32, #tpu.memory_space<vmem>>, vector<16xf32>,
        } {sc.loop_unroll_factor = 8 : i64, sc.parallel_access}
        %parallel_loop3A_85 = arith.constant 0 : i32
        %parallel_loop3A_86 = arith.constant 128 : i32
        %parallel_loop3A_87 = arith.constant 1 : i32
        scf.for %parallel_loop3A_114 = %parallel_loop3A_85 to %parallel_loop3A_86 step %parallel_loop3A_87  : i32 {
          %parallel_loop3A_115 = arith.constant 16 : i32
          %parallel_loop3A_116 = arith.muli %parallel_loop3A_114, %parallel_loop3A_115 : i32
          %parallel_loop3A_117 = arith.constant 3 : i32
          %parallel_loop3A_118 = arith.index_cast %parallel_loop3A_117 : i32 to index
          %parallel_loop3A_119 = arith.index_cast %parallel_loop3A_116 : i32 to index
          %parallel_loop3A_120 = tpu.vector_load %arg8[%parallel_loop3A_118, %parallel_loop3A_119] {strides = array<i32>} : memref<8x2048xf32, #tpu.memory_space<vmem>>, vector<16xf32>,
          %parallel_loop3A_121 = arith.constant 2.560000e+02 : f32
          %parallel_loop3A_122 = vector.broadcast %parallel_loop3A_121 : f32 to vector<16xf32>
          %parallel_loop3A_123 = arith.mulf %parallel_loop3A_120, %parallel_loop3A_122 : vector<16xf32>
          %parallel_loop3A_124 = arith.constant 0x4B408000 : f32
          %parallel_loop3A_125 = vector.broadcast %parallel_loop3A_124 : f32 to vector<16xf32>
          %parallel_loop3A_126 = arith.addf %parallel_loop3A_123, %parallel_loop3A_125 : vector<16xf32>
          %parallel_loop3A_127 = vector.bitcast %parallel_loop3A_126 : vector<16xf32> to vector<16xi32>
          %parallel_loop3A_128 = arith.constant 1262485504 : i32
          %parallel_loop3A_129 = vector.broadcast %parallel_loop3A_128 : i32 to vector<16xi32>
          %parallel_loop3A_130 = arith.maxsi %parallel_loop3A_127, %parallel_loop3A_129 : vector<16xi32>
          %parallel_loop3A_131 = arith.constant 1262551039 : i32
          %parallel_loop3A_132 = vector.broadcast %parallel_loop3A_131 : i32 to vector<16xi32>
          %parallel_loop3A_133 = arith.minsi %parallel_loop3A_130, %parallel_loop3A_132 : vector<16xi32>
          %parallel_loop3A_134 = arith.constant 1262485504 : i32
          %parallel_loop3A_135 = vector.broadcast %parallel_loop3A_134 : i32 to vector<16xi32>
          %parallel_loop3A_136 = arith.subi %parallel_loop3A_133, %parallel_loop3A_135 : vector<16xi32>
          %parallel_loop3A_137 = tpu.vector_load_idx %arg6[%parallel_loop3A_136] : memref<65536xf32, #tpu.memory_space<vmem>>[vector<16xi32>], vector<16xf32>,
          %parallel_loop3A_138 = arith.constant 16 : i32
          %parallel_loop3A_139 = arith.muli %parallel_loop3A_114, %parallel_loop3A_138 : i32
          %parallel_loop3A_140 = arith.constant 3 : i32
          %parallel_loop3A_141 = arith.index_cast %parallel_loop3A_140 : i32 to index
          %parallel_loop3A_142 = arith.index_cast %parallel_loop3A_139 : i32 to index
          %parallel_loop3A_143 = tpu.vector_load %arg8[%parallel_loop3A_141, %parallel_loop3A_142] {strides = array<i32>} : memref<8x2048xf32, #tpu.memory_space<vmem>>, vector<16xf32>,
          tpu.vector_store %arg8[%parallel_loop3A_141, %parallel_loop3A_142], %parallel_loop3A_137 {strides = array<i32>} : memref<8x2048xf32, #tpu.memory_space<vmem>>, vector<16xf32>,
        } {sc.loop_unroll_factor = 8 : i64, sc.parallel_access}
        %parallel_loop3A_88 = arith.constant 0 : i32
        %parallel_loop3A_89 = arith.constant 128 : i32
        %parallel_loop3A_90 = arith.constant 1 : i32
        scf.for %parallel_loop3A_114 = %parallel_loop3A_88 to %parallel_loop3A_89 step %parallel_loop3A_90  : i32 {
          %parallel_loop3A_115 = arith.constant 16 : i32
          %parallel_loop3A_116 = arith.muli %parallel_loop3A_114, %parallel_loop3A_115 : i32
          %parallel_loop3A_117 = arith.constant 4 : i32
          %parallel_loop3A_118 = arith.index_cast %parallel_loop3A_117 : i32 to index
          %parallel_loop3A_119 = arith.index_cast %parallel_loop3A_116 : i32 to index
          %parallel_loop3A_120 = tpu.vector_load %arg8[%parallel_loop3A_118, %parallel_loop3A_119] {strides = array<i32>} : memref<8x2048xf32, #tpu.memory_space<vmem>>, vector<16xf32>,
          %parallel_loop3A_121 = arith.constant 2.560000e+02 : f32
          %parallel_loop3A_122 = vector.broadcast %parallel_loop3A_121 : f32 to vector<16xf32>
          %parallel_loop3A_123 = arith.mulf %parallel_loop3A_120, %parallel_loop3A_122 : vector<16xf32>
          %parallel_loop3A_124 = arith.constant 0x4B408000 : f32
          %parallel_loop3A_125 = vector.broadcast %parallel_loop3A_124 : f32 to vector<16xf32>
          %parallel_loop3A_126 = arith.addf %parallel_loop3A_123, %parallel_loop3A_125 : vector<16xf32>
          %parallel_loop3A_127 = vector.bitcast %parallel_loop3A_126 : vector<16xf32> to vector<16xi32>
          %parallel_loop3A_128 = arith.constant 1262485504 : i32
          %parallel_loop3A_129 = vector.broadcast %parallel_loop3A_128 : i32 to vector<16xi32>
          %parallel_loop3A_130 = arith.maxsi %parallel_loop3A_127, %parallel_loop3A_129 : vector<16xi32>
          %parallel_loop3A_131 = arith.constant 1262551039 : i32
          %parallel_loop3A_132 = vector.broadcast %parallel_loop3A_131 : i32 to vector<16xi32>
          %parallel_loop3A_133 = arith.minsi %parallel_loop3A_130, %parallel_loop3A_132 : vector<16xi32>
          %parallel_loop3A_134 = arith.constant 1262485504 : i32
          %parallel_loop3A_135 = vector.broadcast %parallel_loop3A_134 : i32 to vector<16xi32>
          %parallel_loop3A_136 = arith.subi %parallel_loop3A_133, %parallel_loop3A_135 : vector<16xi32>
          %parallel_loop3A_137 = tpu.vector_load_idx %arg6[%parallel_loop3A_136] : memref<65536xf32, #tpu.memory_space<vmem>>[vector<16xi32>], vector<16xf32>,
          %parallel_loop3A_138 = arith.constant 16 : i32
          %parallel_loop3A_139 = arith.muli %parallel_loop3A_114, %parallel_loop3A_138 : i32
          %parallel_loop3A_140 = arith.constant 4 : i32
          %parallel_loop3A_141 = arith.index_cast %parallel_loop3A_140 : i32 to index
          %parallel_loop3A_142 = arith.index_cast %parallel_loop3A_139 : i32 to index
          %parallel_loop3A_143 = tpu.vector_load %arg8[%parallel_loop3A_141, %parallel_loop3A_142] {strides = array<i32>} : memref<8x2048xf32, #tpu.memory_space<vmem>>, vector<16xf32>,
          tpu.vector_store %arg8[%parallel_loop3A_141, %parallel_loop3A_142], %parallel_loop3A_137 {strides = array<i32>} : memref<8x2048xf32, #tpu.memory_space<vmem>>, vector<16xf32>,
        } {sc.loop_unroll_factor = 8 : i64, sc.parallel_access}
        %parallel_loop3A_91 = arith.constant 0 : i32
        %parallel_loop3A_92 = arith.constant 128 : i32
        %parallel_loop3A_93 = arith.constant 1 : i32
        scf.for %parallel_loop3A_114 = %parallel_loop3A_91 to %parallel_loop3A_92 step %parallel_loop3A_93  : i32 {
          %parallel_loop3A_115 = arith.constant 16 : i32
          %parallel_loop3A_116 = arith.muli %parallel_loop3A_114, %parallel_loop3A_115 : i32
          %parallel_loop3A_117 = arith.constant 5 : i32
          %parallel_loop3A_118 = arith.index_cast %parallel_loop3A_117 : i32 to index
          %parallel_loop3A_119 = arith.index_cast %parallel_loop3A_116 : i32 to index
          %parallel_loop3A_120 = tpu.vector_load %arg8[%parallel_loop3A_118, %parallel_loop3A_119] {strides = array<i32>} : memref<8x2048xf32, #tpu.memory_space<vmem>>, vector<16xf32>,
          %parallel_loop3A_121 = arith.constant 2.560000e+02 : f32
          %parallel_loop3A_122 = vector.broadcast %parallel_loop3A_121 : f32 to vector<16xf32>
          %parallel_loop3A_123 = arith.mulf %parallel_loop3A_120, %parallel_loop3A_122 : vector<16xf32>
          %parallel_loop3A_124 = arith.constant 0x4B408000 : f32
          %parallel_loop3A_125 = vector.broadcast %parallel_loop3A_124 : f32 to vector<16xf32>
          %parallel_loop3A_126 = arith.addf %parallel_loop3A_123, %parallel_loop3A_125 : vector<16xf32>
          %parallel_loop3A_127 = vector.bitcast %parallel_loop3A_126 : vector<16xf32> to vector<16xi32>
          %parallel_loop3A_128 = arith.constant 1262485504 : i32
          %parallel_loop3A_129 = vector.broadcast %parallel_loop3A_128 : i32 to vector<16xi32>
          %parallel_loop3A_130 = arith.maxsi %parallel_loop3A_127, %parallel_loop3A_129 : vector<16xi32>
          %parallel_loop3A_131 = arith.constant 1262551039 : i32
          %parallel_loop3A_132 = vector.broadcast %parallel_loop3A_131 : i32 to vector<16xi32>
          %parallel_loop3A_133 = arith.minsi %parallel_loop3A_130, %parallel_loop3A_132 : vector<16xi32>
          %parallel_loop3A_134 = arith.constant 1262485504 : i32
          %parallel_loop3A_135 = vector.broadcast %parallel_loop3A_134 : i32 to vector<16xi32>
          %parallel_loop3A_136 = arith.subi %parallel_loop3A_133, %parallel_loop3A_135 : vector<16xi32>
          %parallel_loop3A_137 = tpu.vector_load_idx %arg6[%parallel_loop3A_136] : memref<65536xf32, #tpu.memory_space<vmem>>[vector<16xi32>], vector<16xf32>,
          %parallel_loop3A_138 = arith.constant 16 : i32
          %parallel_loop3A_139 = arith.muli %parallel_loop3A_114, %parallel_loop3A_138 : i32
          %parallel_loop3A_140 = arith.constant 5 : i32
          %parallel_loop3A_141 = arith.index_cast %parallel_loop3A_140 : i32 to index
          %parallel_loop3A_142 = arith.index_cast %parallel_loop3A_139 : i32 to index
          %parallel_loop3A_143 = tpu.vector_load %arg8[%parallel_loop3A_141, %parallel_loop3A_142] {strides = array<i32>} : memref<8x2048xf32, #tpu.memory_space<vmem>>, vector<16xf32>,
          tpu.vector_store %arg8[%parallel_loop3A_141, %parallel_loop3A_142], %parallel_loop3A_137 {strides = array<i32>} : memref<8x2048xf32, #tpu.memory_space<vmem>>, vector<16xf32>,
        } {sc.loop_unroll_factor = 8 : i64, sc.parallel_access}
        %parallel_loop3A_94 = arith.constant 0 : i32
        %parallel_loop3A_95 = arith.constant 128 : i32
        %parallel_loop3A_96 = arith.constant 1 : i32
        scf.for %parallel_loop3A_114 = %parallel_loop3A_94 to %parallel_loop3A_95 step %parallel_loop3A_96  : i32 {
          %parallel_loop3A_115 = arith.constant 16 : i32
          %parallel_loop3A_116 = arith.muli %parallel_loop3A_114, %parallel_loop3A_115 : i32
          %parallel_loop3A_117 = arith.constant 6 : i32
          %parallel_loop3A_118 = arith.index_cast %parallel_loop3A_117 : i32 to index
          %parallel_loop3A_119 = arith.index_cast %parallel_loop3A_116 : i32 to index
          %parallel_loop3A_120 = tpu.vector_load %arg8[%parallel_loop3A_118, %parallel_loop3A_119] {strides = array<i32>} : memref<8x2048xf32, #tpu.memory_space<vmem>>, vector<16xf32>,
          %parallel_loop3A_121 = arith.constant 2.560000e+02 : f32
          %parallel_loop3A_122 = vector.broadcast %parallel_loop3A_121 : f32 to vector<16xf32>
          %parallel_loop3A_123 = arith.mulf %parallel_loop3A_120, %parallel_loop3A_122 : vector<16xf32>
          %parallel_loop3A_124 = arith.constant 0x4B408000 : f32
          %parallel_loop3A_125 = vector.broadcast %parallel_loop3A_124 : f32 to vector<16xf32>
          %parallel_loop3A_126 = arith.addf %parallel_loop3A_123, %parallel_loop3A_125 : vector<16xf32>
          %parallel_loop3A_127 = vector.bitcast %parallel_loop3A_126 : vector<16xf32> to vector<16xi32>
          %parallel_loop3A_128 = arith.constant 1262485504 : i32
          %parallel_loop3A_129 = vector.broadcast %parallel_loop3A_128 : i32 to vector<16xi32>
          %parallel_loop3A_130 = arith.maxsi %parallel_loop3A_127, %parallel_loop3A_129 : vector<16xi32>
          %parallel_loop3A_131 = arith.constant 1262551039 : i32
          %parallel_loop3A_132 = vector.broadcast %parallel_loop3A_131 : i32 to vector<16xi32>
          %parallel_loop3A_133 = arith.minsi %parallel_loop3A_130, %parallel_loop3A_132 : vector<16xi32>
          %parallel_loop3A_134 = arith.constant 1262485504 : i32
          %parallel_loop3A_135 = vector.broadcast %parallel_loop3A_134 : i32 to vector<16xi32>
          %parallel_loop3A_136 = arith.subi %parallel_loop3A_133, %parallel_loop3A_135 : vector<16xi32>
          %parallel_loop3A_137 = tpu.vector_load_idx %arg6[%parallel_loop3A_136] : memref<65536xf32, #tpu.memory_space<vmem>>[vector<16xi32>], vector<16xf32>,
          %parallel_loop3A_138 = arith.constant 16 : i32
          %parallel_loop3A_139 = arith.muli %parallel_loop3A_114, %parallel_loop3A_138 : i32
          %parallel_loop3A_140 = arith.constant 6 : i32
          %parallel_loop3A_141 = arith.index_cast %parallel_loop3A_140 : i32 to index
          %parallel_loop3A_142 = arith.index_cast %parallel_loop3A_139 : i32 to index
          %parallel_loop3A_143 = tpu.vector_load %arg8[%parallel_loop3A_141, %parallel_loop3A_142] {strides = array<i32>} : memref<8x2048xf32, #tpu.memory_space<vmem>>, vector<16xf32>,
          tpu.vector_store %arg8[%parallel_loop3A_141, %parallel_loop3A_142], %parallel_loop3A_137 {strides = array<i32>} : memref<8x2048xf32, #tpu.memory_space<vmem>>, vector<16xf32>,
        } {sc.loop_unroll_factor = 8 : i64, sc.parallel_access}
        %parallel_loop3A_97 = arith.constant 0 : i32
        %parallel_loop3A_98 = arith.constant 128 : i32
        %parallel_loop3A_99 = arith.constant 1 : i32
        scf.for %parallel_loop3A_114 = %parallel_loop3A_97 to %parallel_loop3A_98 step %parallel_loop3A_99  : i32 {
          %parallel_loop3A_115 = arith.constant 16 : i32
          %parallel_loop3A_116 = arith.muli %parallel_loop3A_114, %parallel_loop3A_115 : i32
          %parallel_loop3A_117 = arith.constant 7 : i32
          %parallel_loop3A_118 = arith.index_cast %parallel_loop3A_117 : i32 to index
          %parallel_loop3A_119 = arith.index_cast %parallel_loop3A_116 : i32 to index
          %parallel_loop3A_120 = tpu.vector_load %arg8[%parallel_loop3A_118, %parallel_loop3A_119] {strides = array<i32>} : memref<8x2048xf32, #tpu.memory_space<vmem>>, vector<16xf32>,
          %parallel_loop3A_121 = arith.constant 2.560000e+02 : f32
          %parallel_loop3A_122 = vector.broadcast %parallel_loop3A_121 : f32 to vector<16xf32>
          %parallel_loop3A_123 = arith.mulf %parallel_loop3A_120, %parallel_loop3A_122 : vector<16xf32>
          %parallel_loop3A_124 = arith.constant 0x4B408000 : f32
          %parallel_loop3A_125 = vector.broadcast %parallel_loop3A_124 : f32 to vector<16xf32>
          %parallel_loop3A_126 = arith.addf %parallel_loop3A_123, %parallel_loop3A_125 : vector<16xf32>
          %parallel_loop3A_127 = vector.bitcast %parallel_loop3A_126 : vector<16xf32> to vector<16xi32>
          %parallel_loop3A_128 = arith.constant 1262485504 : i32
          %parallel_loop3A_129 = vector.broadcast %parallel_loop3A_128 : i32 to vector<16xi32>
          %parallel_loop3A_130 = arith.maxsi %parallel_loop3A_127, %parallel_loop3A_129 : vector<16xi32>
          %parallel_loop3A_131 = arith.constant 1262551039 : i32
          %parallel_loop3A_132 = vector.broadcast %parallel_loop3A_131 : i32 to vector<16xi32>
          %parallel_loop3A_133 = arith.minsi %parallel_loop3A_130, %parallel_loop3A_132 : vector<16xi32>
          %parallel_loop3A_134 = arith.constant 1262485504 : i32
          %parallel_loop3A_135 = vector.broadcast %parallel_loop3A_134 : i32 to vector<16xi32>
          %parallel_loop3A_136 = arith.subi %parallel_loop3A_133, %parallel_loop3A_135 : vector<16xi32>
          %parallel_loop3A_137 = tpu.vector_load_idx %arg6[%parallel_loop3A_136] : memref<65536xf32, #tpu.memory_space<vmem>>[vector<16xi32>], vector<16xf32>,
          %parallel_loop3A_138 = arith.constant 16 : i32
          %parallel_loop3A_139 = arith.muli %parallel_loop3A_114, %parallel_loop3A_138 : i32
          %parallel_loop3A_140 = arith.constant 7 : i32
          %parallel_loop3A_141 = arith.index_cast %parallel_loop3A_140 : i32 to index
          %parallel_loop3A_142 = arith.index_cast %parallel_loop3A_139 : i32 to index
          %parallel_loop3A_143 = tpu.vector_load %arg8[%parallel_loop3A_141, %parallel_loop3A_142] {strides = array<i32>} : memref<8x2048xf32, #tpu.memory_space<vmem>>, vector<16xf32>,
          tpu.vector_store %arg8[%parallel_loop3A_141, %parallel_loop3A_142], %parallel_loop3A_137 {strides = array<i32>} : memref<8x2048xf32, #tpu.memory_space<vmem>>, vector<16xf32>,
        } {sc.loop_unroll_factor = 8 : i64, sc.parallel_access}
        %mul3A_100 = arith.constant 8 : i32
        %mul3A_101 = arith.muli %add3A_55, %mul3A_100 : i32
        %add3A_102 = arith.addi %mul3A_2, %mul3A_101 : i32
        %dma_start3A_103 = arith.constant 0 : i32
        %dma_start3A_104 = tpu.memref_slice %arg4[%add3A_102, %dma_start3A_103] : memref<16384x2048xf32, #tpu.memory_space<hbm>> -> memref<8x2048xf32, #tpu.memory_space<hbm>>
        %dma_start3A_105 = arith.constant 0 : i32
        %dma_start3A_106 = tpu.memref_slice %arg4[%add3A_102, %dma_start3A_105] : memref<16384x2048xf32, #tpu.memory_space<hbm>> -> memref<8x2048xf32, #tpu.memory_space<hbm>>
        tpu.enqueue_dma source(%arg8 : memref<8x2048xf32, #tpu.memory_space<vmem>>) target(%dma_start3A_106 : memref<8x2048xf32, #tpu.memory_space<hbm>>) target_semaphore(%arg14 : memref<!tpu.dma_semaphore, #tpu.memory_space<semaphore_mem>>)
        %add3A_107 = arith.constant 2 : i32
        %add3A_108 = arith.addi %add3A_55, %add3A_107 : i32
        %lt3A_109 = arith.constant 64 : i32
        %lt3A_110 = arith.cmpi slt, %add3A_108, %lt3A_109 : i32
        %convert_element_type3A_111 = arith.extui %lt3A_110 : i1 to i32
        %cond3A_112 = arith.constant 0 : i32
        %cond3A_113 = arith.cmpi ne, %convert_element_type3A_111, %cond3A_112 : i32
        scf.if %cond3A_113 {
          %ge3A = arith.constant 1 : i32
          %ge3A_114 = arith.cmpi sge, %add3A_55, %ge3A : i32
          %convert_element_type3A_115 = arith.extui %ge3A_114 : i1 to i32
          %cond3A_116 = arith.constant 0 : i32
          %cond3A_117 = arith.cmpi ne, %convert_element_type3A_115, %cond3A_116 : i32
          scf.if %cond3A_117 {
            %dma_wait3A_127 = arith.constant 0 : i32
            %dma_wait3A_128 = arith.constant 0 : i32
            %dma_wait3A_129 = tpu.memref_slice %arg4[%dma_wait3A_127, %dma_wait3A_128] : memref<16384x2048xf32, #tpu.memory_space<hbm>> -> memref<8x2048xf32, #tpu.memory_space<hbm>>
            %dma_wait3A_130 = arith.constant 0 : i32
            %dma_wait3A_131 = arith.constant 0 : i32
            %dma_wait3A_132 = tpu.memref_slice %arg4[%dma_wait3A_130, %dma_wait3A_131] : memref<16384x2048xf32, #tpu.memory_space<hbm>> -> memref<8x2048xf32, #tpu.memory_space<hbm>>
            tpu.wait_dma2 semaphore(%arg13 : memref<!tpu.dma_semaphore, #tpu.memory_space<semaphore_mem>>) src(%arg7 : memref<8x2048xf32, #tpu.memory_space<vmem>>) dst(%dma_wait3A_132 : memref<8x2048xf32, #tpu.memory_space<hbm>>)
          } else {
          }
          %add3A_118 = arith.constant 2 : i32
          %add3A_119 = arith.addi %add3A_55, %add3A_118 : i32
          %mul3A_120 = arith.constant 8 : i32
          %mul3A_121 = arith.muli %add3A_119, %mul3A_120 : i32
          %add3A_122 = arith.addi %mul3A_2, %mul3A_121 : i32
          %dma_start3A_123 = arith.constant 0 : i32
          %dma_start3A_124 = tpu.memref_slice %arg2[%add3A_122, %dma_start3A_123] : memref<16384x2048xf32, #tpu.memory_space<hbm>> -> memref<8x2048xf32, #tpu.memory_space<hbm>>
          %dma_start3A_125 = arith.constant 0 : i32
          %dma_start3A_126 = tpu.memref_slice %arg2[%add3A_122, %dma_start3A_125] : memref<16384x2048xf32, #tpu.memory_space<hbm>> -> memref<8x2048xf32, #tpu.memory_space<hbm>>
          tpu.enqueue_dma source(%dma_start3A_126 : memref<8x2048xf32, #tpu.memory_space<hbm>>) target(%arg7 : memref<8x2048xf32, #tpu.memory_space<vmem>>) target_semaphore(%arg10 : memref<!tpu.dma_semaphore, #tpu.memory_space<semaphore_mem>>)
        } else {
        }
      } else {
      }
      %mul3A_61 = arith.constant 3 : i32
      %mul3A_62 = arith.muli %scan3A_45, %mul3A_61 : i32
      %add3A_63 = arith.constant 2 : i32
      %add3A_64 = arith.addi %mul3A_62, %add3A_63 : i32
      %lt3A_65 = arith.constant 64 : i32
      %lt3A_66 = arith.cmpi slt, %add3A_64, %lt3A_65 : i32
      %convert_element_type3A_67 = arith.extui %lt3A_66 : i1 to i32
      %cond3A_68 = arith.constant 0 : i32
      %cond3A_69 = arith.cmpi ne, %convert_element_type3A_67, %cond3A_68 : i32
      scf.if %cond3A_69 {
        %dma_wait3A_70 = arith.constant 0 : i32
        %dma_wait3A_71 = arith.constant 0 : i32
        %dma_wait3A_72 = tpu.memref_slice %arg2[%dma_wait3A_70, %dma_wait3A_71] : memref<16384x2048xf32, #tpu.memory_space<hbm>> -> memref<8x2048xf32, #tpu.memory_space<hbm>>
        %dma_wait3A_73 = arith.constant 0 : i32
        %dma_wait3A_74 = arith.constant 0 : i32
        %dma_wait3A_75 = tpu.memref_slice %arg2[%dma_wait3A_73, %dma_wait3A_74] : memref<16384x2048xf32, #tpu.memory_space<hbm>> -> memref<8x2048xf32, #tpu.memory_space<hbm>>
        tpu.wait_dma2 semaphore(%arg12 : memref<!tpu.dma_semaphore, #tpu.memory_space<semaphore_mem>>) src(%dma_wait3A_75 : memref<8x2048xf32, #tpu.memory_space<hbm>>) dst(%arg9 : memref<8x2048xf32, #tpu.memory_space<vmem>>)
        %parallel_loop3A_76 = arith.constant 0 : i32
        %parallel_loop3A_77 = arith.constant 128 : i32
        %parallel_loop3A_78 = arith.constant 1 : i32
        scf.for %parallel_loop3A_114 = %parallel_loop3A_76 to %parallel_loop3A_77 step %parallel_loop3A_78  : i32 {
          %parallel_loop3A_115 = arith.constant 16 : i32
          %parallel_loop3A_116 = arith.muli %parallel_loop3A_114, %parallel_loop3A_115 : i32
          %parallel_loop3A_117 = arith.constant 0 : i32
          %parallel_loop3A_118 = arith.index_cast %parallel_loop3A_117 : i32 to index
          %parallel_loop3A_119 = arith.index_cast %parallel_loop3A_116 : i32 to index
          %parallel_loop3A_120 = tpu.vector_load %arg9[%parallel_loop3A_118, %parallel_loop3A_119] {strides = array<i32>} : memref<8x2048xf32, #tpu.memory_space<vmem>>, vector<16xf32>,
          %parallel_loop3A_121 = arith.constant 2.560000e+02 : f32
          %parallel_loop3A_122 = vector.broadcast %parallel_loop3A_121 : f32 to vector<16xf32>
          %parallel_loop3A_123 = arith.mulf %parallel_loop3A_120, %parallel_loop3A_122 : vector<16xf32>
          %parallel_loop3A_124 = arith.constant 0x4B408000 : f32
          %parallel_loop3A_125 = vector.broadcast %parallel_loop3A_124 : f32 to vector<16xf32>
          %parallel_loop3A_126 = arith.addf %parallel_loop3A_123, %parallel_loop3A_125 : vector<16xf32>
          %parallel_loop3A_127 = vector.bitcast %parallel_loop3A_126 : vector<16xf32> to vector<16xi32>
          %parallel_loop3A_128 = arith.constant 1262485504 : i32
          %parallel_loop3A_129 = vector.broadcast %parallel_loop3A_128 : i32 to vector<16xi32>
          %parallel_loop3A_130 = arith.maxsi %parallel_loop3A_127, %parallel_loop3A_129 : vector<16xi32>
          %parallel_loop3A_131 = arith.constant 1262551039 : i32
          %parallel_loop3A_132 = vector.broadcast %parallel_loop3A_131 : i32 to vector<16xi32>
          %parallel_loop3A_133 = arith.minsi %parallel_loop3A_130, %parallel_loop3A_132 : vector<16xi32>
          %parallel_loop3A_134 = arith.constant 1262485504 : i32
          %parallel_loop3A_135 = vector.broadcast %parallel_loop3A_134 : i32 to vector<16xi32>
          %parallel_loop3A_136 = arith.subi %parallel_loop3A_133, %parallel_loop3A_135 : vector<16xi32>
          %parallel_loop3A_137 = tpu.vector_load_idx %arg6[%parallel_loop3A_136] : memref<65536xf32, #tpu.memory_space<vmem>>[vector<16xi32>], vector<16xf32>,
          %parallel_loop3A_138 = arith.constant 16 : i32
          %parallel_loop3A_139 = arith.muli %parallel_loop3A_114, %parallel_loop3A_138 : i32
          %parallel_loop3A_140 = arith.constant 0 : i32
          %parallel_loop3A_141 = arith.index_cast %parallel_loop3A_140 : i32 to index
          %parallel_loop3A_142 = arith.index_cast %parallel_loop3A_139 : i32 to index
          %parallel_loop3A_143 = tpu.vector_load %arg9[%parallel_loop3A_141, %parallel_loop3A_142] {strides = array<i32>} : memref<8x2048xf32, #tpu.memory_space<vmem>>, vector<16xf32>,
          tpu.vector_store %arg9[%parallel_loop3A_141, %parallel_loop3A_142], %parallel_loop3A_137 {strides = array<i32>} : memref<8x2048xf32, #tpu.memory_space<vmem>>, vector<16xf32>,
        } {sc.loop_unroll_factor = 8 : i64, sc.parallel_access}
        %parallel_loop3A_79 = arith.constant 0 : i32
        %parallel_loop3A_80 = arith.constant 128 : i32
        %parallel_loop3A_81 = arith.constant 1 : i32
        scf.for %parallel_loop3A_114 = %parallel_loop3A_79 to %parallel_loop3A_80 step %parallel_loop3A_81  : i32 {
          %parallel_loop3A_115 = arith.constant 16 : i32
          %parallel_loop3A_116 = arith.muli %parallel_loop3A_114, %parallel_loop3A_115 : i32
          %parallel_loop3A_117 = arith.constant 1 : i32
          %parallel_loop3A_118 = arith.index_cast %parallel_loop3A_117 : i32 to index
          %parallel_loop3A_119 = arith.index_cast %parallel_loop3A_116 : i32 to index
          %parallel_loop3A_120 = tpu.vector_load %arg9[%parallel_loop3A_118, %parallel_loop3A_119] {strides = array<i32>} : memref<8x2048xf32, #tpu.memory_space<vmem>>, vector<16xf32>,
          %parallel_loop3A_121 = arith.constant 2.560000e+02 : f32
          %parallel_loop3A_122 = vector.broadcast %parallel_loop3A_121 : f32 to vector<16xf32>
          %parallel_loop3A_123 = arith.mulf %parallel_loop3A_120, %parallel_loop3A_122 : vector<16xf32>
          %parallel_loop3A_124 = arith.constant 0x4B408000 : f32
          %parallel_loop3A_125 = vector.broadcast %parallel_loop3A_124 : f32 to vector<16xf32>
          %parallel_loop3A_126 = arith.addf %parallel_loop3A_123, %parallel_loop3A_125 : vector<16xf32>
          %parallel_loop3A_127 = vector.bitcast %parallel_loop3A_126 : vector<16xf32> to vector<16xi32>
          %parallel_loop3A_128 = arith.constant 1262485504 : i32
          %parallel_loop3A_129 = vector.broadcast %parallel_loop3A_128 : i32 to vector<16xi32>
          %parallel_loop3A_130 = arith.maxsi %parallel_loop3A_127, %parallel_loop3A_129 : vector<16xi32>
          %parallel_loop3A_131 = arith.constant 1262551039 : i32
          %parallel_loop3A_132 = vector.broadcast %parallel_loop3A_131 : i32 to vector<16xi32>
          %parallel_loop3A_133 = arith.minsi %parallel_loop3A_130, %parallel_loop3A_132 : vector<16xi32>
          %parallel_loop3A_134 = arith.constant 1262485504 : i32
          %parallel_loop3A_135 = vector.broadcast %parallel_loop3A_134 : i32 to vector<16xi32>
          %parallel_loop3A_136 = arith.subi %parallel_loop3A_133, %parallel_loop3A_135 : vector<16xi32>
          %parallel_loop3A_137 = tpu.vector_load_idx %arg6[%parallel_loop3A_136] : memref<65536xf32, #tpu.memory_space<vmem>>[vector<16xi32>], vector<16xf32>,
          %parallel_loop3A_138 = arith.constant 16 : i32
          %parallel_loop3A_139 = arith.muli %parallel_loop3A_114, %parallel_loop3A_138 : i32
          %parallel_loop3A_140 = arith.constant 1 : i32
          %parallel_loop3A_141 = arith.index_cast %parallel_loop3A_140 : i32 to index
          %parallel_loop3A_142 = arith.index_cast %parallel_loop3A_139 : i32 to index
          %parallel_loop3A_143 = tpu.vector_load %arg9[%parallel_loop3A_141, %parallel_loop3A_142] {strides = array<i32>} : memref<8x2048xf32, #tpu.memory_space<vmem>>, vector<16xf32>,
          tpu.vector_store %arg9[%parallel_loop3A_141, %parallel_loop3A_142], %parallel_loop3A_137 {strides = array<i32>} : memref<8x2048xf32, #tpu.memory_space<vmem>>, vector<16xf32>,
        } {sc.loop_unroll_factor = 8 : i64, sc.parallel_access}
        %parallel_loop3A_82 = arith.constant 0 : i32
        %parallel_loop3A_83 = arith.constant 128 : i32
        %parallel_loop3A_84 = arith.constant 1 : i32
        scf.for %parallel_loop3A_114 = %parallel_loop3A_82 to %parallel_loop3A_83 step %parallel_loop3A_84  : i32 {
          %parallel_loop3A_115 = arith.constant 16 : i32
          %parallel_loop3A_116 = arith.muli %parallel_loop3A_114, %parallel_loop3A_115 : i32
          %parallel_loop3A_117 = arith.constant 2 : i32
          %parallel_loop3A_118 = arith.index_cast %parallel_loop3A_117 : i32 to index
          %parallel_loop3A_119 = arith.index_cast %parallel_loop3A_116 : i32 to index
          %parallel_loop3A_120 = tpu.vector_load %arg9[%parallel_loop3A_118, %parallel_loop3A_119] {strides = array<i32>} : memref<8x2048xf32, #tpu.memory_space<vmem>>, vector<16xf32>,
          %parallel_loop3A_121 = arith.constant 2.560000e+02 : f32
          %parallel_loop3A_122 = vector.broadcast %parallel_loop3A_121 : f32 to vector<16xf32>
          %parallel_loop3A_123 = arith.mulf %parallel_loop3A_120, %parallel_loop3A_122 : vector<16xf32>
          %parallel_loop3A_124 = arith.constant 0x4B408000 : f32
          %parallel_loop3A_125 = vector.broadcast %parallel_loop3A_124 : f32 to vector<16xf32>
          %parallel_loop3A_126 = arith.addf %parallel_loop3A_123, %parallel_loop3A_125 : vector<16xf32>
          %parallel_loop3A_127 = vector.bitcast %parallel_loop3A_126 : vector<16xf32> to vector<16xi32>
          %parallel_loop3A_128 = arith.constant 1262485504 : i32
          %parallel_loop3A_129 = vector.broadcast %parallel_loop3A_128 : i32 to vector<16xi32>
          %parallel_loop3A_130 = arith.maxsi %parallel_loop3A_127, %parallel_loop3A_129 : vector<16xi32>
          %parallel_loop3A_131 = arith.constant 1262551039 : i32
          %parallel_loop3A_132 = vector.broadcast %parallel_loop3A_131 : i32 to vector<16xi32>
          %parallel_loop3A_133 = arith.minsi %parallel_loop3A_130, %parallel_loop3A_132 : vector<16xi32>
          %parallel_loop3A_134 = arith.constant 1262485504 : i32
          %parallel_loop3A_135 = vector.broadcast %parallel_loop3A_134 : i32 to vector<16xi32>
          %parallel_loop3A_136 = arith.subi %parallel_loop3A_133, %parallel_loop3A_135 : vector<16xi32>
          %parallel_loop3A_137 = tpu.vector_load_idx %arg6[%parallel_loop3A_136] : memref<65536xf32, #tpu.memory_space<vmem>>[vector<16xi32>], vector<16xf32>,
          %parallel_loop3A_138 = arith.constant 16 : i32
          %parallel_loop3A_139 = arith.muli %parallel_loop3A_114, %parallel_loop3A_138 : i32
          %parallel_loop3A_140 = arith.constant 2 : i32
          %parallel_loop3A_141 = arith.index_cast %parallel_loop3A_140 : i32 to index
          %parallel_loop3A_142 = arith.index_cast %parallel_loop3A_139 : i32 to index
          %parallel_loop3A_143 = tpu.vector_load %arg9[%parallel_loop3A_141, %parallel_loop3A_142] {strides = array<i32>} : memref<8x2048xf32, #tpu.memory_space<vmem>>, vector<16xf32>,
          tpu.vector_store %arg9[%parallel_loop3A_141, %parallel_loop3A_142], %parallel_loop3A_137 {strides = array<i32>} : memref<8x2048xf32, #tpu.memory_space<vmem>>, vector<16xf32>,
        } {sc.loop_unroll_factor = 8 : i64, sc.parallel_access}
        %parallel_loop3A_85 = arith.constant 0 : i32
        %parallel_loop3A_86 = arith.constant 128 : i32
        %parallel_loop3A_87 = arith.constant 1 : i32
        scf.for %parallel_loop3A_114 = %parallel_loop3A_85 to %parallel_loop3A_86 step %parallel_loop3A_87  : i32 {
          %parallel_loop3A_115 = arith.constant 16 : i32
          %parallel_loop3A_116 = arith.muli %parallel_loop3A_114, %parallel_loop3A_115 : i32
          %parallel_loop3A_117 = arith.constant 3 : i32
          %parallel_loop3A_118 = arith.index_cast %parallel_loop3A_117 : i32 to index
          %parallel_loop3A_119 = arith.index_cast %parallel_loop3A_116 : i32 to index
          %parallel_loop3A_120 = tpu.vector_load %arg9[%parallel_loop3A_118, %parallel_loop3A_119] {strides = array<i32>} : memref<8x2048xf32, #tpu.memory_space<vmem>>, vector<16xf32>,
          %parallel_loop3A_121 = arith.constant 2.560000e+02 : f32
          %parallel_loop3A_122 = vector.broadcast %parallel_loop3A_121 : f32 to vector<16xf32>
          %parallel_loop3A_123 = arith.mulf %parallel_loop3A_120, %parallel_loop3A_122 : vector<16xf32>
          %parallel_loop3A_124 = arith.constant 0x4B408000 : f32
          %parallel_loop3A_125 = vector.broadcast %parallel_loop3A_124 : f32 to vector<16xf32>
          %parallel_loop3A_126 = arith.addf %parallel_loop3A_123, %parallel_loop3A_125 : vector<16xf32>
          %parallel_loop3A_127 = vector.bitcast %parallel_loop3A_126 : vector<16xf32> to vector<16xi32>
          %parallel_loop3A_128 = arith.constant 1262485504 : i32
          %parallel_loop3A_129 = vector.broadcast %parallel_loop3A_128 : i32 to vector<16xi32>
          %parallel_loop3A_130 = arith.maxsi %parallel_loop3A_127, %parallel_loop3A_129 : vector<16xi32>
          %parallel_loop3A_131 = arith.constant 1262551039 : i32
          %parallel_loop3A_132 = vector.broadcast %parallel_loop3A_131 : i32 to vector<16xi32>
          %parallel_loop3A_133 = arith.minsi %parallel_loop3A_130, %parallel_loop3A_132 : vector<16xi32>
          %parallel_loop3A_134 = arith.constant 1262485504 : i32
          %parallel_loop3A_135 = vector.broadcast %parallel_loop3A_134 : i32 to vector<16xi32>
          %parallel_loop3A_136 = arith.subi %parallel_loop3A_133, %parallel_loop3A_135 : vector<16xi32>
          %parallel_loop3A_137 = tpu.vector_load_idx %arg6[%parallel_loop3A_136] : memref<65536xf32, #tpu.memory_space<vmem>>[vector<16xi32>], vector<16xf32>,
          %parallel_loop3A_138 = arith.constant 16 : i32
          %parallel_loop3A_139 = arith.muli %parallel_loop3A_114, %parallel_loop3A_138 : i32
          %parallel_loop3A_140 = arith.constant 3 : i32
          %parallel_loop3A_141 = arith.index_cast %parallel_loop3A_140 : i32 to index
          %parallel_loop3A_142 = arith.index_cast %parallel_loop3A_139 : i32 to index
          %parallel_loop3A_143 = tpu.vector_load %arg9[%parallel_loop3A_141, %parallel_loop3A_142] {strides = array<i32>} : memref<8x2048xf32, #tpu.memory_space<vmem>>, vector<16xf32>,
          tpu.vector_store %arg9[%parallel_loop3A_141, %parallel_loop3A_142], %parallel_loop3A_137 {strides = array<i32>} : memref<8x2048xf32, #tpu.memory_space<vmem>>, vector<16xf32>,
        } {sc.loop_unroll_factor = 8 : i64, sc.parallel_access}
        %parallel_loop3A_88 = arith.constant 0 : i32
        %parallel_loop3A_89 = arith.constant 128 : i32
        %parallel_loop3A_90 = arith.constant 1 : i32
        scf.for %parallel_loop3A_114 = %parallel_loop3A_88 to %parallel_loop3A_89 step %parallel_loop3A_90  : i32 {
          %parallel_loop3A_115 = arith.constant 16 : i32
          %parallel_loop3A_116 = arith.muli %parallel_loop3A_114, %parallel_loop3A_115 : i32
          %parallel_loop3A_117 = arith.constant 4 : i32
          %parallel_loop3A_118 = arith.index_cast %parallel_loop3A_117 : i32 to index
          %parallel_loop3A_119 = arith.index_cast %parallel_loop3A_116 : i32 to index
          %parallel_loop3A_120 = tpu.vector_load %arg9[%parallel_loop3A_118, %parallel_loop3A_119] {strides = array<i32>} : memref<8x2048xf32, #tpu.memory_space<vmem>>, vector<16xf32>,
          %parallel_loop3A_121 = arith.constant 2.560000e+02 : f32
          %parallel_loop3A_122 = vector.broadcast %parallel_loop3A_121 : f32 to vector<16xf32>
          %parallel_loop3A_123 = arith.mulf %parallel_loop3A_120, %parallel_loop3A_122 : vector<16xf32>
          %parallel_loop3A_124 = arith.constant 0x4B408000 : f32
          %parallel_loop3A_125 = vector.broadcast %parallel_loop3A_124 : f32 to vector<16xf32>
          %parallel_loop3A_126 = arith.addf %parallel_loop3A_123, %parallel_loop3A_125 : vector<16xf32>
          %parallel_loop3A_127 = vector.bitcast %parallel_loop3A_126 : vector<16xf32> to vector<16xi32>
          %parallel_loop3A_128 = arith.constant 1262485504 : i32
          %parallel_loop3A_129 = vector.broadcast %parallel_loop3A_128 : i32 to vector<16xi32>
          %parallel_loop3A_130 = arith.maxsi %parallel_loop3A_127, %parallel_loop3A_129 : vector<16xi32>
          %parallel_loop3A_131 = arith.constant 1262551039 : i32
          %parallel_loop3A_132 = vector.broadcast %parallel_loop3A_131 : i32 to vector<16xi32>
          %parallel_loop3A_133 = arith.minsi %parallel_loop3A_130, %parallel_loop3A_132 : vector<16xi32>
          %parallel_loop3A_134 = arith.constant 1262485504 : i32
          %parallel_loop3A_135 = vector.broadcast %parallel_loop3A_134 : i32 to vector<16xi32>
          %parallel_loop3A_136 = arith.subi %parallel_loop3A_133, %parallel_loop3A_135 : vector<16xi32>
          %parallel_loop3A_137 = tpu.vector_load_idx %arg6[%parallel_loop3A_136] : memref<65536xf32, #tpu.memory_space<vmem>>[vector<16xi32>], vector<16xf32>,
          %parallel_loop3A_138 = arith.constant 16 : i32
          %parallel_loop3A_139 = arith.muli %parallel_loop3A_114, %parallel_loop3A_138 : i32
          %parallel_loop3A_140 = arith.constant 4 : i32
          %parallel_loop3A_141 = arith.index_cast %parallel_loop3A_140 : i32 to index
          %parallel_loop3A_142 = arith.index_cast %parallel_loop3A_139 : i32 to index
          %parallel_loop3A_143 = tpu.vector_load %arg9[%parallel_loop3A_141, %parallel_loop3A_142] {strides = array<i32>} : memref<8x2048xf32, #tpu.memory_space<vmem>>, vector<16xf32>,
          tpu.vector_store %arg9[%parallel_loop3A_141, %parallel_loop3A_142], %parallel_loop3A_137 {strides = array<i32>} : memref<8x2048xf32, #tpu.memory_space<vmem>>, vector<16xf32>,
        } {sc.loop_unroll_factor = 8 : i64, sc.parallel_access}
        %parallel_loop3A_91 = arith.constant 0 : i32
        %parallel_loop3A_92 = arith.constant 128 : i32
        %parallel_loop3A_93 = arith.constant 1 : i32
        scf.for %parallel_loop3A_114 = %parallel_loop3A_91 to %parallel_loop3A_92 step %parallel_loop3A_93  : i32 {
          %parallel_loop3A_115 = arith.constant 16 : i32
          %parallel_loop3A_116 = arith.muli %parallel_loop3A_114, %parallel_loop3A_115 : i32
          %parallel_loop3A_117 = arith.constant 5 : i32
          %parallel_loop3A_118 = arith.index_cast %parallel_loop3A_117 : i32 to index
          %parallel_loop3A_119 = arith.index_cast %parallel_loop3A_116 : i32 to index
          %parallel_loop3A_120 = tpu.vector_load %arg9[%parallel_loop3A_118, %parallel_loop3A_119] {strides = array<i32>} : memref<8x2048xf32, #tpu.memory_space<vmem>>, vector<16xf32>,
          %parallel_loop3A_121 = arith.constant 2.560000e+02 : f32
          %parallel_loop3A_122 = vector.broadcast %parallel_loop3A_121 : f32 to vector<16xf32>
          %parallel_loop3A_123 = arith.mulf %parallel_loop3A_120, %parallel_loop3A_122 : vector<16xf32>
          %parallel_loop3A_124 = arith.constant 0x4B408000 : f32
          %parallel_loop3A_125 = vector.broadcast %parallel_loop3A_124 : f32 to vector<16xf32>
          %parallel_loop3A_126 = arith.addf %parallel_loop3A_123, %parallel_loop3A_125 : vector<16xf32>
          %parallel_loop3A_127 = vector.bitcast %parallel_loop3A_126 : vector<16xf32> to vector<16xi32>
          %parallel_loop3A_128 = arith.constant 1262485504 : i32
          %parallel_loop3A_129 = vector.broadcast %parallel_loop3A_128 : i32 to vector<16xi32>
          %parallel_loop3A_130 = arith.maxsi %parallel_loop3A_127, %parallel_loop3A_129 : vector<16xi32>
          %parallel_loop3A_131 = arith.constant 1262551039 : i32
          %parallel_loop3A_132 = vector.broadcast %parallel_loop3A_131 : i32 to vector<16xi32>
          %parallel_loop3A_133 = arith.minsi %parallel_loop3A_130, %parallel_loop3A_132 : vector<16xi32>
          %parallel_loop3A_134 = arith.constant 1262485504 : i32
          %parallel_loop3A_135 = vector.broadcast %parallel_loop3A_134 : i32 to vector<16xi32>
          %parallel_loop3A_136 = arith.subi %parallel_loop3A_133, %parallel_loop3A_135 : vector<16xi32>
          %parallel_loop3A_137 = tpu.vector_load_idx %arg6[%parallel_loop3A_136] : memref<65536xf32, #tpu.memory_space<vmem>>[vector<16xi32>], vector<16xf32>,
          %parallel_loop3A_138 = arith.constant 16 : i32
          %parallel_loop3A_139 = arith.muli %parallel_loop3A_114, %parallel_loop3A_138 : i32
          %parallel_loop3A_140 = arith.constant 5 : i32
          %parallel_loop3A_141 = arith.index_cast %parallel_loop3A_140 : i32 to index
          %parallel_loop3A_142 = arith.index_cast %parallel_loop3A_139 : i32 to index
          %parallel_loop3A_143 = tpu.vector_load %arg9[%parallel_loop3A_141, %parallel_loop3A_142] {strides = array<i32>} : memref<8x2048xf32, #tpu.memory_space<vmem>>, vector<16xf32>,
          tpu.vector_store %arg9[%parallel_loop3A_141, %parallel_loop3A_142], %parallel_loop3A_137 {strides = array<i32>} : memref<8x2048xf32, #tpu.memory_space<vmem>>, vector<16xf32>,
        } {sc.loop_unroll_factor = 8 : i64, sc.parallel_access}
        %parallel_loop3A_94 = arith.constant 0 : i32
        %parallel_loop3A_95 = arith.constant 128 : i32
        %parallel_loop3A_96 = arith.constant 1 : i32
        scf.for %parallel_loop3A_114 = %parallel_loop3A_94 to %parallel_loop3A_95 step %parallel_loop3A_96  : i32 {
          %parallel_loop3A_115 = arith.constant 16 : i32
          %parallel_loop3A_116 = arith.muli %parallel_loop3A_114, %parallel_loop3A_115 : i32
          %parallel_loop3A_117 = arith.constant 6 : i32
          %parallel_loop3A_118 = arith.index_cast %parallel_loop3A_117 : i32 to index
          %parallel_loop3A_119 = arith.index_cast %parallel_loop3A_116 : i32 to index
          %parallel_loop3A_120 = tpu.vector_load %arg9[%parallel_loop3A_118, %parallel_loop3A_119] {strides = array<i32>} : memref<8x2048xf32, #tpu.memory_space<vmem>>, vector<16xf32>,
          %parallel_loop3A_121 = arith.constant 2.560000e+02 : f32
          %parallel_loop3A_122 = vector.broadcast %parallel_loop3A_121 : f32 to vector<16xf32>
          %parallel_loop3A_123 = arith.mulf %parallel_loop3A_120, %parallel_loop3A_122 : vector<16xf32>
          %parallel_loop3A_124 = arith.constant 0x4B408000 : f32
          %parallel_loop3A_125 = vector.broadcast %parallel_loop3A_124 : f32 to vector<16xf32>
          %parallel_loop3A_126 = arith.addf %parallel_loop3A_123, %parallel_loop3A_125 : vector<16xf32>
          %parallel_loop3A_127 = vector.bitcast %parallel_loop3A_126 : vector<16xf32> to vector<16xi32>
          %parallel_loop3A_128 = arith.constant 1262485504 : i32
          %parallel_loop3A_129 = vector.broadcast %parallel_loop3A_128 : i32 to vector<16xi32>
          %parallel_loop3A_130 = arith.maxsi %parallel_loop3A_127, %parallel_loop3A_129 : vector<16xi32>
          %parallel_loop3A_131 = arith.constant 1262551039 : i32
          %parallel_loop3A_132 = vector.broadcast %parallel_loop3A_131 : i32 to vector<16xi32>
          %parallel_loop3A_133 = arith.minsi %parallel_loop3A_130, %parallel_loop3A_132 : vector<16xi32>
          %parallel_loop3A_134 = arith.constant 1262485504 : i32
          %parallel_loop3A_135 = vector.broadcast %parallel_loop3A_134 : i32 to vector<16xi32>
          %parallel_loop3A_136 = arith.subi %parallel_loop3A_133, %parallel_loop3A_135 : vector<16xi32>
          %parallel_loop3A_137 = tpu.vector_load_idx %arg6[%parallel_loop3A_136] : memref<65536xf32, #tpu.memory_space<vmem>>[vector<16xi32>], vector<16xf32>,
          %parallel_loop3A_138 = arith.constant 16 : i32
          %parallel_loop3A_139 = arith.muli %parallel_loop3A_114, %parallel_loop3A_138 : i32
          %parallel_loop3A_140 = arith.constant 6 : i32
          %parallel_loop3A_141 = arith.index_cast %parallel_loop3A_140 : i32 to index
          %parallel_loop3A_142 = arith.index_cast %parallel_loop3A_139 : i32 to index
          %parallel_loop3A_143 = tpu.vector_load %arg9[%parallel_loop3A_141, %parallel_loop3A_142] {strides = array<i32>} : memref<8x2048xf32, #tpu.memory_space<vmem>>, vector<16xf32>,
          tpu.vector_store %arg9[%parallel_loop3A_141, %parallel_loop3A_142], %parallel_loop3A_137 {strides = array<i32>} : memref<8x2048xf32, #tpu.memory_space<vmem>>, vector<16xf32>,
        } {sc.loop_unroll_factor = 8 : i64, sc.parallel_access}
        %parallel_loop3A_97 = arith.constant 0 : i32
        %parallel_loop3A_98 = arith.constant 128 : i32
        %parallel_loop3A_99 = arith.constant 1 : i32
        scf.for %parallel_loop3A_114 = %parallel_loop3A_97 to %parallel_loop3A_98 step %parallel_loop3A_99  : i32 {
          %parallel_loop3A_115 = arith.constant 16 : i32
          %parallel_loop3A_116 = arith.muli %parallel_loop3A_114, %parallel_loop3A_115 : i32
          %parallel_loop3A_117 = arith.constant 7 : i32
          %parallel_loop3A_118 = arith.index_cast %parallel_loop3A_117 : i32 to index
          %parallel_loop3A_119 = arith.index_cast %parallel_loop3A_116 : i32 to index
          %parallel_loop3A_120 = tpu.vector_load %arg9[%parallel_loop3A_118, %parallel_loop3A_119] {strides = array<i32>} : memref<8x2048xf32, #tpu.memory_space<vmem>>, vector<16xf32>,
          %parallel_loop3A_121 = arith.constant 2.560000e+02 : f32
          %parallel_loop3A_122 = vector.broadcast %parallel_loop3A_121 : f32 to vector<16xf32>
          %parallel_loop3A_123 = arith.mulf %parallel_loop3A_120, %parallel_loop3A_122 : vector<16xf32>
          %parallel_loop3A_124 = arith.constant 0x4B408000 : f32
          %parallel_loop3A_125 = vector.broadcast %parallel_loop3A_124 : f32 to vector<16xf32>
          %parallel_loop3A_126 = arith.addf %parallel_loop3A_123, %parallel_loop3A_125 : vector<16xf32>
          %parallel_loop3A_127 = vector.bitcast %parallel_loop3A_126 : vector<16xf32> to vector<16xi32>
          %parallel_loop3A_128 = arith.constant 1262485504 : i32
          %parallel_loop3A_129 = vector.broadcast %parallel_loop3A_128 : i32 to vector<16xi32>
          %parallel_loop3A_130 = arith.maxsi %parallel_loop3A_127, %parallel_loop3A_129 : vector<16xi32>
          %parallel_loop3A_131 = arith.constant 1262551039 : i32
          %parallel_loop3A_132 = vector.broadcast %parallel_loop3A_131 : i32 to vector<16xi32>
          %parallel_loop3A_133 = arith.minsi %parallel_loop3A_130, %parallel_loop3A_132 : vector<16xi32>
          %parallel_loop3A_134 = arith.constant 1262485504 : i32
          %parallel_loop3A_135 = vector.broadcast %parallel_loop3A_134 : i32 to vector<16xi32>
          %parallel_loop3A_136 = arith.subi %parallel_loop3A_133, %parallel_loop3A_135 : vector<16xi32>
          %parallel_loop3A_137 = tpu.vector_load_idx %arg6[%parallel_loop3A_136] : memref<65536xf32, #tpu.memory_space<vmem>>[vector<16xi32>], vector<16xf32>,
          %parallel_loop3A_138 = arith.constant 16 : i32
          %parallel_loop3A_139 = arith.muli %parallel_loop3A_114, %parallel_loop3A_138 : i32
          %parallel_loop3A_140 = arith.constant 7 : i32
          %parallel_loop3A_141 = arith.index_cast %parallel_loop3A_140 : i32 to index
          %parallel_loop3A_142 = arith.index_cast %parallel_loop3A_139 : i32 to index
          %parallel_loop3A_143 = tpu.vector_load %arg9[%parallel_loop3A_141, %parallel_loop3A_142] {strides = array<i32>} : memref<8x2048xf32, #tpu.memory_space<vmem>>, vector<16xf32>,
          tpu.vector_store %arg9[%parallel_loop3A_141, %parallel_loop3A_142], %parallel_loop3A_137 {strides = array<i32>} : memref<8x2048xf32, #tpu.memory_space<vmem>>, vector<16xf32>,
        } {sc.loop_unroll_factor = 8 : i64, sc.parallel_access}
        %mul3A_100 = arith.constant 8 : i32
        %mul3A_101 = arith.muli %add3A_64, %mul3A_100 : i32
        %add3A_102 = arith.addi %mul3A_2, %mul3A_101 : i32
        %dma_start3A_103 = arith.constant 0 : i32
        %dma_start3A_104 = tpu.memref_slice %arg4[%add3A_102, %dma_start3A_103] : memref<16384x2048xf32, #tpu.memory_space<hbm>> -> memref<8x2048xf32, #tpu.memory_space<hbm>>
        %dma_start3A_105 = arith.constant 0 : i32
        %dma_start3A_106 = tpu.memref_slice %arg4[%add3A_102, %dma_start3A_105] : memref<16384x2048xf32, #tpu.memory_space<hbm>> -> memref<8x2048xf32, #tpu.memory_space<hbm>>
        tpu.enqueue_dma source(%arg9 : memref<8x2048xf32, #tpu.memory_space<vmem>>) target(%dma_start3A_106 : memref<8x2048xf32, #tpu.memory_space<hbm>>) target_semaphore(%arg15 : memref<!tpu.dma_semaphore, #tpu.memory_space<semaphore_mem>>)
        %add3A_107 = arith.constant 2 : i32
        %add3A_108 = arith.addi %add3A_64, %add3A_107 : i32
        %lt3A_109 = arith.constant 64 : i32
        %lt3A_110 = arith.cmpi slt, %add3A_108, %lt3A_109 : i32
        %convert_element_type3A_111 = arith.extui %lt3A_110 : i1 to i32
        %cond3A_112 = arith.constant 0 : i32
        %cond3A_113 = arith.cmpi ne, %convert_element_type3A_111, %cond3A_112 : i32
        scf.if %cond3A_113 {
          %ge3A = arith.constant 1 : i32
          %ge3A_114 = arith.cmpi sge, %add3A_64, %ge3A : i32
          %convert_element_type3A_115 = arith.extui %ge3A_114 : i1 to i32
          %cond3A_116 = arith.constant 0 : i32
          %cond3A_117 = arith.cmpi ne, %convert_element_type3A_115, %cond3A_116 : i32
          scf.if %cond3A_117 {
            %dma_wait3A_127 = arith.constant 0 : i32
            %dma_wait3A_128 = arith.constant 0 : i32
            %dma_wait3A_129 = tpu.memref_slice %arg4[%dma_wait3A_127, %dma_wait3A_128] : memref<16384x2048xf32, #tpu.memory_space<hbm>> -> memref<8x2048xf32, #tpu.memory_space<hbm>>
            %dma_wait3A_130 = arith.constant 0 : i32
            %dma_wait3A_131 = arith.constant 0 : i32
            %dma_wait3A_132 = tpu.memref_slice %arg4[%dma_wait3A_130, %dma_wait3A_131] : memref<16384x2048xf32, #tpu.memory_space<hbm>> -> memref<8x2048xf32, #tpu.memory_space<hbm>>
            tpu.wait_dma2 semaphore(%arg14 : memref<!tpu.dma_semaphore, #tpu.memory_space<semaphore_mem>>) src(%arg8 : memref<8x2048xf32, #tpu.memory_space<vmem>>) dst(%dma_wait3A_132 : memref<8x2048xf32, #tpu.memory_space<hbm>>)
          } else {
          }
          %add3A_118 = arith.constant 2 : i32
          %add3A_119 = arith.addi %add3A_64, %add3A_118 : i32
          %mul3A_120 = arith.constant 8 : i32
          %mul3A_121 = arith.muli %add3A_119, %mul3A_120 : i32
          %add3A_122 = arith.addi %mul3A_2, %mul3A_121 : i32
          %dma_start3A_123 = arith.constant 0 : i32
          %dma_start3A_124 = tpu.memref_slice %arg2[%add3A_122, %dma_start3A_123] : memref<16384x2048xf32, #tpu.memory_space<hbm>> -> memref<8x2048xf32, #tpu.memory_space<hbm>>
          %dma_start3A_125 = arith.constant 0 : i32
          %dma_start3A_126 = tpu.memref_slice %arg2[%add3A_122, %dma_start3A_125] : memref<16384x2048xf32, #tpu.memory_space<hbm>> -> memref<8x2048xf32, #tpu.memory_space<hbm>>
          tpu.enqueue_dma source(%dma_start3A_126 : memref<8x2048xf32, #tpu.memory_space<hbm>>) target(%arg8 : memref<8x2048xf32, #tpu.memory_space<vmem>>) target_semaphore(%arg11 : memref<!tpu.dma_semaphore, #tpu.memory_space<semaphore_mem>>)
        } else {
        }
      } else {
      }
    }
    %scan3A_27 = arith.constant 22 : i32
    %dma_wait3A = arith.constant 0 : i32
    %dma_wait3A_28 = arith.constant 0 : i32
    %dma_wait3A_29 = tpu.memref_slice %arg4[%dma_wait3A, %dma_wait3A_28] : memref<16384x2048xf32, #tpu.memory_space<hbm>> -> memref<8x2048xf32, #tpu.memory_space<hbm>>
    %dma_wait3A_30 = arith.constant 0 : i32
    %dma_wait3A_31 = arith.constant 0 : i32
    %dma_wait3A_32 = tpu.memref_slice %arg4[%dma_wait3A_30, %dma_wait3A_31] : memref<16384x2048xf32, #tpu.memory_space<hbm>> -> memref<8x2048xf32, #tpu.memory_space<hbm>>
    tpu.wait_dma2 semaphore(%arg14 : memref<!tpu.dma_semaphore, #tpu.memory_space<semaphore_mem>>) src(%arg8 : memref<8x2048xf32, #tpu.memory_space<vmem>>) dst(%dma_wait3A_32 : memref<8x2048xf32, #tpu.memory_space<hbm>>)
    %dma_wait3A_33 = arith.constant 0 : i32
    %dma_wait3A_34 = arith.constant 0 : i32
    %dma_wait3A_35 = tpu.memref_slice %arg4[%dma_wait3A_33, %dma_wait3A_34] : memref<16384x2048xf32, #tpu.memory_space<hbm>> -> memref<8x2048xf32, #tpu.memory_space<hbm>>
    %dma_wait3A_36 = arith.constant 0 : i32
    %dma_wait3A_37 = arith.constant 0 : i32
    %dma_wait3A_38 = tpu.memref_slice %arg4[%dma_wait3A_36, %dma_wait3A_37] : memref<16384x2048xf32, #tpu.memory_space<hbm>> -> memref<8x2048xf32, #tpu.memory_space<hbm>>
    tpu.wait_dma2 semaphore(%arg15 : memref<!tpu.dma_semaphore, #tpu.memory_space<semaphore_mem>>) src(%arg9 : memref<8x2048xf32, #tpu.memory_space<vmem>>) dst(%dma_wait3A_38 : memref<8x2048xf32, #tpu.memory_space<hbm>>)
    %dma_wait3A_39 = arith.constant 0 : i32
    %dma_wait3A_40 = arith.constant 0 : i32
    %dma_wait3A_41 = tpu.memref_slice %arg4[%dma_wait3A_39, %dma_wait3A_40] : memref<16384x2048xf32, #tpu.memory_space<hbm>> -> memref<8x2048xf32, #tpu.memory_space<hbm>>
    %dma_wait3A_42 = arith.constant 0 : i32
    %dma_wait3A_43 = arith.constant 0 : i32
    %dma_wait3A_44 = tpu.memref_slice %arg4[%dma_wait3A_42, %dma_wait3A_43] : memref<16384x2048xf32, #tpu.memory_space<hbm>> -> memref<8x2048xf32, #tpu.memory_space<hbm>>
    tpu.wait_dma2 semaphore(%arg13 : memref<!tpu.dma_semaphore, #tpu.memory_space<semaphore_mem>>) src(%arg7 : memref<8x2048xf32, #tpu.memory_space<vmem>>) dst(%dma_wait3A_44 : memref<8x2048xf32, #tpu.memory_space<hbm>>)
    return
  }
}

</mosaic_0001>

<sc_bundles>
// kernel: _silu_sc.3.cloned.1.call-start
scs
__scs_entry_jumppad:
0x0: {  	(pc) =	sbr.rel $0x88, $3  }
0x1: {  	(tag) =	ssettag $0x0;
	lr =	simm.s32 $0x1  }
0x2: {  	[smem:$0x3F9F] =	sst lr;
	_ =	strace $0xD0000000  }
0x3: {  	_ = 	snop  }
0x4: {  	_ = 	snop  }
0x5: {  	_ = 	snop  }
0x6: {  	_ = 	snop  }
0x7: {  	_ = 	snop  }
__scs_overlays_trampoline_lowered:
0x8: {  	[smem:$0x3FAE] =	sst s0  }
0x9: {  	[smem:$0x3FAF] =	sst s1  }
0xa: {  	[smem:$0x3FB0] =	sst s2  }
0xb: {  	[smem:$0x3FB1] =	sst s3  }
0xc: {  	[smem:$0x3FB2] =	sst s4  }
0xd: {  	[smem:$0x3FB3] =	sst s5  }
0xe: {  	[smem:$0x3FB4] =	sst s6  }
0xf: {  	[smem:$0x3FB5] =	sst s7  }
0x10: {  	[smem:$0x3FB6] =	sst s8  }
0x11: {  	[smem:$0x3FB7] =	sst s9;
	s0 =	simm.s32 @!p0 $0x0  }
0x12: {  	s1 =	sld [smem:$0x3F9D];
	s0 =	simm.s32 @p0 $0x1  }
0x13: {  	[smem:$0x3FB8] =	sst s0;
	s0 =	simm.s32 @!p1 $0x0  }
0x14: {  	s2 =	sld [smem:$0x3F9C];
	s0 =	simm.s32 @p1 $0x1  }
0x15: {  	[smem:$0x3FB9] =	sst s0;
	s0 =	simm.s32 @!p2 $0x0  }
0x16: {  	s3 =	sld [smem:$0x3FDB];
	s0 =	simm.s32 @p2 $0x1  }
0x17: {  	s4 =	simm.s32 $0x1BF5;
	[smem:$0x3FBB] =	sst s0  }
0x18: {  	s0 =	sld [smem:$0x3F9E];
	_ =	swait.ge [sflag:s4], $0x0  }
0x19: {  	s7 =	sld [smem:$0x3F9F]  }
0x1a: {  	s8 =	sadd.s32 $0xFFFFE003, lr  }
0x1b: {  	s9 =	sadd.s32 $0xFFFFFEF7, lr;
	s5 =	simm.s32 $0xFFFFFFFF;
	p2 =	slt.u32 s8, $0xFFFFF086  }
0x1c: {  	p1 =	slt.u32 s9, $0xF7A;
	s5 =	simm.s32 @!p2 $0x0  }
0x1d: {  	s5 =	simm.s32 @p1 $0x1;
	p0 =	seq.s32 s7, s2  }
0x1e: {  	s7 =	smul.u32 @!p0 $0xF7A, s2;
	p2 =	seq.s32 @!p0 s5, $0x0  }
0x1f: {  	s9 =	smul.u32 $0xF7A, s1;
	s8 =	simm.s32 @!p0 $0x1BF5;
	p2 =	por !p2, p0  }
0x20: {  	[sflag:s8] =	ssyncset.s32 @!p0 $0xFFFFF086;
	s6 =	sadd.s32 @!p0 s3, s7;
	s7 =	simm.s32 @!p0 $0x108  }
0x21: {  	s3 =	sadd.s32 s3, s9;
	s6 =	sadd.s32 @!p0 $0x88, s6;
	s7 =	simm.s32 @p2 $0x1082  }
0x22: {  	[simem:s7], [sflag:s8] =	dma.local @!p0 [hbm:s6], $0xF7A  }
0x23: {  	s9 =	sor.u32 $0xD0000000, s2;
	s6 =	simm.s32 $0x108;
	_ =	swait.ge @!p0 [sflag:s8], $0x0  }
0x24: {  	s3 =	sadd.s32 $0x88, s3;
	s6 =	simm.s32 @!p1 $0x1082;
	[sflag:s4] =	ssyncset.s32 $0xFFFFF086  }
0x25: {  	[simem:s6], [sflag:s4] =	dma.local [hbm:s3], $0xF7A  }
0x26: {  	[smem:$0x3F9F] =	sst s1;
	(tag) =	ssettag s2;
	_ =	strace s9  }
0x27: {  	s1 =	sld [smem:$0x3FAF]  }
0x28: {  	s2 =	sld [smem:$0x3FB0]  }
0x29: {  	s4 =	sld [smem:$0x3FB2]  }
0x2a: {  	p0 =	seq.s32 s5, $0x0;
	s5 =	sld [smem:$0x3FB3]  }
0x2b: {  	s6 =	sld [smem:$0x3FB4]  }
0x2c: {  	s7 =	sld [smem:$0x3FB5]  }
0x2d: {  	s3 =	simm.s32 $0x108;
	s8 =	sld [smem:$0x3FB6]  }
0x2e: {  	s3 =	simm.s32 @!p0 $0x1082;
	s9 =	sld [smem:$0x3FB7]  }
0x2f: {  	lr =	sadd.s32 s0, s3;
	s0 =	sld [smem:$0x3FAE]  }
0x30: {  	s3 =	sld [smem:$0x3FB1]  }
0x31: {  	[smem:$0x3FBA] =	sst s10  }
0x32: {  	s10 =	sld [smem:$0x3FB8];
	_ =	sdelay $0x3  }
0x33: {  	p0 =	seq.s32 s10, $0x1;
	s10 =	sld [smem:$0x3FBA];
	_ =	sdelay $0x3  }
0x34: {  	[smem:$0x3FBA] =	sst s10  }
0x35: {  	s10 =	sld [smem:$0x3FB9];
	_ =	sdelay $0x3  }
0x36: {  	p1 =	seq.s32 s10, $0x1;
	s10 =	sld [smem:$0x3FBA];
	_ =	sdelay $0x3  }
0x37: {  	[smem:$0x3FBA] =	sst s10  }
0x38: {  	s10 =	sld [smem:$0x3FBB]  }
0x39: {  	_ = 	snop;
	(pc) =	sbr.ind lr, $3  }
0x3a: {  	_ = 	snop  }
0x3b: {  	_ = 	snop  }
0x3c: {  	p2 =	seq.s32 s10, $0x1;
	s10 =	sld [smem:$0x3FBA]  }
0x3d: {  	_ =	shalt  }
0x3e: {  	_ =	shalt  }
0x3f: {  	_ =	shalt  }
0x40: {  	_ =	shalt  }
0x41: {  	_ =	shalt  }
0x42: {  	_ =	shalt  }
0x43: {  	_ =	shalt  }
0x44: {  	_ =	shalt  }
0x45: {  	_ =	shalt  }
0x46: {  	_ =	shalt  }
0x47: {  	_ =	shalt  }
0x48: {  	_ =	shalt  }
0x49: {  	_ =	shalt  }
0x4a: {  	_ =	shalt  }
0x4b: {  	_ =	shalt  }
0x4c: {  	_ =	shalt  }
0x4d: {  	_ =	shalt  }
0x4e: {  	_ =	shalt  }
0x4f: {  	_ =	shalt  }
0x50: {  	_ =	shalt  }
0x51: {  	_ =	shalt  }
0x52: {  	_ =	shalt  }
0x53: {  	_ =	shalt  }
0x54: {  	_ =	shalt  }
0x55: {  	_ =	shalt  }
0x56: {  	_ =	shalt  }
0x57: {  	_ =	shalt  }
0x58: {  	_ =	shalt  }
0x59: {  	_ =	shalt  }
0x5a: {  	_ =	shalt  }
0x5b: {  	_ =	shalt  }
0x5c: {  	_ =	shalt  }
0x5d: {  	_ =	shalt  }
0x5e: {  	_ =	shalt  }
0x5f: {  	_ =	shalt  }
0x60: {  	_ =	shalt  }
0x61: {  	_ =	shalt  }
0x62: {  	_ =	shalt  }
0x63: {  	_ =	shalt  }
0x64: {  	_ =	shalt  }
0x65: {  	_ =	shalt  }
0x66: {  	_ =	shalt  }
0x67: {  	_ =	shalt  }
0x68: {  	_ =	shalt  }
0x69: {  	_ =	shalt  }
0x6a: {  	_ =	shalt  }
0x6b: {  	_ =	shalt  }
0x6c: {  	_ =	shalt  }
0x6d: {  	_ =	shalt  }
0x6e: {  	_ =	shalt  }
0x6f: {  	_ =	shalt  }
0x70: {  	_ =	shalt  }
0x71: {  	_ =	shalt  }
0x72: {  	_ =	shalt  }
0x73: {  	_ =	shalt  }
0x74: {  	_ =	shalt  }
0x75: {  	_ =	shalt  }
0x76: {  	_ =	shalt  }
0x77: {  	_ =	shalt  }
0x78: {  	_ =	shalt  }
0x79: {  	_ =	shalt  }
0x7a: {  	_ =	shalt  }
0x7b: {  	_ =	shalt  }
0x7c: {  	_ =	shalt  }
0x7d: {  	_ =	shalt  }
0x7e: {  	_ =	shalt  }
0x7f: {  	_ =	shalt  }
0x80: {  	_ =	shalt  }
0x81: {  	_ =	shalt  }
0x82: {  	_ =	shalt  }
0x83: {  	_ =	shalt  }
0x84: {  	_ =	shalt  }
0x85: {  	_ =	shalt  }
0x86: {  	_ =	shalt  }
0x87: {  	_ =	shalt  }
.Lfunc_end0:
.L_simem_size_0:
called_computation_lowered:
.L_overlay_start_0:
0x88: {  	s2 =	sld [smem:$0x3FD9]  }
0x89: {  	s3 =	sld [smem:$0x3FFE];
	_ =	sdelay $0x1  }
0x8a: {  	s1 =	srdreg.scid  }
0x8b: {  	s0 =	sand.u32 $0x1, s1  }
0x8c: {  	s18 =	sshll.u32 s0, $0xA;
	s2 =	sadd.s32 s3, s2  }
0x8d: {  	s2 =	sadd.s32 s2, s18  }
0x8e: {  	[smem:$0x3FC6] =	sst s2  }
0x8f: {  	_ = 	snop  }
0x90: {  	s2 =	sld [smem:$0x3FC9]  }
0x91: {  	s19 =	sld [smem:$0x3FC8]  }
0x92: {  	s4 =	sld [smem:$0x3FD0];
	(tm) =	ssettm $0x1  }
0x93: {  	s5 =	sld [smem:$0x3FFB];
	_ =	sdelay $0x3  }
0x94: {  	_ =	strace s5  }
0x95: {  	s5 =	sld [smem:$0x3FFC];
	_ =	sdelay $0x3  }
0x96: {  	_ =	strace s5  }
0x97: {  	s5 =	sld [smem:$0x3FFD];
	_ =	sdelay $0x3  }
0x98: {  	_ =	strace s5  }
0x99: {  	_ =	strace $0x8FFFFFFF  }
0x9a: {  	s20 =	sld [smem:$0x3FDB];
	_ =	sdelay $0x1  }
0x9b: {  	s6 =	simm.s32 $_scs_section_size  }
0x9c: {  	s7 =	simm.s32 $_size__tile_overlayer_lowered;
	s8 =	simm.s32 $_tile_overlayer_lowered  }
0x9d: {  	s23 =	simm.s32 $0x1BFF;
	s22 =	sshll.u32 s8, $0x1;
	s5 =	sadd.s32 s6, s20  }
0x9e: {  	s9 =	simm.s32 $0x0;
	s21 =	sshll.u32 s7, $0x1;
	s7 =	sadd.s32 s22, s5  }
0x9f: {  	[timem:s9], [sflag:s23] =	dma.local [hbm:s7], s21  }
0xa0: {  	_ =	swait.ge [sflag:s23], s21  }
0xa1: {  	s6 =	ssub.s32 $0x0, s21;
	[sflag:s23] =	ssyncset.done $0x0  }
0xa2: {  	[sflag:s23] =	ssyncadd.s32 s6;
	_ =	sdelay $0x1  }
0xa3: {  	s24 =	simm.s32 $0x1B8B  }
0xa4: {  	_ =	swait.ge [sflag:s24], $0x1  }
0xa5: {  	[sflag:s24] =	ssyncset.done $0x0  }
0xa6: {  	s25 =	simm.s32 $0x1B8E;
	[sflag:s24] =	ssyncadd.s32 $0xFFFFFFFF  }
0xa7: {  	s26 =	simm.s32 $execute0_lowered;
	[smem:$0x3FD2] =	sst s25  }
0xa8: {  	s6 =	sshll.u32 s26, $0x1;
	_ =	strace $0x80000046;
	[dreg:$0x1] =	wrdreg $0xFFFFFFFF  }
0xa9: {  	s28 =	simm.s32 $_size_execute0_lowered;
	s5 =	sadd.s32 s5, s6;
	[dreg:$0x0] =	wrdreg $0x0  }
0xaa: {  	s6 =	sshll.u32 s28, $0x1;
	[dreg:$0x2] =	wrdreg s5  }
0xab: {  	[dreg:$0x3] =	wrdreg s6  }
0xac: {  	[dreg:$0x4] =	wrdreg $0xC0  }
0xad: {  	_ =	task [dreg:s9], $0x5FFFF  }
0xae: {  	[dreg:$0x1] =	wrdreg $0xFFFFFFFF  }
0xaf: {  	[dreg:$0x0] =	wrdreg $0x60  }
0xb0: {  	[dreg:$0x2] =	wrdreg s2  }
0xb1: {  	[dreg:$0x3] =	wrdreg s19  }
0xb2: {  	[dreg:$0x4] =	wrdreg s4  }
0xb3: {  	[dreg:$0x5] =	wrdreg $0x9  }
0xb4: {  	_ =	task.clear_ibuf [dreg:s9], $0x6FFFF;
	_ =	strace $0x90000046  }
0xb5: {  	s29 =	simm.s32 $0x9;
	_ =	strace $0x80000048  }
0xb6: {  	_ =	swait.ge [sflag:s29], $0x1  }
0xb7: {  	[sflag:s29] =	ssyncadd.s32 $0xFFFFFFFF  }
0xb8: {  	_ =	strace $0x90000048  }
0xb9: {  	_ =	sfence  }
0xba: {  	s30 =	sld [smem:$0x0];
	_ =	sdelay $0x2  }
0xbb: {  	s31 =	sshll.u32 s1, $0xD;
	s1 =	sshrl.u32 s1, $0x2  }
0xbc: {  	s3 =	sand.u32 $0x4000, s31;
	s1 =	sadd.s32 s1, s30  }
0xbd: {  	s0 =	sor.u32 s3, s0;
	s1 =	sshll.u32 s1, $0x11  }
0xbe: {  	s0 =	sor.u32 s1, s0  }
0xbf: {  	s0 =	sadd.s32 $0x8F2B, s0  }
0xc0: {  	[sflag:s0] =	ssyncadd.remote.s32 $0x1  }
0xc1: {  	_ =	sfence.sel $0xFFFF  }
0xc2: {  	[dreg:$0x0] =	wrdreg $0xFFFFFFFF;
	(pc) =	sbr.abs _section_cstart, $3  }
0xc3: {  	[dreg:$0x1] =	wrdreg $0xFFFFFFFF  }
0xc4: {  	_ =	task.clear_ibuf [dreg:s9], $0x2FFFF;
	_ =	strace $0x9FFFFFFF  }
0xc5: {  	(tm) =	ssettm $0x7FFFFFFF  }
tec
execute0_lowered:
.L_overlay_start_1:
0x0: {  	(tag) =	ssettag $0x1  }
0x1: {  	s1 =	rddreg [dreg:$0x0]  }
0x2: {  	s4 =	rddreg [dreg:$0x2];
	s0 =	srdreg.scid  }
0x3: {  	s2 =	stileid.u32;
	s5 =	simm.s32 $0x0;
	s14 =	simm.s32 $0x11080  }
0x4: {  	s15 =	simm.s32 $0x15080;
	s16 =	simm.s32 $0x7;
	s17 =	simm.s32 $0x1  }
0x5: {  	s18 =	simm.s32 $0x1080;
	s19 =	simm.s32 $0x19080;
	s20 =	simm.s32 $0x2  }
0x6: {  	s21 =	simm.s32 $0x4;
	s22 =	simm.s32 $0x3;
	s23 =	simm.s32 $0x5  }
0x7: {  	s24 =	simm.s32 $0x6;
	s25 =	simm.s32 $0x0;
	s0 =	sand.u32 $0x1, s0  }
0x8: {  	s2 =	sshll.u32 s2, $0xA;
	[smem:$0x7FF] =	sst s5;
	s6 =	sshll.u32 s0, $0x9  }
.Ltmp0:
0x9: {  	s0 =	ssub.s32 $0x2, s0;
	s6 =	sor.u32 s6, s2;
	(pc) =	sbr.rel .LBB2_1-.Ltmp0, $4  }
0xa: {  	_ =	strace $0x80000047;
	s30 =	sshrl.u32 s0, $0x1;
	s7 =	sshll.u32 s6, $0x8  }
0xb: {  	s0 =	ssub.s32 s0, s30;
	s31 =	sshrl.u32 s6, $0x3;
	s7 =	sadd.s32 s1, s7  }
0xc: {  	v0 =	vlaneseq.u32;
	s9 =	sor.u32 $0x1, s31;
	s10 =	sor.u32 $0x3, s31;
	s11 =	sor.u32 $0x4, s31  }
0xd: {  	v1 =	vimm.f32 $0.0e+00;
	v2 =	vimm.s32 $0x1000;
	v3 =	vor.u32 $0x800, v0;
	s12 =	smax.u32 s0, $0x1;
	s13 =	sor.u32 $0x2, s31;
	s8 =	sadd.s32 $0x800, s7  }
.LBB2_135:
0xe: {  	_ =	swait.ge [sflag:s23], $0x4000  }
0xf: {  	[sflag:s23] =	ssyncset.done $0x0  }
0x10: {  	s25 =	sadd.s32 $0x1, s25;
	[sflag:s23] =	ssyncadd.s32 $0xFFFFC000  }
0x11: {  	p0 =	sne.s32 s25, s12;
	_ =	swait.ge [sflag:s24], $0x4000  }
.Ltmp1:
0x12: {  	[sflag:s24] =	ssyncset.done $0x0;
	(pc) =	sbr.rel @!p0 .LBB2_136-.Ltmp1, $4  }
0x13: {  	[sflag:s24] =	ssyncadd.s32 $0xFFFFC000  }
0x14: {  	_ =	swait.ge [sflag:s21], $0x4000  }
0x15: {  	[sflag:s21] =	ssyncset.done $0x0  }
0x16: {  	[sflag:s21] =	ssyncadd.s32 $0xFFFFC000  }
.LBB2_1:
0x17: {  	[tilespmem:s14], [sflag:$0x1] =	stream.linear.gather [hbm4b:s7+s5], $0x4000, $0x38;
	[tilespmem:$0x1D080] =	vst v63  }
0x18: {  	_ = 	snop  }
0x19: {  	[tilespmem:s15], [sflag:$0x2] =	stream.linear.gather [hbm4b:s8+s5], $0x4000, $0x38;
	[tilespmem:$0x1D080] =	vst v63  }
0x1a: {  	s0 =	rddreg [dreg:$0x1]  }
0x1b: {  	[tilespmem:s5], [sflag:$0x7] =	stream.linear.gather [hbm4b:s0+s5], $0x1080, $0x38;
	[tilespmem:$0x1D080] =	vst v63  }
0x1c: {  	_ =	swait.ge [sflag:s16], $0x1080  }
0x1d: {  	[sflag:s16] =	ssyncset.done $0x0  }
0x1e: {  	s0 =	simm.s32 $0x10C0;
	[sflag:s16] =	ssyncadd.s32 $0xFFFFEF80  }
0x1f: {  	[tilespmem:s0+$0xFFFFFFC0] =	vst v1  }
0x20: {  	[tilespmem:s0+$0x30] =	vst v1  }
0x21: {  	[tilespmem:s0+$0x20] =	vst v1  }
0x22: {  	[tilespmem:s0+$0x10] =	vst v1  }
0x23: {  	[tilespmem:s0+$0x0] =	vst v1  }
0x24: {  	[tilespmem:s0+$0xFFFFFFF0] =	vst v1  }
0x25: {  	s28 =	simm.s32 $0x0;
	s2 =	simm.s32 $0xFFFFF800;
	s26 =	simm.s32 $0x88B0;
	[tilespmem:s0+$0xFFFFFFE0] =	vst v1  }
.LBB2_2:
0x26: {  	s28 =	sadd.s32 $0x8, s28;
	[tilespmem:s0+$0xFFFFFFD0] =	vst v1;
	s0 =	sadd.s32 $0x80, s0  }
0x27: {  	[tilespmem:s0+$0xFFFFFFC0] =	vst v1;
	p0 =	slt.u32 s28, $0x778  }
0x28: {  	[tilespmem:s0+$0x30] =	vst v1  }
.Ltmp2:
0x29: {  	[tilespmem:s0+$0x20] =	vst v1;
	(pc) =	sbr.rel @p0 .LBB2_2-.Ltmp2, $4  }
0x2a: {  	[tilespmem:s0+$0x10] =	vst v1  }
0x2b: {  	[tilespmem:s0+$0x0] =	vst v1  }
0x2c: {  	[tilespmem:s0+$0xFFFFFFF0] =	vst v1  }
0x2d: {  	[tilespmem:s0+$0xFFFFFFE0] =	vst v1  }
0x2e: {  	s28 =	simm.s32 $0xFFFFF830  }
0x2f: {  	v4 =	vor.u32 s28, v0  }
0x30: {  	v5 =	vor.u32 s2, v0;
	s31 =	simm.s32 $0xFFFFF810;
	vm0 =	vgt.s32 v4, $0xFFFFF800  }
0x31: {  	s28 =	simm.s32 $0xFFFFF820;
	v6 =	vor.u32 s31, v0;
	vm1 =	vgt.s32 v5, $0xFFFFF800;
	v8 =	vnsel vm0, $0xFFFFF800, v4  }
0x32: {  	v7 =	vor.u32 s28, v0;
	vm7 =	vgt.s32 v6, $0xFFFFF800;
	vm2 =	vlt.s32 v8, $0x800  }
0x33: {  	v11 =	vnsel vm1, $0xFFFFF800, v5;
	vm3 =	vgt.s32 v7, $0xFFFFF800;
	v8 =	vnsel vm2, $0x800, v8  }
0x34: {  	v9 =	vnsel vm7, $0xFFFFF800, v6;
	vm9 =	vlt.s32 v11, $0x800;
	v8 =	vadd.s32 $0x800, v8  }
0x35: {  	v10 =	vnsel vm3, $0xFFFFF800, v7;
	vm0 =	vlt.s32 v9, $0x800;
	v11 =	vnsel vm9, $0x800, v11  }
0x36: {  	vm8 =	vlt.s32 v10, $0x800;
	v9 =	vnsel vm0, $0x800, v9;
	v11 =	vadd.s32 $0x800, v11  }
0x37: {  	v10 =	vnsel vm8, $0x800, v10;
	v9 =	vadd.s32 $0x800, v9  }
0x38: {  	[tilespmem:s0+$0xFFFFFFD0] =	vst v1;
	v10 =	vadd.s32 $0x800, v10  }
0x39: {  	v8 =	vld.idx.msk [tilespmem:v8+s5+$0x0], $0xffff;
	_ =	sdelay $0x1  }
0x3a: {  	v11 =	vld.idx.msk [tilespmem:v11+s5+$0x0], $0xffff  }
0x3b: {  	s31 =	simm.s32 $0xFFFFF860;
	v9 =	vld.idx.msk [tilespmem:v9+s5+$0x0], $0xffff  }
0x3c: {  	v12 =	vor.u32 s31, v0;
	v10 =	vld.idx.msk [tilespmem:v10+s5+$0x0], $0xffff  }
0x3d: {  	vm14 =	vgt.s32 v12, $0xFFFFF800;
	v4 =	vmul.u32 v4, v8  }
0x3e: {  	v15 =	vnsel vm14, $0xFFFFF800, v12  }
0x3f: {  	vm15 =	vlt.s32 v15, $0x800;
	v5 =	vmul.u32 v5, v11;
	v8 =	vshra.s32 v4, $0x8  }
0x40: {  	s3 =	simm.s32 $0xFFFFF850;
	v6 =	vmul.u32 v6, v9;
	v4 =	vand.u32 $0xFF, v4;
	v9 =	vand.u32 $0x1, v8  }
0x41: {  	s30 =	simm.s32 $0xFFFFF870;
	v7 =	vmul.u32 v7, v10;
	v10 =	vor.u32 s3, v0;
	v9 =	vadd.s32 v9, v4  }
0x42: {  	v11 =	vor.u32 s30, v0;
	vm11 =	vgt.s32 v10, $0xFFFFF800;
	v9 =	vadd.s32 $0x7F, v9  }
0x43: {  	vm10 =	vgt.s32 v11, $0xFFFFF800;
	v13 =	vnsel vm11, $0xFFFFF800, v10;
	v9 =	vshrl.u32 v9, $0x8  }
0x44: {  	vm1 =	vlt.s32 v13, $0x800;
	v8 =	vadd.s32 v8, v9;
	v9 =	vnsel vm10, $0xFFFFF800, v11  }
0x45: {  	v15 =	vnsel vm15, $0x800, v15;
	v13 =	vnsel vm1, $0x800, v13;
	vm13 =	vlt.s32 v9, $0x800  }
0x46: {  	s2 =	simm.s32 $0xFFFFF840;
	v15 =	vadd.s32 $0x800, v15;
	v13 =	vadd.s32 $0x800, v13;
	v9 =	vnsel vm13, $0x800, v9  }
0x47: {  	v16 =	vshra.s32 v5, $0x8;
	v4 =	vor.u32 s2, v0;
	v9 =	vadd.s32 $0x800, v9  }
0x48: {  	v5 =	vand.u32 $0xFF, v5;
	v17 =	vshra.s32 v6, $0x8;
	vm12 =	vgt.s32 v4, $0xFFFFF800  }
0x49: {  	v18 =	vand.u32 $0x1, v16;
	v6 =	vand.u32 $0xFF, v6;
	v14 =	vnsel vm12, $0xFFFFF800, v4  }
0x4a: {  	v19 =	vshra.s32 v7, $0x8;
	v20 =	vand.u32 $0x1, v17;
	vm0 =	vlt.s32 v14, $0x800  }
0x4b: {  	v5 =	vadd.s32 v18, v5;
	v7 =	vand.u32 $0xFF, v7;
	v14 =	vnsel vm0, $0x800, v14;
	v13 =	vld.idx.msk [tilespmem:v13+s5+$0x0], $0xffff  }
0x4c: {  	v62 =	vand.u32 $0x1, v19;
	v6 =	vadd.s32 v20, v6;
	v14 =	vadd.s32 $0x800, v14;
	v9 =	vld.idx.msk [tilespmem:v9+s5+$0x0], $0xffff  }
0x4d: {  	v5 =	vadd.s32 $0x7F, v5;
	v7 =	vadd.s32 v62, v7;
	v6 =	vadd.s32 $0x7F, v6  }
0x4e: {  	v5 =	vshrl.u32 v5, $0x8;
	v7 =	vadd.s32 $0x7F, v7;
	v6 =	vshrl.u32 v6, $0x8  }
0x4f: {  	v5 =	vadd.s32 v16, v5;
	v7 =	vshrl.u32 v7, $0x8;
	v6 =	vadd.s32 v17, v6  }
0x50: {  	v15 =	vld.idx.msk [tilespmem:v15+s5+$0x0], $0xffff;
	v16 =	vcvt.s32.f32 v5;
	v8 =	vcvt.s32.f32 v8;
	v7 =	vadd.s32 v19, v7  }
0x51: {  	v6 =	vcvt.s32.f32 v6;
	v5 =	vmul.u32 v10, v13;
	v10 =	vld.idx.msk [tilespmem:v14+s5+$0x0], $0xffff;
	v11 =	vmul.u32 v11, v9  }
0x52: {  	v7 =	vcvt.s32.f32 v7;
	v8 =	vmul.f32 $3.906250000e-03, v8  }
0x53: {  	v63 =	vmul.f32 $3.906250000e-03, v6;
	v9 =	vshra.s32 v11, $0x8  }
0x54: {  	v7 =	vmul.f32 $3.906250000e-03, v7;
	[tilespmem:s26+$0x0] =	vst v8;
	v8 =	vand.u32 $0xFF, v11;
	v11 =	vand.u32 $0x1, v9  }
0x55: {  	s29 =	simm.s32 $0xFFFFF880;
	s28 =	simm.s32 $0x784;
	v6 =	vmul.u32 v12, v15;
	[tilespmem:s26+$0xFFFFFFE0] =	vst v63;
	v11 =	vadd.s32 v11, v8;
	v8 =	vmul.f32 $3.906250000e-03, v16  }
.LBB2_4:
0x56: {  	s0 =	sadd.s32 $0x10, s29;
	s2 =	sadd.s32 $0x30, s29;
	s28 =	sadd.s32 $0x4, s28;
	v10 =	vmul.u32 v4, v10;
	v4 =	vor.u32 s29, v0;
	v11 =	vadd.s32 $0x7F, v11;
	[tilespmem:s26+$0xFFFFFFF0] =	vst v7  }
0x57: {  	v12 =	vor.u32 s0, v0;
	s0 =	sadd.s32 $0x20, s29;
	v7 =	vor.u32 s2, v0;
	p0 =	slt.u32 s28, $0x87C;
	v11 =	vshrl.u32 v11, $0x8;
	[tilespmem:s26+$0xFFFFFFD0] =	vst v8  }
0x58: {  	v8 =	vor.u32 s0, v0;
	vm0 =	vgt.s32 v7, $0xFFFFF800;
	v9 =	vadd.s32 v9, v11  }
0x59: {  	vm1 =	vgt.s32 v12, $0xFFFFF800;
	v11 =	vnsel vm0, $0xFFFFF800, v7;
	v9 =	vcvt.s32.f32 v9  }
0x5a: {  	vm0 =	vgt.s32 v4, $0xFFFFF800;
	vm2 =	vgt.s32 v8, $0xFFFFF800;
	vm3 =	vlt.s32 v11, $0x800  }
0x5b: {  	v13 =	vnsel vm1, $0xFFFFF800, v12;
	v11 =	vnsel vm3, $0x800, v11;
	v9 =	vmul.f32 $3.906250000e-03, v9  }
0x5c: {  	s26 =	sadd.s32 $0x40, s26;
	v14 =	vnsel vm0, $0xFFFFF800, v4;
	v15 =	vnsel vm2, $0xFFFFF800, v8;
	v11 =	vadd.s32 $0x800, v11  }
0x5d: {  	vm1 =	vlt.s32 v13, $0x800;
	vm0 =	vlt.s32 v14, $0x800;
	vm2 =	vlt.s32 v15, $0x800;
	[tilespmem:s26+$0x0] =	vst v9  }
0x5e: {  	v13 =	vnsel vm1, $0x800, v13;
	v9 =	vnsel vm0, $0x800, v14;
	v14 =	vnsel vm2, $0x800, v15  }
0x5f: {  	v13 =	vadd.s32 $0x800, v13;
	v9 =	vadd.s32 $0x800, v9;
	v14 =	vadd.s32 $0x800, v14  }
0x60: {  	v16 =	vshra.s32 v5, $0x8;
	v17 =	vshra.s32 v6, $0x8;
	v15 =	vshra.s32 v10, $0x8  }
0x61: {  	v19 =	vand.u32 $0x1, v16;
	v20 =	vand.u32 $0x1, v17;
	v18 =	vand.u32 $0x1, v15;
	v11 =	vld.idx.msk [tilespmem:v11+s5+$0x0], $0xffff  }
0x62: {  	v5 =	vand.u32 $0xFF, v5;
	v6 =	vand.u32 $0xFF, v6;
	v10 =	vand.u32 $0xFF, v10  }
0x63: {  	v5 =	vadd.s32 v19, v5;
	v6 =	vadd.s32 v20, v6;
	v10 =	vadd.s32 v18, v10  }
0x64: {  	v5 =	vadd.s32 $0x7F, v5;
	v6 =	vadd.s32 $0x7F, v6;
	v10 =	vadd.s32 $0x7F, v10;
	v13 =	vld.idx.msk [tilespmem:v13+s5+$0x0], $0xffff  }
0x65: {  	v5 =	vshrl.u32 v5, $0x8;
	v6 =	vshrl.u32 v6, $0x8;
	v18 =	vshrl.u32 v10, $0x8;
	v14 =	vld.idx.msk [tilespmem:v14+s5+$0x0], $0xffff  }
0x66: {  	v5 =	vadd.s32 v16, v5;
	v6 =	vadd.s32 v17, v6;
	v10 =	vld.idx.msk [tilespmem:v9+s5+$0x0], $0xffff;
	v9 =	vadd.s32 v15, v18  }
.Ltmp3:
0x67: {  	v5 =	vcvt.s32.f32 v5;
	v6 =	vcvt.s32.f32 v6;
	v11 =	vmul.u32 v7, v11;
	(pc) =	sbr.rel @p0 .LBB2_4-.Ltmp3, $4  }
0x68: {  	v15 =	vcvt.s32.f32 v9  }
0x69: {  	v16 =	vmul.f32 $3.906250000e-03, v5;
	v7 =	vmul.f32 $3.906250000e-03, v6;
	v9 =	vshra.s32 v11, $0x8  }
0x6a: {  	v11 =	vand.u32 $0xFF, v11;
	v5 =	vmul.u32 v12, v13;
	v12 =	vand.u32 $0x1, v9  }
0x6b: {  	s29 =	sadd.s32 $0x40, s29;
	v6 =	vmul.u32 v8, v14;
	v11 =	vadd.s32 v12, v11;
	v8 =	vmul.f32 $3.906250000e-03, v15;
	[tilespmem:s26+$0xFFFFFFE0] =	vst v16  }
0x6c: {  	v11 =	vadd.s32 $0x7F, v11;
	v4 =	vmul.u32 v4, v10  }
0x6d: {  	v10 =	vshrl.u32 v11, $0x8;
	v13 =	vshra.s32 v6, $0x8;
	v6 =	vand.u32 $0xFF, v6  }
0x6e: {  	v9 =	vadd.s32 v9, v10;
	v10 =	vshra.s32 v5, $0x8;
	v11 =	vshra.s32 v4, $0x8  }
0x6f: {  	v5 =	vand.u32 $0xFF, v5;
	v61 =	vand.u32 $0x1, v13;
	v4 =	vand.u32 $0xFF, v4  }
0x70: {  	v12 =	vand.u32 $0x1, v10;
	v14 =	vand.u32 $0x1, v11;
	v6 =	vadd.s32 v61, v6  }
0x71: {  	v9 =	vcvt.s32.f32 v9;
	v5 =	vadd.s32 v12, v5;
	v6 =	vadd.s32 $0x7F, v6  }
0x72: {  	v4 =	vadd.s32 v14, v4;
	v5 =	vadd.s32 $0x7F, v5;
	v6 =	vshrl.u32 v6, $0x8  }
0x73: {  	v4 =	vadd.s32 $0x7F, v4;
	v5 =	vshrl.u32 v5, $0x8;
	v6 =	vadd.s32 v13, v6  }
0x74: {  	v4 =	vshrl.u32 v4, $0x8;
	v5 =	vadd.s32 v10, v5;
	v6 =	vcvt.s32.f32 v6  }
0x75: {  	[tilespmem:s26+$0xFFFFFFF0] =	vst v7;
	v7 =	vmul.f32 $3.906250000e-03, v9;
	v4 =	vadd.s32 v11, v4;
	v5 =	vcvt.s32.f32 v5  }
0x76: {  	s0 =	sadd.s32 $0x40, s26;
	[tilespmem:s26+$0xFFFFFFD0] =	vst v8;
	v4 =	vcvt.s32.f32 v4;
	v6 =	vmul.f32 $3.906250000e-03, v6  }
0x77: {  	[tilespmem:s0+$0x0] =	vst v7;
	v5 =	vmul.f32 $3.906250000e-03, v5  }
0x78: {  	v4 =	vmul.f32 $3.906250000e-03, v4;
	[tilespmem:s0+$0xFFFFFFF0] =	vst v6  }
0x79: {  	[tilespmem:s0+$0xFFFFFFE0] =	vst v5  }
0x7a: {  	[tilespmem:s0+$0xFFFFFFD0] =	vst v4  }
0x7b: {  	v4 =	vld.idx.msk [tilespmem:v2+s5+$0x0], $0xffff;
	_ =	sdelay $0x4  }
0x7c: {  	v4 =	vmul.u32 v3, v4;
	_ =	sdelay $0x1  }
0x7d: {  	v5 =	vshra.s32 v4, $0x8  }
0x7e: {  	v4 =	vand.u32 $0xFF, v4;
	v6 =	vand.u32 $0x1, v5  }
0x7f: {  	v4 =	vadd.s32 v6, v4  }
0x80: {  	v4 =	vadd.s32 $0x7F, v4  }
0x81: {  	v4 =	vshrl.u32 v4, $0x8  }
0x82: {  	s3 =	simm.s32 $0x820;
	v4 =	vadd.s32 v5, v4  }
0x83: {  	v7 =	vor.u32 s3, v0;
	s3 =	simm.s32 $0x840;
	v4 =	vcvt.s32.f32 v4  }
0x84: {  	s31 =	simm.s32 $0x870;
	v10 =	vor.u32 s3, v0  }
0x85: {  	s2 =	simm.s32 $0x880;
	v7 =	vcvt.s32.f32 v7;
	v5 =	vmul.f32 $3.906250000e-03, v4;
	v4 =	vor.u32 s31, v0  }
0x86: {  	s30 =	simm.s32 $0x830;
	v10 =	vcvt.s32.f32 v10;
	v6 =	vor.u32 s2, v0;
	s31 =	simm.s32 $0x810;
	v8 =	vcvt.s32.f32 v4  }
0x87: {  	v4 =	vcvt.s32.f32 v6;
	v6 =	vor.u32 s30, v0;
	v9 =	vor.u32 s31, v0;
	s30 =	simm.s32 $0x850  }
0x88: {  	s31 =	simm.s32 $0x860;
	v9 =	vcvt.s32.f32 v9;
	v11 =	vmul.f32 $3.906250000e-03, v8;
	v8 =	vor.u32 s30, v0  }
0x89: {  	v6 =	vcvt.s32.f32 v6;
	v62 =	vor.u32 s31, v0;
	v63 =	vcvt.s32.f32 v8  }
0x8a: {  	s26 =	simm.s32 $0x9900;
	[tilespmem:$0x9880] =	vst v5;
	v5 =	vmul.f32 $3.906250000e-03, v9;
	v8 =	vcvt.s32.f32 v62  }
0x8b: {  	s28 =	simm.s32 $0x881;
	v9 =	vmul.f32 $3.906250000e-03, v7;
	v7 =	vmul.f32 $3.906250000e-03, v6;
	[tilespmem:s26+$0xFFFFFFF0] =	vst v11  }
0x8c: {  	s29 =	simm.s32 $0x900;
	s0 =	simm.s32 $0x7F90;
	s2 =	simm.s32 $0x11010;
	v6 =	vmul.f32 $3.906250000e-03, v10;
	[tilespmem:s26+$0xFFFFFF90] =	vst v5;
	v5 =	vmul.f32 $3.906250000e-03, v63  }
.LBB2_6:
0x8d: {  	s30 =	sadd.s32 $0xFFFFFFA0, s29;
	s31 =	sadd.s32 $0xFFFFFFF0, s29;
	v10 =	vor.u32 s29, v0;
	s28 =	sadd.s32 $0x8, s28;
	[tilespmem:s26+$0xFFFFFFA0] =	vst v9;
	v8 =	vmul.f32 $3.906250000e-03, v8;
	v9 =	vmul.f32 $3.906250000e-03, v4  }
0x8e: {  	s3 =	sadd.s32 $0xFFFFFFC0, s29;
	v11 =	vor.u32 s30, v0;
	s30 =	sadd.s32 $0xFFFFFFB0, s29;
	v12 =	vor.u32 s31, v0;
	v4 =	vcvt.s32.f32 v10;
	p0 =	slt.u32 s28, $0xFF1;
	[tilespmem:s26+$0xFFFFFFB0] =	vst v7  }
0x8f: {  	s31 =	sadd.s32 $0xFFFFFF90, s29;
	v10 =	vor.u32 s3, v0;
	s3 =	sadd.s32 $0xFFFFFFD0, s29;
	v7 =	vor.u32 s30, v0;
	s30 =	sadd.s32 $0xFFFFFFE0, s29;
	v12 =	vcvt.s32.f32 v12;
	[tilespmem:s26+$0xFFFFFFC0] =	vst v6  }
0x90: {  	v6 =	vor.u32 s31, v0;
	v13 =	vor.u32 s3, v0;
	v14 =	vor.u32 s30, v0;
	[tilespmem:s26+$0xFFFFFFD0] =	vst v5  }
0x91: {  	v5 =	vcvt.s32.f32 v6;
	v6 =	vmul.f32 $3.906250000e-03, v12;
	[tilespmem:s26+$0xFFFFFFE0] =	vst v8  }
.Ltmp4:
0x92: {  	v11 =	vcvt.s32.f32 v11;
	v7 =	vcvt.s32.f32 v7;
	[tilespmem:s26+$0x0] =	vst v9;
	s26 =	sadd.s32 $0x80, s26;
	(pc) =	sbr.rel @p0 .LBB2_6-.Ltmp4, $4  }
0x93: {  	v10 =	vcvt.s32.f32 v10;
	v12 =	vcvt.s32.f32 v13;
	[tilespmem:s26+$0xFFFFFFF0] =	vst v6  }
0x94: {  	v8 =	vcvt.s32.f32 v14;
	v5 =	vmul.f32 $3.906250000e-03, v5  }
0x95: {  	v9 =	vmul.f32 $3.906250000e-03, v11;
	v7 =	vmul.f32 $3.906250000e-03, v7  }
0x96: {  	s29 =	sadd.s32 $0x80, s29;
	v6 =	vmul.f32 $3.906250000e-03, v10;
	[tilespmem:s26+$0xFFFFFF90] =	vst v5;
	v5 =	vmul.f32 $3.906250000e-03, v12  }
0x97: {  	[tilespmem:s26+$0xFFFFFFA0] =	vst v9  }
0x98: {  	[tilespmem:s26+$0xFFFFFFB0] =	vst v7  }
0x99: {  	v63 =	vmul.f32 $3.906250000e-03, v8;
	[tilespmem:s26+$0xFFFFFFC0] =	vst v6  }
0x9a: {  	v4 =	vmul.f32 $3.906250000e-03, v4;
	[tilespmem:s26+$0xFFFFFFD0] =	vst v5  }
0x9b: {  	[tilespmem:s26+$0xFFFFFFE0] =	vst v63  }
0x9c: {  	[tilespmem:s26+$0x0] =	vst v4  }
.LBB2_8:
0x9d: {  	v4 =	vor.u32 s0, v0;
	p0 =	sne.s32 s0, $0x7FF0  }
.Ltmp5:
0x9e: {  	v4 =	vcvt.s32.f32 v4;
	(pc) =	sbr.rel @p0 .LBB2_8-.Ltmp5, $3  }
0x9f: {  	_ = 	snop  }
0xa0: {  	v4 =	vmul.f32 $3.906250000e-03, v4;
	_ =	sdelay $0x1  }
0xa1: {  	s0 =	sadd.s32 $0x10, s0;
	[tilespmem:s2+$0x0] =	vst v4;
	s2 =	sadd.s32 $0x10, s2  }
0xa2: {  	s26 =	simm.s32 $0x0  }
.LBB2_10:
0xa3: {  	_ =	swait.ge [sflag:s17], $0x4000  }
0xa4: {  	[sflag:s17] =	ssyncset.done $0x0  }
0xa5: {  	s28 =	simm.s32 $0x110C0;
	[sflag:s17] =	ssyncadd.s32 $0xFFFFC000  }
0xa6: {  	v4 =	vld [tilespmem:s28+$0x30]  }
0xa7: {  	v5 =	vld [tilespmem:s28+$0xFFFFFFD0]  }
0xa8: {  	v6 =	vld [tilespmem:s28+$0xFFFFFFE0]  }
0xa9: {  	v7 =	vld [tilespmem:s28+$0xFFFFFFF0]  }
0xaa: {  	v8 =	vld [tilespmem:s28+$0x0]  }
0xab: {  	v9 =	vld [tilespmem:s28+$0x10]  }
0xac: {  	v10 =	vld [tilespmem:s28+$0x20];
	_ =	sdelay $0x1  }
0xad: {  	v4 =	vmul.f32 $2.560000000e+02, v4;
	v5 =	vmul.f32 $2.560000000e+02, v5  }
0xae: {  	v6 =	vmul.f32 $2.560000000e+02, v6;
	v7 =	vmul.f32 $2.560000000e+02, v7  }
0xaf: {  	v11 =	vld [tilespmem:s28+$0xFFFFFFC0];
	v8 =	vmul.f32 $2.560000000e+02, v8;
	v9 =	vmul.f32 $2.560000000e+02, v9;
	v4 =	vadd.f32 $1.261568000e+07, v4  }
0xb0: {  	v10 =	vmul.f32 $2.560000000e+02, v10;
	v5 =	vadd.f32 $1.261568000e+07, v5;
	v6 =	vadd.f32 $1.261568000e+07, v6  }
0xb1: {  	v7 =	vadd.f32 $1.261568000e+07, v7;
	v8 =	vadd.f32 $1.261568000e+07, v8;
	vm0 =	vgt.s32 v4, $0x4B400000  }
0xb2: {  	v9 =	vadd.f32 $1.261568000e+07, v9;
	v10 =	vadd.f32 $1.261568000e+07, v10;
	v4 =	vnsel vm0, $0x4B400000, v4  }
0xb3: {  	vm1 =	vgt.s32 v6, $0x4B400000;
	vm2 =	vgt.s32 v7, $0x4B400000;
	v4 =	vmin.u32 v4, $0x4B40FFFF  }
0xb4: {  	vm3 =	vgt.s32 v8, $0x4B400000;
	v12 =	vand.u32 $0xFFFF, v4;
	v4 =	vmul.f32 $2.560000000e+02, v11  }
0xb5: {  	s29 =	simm.s32 $0x114C0;
	vm4 =	vgt.s32 v9, $0x4B400000;
	vm0 =	vgt.s32 v5, $0x4B400000;
	v6 =	vnsel vm1, $0x4B400000, v6  }
0xb6: {  	v7 =	vnsel vm2, $0x4B400000, v7;
	v8 =	vnsel vm3, $0x4B400000, v8;
	v11 =	vld [tilespmem:s29+$0x30];
	v4 =	vadd.f32 $1.261568000e+07, v4  }
0xb7: {  	v13 =	vld [tilespmem:s29+$0xFFFFFFD0];
	v9 =	vnsel vm4, $0x4B400000, v9;
	v5 =	vnsel vm0, $0x4B400000, v5;
	vm0 =	vgt.s32 v10, $0x4B400000  }
0xb8: {  	v14 =	vld [tilespmem:s29+$0xFFFFFFE0];
	v6 =	vmin.u32 v6, $0x4B40FFFF;
	v7 =	vmin.u32 v7, $0x4B40FFFF;
	vm1 =	vgt.s32 v4, $0x4B400000  }
0xb9: {  	v16 =	vld [tilespmem:s29+$0x0];
	v8 =	vmin.u32 v8, $0x4B40FFFF;
	v9 =	vmin.u32 v9, $0x4B40FFFF;
	v4 =	vnsel vm1, $0x4B400000, v4  }
0xba: {  	v15 =	vld [tilespmem:s29+$0xFFFFFFF0];
	v10 =	vnsel vm0, $0x4B400000, v10;
	v5 =	vmin.u32 v5, $0x4B40FFFF;
	v4 =	vmin.u32 v4, $0x4B40FFFF  }
0xbb: {  	v6 =	vand.u32 $0xFFFF, v6;
	v11 =	vmul.f32 $2.560000000e+02, v11;
	v17 =	vand.u32 $0xFFFF, v4  }
0xbc: {  	v18 =	vand.u32 $0xFFFF, v7;
	v5 =	vand.u32 $0xFFFF, v5;
	v4 =	vmin.u32 v10, $0x4B40FFFF;
	v10 =	vld [tilespmem:s29+$0x10]  }
0xbd: {  	v19 =	vld [tilespmem:s29+$0x20];
	v7 =	vmul.f32 $2.560000000e+02, v13;
	v8 =	vand.u32 $0xFFFF, v8;
	v11 =	vadd.f32 $1.261568000e+07, v11  }
0xbe: {  	v20 =	vld [tilespmem:s29+$0xFFFFFFC0];
	v13 =	vmul.f32 $2.560000000e+02, v14;
	v21 =	vand.u32 $0xFFFF, v9;
	v14 =	vmul.f32 $2.560000000e+02, v16  }
0xbf: {  	v9 =	vadd.f32 $1.261568000e+07, v7;
	v7 =	vmul.f32 $2.560000000e+02, v15;
	v22 =	vld.idx.msk [tilespmem:v12+s18+$0x0], $0xffff;
	vm0 =	vgt.s32 v11, $0x4B400000  }
0xc0: {  	v13 =	vadd.f32 $1.261568000e+07, v13;
	v14 =	vadd.f32 $1.261568000e+07, v14;
	v15 =	vnsel vm0, $0x4B400000, v11;
	v11 =	vld.idx.msk [tilespmem:v17+s18+$0x0], $0xffff  }
0xc1: {  	v12 =	vadd.f32 $1.261568000e+07, v7;
	v7 =	vmin.u32 v15, $0x4B40FFFF;
	v16 =	vmul.f32 $2.560000000e+02, v10;
	v10 =	vld.idx.msk [tilespmem:v5+s18+$0x0], $0xffff  }
0xc2: {  	vm2 =	vgt.s32 v9, $0x4B400000;
	v5 =	vmul.f32 $2.560000000e+02, v19;
	v15 =	vand.u32 $0xFFFF, v7;
	v7 =	vld.idx.msk [tilespmem:v6+s18+$0x0], $0xffff  }
0xc3: {  	vm4 =	vgt.s32 v13, $0x4B400000;
	v19 =	vmul.f32 $2.560000000e+02, v20;
	v6 =	vld.idx.msk [tilespmem:v18+s18+$0x0], $0xffff;
	v16 =	vadd.f32 $1.261568000e+07, v16  }
0xc4: {  	vm3 =	vgt.s32 v14, $0x4B400000;
	vm1 =	vgt.s32 v12, $0x4B400000;
	v17 =	vadd.f32 $1.261568000e+07, v5;
	v5 =	vld.idx.msk [tilespmem:v8+s18+$0x0], $0xffff  }
0xc5: {  	s0 =	simm.s32 $0x8;
	s2 =	simm.s32 $0x118C0;
	v4 =	vand.u32 $0xFFFF, v4;
	[tilespmem:s28+$0x30] =	vst v22;
	v18 =	vadd.f32 $1.261568000e+07, v19;
	v8 =	vld.idx.msk [tilespmem:v21+s18+$0x0], $0xffff;
	vm0 =	vgt.s32 v16, $0x4B400000  }
.LBB2_11:
0xc6: {  	v19 =	vld [tilespmem:s2+$0x30];
	s0 =	sadd.s32 $0x8, s0;
	v9 =	vnsel vm2, $0x4B400000, v9;
	v13 =	vnsel vm4, $0x4B400000, v13;
	vm2 =	vgt.s32 v17, $0x4B400000;
	[tilespmem:s28+$0xFFFFFFC0] =	vst v11  }
0xc7: {  	v11 =	vnsel vm1, $0x4B400000, v12;
	v12 =	vnsel vm3, $0x4B400000, v14;
	p0 =	slt.u32 s0, $0x78;
	vm4 =	vgt.s32 v18, $0x4B400000;
	v14 =	vld.idx.msk [tilespmem:v15+s18+$0x0], $0xffff;
	[tilespmem:s28+$0xFFFFFFD0] =	vst v10  }
0xc8: {  	v16 =	vnsel vm0, $0x4B400000, v16;
	v17 =	vnsel vm2, $0x4B400000, v17;
	v10 =	vld [tilespmem:s2+$0xFFFFFFD0];
	v15 =	vnsel vm4, $0x4B400000, v18;
	[tilespmem:s28+$0xFFFFFFE0] =	vst v7  }
0xc9: {  	v9 =	vmin.u32 v9, $0x4B40FFFF;
	v13 =	vmin.u32 v13, $0x4B40FFFF;
	v7 =	vld [tilespmem:s2+$0xFFFFFFE0];
	v15 =	vmin.u32 v15, $0x4B40FFFF;
	[tilespmem:s28+$0xFFFFFFF0] =	vst v6  }
0xca: {  	v11 =	vmin.u32 v11, $0x4B40FFFF;
	v12 =	vmin.u32 v12, $0x4B40FFFF;
	v16 =	vmin.u32 v16, $0x4B40FFFF;
	v6 =	vld [tilespmem:s2+$0xFFFFFFF0];
	[tilespmem:s28+$0x0] =	vst v5  }
0xcb: {  	v17 =	vmin.u32 v17, $0x4B40FFFF;
	v15 =	vand.u32 $0xFFFF, v15;
	v5 =	vld [tilespmem:s2+$0x0];
	v18 =	vmul.f32 $2.560000000e+02, v19;
	[tilespmem:s28+$0x10] =	vst v8  }
0xcc: {  	v20 =	vand.u32 $0xFFFF, v13;
	v21 =	vand.u32 $0xFFFF, v11;
	v19 =	vand.u32 $0xFFFF, v9;
	v8 =	vld [tilespmem:s2+$0x10]  }
0xcd: {  	v9 =	vmul.f32 $2.560000000e+02, v10;
	v22 =	vld [tilespmem:s2+$0x20];
	v10 =	vadd.f32 $1.261568000e+07, v18;
	v18 =	vand.u32 $0xFFFF, v12;
	[tilespmem:s29+$0x30] =	vst v14  }
0xce: {  	v24 =	vand.u32 $0xFFFF, v16;
	v11 =	vand.u32 $0xFFFF, v17;
	v23 =	vld [tilespmem:s2+$0xFFFFFFC0];
	v7 =	vmul.f32 $2.560000000e+02, v7  }
0xcf: {  	v9 =	vadd.f32 $1.261568000e+07, v9;
	v6 =	vmul.f32 $2.560000000e+02, v6;
	vm0 =	vgt.s32 v10, $0x4B400000;
	v25 =	vld.idx.msk [tilespmem:v4+s18+$0x0], $0xffff;
	v4 =	vmovc v11  }
0xd0: {  	v13 =	vadd.f32 $1.261568000e+07, v7;
	v5 =	vmul.f32 $2.560000000e+02, v5;
	v7 =	vnsel vm0, $0x4B400000, v10;
	v11 =	vld.idx.msk [tilespmem:v15+s18+$0x0], $0xffff  }
.Ltmp6:
0xd1: {  	v12 =	vadd.f32 $1.261568000e+07, v6;
	v6 =	vmul.f32 $2.560000000e+02, v8;
	v7 =	vmin.u32 v7, $0x4B40FFFF;
	v10 =	vld.idx.msk [tilespmem:v19+s18+$0x0], $0xffff;
	(pc) =	sbr.rel @p0 .LBB2_11-.Ltmp6, $4  }
0xd2: {  	v14 =	vadd.f32 $1.261568000e+07, v5;
	v5 =	vmul.f32 $2.560000000e+02, v22;
	v15 =	vand.u32 $0xFFFF, v7;
	v7 =	vld.idx.msk [tilespmem:v20+s18+$0x0], $0xffff  }
0xd3: {  	vm2 =	vgt.s32 v9, $0x4B400000;
	v8 =	vmul.f32 $2.560000000e+02, v23;
	v16 =	vadd.f32 $1.261568000e+07, v6;
	v6 =	vld.idx.msk [tilespmem:v21+s18+$0x0], $0xffff  }
0xd4: {  	vm4 =	vgt.s32 v13, $0x4B400000;
	vm1 =	vgt.s32 v12, $0x4B400000;
	v17 =	vadd.f32 $1.261568000e+07, v5;
	v5 =	vld.idx.msk [tilespmem:v18+s18+$0x0], $0xffff  }
0xd5: {  	vm3 =	vgt.s32 v14, $0x4B400000;
	v18 =	vadd.f32 $1.261568000e+07, v8;
	vm0 =	vgt.s32 v16, $0x4B400000;
	v8 =	vld.idx.msk [tilespmem:v24+s18+$0x0], $0xffff;
	[tilespmem:s28+$0x20] =	vst v25;
	s28 =	smov.u32 s29;
	s29 =	smov.u32 s2;
	s2 =	sadd.s32 $0x400, s2  }
0xd6: {  	v9 =	vnsel vm2, $0x4B400000, v9;
	v13 =	vnsel vm4, $0x4B400000, v13  }
0xd7: {  	vm2 =	vgt.s32 v17, $0x4B400000;
	v12 =	vnsel vm1, $0x4B400000, v12;
	v9 =	vmin.u32 v9, $0x4B40FFFF  }
0xd8: {  	[tilespmem:s28+$0xFFFFFFC0] =	vst v11;
	v11 =	vnsel vm3, $0x4B400000, v14;
	v13 =	vmin.u32 v13, $0x4B40FFFF;
	v9 =	vand.u32 $0xFFFF, v9  }
0xd9: {  	[tilespmem:s28+$0xFFFFFFD0] =	vst v10;
	v10 =	vnsel vm0, $0x4B400000, v16;
	v12 =	vmin.u32 v12, $0x4B40FFFF;
	v13 =	vand.u32 $0xFFFF, v13  }
0xda: {  	vm5 =	vgt.s32 v18, $0x4B400000;
	v11 =	vmin.u32 v11, $0x4B40FFFF;
	v12 =	vand.u32 $0xFFFF, v12  }
0xdb: {  	v14 =	vld.idx.msk [tilespmem:v15+s18+$0x0], $0xffff;
	v15 =	vnsel vm2, $0x4B400000, v17;
	[tilespmem:s28+$0xFFFFFFE0] =	vst v7;
	v7 =	vmin.u32 v10, $0x4B40FFFF;
	v10 =	vand.u32 $0xFFFF, v11  }
0xdc: {  	v4 =	vld.idx.msk [tilespmem:v4+s18+$0x0], $0xffff;
	v18 =	vnsel vm5, $0x4B400000, v18;
	[tilespmem:s28+$0xFFFFFFF0] =	vst v6;
	v6 =	vmin.u32 v15, $0x4B40FFFF;
	v7 =	vand.u32 $0xFFFF, v7  }
0xdd: {  	v18 =	vmin.u32 v18, $0x4B40FFFF;
	[tilespmem:s28+$0x0] =	vst v5;
	v5 =	vand.u32 $0xFFFF, v6;
	v6 =	vld.idx.msk [tilespmem:v9+s18+$0x0], $0xffff  }
0xde: {  	v18 =	vand.u32 $0xFFFF, v18;
	[tilespmem:s28+$0x10] =	vst v8;
	v8 =	vld.idx.msk [tilespmem:v13+s18+$0x0], $0xffff  }
0xdf: {  	v9 =	vld.idx.msk [tilespmem:v12+s18+$0x0], $0xffff  }
0xe0: {  	[tilespmem:s29+$0x30] =	vst v14;
	v10 =	vld.idx.msk [tilespmem:v10+s18+$0x0], $0xffff  }
0xe1: {  	[tilespmem:s28+$0x20] =	vst v4;
	v4 =	vld.idx.msk [tilespmem:v7+s18+$0x0], $0xffff  }
0xe2: {  	v5 =	vld.idx.msk [tilespmem:v5+s18+$0x0], $0xffff;
	[tilespmem:s29+$0xFFFFFFD0] =	vst v6  }
0xe3: {  	v11 =	vld.idx.msk [tilespmem:v18+s18+$0x0], $0xffff;
	[tilespmem:s29+$0xFFFFFFE0] =	vst v8  }
0xe4: {  	[tilespmem:s29+$0xFFFFFFF0] =	vst v9  }
0xe5: {  	[tilespmem:s29+$0x0] =	vst v10  }
0xe6: {  	[tilespmem:s29+$0x10] =	vst v4  }
0xe7: {  	[tilespmem:s29+$0x20] =	vst v5  }
0xe8: {  	s28 =	simm.s32 $0x11170;
	[tilespmem:s29+$0xFFFFFFC0] =	vst v11  }
0xe9: {  	v4 =	vld [tilespmem:s28+$0x0]  }
0xea: {  	v5 =	vld [tilespmem:s28+$0xFFFFFFA0]  }
0xeb: {  	v6 =	vld [tilespmem:s28+$0xFFFFFFB0]  }
0xec: {  	v7 =	vld [tilespmem:s28+$0xFFFFFFC0]  }
0xed: {  	v8 =	vld [tilespmem:s28+$0xFFFFFFD0]  }
0xee: {  	v9 =	vld [tilespmem:s28+$0xFFFFFFE0]  }
0xef: {  	v10 =	vld [tilespmem:s28+$0xFFFFFFF0];
	_ =	sdelay $0x1  }
0xf0: {  	v4 =	vmul.f32 $2.560000000e+02, v4;
	v5 =	vmul.f32 $2.560000000e+02, v5  }
0xf1: {  	v6 =	vmul.f32 $2.560000000e+02, v6;
	v7 =	vmul.f32 $2.560000000e+02, v7  }
0xf2: {  	v11 =	vld [tilespmem:s28+$0xFFFFFF90];
	v8 =	vmul.f32 $2.560000000e+02, v8;
	v9 =	vmul.f32 $2.560000000e+02, v9;
	v4 =	vadd.f32 $1.261568000e+07, v4  }
0xf3: {  	v10 =	vmul.f32 $2.560000000e+02, v10;
	v5 =	vadd.f32 $1.261568000e+07, v5;
	v6 =	vadd.f32 $1.261568000e+07, v6  }
0xf4: {  	v7 =	vadd.f32 $1.261568000e+07, v7;
	v8 =	vadd.f32 $1.261568000e+07, v8;
	vm0 =	vgt.s32 v4, $0x4B400000  }
0xf5: {  	v9 =	vadd.f32 $1.261568000e+07, v9;
	v10 =	vadd.f32 $1.261568000e+07, v10;
	v4 =	vnsel vm0, $0x4B400000, v4  }
0xf6: {  	vm1 =	vgt.s32 v6, $0x4B400000;
	vm2 =	vgt.s32 v7, $0x4B400000;
	v4 =	vmin.u32 v4, $0x4B40FFFF  }
0xf7: {  	vm3 =	vgt.s32 v8, $0x4B400000;
	v12 =	vand.u32 $0xFFFF, v4;
	v4 =	vmul.f32 $2.560000000e+02, v11  }
0xf8: {  	s29 =	simm.s32 $0x11570;
	vm4 =	vgt.s32 v9, $0x4B400000;
	vm0 =	vgt.s32 v5, $0x4B400000;
	v6 =	vnsel vm1, $0x4B400000, v6  }
0xf9: {  	v7 =	vnsel vm2, $0x4B400000, v7;
	v8 =	vnsel vm3, $0x4B400000, v8;
	v11 =	vld [tilespmem:s29+$0x0];
	v4 =	vadd.f32 $1.261568000e+07, v4  }
0xfa: {  	v13 =	vld [tilespmem:s29+$0xFFFFFFA0];
	v9 =	vnsel vm4, $0x4B400000, v9;
	v5 =	vnsel vm0, $0x4B400000, v5;
	vm0 =	vgt.s32 v10, $0x4B400000  }
0xfb: {  	v14 =	vld [tilespmem:s29+$0xFFFFFFB0];
	v6 =	vmin.u32 v6, $0x4B40FFFF;
	v7 =	vmin.u32 v7, $0x4B40FFFF;
	vm1 =	vgt.s32 v4, $0x4B400000  }
0xfc: {  	v16 =	vld [tilespmem:s29+$0xFFFFFFD0];
	v8 =	vmin.u32 v8, $0x4B40FFFF;
	v9 =	vmin.u32 v9, $0x4B40FFFF;
	v4 =	vnsel vm1, $0x4B400000, v4  }
0xfd: {  	v15 =	vld [tilespmem:s29+$0xFFFFFFC0];
	v10 =	vnsel vm0, $0x4B400000, v10;
	v5 =	vmin.u32 v5, $0x4B40FFFF;
	v4 =	vmin.u32 v4, $0x4B40FFFF  }
0xfe: {  	v6 =	vand.u32 $0xFFFF, v6;
	v11 =	vmul.f32 $2.560000000e+02, v11;
	v17 =	vand.u32 $0xFFFF, v4  }
0xff: {  	v18 =	vand.u32 $0xFFFF, v7;
	v5 =	vand.u32 $0xFFFF, v5;
	v4 =	vmin.u32 v10, $0x4B40FFFF;
	v10 =	vld [tilespmem:s29+$0xFFFFFFE0]  }
0x100: {  	v19 =	vld [tilespmem:s29+$0xFFFFFFF0];
	v7 =	vmul.f32 $2.560000000e+02, v13;
	v8 =	vand.u32 $0xFFFF, v8;
	v11 =	vadd.f32 $1.261568000e+07, v11  }
0x101: {  	v20 =	vld [tilespmem:s29+$0xFFFFFF90];
	v13 =	vmul.f32 $2.560000000e+02, v14;
	v21 =	vand.u32 $0xFFFF, v9;
	v14 =	vmul.f32 $2.560000000e+02, v16  }
0x102: {  	v9 =	vadd.f32 $1.261568000e+07, v7;
	v7 =	vmul.f32 $2.560000000e+02, v15;
	v22 =	vld.idx.msk [tilespmem:v12+s18+$0x0], $0xffff;
	vm0 =	vgt.s32 v11, $0x4B400000  }
0x103: {  	v13 =	vadd.f32 $1.261568000e+07, v13;
	v14 =	vadd.f32 $1.261568000e+07, v14;
	v15 =	vnsel vm0, $0x4B400000, v11;
	v11 =	vld.idx.msk [tilespmem:v17+s18+$0x0], $0xffff  }
0x104: {  	v12 =	vadd.f32 $1.261568000e+07, v7;
	v7 =	vmin.u32 v15, $0x4B40FFFF;
	v16 =	vmul.f32 $2.560000000e+02, v10;
	v10 =	vld.idx.msk [tilespmem:v5+s18+$0x0], $0xffff  }
0x105: {  	vm2 =	vgt.s32 v9, $0x4B400000;
	v5 =	vmul.f32 $2.560000000e+02, v19;
	v15 =	vand.u32 $0xFFFF, v7;
	v7 =	vld.idx.msk [tilespmem:v6+s18+$0x0], $0xffff  }
0x106: {  	vm4 =	vgt.s32 v13, $0x4B400000;
	v19 =	vmul.f32 $2.560000000e+02, v20;
	v6 =	vld.idx.msk [tilespmem:v18+s18+$0x0], $0xffff;
	v16 =	vadd.f32 $1.261568000e+07, v16  }
0x107: {  	vm3 =	vgt.s32 v14, $0x4B400000;
	vm1 =	vgt.s32 v12, $0x4B400000;
	v17 =	vadd.f32 $1.261568000e+07, v5;
	v5 =	vld.idx.msk [tilespmem:v8+s18+$0x0], $0xffff  }
0x108: {  	s0 =	simm.s32 $0x8;
	s2 =	simm.s32 $0x11970;
	v4 =	vand.u32 $0xFFFF, v4;
	[tilespmem:s28+$0x0] =	vst v22;
	v18 =	vadd.f32 $1.261568000e+07, v19;
	v8 =	vld.idx.msk [tilespmem:v21+s18+$0x0], $0xffff;
	vm0 =	vgt.s32 v16, $0x4B400000  }
.LBB2_13:
0x109: {  	v19 =	vld [tilespmem:s2+$0x0];
	s0 =	sadd.s32 $0x8, s0;
	v9 =	vnsel vm2, $0x4B400000, v9;
	v13 =	vnsel vm4, $0x4B400000, v13;
	vm2 =	vgt.s32 v17, $0x4B400000;
	[tilespmem:s28+$0xFFFFFF90] =	vst v11  }
0x10a: {  	v11 =	vnsel vm1, $0x4B400000, v12;
	v12 =	vnsel vm3, $0x4B400000, v14;
	p0 =	slt.u32 s0, $0x78;
	vm4 =	vgt.s32 v18, $0x4B400000;
	v14 =	vld.idx.msk [tilespmem:v15+s18+$0x0], $0xffff;
	[tilespmem:s28+$0xFFFFFFA0] =	vst v10  }
0x10b: {  	v16 =	vnsel vm0, $0x4B400000, v16;
	v17 =	vnsel vm2, $0x4B400000, v17;
	v10 =	vld [tilespmem:s2+$0xFFFFFFA0];
	v15 =	vnsel vm4, $0x4B400000, v18;
	[tilespmem:s28+$0xFFFFFFB0] =	vst v7  }
0x10c: {  	v9 =	vmin.u32 v9, $0x4B40FFFF;
	v13 =	vmin.u32 v13, $0x4B40FFFF;
	v7 =	vld [tilespmem:s2+$0xFFFFFFB0];
	v15 =	vmin.u32 v15, $0x4B40FFFF;
	[tilespmem:s28+$0xFFFFFFC0] =	vst v6  }
0x10d: {  	v11 =	vmin.u32 v11, $0x4B40FFFF;
	v12 =	vmin.u32 v12, $0x4B40FFFF;
	v16 =	vmin.u32 v16, $0x4B40FFFF;
	v6 =	vld [tilespmem:s2+$0xFFFFFFC0];
	[tilespmem:s28+$0xFFFFFFD0] =	vst v5  }
0x10e: {  	v17 =	vmin.u32 v17, $0x4B40FFFF;
	v15 =	vand.u32 $0xFFFF, v15;
	v5 =	vld [tilespmem:s2+$0xFFFFFFD0];
	v18 =	vmul.f32 $2.560000000e+02, v19;
	[tilespmem:s28+$0xFFFFFFE0] =	vst v8  }
0x10f: {  	v20 =	vand.u32 $0xFFFF, v13;
	v21 =	vand.u32 $0xFFFF, v11;
	v19 =	vand.u32 $0xFFFF, v9;
	v8 =	vld [tilespmem:s2+$0xFFFFFFE0]  }
0x110: {  	v9 =	vmul.f32 $2.560000000e+02, v10;
	v22 =	vld [tilespmem:s2+$0xFFFFFFF0];
	v10 =	vadd.f32 $1.261568000e+07, v18;
	v18 =	vand.u32 $0xFFFF, v12;
	[tilespmem:s29+$0x0] =	vst v14  }
0x111: {  	v24 =	vand.u32 $0xFFFF, v16;
	v11 =	vand.u32 $0xFFFF, v17;
	v23 =	vld [tilespmem:s2+$0xFFFFFF90];
	v7 =	vmul.f32 $2.560000000e+02, v7  }
0x112: {  	v9 =	vadd.f32 $1.261568000e+07, v9;
	v6 =	vmul.f32 $2.560000000e+02, v6;
	vm0 =	vgt.s32 v10, $0x4B400000;
	v25 =	vld.idx.msk [tilespmem:v4+s18+$0x0], $0xffff;
	v4 =	vmovc v11  }
0x113: {  	v13 =	vadd.f32 $1.261568000e+07, v7;
	v5 =	vmul.f32 $2.560000000e+02, v5;
	v7 =	vnsel vm0, $0x4B400000, v10;
	v11 =	vld.idx.msk [tilespmem:v15+s18+$0x0], $0xffff  }
.Ltmp7:
0x114: {  	v12 =	vadd.f32 $1.261568000e+07, v6;
	v6 =	vmul.f32 $2.560000000e+02, v8;
	v7 =	vmin.u32 v7, $0x4B40FFFF;
	v10 =	vld.idx.msk [tilespmem:v19+s18+$0x0], $0xffff;
	(pc) =	sbr.rel @p0 .LBB2_13-.Ltmp7, $4  }
0x115: {  	v14 =	vadd.f32 $1.261568000e+07, v5;
	v5 =	vmul.f32 $2.560000000e+02, v22;
	v15 =	vand.u32 $0xFFFF, v7;
	v7 =	vld.idx.msk [tilespmem:v20+s18+$0x0], $0xffff  }
0x116: {  	vm2 =	vgt.s32 v9, $0x4B400000;
	v8 =	vmul.f32 $2.560000000e+02, v23;
	v16 =	vadd.f32 $1.261568000e+07, v6;
	v6 =	vld.idx.msk [tilespmem:v21+s18+$0x0], $0xffff  }
0x117: {  	vm4 =	vgt.s32 v13, $0x4B400000;
	vm1 =	vgt.s32 v12, $0x4B400000;
	v17 =	vadd.f32 $1.261568000e+07, v5;
	v5 =	vld.idx.msk [tilespmem:v18+s18+$0x0], $0xffff  }
0x118: {  	vm3 =	vgt.s32 v14, $0x4B400000;
	v18 =	vadd.f32 $1.261568000e+07, v8;
	vm0 =	vgt.s32 v16, $0x4B400000;
	v8 =	vld.idx.msk [tilespmem:v24+s18+$0x0], $0xffff;
	[tilespmem:s28+$0xFFFFFFF0] =	vst v25;
	s28 =	smov.u32 s29;
	s29 =	smov.u32 s2;
	s2 =	sadd.s32 $0x400, s2  }
0x119: {  	v9 =	vnsel vm2, $0x4B400000, v9;
	v13 =	vnsel vm4, $0x4B400000, v13  }
0x11a: {  	vm2 =	vgt.s32 v17, $0x4B400000;
	v12 =	vnsel vm1, $0x4B400000, v12;
	v9 =	vmin.u32 v9, $0x4B40FFFF  }
0x11b: {  	[tilespmem:s28+$0xFFFFFF90] =	vst v11;
	v11 =	vnsel vm3, $0x4B400000, v14;
	v13 =	vmin.u32 v13, $0x4B40FFFF;
	v9 =	vand.u32 $0xFFFF, v9  }
0x11c: {  	[tilespmem:s28+$0xFFFFFFA0] =	vst v10;
	v10 =	vnsel vm0, $0x4B400000, v16;
	v12 =	vmin.u32 v12, $0x4B40FFFF;
	v13 =	vand.u32 $0xFFFF, v13  }
0x11d: {  	vm5 =	vgt.s32 v18, $0x4B400000;
	v11 =	vmin.u32 v11, $0x4B40FFFF;
	v12 =	vand.u32 $0xFFFF, v12  }
0x11e: {  	v61 =	vld.idx.msk [tilespmem:v15+s18+$0x0], $0xffff;
	v62 =	vnsel vm2, $0x4B400000, v17;
	[tilespmem:s28+$0xFFFFFFB0] =	vst v7;
	v7 =	vmin.u32 v10, $0x4B40FFFF;
	v10 =	vand.u32 $0xFFFF, v11  }
0x11f: {  	v4 =	vld.idx.msk [tilespmem:v4+s18+$0x0], $0xffff;
	v18 =	vnsel vm5, $0x4B400000, v18;
	[tilespmem:s28+$0xFFFFFFC0] =	vst v6;
	v6 =	vmin.u32 v62, $0x4B40FFFF;
	v7 =	vand.u32 $0xFFFF, v7  }
0x120: {  	v18 =	vmin.u32 v18, $0x4B40FFFF;
	[tilespmem:s28+$0xFFFFFFD0] =	vst v5;
	v5 =	vand.u32 $0xFFFF, v6;
	v6 =	vld.idx.msk [tilespmem:v9+s18+$0x0], $0xffff  }
0x121: {  	v18 =	vand.u32 $0xFFFF, v18;
	[tilespmem:s28+$0xFFFFFFE0] =	vst v8;
	v8 =	vld.idx.msk [tilespmem:v13+s18+$0x0], $0xffff  }
0x122: {  	v9 =	vld.idx.msk [tilespmem:v12+s18+$0x0], $0xffff  }
0x123: {  	[tilespmem:s29+$0x0] =	vst v61;
	v10 =	vld.idx.msk [tilespmem:v10+s18+$0x0], $0xffff  }
0x124: {  	[tilespmem:s28+$0xFFFFFFF0] =	vst v4;
	v4 =	vld.idx.msk [tilespmem:v7+s18+$0x0], $0xffff  }
0x125: {  	v5 =	vld.idx.msk [tilespmem:v5+s18+$0x0], $0xffff;
	[tilespmem:s29+$0xFFFFFFA0] =	vst v6  }
0x126: {  	v11 =	vld.idx.msk [tilespmem:v18+s18+$0x0], $0xffff;
	[tilespmem:s29+$0xFFFFFFB0] =	vst v8  }
0x127: {  	[tilespmem:s29+$0xFFFFFFC0] =	vst v9  }
0x128: {  	[tilespmem:s29+$0xFFFFFFD0] =	vst v10  }
0x129: {  	[tilespmem:s29+$0xFFFFFFE0] =	vst v4  }
0x12a: {  	[tilespmem:s29+$0xFFFFFFF0] =	vst v5  }
0x12b: {  	s28 =	simm.s32 $0x111F0;
	[tilespmem:s29+$0xFFFFFF90] =	vst v11  }
0x12c: {  	v4 =	vld [tilespmem:s28+$0x0]  }
0x12d: {  	v5 =	vld [tilespmem:s28+$0xFFFFFFA0]  }
0x12e: {  	v6 =	vld [tilespmem:s28+$0xFFFFFFB0]  }
0x12f: {  	v9 =	vld [tilespmem:s28+$0xFFFFFFD0]  }
0x130: {  	v10 =	vld [tilespmem:s28+$0xFFFFFFE0]  }
0x131: {  	v11 =	vld [tilespmem:s28+$0xFFFFFFF0]  }
0x132: {  	v7 =	vld [tilespmem:s28+$0xFFFFFFC0]  }
0x133: {  	v4 =	vmul.f32 $2.560000000e+02, v4  }
0x134: {  	v5 =	vmul.f32 $2.560000000e+02, v5  }
0x135: {  	v63 =	vld [tilespmem:s28+$0xFFFFFF90];
	v8 =	vmul.f32 $2.560000000e+02, v6;
	v9 =	vmul.f32 $2.560000000e+02, v9;
	v4 =	vadd.f32 $1.261568000e+07, v4  }
0x136: {  	v10 =	vmul.f32 $2.560000000e+02, v10;
	v11 =	vmul.f32 $2.560000000e+02, v11  }
0x137: {  	p1 =	por $0x1, $0x1;
	v6 =	vadd.f32 $1.261568000e+07, v5;
	v5 =	vmul.f32 $2.560000000e+02, v7;
	vm0 =	vgt.s32 v4, $0x4B400000  }
.Ltmp8:
0x138: {  	v8 =	vadd.f32 $1.261568000e+07, v8;
	v9 =	vadd.f32 $1.261568000e+07, v9;
	v4 =	vnsel vm0, $0x4B400000, v4;
	(pc) =	sbr.rel @!p1 .LBB2_15-.Ltmp8, $4  }
0x139: {  	v10 =	vadd.f32 $1.261568000e+07, v10;
	v11 =	vadd.f32 $1.261568000e+07, v11;
	v4 =	vmin.u32 v4, $0x4B40FFFF  }
0x13a: {  	v7 =	vadd.f32 $1.261568000e+07, v5;
	v5 =	vand.u32 $0xFFFF, v4;
	v4 =	vmul.f32 $2.560000000e+02, v63  }
0x13b: {  	vm2 =	vgt.s32 v6, $0x4B400000;
	vm4 =	vgt.s32 v8, $0x4B400000;
	vm3 =	vgt.s32 v9, $0x4B400000  }
0x13c: {  	p0 =	por $0x0, $0x0;
	s29 =	simm.s32 $0x115F0;
	vm0 =	vgt.s32 v10, $0x4B400000;
	vm1 =	vgt.s32 v7, $0x4B400000;
	v18 =	vadd.f32 $1.261568000e+07, v4  }
0x13d: {  	v4 =	vld [tilespmem:s29+$0x0];
	v6 =	vnsel vm2, $0x4B400000, v6;
	v8 =	vnsel vm4, $0x4B400000, v8;
	vm2 =	vgt.s32 v11, $0x4B400000  }
0x13e: {  	v7 =	vnsel vm1, $0x4B400000, v7;
	v9 =	vnsel vm3, $0x4B400000, v9;
	v12 =	vld [tilespmem:s29+$0xFFFFFFA0];
	v10 =	vnsel vm0, $0x4B400000, v10  }
0x13f: {  	v14 =	vld [tilespmem:s29+$0xFFFFFFB0];
	vm4 =	vgt.s32 v18, $0x4B400000;
	v11 =	vnsel vm2, $0x4B400000, v11;
	v6 =	vmin.u32 v6, $0x4B40FFFF  }
0x140: {  	v15 =	vld [tilespmem:s29+$0xFFFFFFC0];
	v8 =	vmin.u32 v8, $0x4B40FFFF;
	v7 =	vmin.u32 v7, $0x4B40FFFF;
	v9 =	vmin.u32 v9, $0x4B40FFFF  }
0x141: {  	v16 =	vld [tilespmem:s29+$0xFFFFFFD0];
	v10 =	vmin.u32 v10, $0x4B40FFFF;
	v13 =	vnsel vm4, $0x4B400000, v18;
	v11 =	vmin.u32 v11, $0x4B40FFFF  }
0x142: {  	v17 =	vld [tilespmem:s29+$0xFFFFFFE0];
	v18 =	vand.u32 $0xFFFF, v6;
	v13 =	vmin.u32 v13, $0x4B40FFFF;
	v4 =	vmul.f32 $2.560000000e+02, v4  }
0x143: {  	v22 =	vld [tilespmem:s29+$0xFFFFFF90];
	v19 =	vand.u32 $0xFFFF, v8;
	v20 =	vand.u32 $0xFFFF, v7;
	v13 =	vand.u32 $0xFFFF, v13  }
0x144: {  	v21 =	vand.u32 $0xFFFF, v9;
	v6 =	vmul.f32 $2.560000000e+02, v12;
	v12 =	vld [tilespmem:s29+$0xFFFFFFF0];
	v7 =	vadd.f32 $1.261568000e+07, v4  }
0x145: {  	v24 =	vld.idx.msk [tilespmem:v5+s18+$0x0], $0xffff;
	v23 =	vand.u32 $0xFFFF, v10;
	v8 =	vmul.f32 $2.560000000e+02, v14;
	v5 =	vmul.f32 $2.560000000e+02, v15  }
0x146: {  	v9 =	vmul.f32 $2.560000000e+02, v16;
	v4 =	vand.u32 $0xFFFF, v11;
	vm0 =	vgt.s32 v7, $0x4B400000  }
0x147: {  	p3 =	por $0x1, $0x1;
	v6 =	vadd.f32 $1.261568000e+07, v6;
	v8 =	vadd.f32 $1.261568000e+07, v8;
	v14 =	vld.idx.msk [tilespmem:v18+s18+$0x0], $0xffff;
	v10 =	vnsel vm0, $0x4B400000, v7  }
.Ltmp9:
0x148: {  	v11 =	vmul.f32 $2.560000000e+02, v17;
	v16 =	vld.idx.msk [tilespmem:v13+s18+$0x0], $0xffff;
	v7 =	vadd.f32 $1.261568000e+07, v5;
	v5 =	vmin.u32 v10, $0x4B40FFFF;
	(pc) =	sbr.rel @!p3 .LBB2_17-.Ltmp9, $4  }
0x149: {  	v17 =	vmul.f32 $2.560000000e+02, v22;
	v13 =	vld.idx.msk [tilespmem:v20+s18+$0x0], $0xffff;
	v15 =	vmul.f32 $2.560000000e+02, v12;
	v5 =	vand.u32 $0xFFFF, v5  }
0x14a: {  	v9 =	vadd.f32 $1.261568000e+07, v9;
	vm2 =	vgt.s32 v6, $0x4B400000;
	v12 =	vld.idx.msk [tilespmem:v19+s18+$0x0], $0xffff;
	v10 =	vadd.f32 $1.261568000e+07, v11  }
0x14b: {  	vm4 =	vgt.s32 v8, $0x4B400000;
	v18 =	vadd.f32 $1.261568000e+07, v17;
	v17 =	vld.idx.msk [tilespmem:v23+s18+$0x0], $0xffff;
	v11 =	vadd.f32 $1.261568000e+07, v15  }
0x14c: {  	s30 =	simm.s32 $0x8;
	s0 =	simm.s32 $0x119F0;
	p2 =	por $0x1, $0x1;
	[tilespmem:s28+$0x0] =	vst v24;
	vm3 =	vgt.s32 v9, $0x4B400000;
	vm1 =	vgt.s32 v7, $0x4B400000;
	v15 =	vld.idx.msk [tilespmem:v21+s18+$0x0], $0xffff;
	vm0 =	vgt.s32 v10, $0x4B400000  }
.LBB2_18:
0x14d: {  	v19 =	vld [tilespmem:s0+$0x0];
	s30 =	sadd.s32 $0x8, s30;
	v6 =	vnsel vm2, $0x4B400000, v6;
	v8 =	vnsel vm4, $0x4B400000, v8;
	vm2 =	vgt.s32 v11, $0x4B400000;
	[tilespmem:s28+$0xFFFFFF90] =	vst v16  }
0x14e: {  	v7 =	vnsel vm1, $0x4B400000, v7;
	v9 =	vnsel vm3, $0x4B400000, v9;
	p3 =	slt.u32 s30, $0x78;
	vm4 =	vgt.s32 v18, $0x4B400000;
	v5 =	vld.idx.msk [tilespmem:v5+s18+$0x0], $0xffff;
	[tilespmem:s28+$0xFFFFFFA0] =	vst v14  }
0x14f: {  	v10 =	vnsel vm0, $0x4B400000, v10;
	v11 =	vnsel vm2, $0x4B400000, v11;
	v14 =	vld [tilespmem:s0+$0xFFFFFFA0];
	v16 =	vnsel vm4, $0x4B400000, v18;
	[tilespmem:s28+$0xFFFFFFB0] =	vst v12  }
0x150: {  	v6 =	vmin.u32 v6, $0x4B40FFFF;
	v8 =	vmin.u32 v8, $0x4B40FFFF;
	v12 =	vld [tilespmem:s0+$0xFFFFFFB0];
	v16 =	vmin.u32 v16, $0x4B40FFFF;
	[tilespmem:s28+$0xFFFFFFC0] =	vst v13  }
0x151: {  	v7 =	vmin.u32 v7, $0x4B40FFFF;
	v9 =	vmin.u32 v9, $0x4B40FFFF;
	v10 =	vmin.u32 v10, $0x4B40FFFF;
	v13 =	vld [tilespmem:s0+$0xFFFFFFC0];
	[tilespmem:s28+$0xFFFFFFD0] =	vst v15  }
0x152: {  	v11 =	vmin.u32 v11, $0x4B40FFFF;
	v16 =	vand.u32 $0xFFFF, v16;
	v15 =	vld [tilespmem:s0+$0xFFFFFFD0];
	v18 =	vmul.f32 $2.560000000e+02, v19;
	[tilespmem:s28+$0xFFFFFFE0] =	vst v17  }
0x153: {  	v20 =	vand.u32 $0xFFFF, v8;
	v21 =	vand.u32 $0xFFFF, v7;
	v19 =	vand.u32 $0xFFFF, v6;
	v17 =	vld [tilespmem:s0+$0xFFFFFFE0]  }
0x154: {  	v6 =	vmul.f32 $2.560000000e+02, v14;
	v22 =	vld [tilespmem:s0+$0xFFFFFFF0];
	v7 =	vadd.f32 $1.261568000e+07, v18;
	v18 =	vand.u32 $0xFFFF, v9;
	[tilespmem:s29+$0x0] =	vst v5  }
0x155: {  	v24 =	vand.u32 $0xFFFF, v10;
	v8 =	vand.u32 $0xFFFF, v11;
	v23 =	vld [tilespmem:s0+$0xFFFFFF90];
	v5 =	vmul.f32 $2.560000000e+02, v12  }
0x156: {  	v6 =	vadd.f32 $1.261568000e+07, v6;
	v9 =	vmul.f32 $2.560000000e+02, v13;
	vm0 =	vgt.s32 v7, $0x4B400000;
	v25 =	vld.idx.msk [tilespmem:v4+s18+$0x0], $0xffff;
	v4 =	vmovc v8  }
0x157: {  	v8 =	vadd.f32 $1.261568000e+07, v5;
	v5 =	vmul.f32 $2.560000000e+02, v15;
	v10 =	vnsel vm0, $0x4B400000, v7;
	v16 =	vld.idx.msk [tilespmem:v16+s18+$0x0], $0xffff  }
.Ltmp10:
0x158: {  	v7 =	vadd.f32 $1.261568000e+07, v9;
	v11 =	vmul.f32 $2.560000000e+02, v17;
	v10 =	vmin.u32 v10, $0x4B40FFFF;
	v14 =	vld.idx.msk [tilespmem:v19+s18+$0x0], $0xffff;
	(pc) =	sbr.rel @p3 .LBB2_18-.Ltmp10, $4  }
0x159: {  	v9 =	vadd.f32 $1.261568000e+07, v5;
	v15 =	vmul.f32 $2.560000000e+02, v22;
	v5 =	vand.u32 $0xFFFF, v10;
	v12 =	vld.idx.msk [tilespmem:v20+s18+$0x0], $0xffff  }
0x15a: {  	vm2 =	vgt.s32 v6, $0x4B400000;
	v17 =	vmul.f32 $2.560000000e+02, v23;
	v10 =	vadd.f32 $1.261568000e+07, v11;
	v13 =	vld.idx.msk [tilespmem:v21+s18+$0x0], $0xffff  }
0x15b: {  	vm4 =	vgt.s32 v8, $0x4B400000;
	vm1 =	vgt.s32 v7, $0x4B400000;
	v11 =	vadd.f32 $1.261568000e+07, v15;
	v15 =	vld.idx.msk [tilespmem:v18+s18+$0x0], $0xffff  }
0x15c: {  	vm3 =	vgt.s32 v9, $0x4B400000;
	v18 =	vadd.f32 $1.261568000e+07, v17;
	vm0 =	vgt.s32 v10, $0x4B400000;
	v17 =	vld.idx.msk [tilespmem:v24+s18+$0x0], $0xffff;
	[tilespmem:s28+$0xFFFFFFF0] =	vst v25;
	s28 =	smov.u32 s29;
	s29 =	smov.u32 s0;
	s0 =	sadd.s32 $0x400, s0  }
0x15d: {  	s0 =	smov.u32 s28;
	s28 =	smov.u32 s29  }
.LBB2_20:
0x15e: {  	vm5 =	vgt.s32 v18, $0x4B400000;
	v6 =	vnsel vm2, $0x4B400000, v6  }
0x15f: {  	v8 =	vnsel vm4, $0x4B400000, v8;
	vm2 =	vgt.s32 v11, $0x4B400000;
	v6 =	vmin.u32 v6, $0x4B40FFFF  }
0x160: {  	v7 =	vnsel vm1, $0x4B400000, v7;
	v8 =	vmin.u32 v8, $0x4B40FFFF;
	v6 =	vand.u32 $0xFFFF, v6  }
0x161: {  	v9 =	vnsel vm3, $0x4B400000, v9;
	v7 =	vmin.u32 v7, $0x4B40FFFF;
	v8 =	vand.u32 $0xFFFF, v8  }
0x162: {  	[tilespmem:s0+$0xFFFFFF90] =	vst @p2 v16;
	v5 =	vld.idx.msk [tilespmem:v5+s18+$0x0], $0xffff;
	v10 =	vnsel vm0, $0x4B400000, v10;
	v9 =	vmin.u32 v9, $0x4B40FFFF;
	v7 =	vand.u32 $0xFFFF, v7  }
0x163: {  	[tilespmem:s0+$0xFFFFFFA0] =	vst @p2 v14;
	v18 =	vnsel vm5, $0x4B400000, v18;
	v10 =	vmin.u32 v10, $0x4B40FFFF;
	v9 =	vand.u32 $0xFFFF, v9  }
0x164: {  	[tilespmem:s0+$0xFFFFFFB0] =	vst @p2 v12;
	v4 =	vld.idx.msk @p2 [tilespmem:v4+s18+$0x0], $0xffff;
	v11 =	vnsel vm2, $0x4B400000, v11;
	v18 =	vmin.u32 v18, $0x4B40FFFF;
	v10 =	vand.u32 $0xFFFF, v10  }
0x165: {  	[tilespmem:s0+$0xFFFFFFC0] =	vst @p2 v13;
	v11 =	vmin.u32 v11, $0x4B40FFFF;
	v18 =	vand.u32 $0xFFFF, v18;
	v6 =	vld.idx.msk [tilespmem:v6+s18+$0x0], $0xffff  }
0x166: {  	[tilespmem:s0+$0xFFFFFFD0] =	vst @p2 v15;
	v11 =	vand.u32 $0xFFFF, v11;
	v8 =	vld.idx.msk [tilespmem:v8+s18+$0x0], $0xffff  }
0x167: {  	[tilespmem:s28+$0x0] =	vst v5;
	v5 =	vld.idx.msk [tilespmem:v7+s18+$0x0], $0xffff  }
0x168: {  	[tilespmem:s0+$0xFFFFFFE0] =	vst @p2 v17;
	v7 =	vld.idx.msk [tilespmem:v9+s18+$0x0], $0xffff  }
0x169: {  	[tilespmem:s0+$0xFFFFFFF0] =	vst @p2 v4;
	v4 =	vld.idx.msk [tilespmem:v10+s18+$0x0], $0xffff  }
0x16a: {  	v63 =	vld.idx.msk [tilespmem:v18+s18+$0x0], $0xffff;
	[tilespmem:s28+$0xFFFFFFA0] =	vst v6  }
0x16b: {  	v6 =	vld.idx.msk [tilespmem:v11+s18+$0x0], $0xffff;
	[tilespmem:s28+$0xFFFFFFB0] =	vst v8  }
0x16c: {  	[tilespmem:s28+$0xFFFFFFC0] =	vst v5  }
0x16d: {  	[tilespmem:s28+$0xFFFFFFD0] =	vst v7  }
0x16e: {  	[tilespmem:s28+$0xFFFFFFE0] =	vst v4  }
0x16f: {  	[tilespmem:s28+$0xFFFFFF90] =	vst v63  }
0x170: {  	s29 =	simm.s32 $0x11270;
	[tilespmem:s28+$0xFFFFFFF0] =	vst v6  }
0x171: {  	v4 =	vld [tilespmem:s29+$0x0]  }
0x172: {  	v5 =	vld [tilespmem:s29+$0xFFFFFFA0]  }
0x173: {  	v6 =	vld [tilespmem:s29+$0xFFFFFFB0]  }
0x174: {  	v9 =	vld [tilespmem:s29+$0xFFFFFFD0]  }
0x175: {  	v10 =	vld [tilespmem:s29+$0xFFFFFFE0]  }
0x176: {  	v11 =	vld [tilespmem:s29+$0xFFFFFFF0]  }
0x177: {  	v7 =	vld [tilespmem:s29+$0xFFFFFFC0]  }
0x178: {  	v4 =	vmul.f32 $2.560000000e+02, v4  }
0x179: {  	v5 =	vmul.f32 $2.560000000e+02, v5  }
0x17a: {  	v12 =	vld [tilespmem:s29+$0xFFFFFF90];
	v8 =	vmul.f32 $2.560000000e+02, v6;
	v9 =	vmul.f32 $2.560000000e+02, v9;
	v4 =	vadd.f32 $1.261568000e+07, v4  }
0x17b: {  	v10 =	vmul.f32 $2.560000000e+02, v10;
	v11 =	vmul.f32 $2.560000000e+02, v11  }
0x17c: {  	v6 =	vadd.f32 $1.261568000e+07, v5;
	v5 =	vmul.f32 $2.560000000e+02, v7;
	vm0 =	vgt.s32 v4, $0x4B400000  }
.Ltmp11:
0x17d: {  	v8 =	vadd.f32 $1.261568000e+07, v8;
	v9 =	vadd.f32 $1.261568000e+07, v9;
	v4 =	vnsel vm0, $0x4B400000, v4;
	(pc) =	sbr.rel @!p1 .LBB2_21-.Ltmp11, $4  }
0x17e: {  	v10 =	vadd.f32 $1.261568000e+07, v10;
	v11 =	vadd.f32 $1.261568000e+07, v11;
	v4 =	vmin.u32 v4, $0x4B40FFFF  }
0x17f: {  	v7 =	vadd.f32 $1.261568000e+07, v5;
	v5 =	vand.u32 $0xFFFF, v4;
	v4 =	vmul.f32 $2.560000000e+02, v12  }
0x180: {  	vm2 =	vgt.s32 v6, $0x4B400000;
	vm4 =	vgt.s32 v8, $0x4B400000;
	vm3 =	vgt.s32 v9, $0x4B400000  }
0x181: {  	s28 =	simm.s32 $0x11670;
	vm0 =	vgt.s32 v10, $0x4B400000;
	vm1 =	vgt.s32 v7, $0x4B400000;
	v18 =	vadd.f32 $1.261568000e+07, v4  }
0x182: {  	v4 =	vld [tilespmem:s28+$0x0];
	v6 =	vnsel vm2, $0x4B400000, v6;
	v8 =	vnsel vm4, $0x4B400000, v8;
	vm2 =	vgt.s32 v11, $0x4B400000  }
0x183: {  	v7 =	vnsel vm1, $0x4B400000, v7;
	v9 =	vnsel vm3, $0x4B400000, v9;
	v12 =	vld [tilespmem:s28+$0xFFFFFFA0];
	v10 =	vnsel vm0, $0x4B400000, v10  }
0x184: {  	v14 =	vld [tilespmem:s28+$0xFFFFFFB0];
	vm4 =	vgt.s32 v18, $0x4B400000;
	v11 =	vnsel vm2, $0x4B400000, v11;
	v6 =	vmin.u32 v6, $0x4B40FFFF  }
0x185: {  	v15 =	vld [tilespmem:s28+$0xFFFFFFC0];
	v8 =	vmin.u32 v8, $0x4B40FFFF;
	v7 =	vmin.u32 v7, $0x4B40FFFF;
	v9 =	vmin.u32 v9, $0x4B40FFFF  }
0x186: {  	v16 =	vld [tilespmem:s28+$0xFFFFFFD0];
	v10 =	vmin.u32 v10, $0x4B40FFFF;
	v13 =	vnsel vm4, $0x4B400000, v18;
	v11 =	vmin.u32 v11, $0x4B40FFFF  }
0x187: {  	v17 =	vld [tilespmem:s28+$0xFFFFFFE0];
	v18 =	vand.u32 $0xFFFF, v6;
	v13 =	vmin.u32 v13, $0x4B40FFFF;
	v4 =	vmul.f32 $2.560000000e+02, v4  }
0x188: {  	v22 =	vld [tilespmem:s28+$0xFFFFFF90];
	v19 =	vand.u32 $0xFFFF, v8;
	v20 =	vand.u32 $0xFFFF, v7;
	v13 =	vand.u32 $0xFFFF, v13  }
0x189: {  	v21 =	vand.u32 $0xFFFF, v9;
	v6 =	vmul.f32 $2.560000000e+02, v12;
	v12 =	vld [tilespmem:s28+$0xFFFFFFF0];
	v7 =	vadd.f32 $1.261568000e+07, v4  }
0x18a: {  	v24 =	vld.idx.msk [tilespmem:v5+s18+$0x0], $0xffff;
	v23 =	vand.u32 $0xFFFF, v10;
	v8 =	vmul.f32 $2.560000000e+02, v14;
	v5 =	vmul.f32 $2.560000000e+02, v15  }
0x18b: {  	v9 =	vmul.f32 $2.560000000e+02, v16;
	v4 =	vand.u32 $0xFFFF, v11;
	vm0 =	vgt.s32 v7, $0x4B400000  }
0x18c: {  	p1 =	por $0x1, $0x1;
	v6 =	vadd.f32 $1.261568000e+07, v6;
	v8 =	vadd.f32 $1.261568000e+07, v8;
	v14 =	vld.idx.msk [tilespmem:v18+s18+$0x0], $0xffff;
	v10 =	vnsel vm0, $0x4B400000, v7  }
.Ltmp12:
0x18d: {  	v11 =	vmul.f32 $2.560000000e+02, v17;
	v16 =	vld.idx.msk [tilespmem:v13+s18+$0x0], $0xffff;
	v7 =	vadd.f32 $1.261568000e+07, v5;
	v5 =	vmin.u32 v10, $0x4B40FFFF;
	(pc) =	sbr.rel @!p1 .LBB2_23-.Ltmp12, $4  }
0x18e: {  	v17 =	vmul.f32 $2.560000000e+02, v22;
	v13 =	vld.idx.msk [tilespmem:v20+s18+$0x0], $0xffff;
	v15 =	vmul.f32 $2.560000000e+02, v12;
	v5 =	vand.u32 $0xFFFF, v5  }
0x18f: {  	v9 =	vadd.f32 $1.261568000e+07, v9;
	vm2 =	vgt.s32 v6, $0x4B400000;
	v12 =	vld.idx.msk [tilespmem:v19+s18+$0x0], $0xffff;
	v10 =	vadd.f32 $1.261568000e+07, v11  }
0x190: {  	vm4 =	vgt.s32 v8, $0x4B400000;
	v18 =	vadd.f32 $1.261568000e+07, v17;
	v17 =	vld.idx.msk [tilespmem:v23+s18+$0x0], $0xffff;
	v11 =	vadd.f32 $1.261568000e+07, v15  }
0x191: {  	s30 =	simm.s32 $0x8;
	s0 =	simm.s32 $0x11A70;
	p0 =	por $0x1, $0x1;
	[tilespmem:s29+$0x0] =	vst v24;
	vm3 =	vgt.s32 v9, $0x4B400000;
	vm1 =	vgt.s32 v7, $0x4B400000;
	v15 =	vld.idx.msk [tilespmem:v21+s18+$0x0], $0xffff;
	vm0 =	vgt.s32 v10, $0x4B400000  }
.LBB2_24:
0x192: {  	v19 =	vld [tilespmem:s0+$0x0];
	s30 =	sadd.s32 $0x8, s30;
	v6 =	vnsel vm2, $0x4B400000, v6;
	v8 =	vnsel vm4, $0x4B400000, v8;
	vm2 =	vgt.s32 v11, $0x4B400000;
	[tilespmem:s29+$0xFFFFFF90] =	vst v16  }
0x193: {  	v7 =	vnsel vm1, $0x4B400000, v7;
	v9 =	vnsel vm3, $0x4B400000, v9;
	p1 =	slt.u32 s30, $0x78;
	vm4 =	vgt.s32 v18, $0x4B400000;
	v5 =	vld.idx.msk [tilespmem:v5+s18+$0x0], $0xffff;
	[tilespmem:s29+$0xFFFFFFA0] =	vst v14  }
0x194: {  	v10 =	vnsel vm0, $0x4B400000, v10;
	v11 =	vnsel vm2, $0x4B400000, v11;
	v14 =	vld [tilespmem:s0+$0xFFFFFFA0];
	v16 =	vnsel vm4, $0x4B400000, v18;
	[tilespmem:s29+$0xFFFFFFB0] =	vst v12  }
0x195: {  	v6 =	vmin.u32 v6, $0x4B40FFFF;
	v8 =	vmin.u32 v8, $0x4B40FFFF;
	v12 =	vld [tilespmem:s0+$0xFFFFFFB0];
	v16 =	vmin.u32 v16, $0x4B40FFFF;
	[tilespmem:s29+$0xFFFFFFC0] =	vst v13  }
0x196: {  	v7 =	vmin.u32 v7, $0x4B40FFFF;
	v9 =	vmin.u32 v9, $0x4B40FFFF;
	v10 =	vmin.u32 v10, $0x4B40FFFF;
	v13 =	vld [tilespmem:s0+$0xFFFFFFC0];
	[tilespmem:s29+$0xFFFFFFD0] =	vst v15  }
0x197: {  	v11 =	vmin.u32 v11, $0x4B40FFFF;
	v16 =	vand.u32 $0xFFFF, v16;
	v15 =	vld [tilespmem:s0+$0xFFFFFFD0];
	v18 =	vmul.f32 $2.560000000e+02, v19;
	[tilespmem:s29+$0xFFFFFFE0] =	vst v17  }
0x198: {  	v20 =	vand.u32 $0xFFFF, v8;
	v21 =	vand.u32 $0xFFFF, v7;
	v19 =	vand.u32 $0xFFFF, v6;
	v17 =	vld [tilespmem:s0+$0xFFFFFFE0]  }
0x199: {  	v6 =	vmul.f32 $2.560000000e+02, v14;
	v22 =	vld [tilespmem:s0+$0xFFFFFFF0];
	v7 =	vadd.f32 $1.261568000e+07, v18;
	v18 =	vand.u32 $0xFFFF, v9;
	[tilespmem:s28+$0x0] =	vst v5  }
0x19a: {  	v24 =	vand.u32 $0xFFFF, v10;
	v8 =	vand.u32 $0xFFFF, v11;
	v23 =	vld [tilespmem:s0+$0xFFFFFF90];
	v5 =	vmul.f32 $2.560000000e+02, v12  }
0x19b: {  	v6 =	vadd.f32 $1.261568000e+07, v6;
	v9 =	vmul.f32 $2.560000000e+02, v13;
	vm0 =	vgt.s32 v7, $0x4B400000;
	v25 =	vld.idx.msk [tilespmem:v4+s18+$0x0], $0xffff;
	v4 =	vmovc v8  }
0x19c: {  	v8 =	vadd.f32 $1.261568000e+07, v5;
	v5 =	vmul.f32 $2.560000000e+02, v15;
	v10 =	vnsel vm0, $0x4B400000, v7;
	v16 =	vld.idx.msk [tilespmem:v16+s18+$0x0], $0xffff  }
.Ltmp13:
0x19d: {  	v7 =	vadd.f32 $1.261568000e+07, v9;
	v11 =	vmul.f32 $2.560000000e+02, v17;
	v10 =	vmin.u32 v10, $0x4B40FFFF;
	v14 =	vld.idx.msk [tilespmem:v19+s18+$0x0], $0xffff;
	(pc) =	sbr.rel @p1 .LBB2_24-.Ltmp13, $4  }
0x19e: {  	v9 =	vadd.f32 $1.261568000e+07, v5;
	v15 =	vmul.f32 $2.560000000e+02, v22;
	v5 =	vand.u32 $0xFFFF, v10;
	v12 =	vld.idx.msk [tilespmem:v20+s18+$0x0], $0xffff  }
0x19f: {  	vm2 =	vgt.s32 v6, $0x4B400000;
	v17 =	vmul.f32 $2.560000000e+02, v23;
	v10 =	vadd.f32 $1.261568000e+07, v11;
	v13 =	vld.idx.msk [tilespmem:v21+s18+$0x0], $0xffff  }
0x1a0: {  	vm4 =	vgt.s32 v8, $0x4B400000;
	vm1 =	vgt.s32 v7, $0x4B400000;
	v11 =	vadd.f32 $1.261568000e+07, v15;
	v15 =	vld.idx.msk [tilespmem:v18+s18+$0x0], $0xffff  }
0x1a1: {  	vm3 =	vgt.s32 v9, $0x4B400000;
	v18 =	vadd.f32 $1.261568000e+07, v17;
	vm0 =	vgt.s32 v10, $0x4B400000;
	v17 =	vld.idx.msk [tilespmem:v24+s18+$0x0], $0xffff;
	[tilespmem:s29+$0xFFFFFFF0] =	vst v25;
	s29 =	smov.u32 s28;
	s28 =	smov.u32 s0;
	s0 =	sadd.s32 $0x400, s0  }
0x1a2: {  	s0 =	smov.u32 s29;
	s29 =	smov.u32 s28  }
.LBB2_26:
0x1a3: {  	vm5 =	vgt.s32 v18, $0x4B400000;
	v6 =	vnsel vm2, $0x4B400000, v6  }
0x1a4: {  	v8 =	vnsel vm4, $0x4B400000, v8;
	vm2 =	vgt.s32 v11, $0x4B400000;
	v6 =	vmin.u32 v6, $0x4B40FFFF  }
0x1a5: {  	v7 =	vnsel vm1, $0x4B400000, v7;
	v8 =	vmin.u32 v8, $0x4B40FFFF;
	v6 =	vand.u32 $0xFFFF, v6  }
0x1a6: {  	v9 =	vnsel vm3, $0x4B400000, v9;
	v7 =	vmin.u32 v7, $0x4B40FFFF;
	v8 =	vand.u32 $0xFFFF, v8  }
0x1a7: {  	[tilespmem:s0+$0xFFFFFF90] =	vst @p0 v16;
	v5 =	vld.idx.msk [tilespmem:v5+s18+$0x0], $0xffff;
	v10 =	vnsel vm0, $0x4B400000, v10;
	v9 =	vmin.u32 v9, $0x4B40FFFF;
	v7 =	vand.u32 $0xFFFF, v7  }
0x1a8: {  	[tilespmem:s0+$0xFFFFFFA0] =	vst @p0 v14;
	v18 =	vnsel vm5, $0x4B400000, v18;
	v10 =	vmin.u32 v10, $0x4B40FFFF;
	v9 =	vand.u32 $0xFFFF, v9  }
0x1a9: {  	[tilespmem:s0+$0xFFFFFFB0] =	vst @p0 v12;
	v4 =	vld.idx.msk @p0 [tilespmem:v4+s18+$0x0], $0xffff;
	v11 =	vnsel vm2, $0x4B400000, v11;
	v18 =	vmin.u32 v18, $0x4B40FFFF;
	v10 =	vand.u32 $0xFFFF, v10  }
0x1aa: {  	[tilespmem:s0+$0xFFFFFFC0] =	vst @p0 v13;
	v11 =	vmin.u32 v11, $0x4B40FFFF;
	v18 =	vand.u32 $0xFFFF, v18;
	v6 =	vld.idx.msk [tilespmem:v6+s18+$0x0], $0xffff  }
0x1ab: {  	[tilespmem:s0+$0xFFFFFFD0] =	vst @p0 v15;
	v11 =	vand.u32 $0xFFFF, v11;
	v8 =	vld.idx.msk [tilespmem:v8+s18+$0x0], $0xffff  }
0x1ac: {  	[tilespmem:s29+$0x0] =	vst v5;
	v5 =	vld.idx.msk [tilespmem:v7+s18+$0x0], $0xffff  }
0x1ad: {  	[tilespmem:s0+$0xFFFFFFE0] =	vst @p0 v17;
	v7 =	vld.idx.msk [tilespmem:v9+s18+$0x0], $0xffff  }
0x1ae: {  	[tilespmem:s0+$0xFFFFFFF0] =	vst @p0 v4;
	v4 =	vld.idx.msk [tilespmem:v10+s18+$0x0], $0xffff  }
0x1af: {  	v63 =	vld.idx.msk [tilespmem:v18+s18+$0x0], $0xffff;
	[tilespmem:s29+$0xFFFFFFA0] =	vst v6  }
0x1b0: {  	v6 =	vld.idx.msk [tilespmem:v11+s18+$0x0], $0xffff;
	[tilespmem:s29+$0xFFFFFFB0] =	vst v8  }
0x1b1: {  	[tilespmem:s29+$0xFFFFFFC0] =	vst v5  }
0x1b2: {  	[tilespmem:s29+$0xFFFFFFD0] =	vst v7  }
0x1b3: {  	[tilespmem:s29+$0xFFFFFFE0] =	vst v4  }
0x1b4: {  	[tilespmem:s29+$0xFFFFFF90] =	vst v63  }
0x1b5: {  	s28 =	simm.s32 $0x112F0;
	[tilespmem:s29+$0xFFFFFFF0] =	vst v6  }
0x1b6: {  	v4 =	vld [tilespmem:s28+$0x0]  }
0x1b7: {  	v5 =	vld [tilespmem:s28+$0xFFFFFFA0]  }
0x1b8: {  	v6 =	vld [tilespmem:s28+$0xFFFFFFB0]  }
0x1b9: {  	v9 =	vld [tilespmem:s28+$0xFFFFFFD0]  }
0x1ba: {  	v10 =	vld [tilespmem:s28+$0xFFFFFFE0]  }
0x1bb: {  	v11 =	vld [tilespmem:s28+$0xFFFFFFF0]  }
0x1bc: {  	v7 =	vld [tilespmem:s28+$0xFFFFFFC0]  }
0x1bd: {  	v4 =	vmul.f32 $2.560000000e+02, v4  }
0x1be: {  	v5 =	vmul.f32 $2.560000000e+02, v5  }
0x1bf: {  	v12 =	vld [tilespmem:s28+$0xFFFFFF90];
	v8 =	vmul.f32 $2.560000000e+02, v6;
	v9 =	vmul.f32 $2.560000000e+02, v9;
	v4 =	vadd.f32 $1.261568000e+07, v4  }
0x1c0: {  	v10 =	vmul.f32 $2.560000000e+02, v10;
	v11 =	vmul.f32 $2.560000000e+02, v11  }
0x1c1: {  	p1 =	por $0x1, $0x1;
	v6 =	vadd.f32 $1.261568000e+07, v5;
	v5 =	vmul.f32 $2.560000000e+02, v7;
	vm0 =	vgt.s32 v4, $0x4B400000  }
.Ltmp14:
0x1c2: {  	v8 =	vadd.f32 $1.261568000e+07, v8;
	v9 =	vadd.f32 $1.261568000e+07, v9;
	v4 =	vnsel vm0, $0x4B400000, v4;
	(pc) =	sbr.rel @!p1 .LBB2_27-.Ltmp14, $4  }
0x1c3: {  	v10 =	vadd.f32 $1.261568000e+07, v10;
	v11 =	vadd.f32 $1.261568000e+07, v11;
	v4 =	vmin.u32 v4, $0x4B40FFFF  }
0x1c4: {  	v7 =	vadd.f32 $1.261568000e+07, v5;
	v5 =	vand.u32 $0xFFFF, v4;
	v4 =	vmul.f32 $2.560000000e+02, v12  }
0x1c5: {  	vm2 =	vgt.s32 v6, $0x4B400000;
	vm4 =	vgt.s32 v8, $0x4B400000;
	vm3 =	vgt.s32 v9, $0x4B400000  }
0x1c6: {  	p0 =	por $0x0, $0x0;
	s29 =	simm.s32 $0x116F0;
	vm0 =	vgt.s32 v10, $0x4B400000;
	vm1 =	vgt.s32 v7, $0x4B400000;
	v18 =	vadd.f32 $1.261568000e+07, v4  }
0x1c7: {  	v4 =	vld [tilespmem:s29+$0x0];
	v6 =	vnsel vm2, $0x4B400000, v6;
	v8 =	vnsel vm4, $0x4B400000, v8;
	vm2 =	vgt.s32 v11, $0x4B400000  }
0x1c8: {  	v7 =	vnsel vm1, $0x4B400000, v7;
	v9 =	vnsel vm3, $0x4B400000, v9;
	v12 =	vld [tilespmem:s29+$0xFFFFFFA0];
	v10 =	vnsel vm0, $0x4B400000, v10  }
0x1c9: {  	v14 =	vld [tilespmem:s29+$0xFFFFFFB0];
	vm4 =	vgt.s32 v18, $0x4B400000;
	v11 =	vnsel vm2, $0x4B400000, v11;
	v6 =	vmin.u32 v6, $0x4B40FFFF  }
0x1ca: {  	v15 =	vld [tilespmem:s29+$0xFFFFFFC0];
	v8 =	vmin.u32 v8, $0x4B40FFFF;
	v7 =	vmin.u32 v7, $0x4B40FFFF;
	v9 =	vmin.u32 v9, $0x4B40FFFF  }
0x1cb: {  	v16 =	vld [tilespmem:s29+$0xFFFFFFD0];
	v10 =	vmin.u32 v10, $0x4B40FFFF;
	v13 =	vnsel vm4, $0x4B400000, v18;
	v11 =	vmin.u32 v11, $0x4B40FFFF  }
0x1cc: {  	v17 =	vld [tilespmem:s29+$0xFFFFFFE0];
	v18 =	vand.u32 $0xFFFF, v6;
	v13 =	vmin.u32 v13, $0x4B40FFFF;
	v4 =	vmul.f32 $2.560000000e+02, v4  }
0x1cd: {  	v22 =	vld [tilespmem:s29+$0xFFFFFF90];
	v19 =	vand.u32 $0xFFFF, v8;
	v20 =	vand.u32 $0xFFFF, v7;
	v13 =	vand.u32 $0xFFFF, v13  }
0x1ce: {  	v21 =	vand.u32 $0xFFFF, v9;
	v6 =	vmul.f32 $2.560000000e+02, v12;
	v12 =	vld [tilespmem:s29+$0xFFFFFFF0];
	v7 =	vadd.f32 $1.261568000e+07, v4  }
0x1cf: {  	v24 =	vld.idx.msk [tilespmem:v5+s18+$0x0], $0xffff;
	v23 =	vand.u32 $0xFFFF, v10;
	v8 =	vmul.f32 $2.560000000e+02, v14;
	v5 =	vmul.f32 $2.560000000e+02, v15  }
0x1d0: {  	v9 =	vmul.f32 $2.560000000e+02, v16;
	v4 =	vand.u32 $0xFFFF, v11;
	vm0 =	vgt.s32 v7, $0x4B400000  }
0x1d1: {  	p3 =	por $0x1, $0x1;
	v6 =	vadd.f32 $1.261568000e+07, v6;
	v8 =	vadd.f32 $1.261568000e+07, v8;
	v14 =	vld.idx.msk [tilespmem:v18+s18+$0x0], $0xffff;
	v10 =	vnsel vm0, $0x4B400000, v7  }
.Ltmp15:
0x1d2: {  	v11 =	vmul.f32 $2.560000000e+02, v17;
	v16 =	vld.idx.msk [tilespmem:v13+s18+$0x0], $0xffff;
	v7 =	vadd.f32 $1.261568000e+07, v5;
	v5 =	vmin.u32 v10, $0x4B40FFFF;
	(pc) =	sbr.rel @!p3 .LBB2_29-.Ltmp15, $4  }
0x1d3: {  	v17 =	vmul.f32 $2.560000000e+02, v22;
	v13 =	vld.idx.msk [tilespmem:v20+s18+$0x0], $0xffff;
	v15 =	vmul.f32 $2.560000000e+02, v12;
	v5 =	vand.u32 $0xFFFF, v5  }
0x1d4: {  	v9 =	vadd.f32 $1.261568000e+07, v9;
	vm2 =	vgt.s32 v6, $0x4B400000;
	v12 =	vld.idx.msk [tilespmem:v19+s18+$0x0], $0xffff;
	v10 =	vadd.f32 $1.261568000e+07, v11  }
0x1d5: {  	vm4 =	vgt.s32 v8, $0x4B400000;
	v18 =	vadd.f32 $1.261568000e+07, v17;
	v17 =	vld.idx.msk [tilespmem:v23+s18+$0x0], $0xffff;
	v11 =	vadd.f32 $1.261568000e+07, v15  }
0x1d6: {  	s30 =	simm.s32 $0x8;
	s0 =	simm.s32 $0x11AF0;
	p2 =	por $0x1, $0x1;
	[tilespmem:s28+$0x0] =	vst v24;
	vm3 =	vgt.s32 v9, $0x4B400000;
	vm1 =	vgt.s32 v7, $0x4B400000;
	v15 =	vld.idx.msk [tilespmem:v21+s18+$0x0], $0xffff;
	vm0 =	vgt.s32 v10, $0x4B400000  }
.LBB2_30:
0x1d7: {  	v19 =	vld [tilespmem:s0+$0x0];
	s30 =	sadd.s32 $0x8, s30;
	v6 =	vnsel vm2, $0x4B400000, v6;
	v8 =	vnsel vm4, $0x4B400000, v8;
	vm2 =	vgt.s32 v11, $0x4B400000;
	[tilespmem:s28+$0xFFFFFF90] =	vst v16  }
0x1d8: {  	v7 =	vnsel vm1, $0x4B400000, v7;
	v9 =	vnsel vm3, $0x4B400000, v9;
	p3 =	slt.u32 s30, $0x78;
	vm4 =	vgt.s32 v18, $0x4B400000;
	v5 =	vld.idx.msk [tilespmem:v5+s18+$0x0], $0xffff;
	[tilespmem:s28+$0xFFFFFFA0] =	vst v14  }
0x1d9: {  	v10 =	vnsel vm0, $0x4B400000, v10;
	v11 =	vnsel vm2, $0x4B400000, v11;
	v14 =	vld [tilespmem:s0+$0xFFFFFFA0];
	v16 =	vnsel vm4, $0x4B400000, v18;
	[tilespmem:s28+$0xFFFFFFB0] =	vst v12  }
0x1da: {  	v6 =	vmin.u32 v6, $0x4B40FFFF;
	v8 =	vmin.u32 v8, $0x4B40FFFF;
	v12 =	vld [tilespmem:s0+$0xFFFFFFB0];
	v16 =	vmin.u32 v16, $0x4B40FFFF;
	[tilespmem:s28+$0xFFFFFFC0] =	vst v13  }
0x1db: {  	v7 =	vmin.u32 v7, $0x4B40FFFF;
	v9 =	vmin.u32 v9, $0x4B40FFFF;
	v10 =	vmin.u32 v10, $0x4B40FFFF;
	v13 =	vld [tilespmem:s0+$0xFFFFFFC0];
	[tilespmem:s28+$0xFFFFFFD0] =	vst v15  }
0x1dc: {  	v11 =	vmin.u32 v11, $0x4B40FFFF;
	v16 =	vand.u32 $0xFFFF, v16;
	v15 =	vld [tilespmem:s0+$0xFFFFFFD0];
	v18 =	vmul.f32 $2.560000000e+02, v19;
	[tilespmem:s28+$0xFFFFFFE0] =	vst v17  }
0x1dd: {  	v20 =	vand.u32 $0xFFFF, v8;
	v21 =	vand.u32 $0xFFFF, v7;
	v19 =	vand.u32 $0xFFFF, v6;
	v17 =	vld [tilespmem:s0+$0xFFFFFFE0]  }
0x1de: {  	v6 =	vmul.f32 $2.560000000e+02, v14;
	v22 =	vld [tilespmem:s0+$0xFFFFFFF0];
	v7 =	vadd.f32 $1.261568000e+07, v18;
	v18 =	vand.u32 $0xFFFF, v9;
	[tilespmem:s29+$0x0] =	vst v5  }
0x1df: {  	v24 =	vand.u32 $0xFFFF, v10;
	v8 =	vand.u32 $0xFFFF, v11;
	v23 =	vld [tilespmem:s0+$0xFFFFFF90];
	v5 =	vmul.f32 $2.560000000e+02, v12  }
0x1e0: {  	v6 =	vadd.f32 $1.261568000e+07, v6;
	v9 =	vmul.f32 $2.560000000e+02, v13;
	vm0 =	vgt.s32 v7, $0x4B400000;
	v25 =	vld.idx.msk [tilespmem:v4+s18+$0x0], $0xffff;
	v4 =	vmovc v8  }
0x1e1: {  	v8 =	vadd.f32 $1.261568000e+07, v5;
	v5 =	vmul.f32 $2.560000000e+02, v15;
	v10 =	vnsel vm0, $0x4B400000, v7;
	v16 =	vld.idx.msk [tilespmem:v16+s18+$0x0], $0xffff  }
.Ltmp16:
0x1e2: {  	v7 =	vadd.f32 $1.261568000e+07, v9;
	v11 =	vmul.f32 $2.560000000e+02, v17;
	v10 =	vmin.u32 v10, $0x4B40FFFF;
	v14 =	vld.idx.msk [tilespmem:v19+s18+$0x0], $0xffff;
	(pc) =	sbr.rel @p3 .LBB2_30-.Ltmp16, $4  }
0x1e3: {  	v9 =	vadd.f32 $1.261568000e+07, v5;
	v15 =	vmul.f32 $2.560000000e+02, v22;
	v5 =	vand.u32 $0xFFFF, v10;
	v12 =	vld.idx.msk [tilespmem:v20+s18+$0x0], $0xffff  }
0x1e4: {  	vm2 =	vgt.s32 v6, $0x4B400000;
	v17 =	vmul.f32 $2.560000000e+02, v23;
	v10 =	vadd.f32 $1.261568000e+07, v11;
	v13 =	vld.idx.msk [tilespmem:v21+s18+$0x0], $0xffff  }
0x1e5: {  	vm4 =	vgt.s32 v8, $0x4B400000;
	vm1 =	vgt.s32 v7, $0x4B400000;
	v11 =	vadd.f32 $1.261568000e+07, v15;
	v15 =	vld.idx.msk [tilespmem:v18+s18+$0x0], $0xffff  }
0x1e6: {  	vm3 =	vgt.s32 v9, $0x4B400000;
	v18 =	vadd.f32 $1.261568000e+07, v17;
	vm0 =	vgt.s32 v10, $0x4B400000;
	v17 =	vld.idx.msk [tilespmem:v24+s18+$0x0], $0xffff;
	[tilespmem:s28+$0xFFFFFFF0] =	vst v25;
	s28 =	smov.u32 s29;
	s29 =	smov.u32 s0;
	s0 =	sadd.s32 $0x400, s0  }
0x1e7: {  	s0 =	smov.u32 s28;
	s28 =	smov.u32 s29  }
.LBB2_32:
0x1e8: {  	vm5 =	vgt.s32 v18, $0x4B400000;
	v6 =	vnsel vm2, $0x4B400000, v6  }
0x1e9: {  	v8 =	vnsel vm4, $0x4B400000, v8;
	vm2 =	vgt.s32 v11, $0x4B400000;
	v6 =	vmin.u32 v6, $0x4B40FFFF  }
0x1ea: {  	v7 =	vnsel vm1, $0x4B400000, v7;
	v8 =	vmin.u32 v8, $0x4B40FFFF;
	v6 =	vand.u32 $0xFFFF, v6  }
0x1eb: {  	v9 =	vnsel vm3, $0x4B400000, v9;
	v7 =	vmin.u32 v7, $0x4B40FFFF;
	v8 =	vand.u32 $0xFFFF, v8  }
0x1ec: {  	[tilespmem:s0+$0xFFFFFF90] =	vst @p2 v16;
	v5 =	vld.idx.msk [tilespmem:v5+s18+$0x0], $0xffff;
	v10 =	vnsel vm0, $0x4B400000, v10;
	v9 =	vmin.u32 v9, $0x4B40FFFF;
	v7 =	vand.u32 $0xFFFF, v7  }
0x1ed: {  	[tilespmem:s0+$0xFFFFFFA0] =	vst @p2 v14;
	v18 =	vnsel vm5, $0x4B400000, v18;
	v10 =	vmin.u32 v10, $0x4B40FFFF;
	v9 =	vand.u32 $0xFFFF, v9  }
0x1ee: {  	[tilespmem:s0+$0xFFFFFFB0] =	vst @p2 v12;
	v4 =	vld.idx.msk @p2 [tilespmem:v4+s18+$0x0], $0xffff;
	v11 =	vnsel vm2, $0x4B400000, v11;
	v18 =	vmin.u32 v18, $0x4B40FFFF;
	v10 =	vand.u32 $0xFFFF, v10  }
0x1ef: {  	[tilespmem:s0+$0xFFFFFFC0] =	vst @p2 v13;
	v11 =	vmin.u32 v11, $0x4B40FFFF;
	v18 =	vand.u32 $0xFFFF, v18;
	v6 =	vld.idx.msk [tilespmem:v6+s18+$0x0], $0xffff  }
0x1f0: {  	[tilespmem:s0+$0xFFFFFFD0] =	vst @p2 v15;
	v11 =	vand.u32 $0xFFFF, v11;
	v8 =	vld.idx.msk [tilespmem:v8+s18+$0x0], $0xffff  }
0x1f1: {  	[tilespmem:s28+$0x0] =	vst v5;
	v5 =	vld.idx.msk [tilespmem:v7+s18+$0x0], $0xffff  }
0x1f2: {  	[tilespmem:s0+$0xFFFFFFE0] =	vst @p2 v17;
	v7 =	vld.idx.msk [tilespmem:v9+s18+$0x0], $0xffff  }
0x1f3: {  	[tilespmem:s0+$0xFFFFFFF0] =	vst @p2 v4;
	v4 =	vld.idx.msk [tilespmem:v10+s18+$0x0], $0xffff  }
0x1f4: {  	v63 =	vld.idx.msk [tilespmem:v18+s18+$0x0], $0xffff;
	[tilespmem:s28+$0xFFFFFFA0] =	vst v6  }
0x1f5: {  	v6 =	vld.idx.msk [tilespmem:v11+s18+$0x0], $0xffff;
	[tilespmem:s28+$0xFFFFFFB0] =	vst v8  }
0x1f6: {  	[tilespmem:s28+$0xFFFFFFC0] =	vst v5  }
0x1f7: {  	[tilespmem:s28+$0xFFFFFFD0] =	vst v7  }
0x1f8: {  	[tilespmem:s28+$0xFFFFFFE0] =	vst v4  }
0x1f9: {  	[tilespmem:s28+$0xFFFFFF90] =	vst v63  }
0x1fa: {  	s29 =	simm.s32 $0x11370;
	[tilespmem:s28+$0xFFFFFFF0] =	vst v6  }
0x1fb: {  	v4 =	vld [tilespmem:s29+$0x0]  }
0x1fc: {  	v5 =	vld [tilespmem:s29+$0xFFFFFFA0]  }
0x1fd: {  	v6 =	vld [tilespmem:s29+$0xFFFFFFB0]  }
0x1fe: {  	v9 =	vld [tilespmem:s29+$0xFFFFFFD0]  }
0x1ff: {  	v10 =	vld [tilespmem:s29+$0xFFFFFFE0]  }
0x200: {  	v11 =	vld [tilespmem:s29+$0xFFFFFFF0]  }
0x201: {  	v7 =	vld [tilespmem:s29+$0xFFFFFFC0]  }
0x202: {  	v4 =	vmul.f32 $2.560000000e+02, v4  }
0x203: {  	v5 =	vmul.f32 $2.560000000e+02, v5  }
0x204: {  	v12 =	vld [tilespmem:s29+$0xFFFFFF90];
	v8 =	vmul.f32 $2.560000000e+02, v6;
	v9 =	vmul.f32 $2.560000000e+02, v9;
	v4 =	vadd.f32 $1.261568000e+07, v4  }
0x205: {  	v10 =	vmul.f32 $2.560000000e+02, v10;
	v11 =	vmul.f32 $2.560000000e+02, v11  }
0x206: {  	v6 =	vadd.f32 $1.261568000e+07, v5;
	v5 =	vmul.f32 $2.560000000e+02, v7;
	vm0 =	vgt.s32 v4, $0x4B400000  }
.Ltmp17:
0x207: {  	v8 =	vadd.f32 $1.261568000e+07, v8;
	v9 =	vadd.f32 $1.261568000e+07, v9;
	v4 =	vnsel vm0, $0x4B400000, v4;
	(pc) =	sbr.rel @!p1 .LBB2_33-.Ltmp17, $4  }
0x208: {  	v10 =	vadd.f32 $1.261568000e+07, v10;
	v11 =	vadd.f32 $1.261568000e+07, v11;
	v4 =	vmin.u32 v4, $0x4B40FFFF  }
0x209: {  	v7 =	vadd.f32 $1.261568000e+07, v5;
	v5 =	vand.u32 $0xFFFF, v4;
	v4 =	vmul.f32 $2.560000000e+02, v12  }
0x20a: {  	vm2 =	vgt.s32 v6, $0x4B400000;
	vm4 =	vgt.s32 v8, $0x4B400000;
	vm3 =	vgt.s32 v9, $0x4B400000  }
0x20b: {  	s28 =	simm.s32 $0x11770;
	vm0 =	vgt.s32 v10, $0x4B400000;
	vm1 =	vgt.s32 v7, $0x4B400000;
	v18 =	vadd.f32 $1.261568000e+07, v4  }
0x20c: {  	v4 =	vld [tilespmem:s28+$0x0];
	v6 =	vnsel vm2, $0x4B400000, v6;
	v8 =	vnsel vm4, $0x4B400000, v8;
	vm2 =	vgt.s32 v11, $0x4B400000  }
0x20d: {  	v7 =	vnsel vm1, $0x4B400000, v7;
	v9 =	vnsel vm3, $0x4B400000, v9;
	v12 =	vld [tilespmem:s28+$0xFFFFFFA0];
	v10 =	vnsel vm0, $0x4B400000, v10  }
0x20e: {  	v14 =	vld [tilespmem:s28+$0xFFFFFFB0];
	vm4 =	vgt.s32 v18, $0x4B400000;
	v11 =	vnsel vm2, $0x4B400000, v11;
	v6 =	vmin.u32 v6, $0x4B40FFFF  }
0x20f: {  	v15 =	vld [tilespmem:s28+$0xFFFFFFC0];
	v8 =	vmin.u32 v8, $0x4B40FFFF;
	v7 =	vmin.u32 v7, $0x4B40FFFF;
	v9 =	vmin.u32 v9, $0x4B40FFFF  }
0x210: {  	v16 =	vld [tilespmem:s28+$0xFFFFFFD0];
	v10 =	vmin.u32 v10, $0x4B40FFFF;
	v13 =	vnsel vm4, $0x4B400000, v18;
	v11 =	vmin.u32 v11, $0x4B40FFFF  }
0x211: {  	v17 =	vld [tilespmem:s28+$0xFFFFFFE0];
	v18 =	vand.u32 $0xFFFF, v6;
	v13 =	vmin.u32 v13, $0x4B40FFFF;
	v4 =	vmul.f32 $2.560000000e+02, v4  }
0x212: {  	v22 =	vld [tilespmem:s28+$0xFFFFFF90];
	v19 =	vand.u32 $0xFFFF, v8;
	v20 =	vand.u32 $0xFFFF, v7;
	v13 =	vand.u32 $0xFFFF, v13  }
0x213: {  	v21 =	vand.u32 $0xFFFF, v9;
	v6 =	vmul.f32 $2.560000000e+02, v12;
	v12 =	vld [tilespmem:s28+$0xFFFFFFF0];
	v7 =	vadd.f32 $1.261568000e+07, v4  }
0x214: {  	v24 =	vld.idx.msk [tilespmem:v5+s18+$0x0], $0xffff;
	v23 =	vand.u32 $0xFFFF, v10;
	v8 =	vmul.f32 $2.560000000e+02, v14;
	v5 =	vmul.f32 $2.560000000e+02, v15  }
0x215: {  	v9 =	vmul.f32 $2.560000000e+02, v16;
	v4 =	vand.u32 $0xFFFF, v11;
	vm0 =	vgt.s32 v7, $0x4B400000  }
0x216: {  	p1 =	por $0x1, $0x1;
	v6 =	vadd.f32 $1.261568000e+07, v6;
	v8 =	vadd.f32 $1.261568000e+07, v8;
	v14 =	vld.idx.msk [tilespmem:v18+s18+$0x0], $0xffff;
	v10 =	vnsel vm0, $0x4B400000, v7  }
.Ltmp18:
0x217: {  	v11 =	vmul.f32 $2.560000000e+02, v17;
	v16 =	vld.idx.msk [tilespmem:v13+s18+$0x0], $0xffff;
	v7 =	vadd.f32 $1.261568000e+07, v5;
	v5 =	vmin.u32 v10, $0x4B40FFFF;
	(pc) =	sbr.rel @!p1 .LBB2_35-.Ltmp18, $4  }
0x218: {  	v17 =	vmul.f32 $2.560000000e+02, v22;
	v13 =	vld.idx.msk [tilespmem:v20+s18+$0x0], $0xffff;
	v15 =	vmul.f32 $2.560000000e+02, v12;
	v5 =	vand.u32 $0xFFFF, v5  }
0x219: {  	v9 =	vadd.f32 $1.261568000e+07, v9;
	vm2 =	vgt.s32 v6, $0x4B400000;
	v12 =	vld.idx.msk [tilespmem:v19+s18+$0x0], $0xffff;
	v10 =	vadd.f32 $1.261568000e+07, v11  }
0x21a: {  	vm4 =	vgt.s32 v8, $0x4B400000;
	v18 =	vadd.f32 $1.261568000e+07, v17;
	v17 =	vld.idx.msk [tilespmem:v23+s18+$0x0], $0xffff;
	v11 =	vadd.f32 $1.261568000e+07, v15  }
0x21b: {  	s30 =	simm.s32 $0x8;
	s0 =	simm.s32 $0x11B70;
	p0 =	por $0x1, $0x1;
	[tilespmem:s29+$0x0] =	vst v24;
	vm3 =	vgt.s32 v9, $0x4B400000;
	vm1 =	vgt.s32 v7, $0x4B400000;
	v15 =	vld.idx.msk [tilespmem:v21+s18+$0x0], $0xffff;
	vm0 =	vgt.s32 v10, $0x4B400000  }
.LBB2_36:
0x21c: {  	v19 =	vld [tilespmem:s0+$0x0];
	s30 =	sadd.s32 $0x8, s30;
	v6 =	vnsel vm2, $0x4B400000, v6;
	v8 =	vnsel vm4, $0x4B400000, v8;
	vm2 =	vgt.s32 v11, $0x4B400000;
	[tilespmem:s29+$0xFFFFFF90] =	vst v16  }
0x21d: {  	v7 =	vnsel vm1, $0x4B400000, v7;
	v9 =	vnsel vm3, $0x4B400000, v9;
	p1 =	slt.u32 s30, $0x78;
	vm4 =	vgt.s32 v18, $0x4B400000;
	v5 =	vld.idx.msk [tilespmem:v5+s18+$0x0], $0xffff;
	[tilespmem:s29+$0xFFFFFFA0] =	vst v14  }
0x21e: {  	v10 =	vnsel vm0, $0x4B400000, v10;
	v11 =	vnsel vm2, $0x4B400000, v11;
	v14 =	vld [tilespmem:s0+$0xFFFFFFA0];
	v16 =	vnsel vm4, $0x4B400000, v18;
	[tilespmem:s29+$0xFFFFFFB0] =	vst v12  }
0x21f: {  	v6 =	vmin.u32 v6, $0x4B40FFFF;
	v8 =	vmin.u32 v8, $0x4B40FFFF;
	v12 =	vld [tilespmem:s0+$0xFFFFFFB0];
	v16 =	vmin.u32 v16, $0x4B40FFFF;
	[tilespmem:s29+$0xFFFFFFC0] =	vst v13  }
0x220: {  	v7 =	vmin.u32 v7, $0x4B40FFFF;
	v9 =	vmin.u32 v9, $0x4B40FFFF;
	v10 =	vmin.u32 v10, $0x4B40FFFF;
	v13 =	vld [tilespmem:s0+$0xFFFFFFC0];
	[tilespmem:s29+$0xFFFFFFD0] =	vst v15  }
0x221: {  	v11 =	vmin.u32 v11, $0x4B40FFFF;
	v16 =	vand.u32 $0xFFFF, v16;
	v15 =	vld [tilespmem:s0+$0xFFFFFFD0];
	v18 =	vmul.f32 $2.560000000e+02, v19;
	[tilespmem:s29+$0xFFFFFFE0] =	vst v17  }
0x222: {  	v20 =	vand.u32 $0xFFFF, v8;
	v21 =	vand.u32 $0xFFFF, v7;
	v19 =	vand.u32 $0xFFFF, v6;
	v17 =	vld [tilespmem:s0+$0xFFFFFFE0]  }
0x223: {  	v6 =	vmul.f32 $2.560000000e+02, v14;
	v22 =	vld [tilespmem:s0+$0xFFFFFFF0];
	v7 =	vadd.f32 $1.261568000e+07, v18;
	v18 =	vand.u32 $0xFFFF, v9;
	[tilespmem:s28+$0x0] =	vst v5  }
0x224: {  	v24 =	vand.u32 $0xFFFF, v10;
	v8 =	vand.u32 $0xFFFF, v11;
	v23 =	vld [tilespmem:s0+$0xFFFFFF90];
	v5 =	vmul.f32 $2.560000000e+02, v12  }
0x225: {  	v6 =	vadd.f32 $1.261568000e+07, v6;
	v9 =	vmul.f32 $2.560000000e+02, v13;
	vm0 =	vgt.s32 v7, $0x4B400000;
	v25 =	vld.idx.msk [tilespmem:v4+s18+$0x0], $0xffff;
	v4 =	vmovc v8  }
0x226: {  	v8 =	vadd.f32 $1.261568000e+07, v5;
	v5 =	vmul.f32 $2.560000000e+02, v15;
	v10 =	vnsel vm0, $0x4B400000, v7;
	v16 =	vld.idx.msk [tilespmem:v16+s18+$0x0], $0xffff  }
.Ltmp19:
0x227: {  	v7 =	vadd.f32 $1.261568000e+07, v9;
	v11 =	vmul.f32 $2.560000000e+02, v17;
	v10 =	vmin.u32 v10, $0x4B40FFFF;
	v14 =	vld.idx.msk [tilespmem:v19+s18+$0x0], $0xffff;
	(pc) =	sbr.rel @p1 .LBB2_36-.Ltmp19, $4  }
0x228: {  	v9 =	vadd.f32 $1.261568000e+07, v5;
	v15 =	vmul.f32 $2.560000000e+02, v22;
	v5 =	vand.u32 $0xFFFF, v10;
	v12 =	vld.idx.msk [tilespmem:v20+s18+$0x0], $0xffff  }
0x229: {  	vm2 =	vgt.s32 v6, $0x4B400000;
	v17 =	vmul.f32 $2.560000000e+02, v23;
	v10 =	vadd.f32 $1.261568000e+07, v11;
	v13 =	vld.idx.msk [tilespmem:v21+s18+$0x0], $0xffff  }
0x22a: {  	vm4 =	vgt.s32 v8, $0x4B400000;
	vm1 =	vgt.s32 v7, $0x4B400000;
	v11 =	vadd.f32 $1.261568000e+07, v15;
	v15 =	vld.idx.msk [tilespmem:v18+s18+$0x0], $0xffff  }
0x22b: {  	vm3 =	vgt.s32 v9, $0x4B400000;
	v18 =	vadd.f32 $1.261568000e+07, v17;
	vm0 =	vgt.s32 v10, $0x4B400000;
	v17 =	vld.idx.msk [tilespmem:v24+s18+$0x0], $0xffff;
	[tilespmem:s29+$0xFFFFFFF0] =	vst v25;
	s29 =	smov.u32 s28;
	s28 =	smov.u32 s0;
	s0 =	sadd.s32 $0x400, s0  }
0x22c: {  	s0 =	smov.u32 s29;
	s29 =	smov.u32 s28  }
.LBB2_38:
0x22d: {  	vm5 =	vgt.s32 v18, $0x4B400000;
	v6 =	vnsel vm2, $0x4B400000, v6  }
0x22e: {  	v8 =	vnsel vm4, $0x4B400000, v8;
	vm2 =	vgt.s32 v11, $0x4B400000;
	v6 =	vmin.u32 v6, $0x4B40FFFF  }
0x22f: {  	v7 =	vnsel vm1, $0x4B400000, v7;
	v8 =	vmin.u32 v8, $0x4B40FFFF;
	v6 =	vand.u32 $0xFFFF, v6  }
0x230: {  	v9 =	vnsel vm3, $0x4B400000, v9;
	v7 =	vmin.u32 v7, $0x4B40FFFF;
	v8 =	vand.u32 $0xFFFF, v8  }
0x231: {  	[tilespmem:s0+$0xFFFFFF90] =	vst @p0 v16;
	v5 =	vld.idx.msk [tilespmem:v5+s18+$0x0], $0xffff;
	v10 =	vnsel vm0, $0x4B400000, v10;
	v9 =	vmin.u32 v9, $0x4B40FFFF;
	v7 =	vand.u32 $0xFFFF, v7  }
0x232: {  	[tilespmem:s0+$0xFFFFFFA0] =	vst @p0 v14;
	v18 =	vnsel vm5, $0x4B400000, v18;
	v10 =	vmin.u32 v10, $0x4B40FFFF;
	v9 =	vand.u32 $0xFFFF, v9  }
0x233: {  	[tilespmem:s0+$0xFFFFFFB0] =	vst @p0 v12;
	v4 =	vld.idx.msk @p0 [tilespmem:v4+s18+$0x0], $0xffff;
	v11 =	vnsel vm2, $0x4B400000, v11;
	v18 =	vmin.u32 v18, $0x4B40FFFF;
	v10 =	vand.u32 $0xFFFF, v10  }
0x234: {  	[tilespmem:s0+$0xFFFFFFC0] =	vst @p0 v13;
	v11 =	vmin.u32 v11, $0x4B40FFFF;
	v18 =	vand.u32 $0xFFFF, v18;
	v6 =	vld.idx.msk [tilespmem:v6+s18+$0x0], $0xffff  }
0x235: {  	[tilespmem:s0+$0xFFFFFFD0] =	vst @p0 v15;
	v11 =	vand.u32 $0xFFFF, v11;
	v8 =	vld.idx.msk [tilespmem:v8+s18+$0x0], $0xffff  }
0x236: {  	[tilespmem:s29+$0x0] =	vst v5;
	v5 =	vld.idx.msk [tilespmem:v7+s18+$0x0], $0xffff  }
0x237: {  	[tilespmem:s0+$0xFFFFFFE0] =	vst @p0 v17;
	v7 =	vld.idx.msk [tilespmem:v9+s18+$0x0], $0xffff  }
0x238: {  	[tilespmem:s0+$0xFFFFFFF0] =	vst @p0 v4;
	v4 =	vld.idx.msk [tilespmem:v10+s18+$0x0], $0xffff  }
0x239: {  	v63 =	vld.idx.msk [tilespmem:v18+s18+$0x0], $0xffff;
	[tilespmem:s29+$0xFFFFFFA0] =	vst v6  }
0x23a: {  	v6 =	vld.idx.msk [tilespmem:v11+s18+$0x0], $0xffff;
	[tilespmem:s29+$0xFFFFFFB0] =	vst v8  }
0x23b: {  	[tilespmem:s29+$0xFFFFFFC0] =	vst v5  }
0x23c: {  	[tilespmem:s29+$0xFFFFFFD0] =	vst v7  }
0x23d: {  	[tilespmem:s29+$0xFFFFFFE0] =	vst v4  }
0x23e: {  	[tilespmem:s29+$0xFFFFFF90] =	vst v63  }
0x23f: {  	s28 =	simm.s32 $0x113F0;
	[tilespmem:s29+$0xFFFFFFF0] =	vst v6  }
0x240: {  	v4 =	vld [tilespmem:s28+$0x0]  }
0x241: {  	v5 =	vld [tilespmem:s28+$0xFFFFFFA0]  }
0x242: {  	v6 =	vld [tilespmem:s28+$0xFFFFFFB0]  }
0x243: {  	v9 =	vld [tilespmem:s28+$0xFFFFFFD0]  }
0x244: {  	v10 =	vld [tilespmem:s28+$0xFFFFFFE0]  }
0x245: {  	v11 =	vld [tilespmem:s28+$0xFFFFFFF0]  }
0x246: {  	v7 =	vld [tilespmem:s28+$0xFFFFFFC0]  }
0x247: {  	v4 =	vmul.f32 $2.560000000e+02, v4  }
0x248: {  	v5 =	vmul.f32 $2.560000000e+02, v5  }
0x249: {  	v12 =	vld [tilespmem:s28+$0xFFFFFF90];
	v8 =	vmul.f32 $2.560000000e+02, v6;
	v9 =	vmul.f32 $2.560000000e+02, v9;
	v4 =	vadd.f32 $1.261568000e+07, v4  }
0x24a: {  	v10 =	vmul.f32 $2.560000000e+02, v10;
	v11 =	vmul.f32 $2.560000000e+02, v11  }
0x24b: {  	p1 =	por $0x1, $0x1;
	v6 =	vadd.f32 $1.261568000e+07, v5;
	v5 =	vmul.f32 $2.560000000e+02, v7;
	vm0 =	vgt.s32 v4, $0x4B400000  }
.Ltmp20:
0x24c: {  	v8 =	vadd.f32 $1.261568000e+07, v8;
	v9 =	vadd.f32 $1.261568000e+07, v9;
	v4 =	vnsel vm0, $0x4B400000, v4;
	(pc) =	sbr.rel @!p1 .LBB2_39-.Ltmp20, $4  }
0x24d: {  	v10 =	vadd.f32 $1.261568000e+07, v10;
	v11 =	vadd.f32 $1.261568000e+07, v11;
	v4 =	vmin.u32 v4, $0x4B40FFFF  }
0x24e: {  	v7 =	vadd.f32 $1.261568000e+07, v5;
	v5 =	vand.u32 $0xFFFF, v4;
	v4 =	vmul.f32 $2.560000000e+02, v12  }
0x24f: {  	vm2 =	vgt.s32 v6, $0x4B400000;
	vm4 =	vgt.s32 v8, $0x4B400000;
	vm3 =	vgt.s32 v9, $0x4B400000  }
0x250: {  	p0 =	por $0x0, $0x0;
	s29 =	simm.s32 $0x117F0;
	vm0 =	vgt.s32 v10, $0x4B400000;
	vm1 =	vgt.s32 v7, $0x4B400000;
	v18 =	vadd.f32 $1.261568000e+07, v4  }
0x251: {  	v4 =	vld [tilespmem:s29+$0x0];
	v6 =	vnsel vm2, $0x4B400000, v6;
	v8 =	vnsel vm4, $0x4B400000, v8;
	vm2 =	vgt.s32 v11, $0x4B400000  }
0x252: {  	v7 =	vnsel vm1, $0x4B400000, v7;
	v9 =	vnsel vm3, $0x4B400000, v9;
	v12 =	vld [tilespmem:s29+$0xFFFFFFA0];
	v10 =	vnsel vm0, $0x4B400000, v10  }
0x253: {  	v14 =	vld [tilespmem:s29+$0xFFFFFFB0];
	vm4 =	vgt.s32 v18, $0x4B400000;
	v11 =	vnsel vm2, $0x4B400000, v11;
	v6 =	vmin.u32 v6, $0x4B40FFFF  }
0x254: {  	v15 =	vld [tilespmem:s29+$0xFFFFFFC0];
	v8 =	vmin.u32 v8, $0x4B40FFFF;
	v7 =	vmin.u32 v7, $0x4B40FFFF;
	v9 =	vmin.u32 v9, $0x4B40FFFF  }
0x255: {  	v16 =	vld [tilespmem:s29+$0xFFFFFFD0];
	v10 =	vmin.u32 v10, $0x4B40FFFF;
	v13 =	vnsel vm4, $0x4B400000, v18;
	v11 =	vmin.u32 v11, $0x4B40FFFF  }
0x256: {  	v17 =	vld [tilespmem:s29+$0xFFFFFFE0];
	v18 =	vand.u32 $0xFFFF, v6;
	v13 =	vmin.u32 v13, $0x4B40FFFF;
	v4 =	vmul.f32 $2.560000000e+02, v4  }
0x257: {  	v22 =	vld [tilespmem:s29+$0xFFFFFF90];
	v19 =	vand.u32 $0xFFFF, v8;
	v20 =	vand.u32 $0xFFFF, v7;
	v13 =	vand.u32 $0xFFFF, v13  }
0x258: {  	v21 =	vand.u32 $0xFFFF, v9;
	v6 =	vmul.f32 $2.560000000e+02, v12;
	v12 =	vld [tilespmem:s29+$0xFFFFFFF0];
	v7 =	vadd.f32 $1.261568000e+07, v4  }
0x259: {  	v24 =	vld.idx.msk [tilespmem:v5+s18+$0x0], $0xffff;
	v23 =	vand.u32 $0xFFFF, v10;
	v8 =	vmul.f32 $2.560000000e+02, v14;
	v5 =	vmul.f32 $2.560000000e+02, v15  }
0x25a: {  	v9 =	vmul.f32 $2.560000000e+02, v16;
	v4 =	vand.u32 $0xFFFF, v11;
	vm0 =	vgt.s32 v7, $0x4B400000  }
0x25b: {  	p3 =	por $0x1, $0x1;
	v6 =	vadd.f32 $1.261568000e+07, v6;
	v8 =	vadd.f32 $1.261568000e+07, v8;
	v14 =	vld.idx.msk [tilespmem:v18+s18+$0x0], $0xffff;
	v10 =	vnsel vm0, $0x4B400000, v7  }
.Ltmp21:
0x25c: {  	v11 =	vmul.f32 $2.560000000e+02, v17;
	v16 =	vld.idx.msk [tilespmem:v13+s18+$0x0], $0xffff;
	v7 =	vadd.f32 $1.261568000e+07, v5;
	v5 =	vmin.u32 v10, $0x4B40FFFF;
	(pc) =	sbr.rel @!p3 .LBB2_41-.Ltmp21, $4  }
0x25d: {  	v17 =	vmul.f32 $2.560000000e+02, v22;
	v13 =	vld.idx.msk [tilespmem:v20+s18+$0x0], $0xffff;
	v15 =	vmul.f32 $2.560000000e+02, v12;
	v5 =	vand.u32 $0xFFFF, v5  }
0x25e: {  	v9 =	vadd.f32 $1.261568000e+07, v9;
	vm2 =	vgt.s32 v6, $0x4B400000;
	v12 =	vld.idx.msk [tilespmem:v19+s18+$0x0], $0xffff;
	v10 =	vadd.f32 $1.261568000e+07, v11  }
0x25f: {  	vm4 =	vgt.s32 v8, $0x4B400000;
	v18 =	vadd.f32 $1.261568000e+07, v17;
	v17 =	vld.idx.msk [tilespmem:v23+s18+$0x0], $0xffff;
	v11 =	vadd.f32 $1.261568000e+07, v15  }
0x260: {  	s30 =	simm.s32 $0x8;
	s0 =	simm.s32 $0x11BF0;
	p2 =	por $0x1, $0x1;
	[tilespmem:s28+$0x0] =	vst v24;
	vm3 =	vgt.s32 v9, $0x4B400000;
	vm1 =	vgt.s32 v7, $0x4B400000;
	v15 =	vld.idx.msk [tilespmem:v21+s18+$0x0], $0xffff;
	vm0 =	vgt.s32 v10, $0x4B400000  }
.LBB2_42:
0x261: {  	v19 =	vld [tilespmem:s0+$0x0];
	s30 =	sadd.s32 $0x8, s30;
	v6 =	vnsel vm2, $0x4B400000, v6;
	v8 =	vnsel vm4, $0x4B400000, v8;
	vm2 =	vgt.s32 v11, $0x4B400000;
	[tilespmem:s28+$0xFFFFFF90] =	vst v16  }
0x262: {  	v7 =	vnsel vm1, $0x4B400000, v7;
	v9 =	vnsel vm3, $0x4B400000, v9;
	p3 =	slt.u32 s30, $0x78;
	vm4 =	vgt.s32 v18, $0x4B400000;
	v5 =	vld.idx.msk [tilespmem:v5+s18+$0x0], $0xffff;
	[tilespmem:s28+$0xFFFFFFA0] =	vst v14  }
0x263: {  	v10 =	vnsel vm0, $0x4B400000, v10;
	v11 =	vnsel vm2, $0x4B400000, v11;
	v14 =	vld [tilespmem:s0+$0xFFFFFFA0];
	v16 =	vnsel vm4, $0x4B400000, v18;
	[tilespmem:s28+$0xFFFFFFB0] =	vst v12  }
0x264: {  	v6 =	vmin.u32 v6, $0x4B40FFFF;
	v8 =	vmin.u32 v8, $0x4B40FFFF;
	v12 =	vld [tilespmem:s0+$0xFFFFFFB0];
	v16 =	vmin.u32 v16, $0x4B40FFFF;
	[tilespmem:s28+$0xFFFFFFC0] =	vst v13  }
0x265: {  	v7 =	vmin.u32 v7, $0x4B40FFFF;
	v9 =	vmin.u32 v9, $0x4B40FFFF;
	v10 =	vmin.u32 v10, $0x4B40FFFF;
	v13 =	vld [tilespmem:s0+$0xFFFFFFC0];
	[tilespmem:s28+$0xFFFFFFD0] =	vst v15  }
0x266: {  	v11 =	vmin.u32 v11, $0x4B40FFFF;
	v16 =	vand.u32 $0xFFFF, v16;
	v15 =	vld [tilespmem:s0+$0xFFFFFFD0];
	v18 =	vmul.f32 $2.560000000e+02, v19;
	[tilespmem:s28+$0xFFFFFFE0] =	vst v17  }
0x267: {  	v20 =	vand.u32 $0xFFFF, v8;
	v21 =	vand.u32 $0xFFFF, v7;
	v19 =	vand.u32 $0xFFFF, v6;
	v17 =	vld [tilespmem:s0+$0xFFFFFFE0]  }
0x268: {  	v6 =	vmul.f32 $2.560000000e+02, v14;
	v22 =	vld [tilespmem:s0+$0xFFFFFFF0];
	v7 =	vadd.f32 $1.261568000e+07, v18;
	v18 =	vand.u32 $0xFFFF, v9;
	[tilespmem:s29+$0x0] =	vst v5  }
0x269: {  	v24 =	vand.u32 $0xFFFF, v10;
	v8 =	vand.u32 $0xFFFF, v11;
	v23 =	vld [tilespmem:s0+$0xFFFFFF90];
	v5 =	vmul.f32 $2.560000000e+02, v12  }
0x26a: {  	v6 =	vadd.f32 $1.261568000e+07, v6;
	v9 =	vmul.f32 $2.560000000e+02, v13;
	vm0 =	vgt.s32 v7, $0x4B400000;
	v25 =	vld.idx.msk [tilespmem:v4+s18+$0x0], $0xffff;
	v4 =	vmovc v8  }
0x26b: {  	v8 =	vadd.f32 $1.261568000e+07, v5;
	v5 =	vmul.f32 $2.560000000e+02, v15;
	v10 =	vnsel vm0, $0x4B400000, v7;
	v16 =	vld.idx.msk [tilespmem:v16+s18+$0x0], $0xffff  }
.Ltmp22:
0x26c: {  	v7 =	vadd.f32 $1.261568000e+07, v9;
	v11 =	vmul.f32 $2.560000000e+02, v17;
	v10 =	vmin.u32 v10, $0x4B40FFFF;
	v14 =	vld.idx.msk [tilespmem:v19+s18+$0x0], $0xffff;
	(pc) =	sbr.rel @p3 .LBB2_42-.Ltmp22, $4  }
0x26d: {  	v9 =	vadd.f32 $1.261568000e+07, v5;
	v15 =	vmul.f32 $2.560000000e+02, v22;
	v5 =	vand.u32 $0xFFFF, v10;
	v12 =	vld.idx.msk [tilespmem:v20+s18+$0x0], $0xffff  }
0x26e: {  	vm2 =	vgt.s32 v6, $0x4B400000;
	v17 =	vmul.f32 $2.560000000e+02, v23;
	v10 =	vadd.f32 $1.261568000e+07, v11;
	v13 =	vld.idx.msk [tilespmem:v21+s18+$0x0], $0xffff  }
0x26f: {  	vm4 =	vgt.s32 v8, $0x4B400000;
	vm1 =	vgt.s32 v7, $0x4B400000;
	v11 =	vadd.f32 $1.261568000e+07, v15;
	v15 =	vld.idx.msk [tilespmem:v18+s18+$0x0], $0xffff  }
0x270: {  	vm3 =	vgt.s32 v9, $0x4B400000;
	v18 =	vadd.f32 $1.261568000e+07, v17;
	vm0 =	vgt.s32 v10, $0x4B400000;
	v17 =	vld.idx.msk [tilespmem:v24+s18+$0x0], $0xffff;
	[tilespmem:s28+$0xFFFFFFF0] =	vst v25;
	s28 =	smov.u32 s29;
	s29 =	smov.u32 s0;
	s0 =	sadd.s32 $0x400, s0  }
0x271: {  	s0 =	smov.u32 s28;
	s28 =	smov.u32 s29  }
.LBB2_44:
0x272: {  	vm5 =	vgt.s32 v18, $0x4B400000;
	v6 =	vnsel vm2, $0x4B400000, v6  }
0x273: {  	v8 =	vnsel vm4, $0x4B400000, v8;
	vm2 =	vgt.s32 v11, $0x4B400000;
	v6 =	vmin.u32 v6, $0x4B40FFFF  }
0x274: {  	v7 =	vnsel vm1, $0x4B400000, v7;
	v8 =	vmin.u32 v8, $0x4B40FFFF;
	v6 =	vand.u32 $0xFFFF, v6  }
0x275: {  	v9 =	vnsel vm3, $0x4B400000, v9;
	v7 =	vmin.u32 v7, $0x4B40FFFF;
	v8 =	vand.u32 $0xFFFF, v8  }
0x276: {  	[tilespmem:s0+$0xFFFFFF90] =	vst @p2 v16;
	v5 =	vld.idx.msk [tilespmem:v5+s18+$0x0], $0xffff;
	v10 =	vnsel vm0, $0x4B400000, v10;
	v9 =	vmin.u32 v9, $0x4B40FFFF;
	v7 =	vand.u32 $0xFFFF, v7  }
0x277: {  	[tilespmem:s0+$0xFFFFFFA0] =	vst @p2 v14;
	v18 =	vnsel vm5, $0x4B400000, v18;
	v10 =	vmin.u32 v10, $0x4B40FFFF;
	v9 =	vand.u32 $0xFFFF, v9  }
0x278: {  	[tilespmem:s0+$0xFFFFFFB0] =	vst @p2 v12;
	v4 =	vld.idx.msk @p2 [tilespmem:v4+s18+$0x0], $0xffff;
	v11 =	vnsel vm2, $0x4B400000, v11;
	v18 =	vmin.u32 v18, $0x4B40FFFF;
	v10 =	vand.u32 $0xFFFF, v10  }
0x279: {  	[tilespmem:s0+$0xFFFFFFC0] =	vst @p2 v13;
	v11 =	vmin.u32 v11, $0x4B40FFFF;
	v18 =	vand.u32 $0xFFFF, v18;
	v6 =	vld.idx.msk [tilespmem:v6+s18+$0x0], $0xffff  }
0x27a: {  	[tilespmem:s0+$0xFFFFFFD0] =	vst @p2 v15;
	v11 =	vand.u32 $0xFFFF, v11;
	v8 =	vld.idx.msk [tilespmem:v8+s18+$0x0], $0xffff  }
0x27b: {  	[tilespmem:s28+$0x0] =	vst v5;
	v5 =	vld.idx.msk [tilespmem:v7+s18+$0x0], $0xffff  }
0x27c: {  	[tilespmem:s0+$0xFFFFFFE0] =	vst @p2 v17;
	v7 =	vld.idx.msk [tilespmem:v9+s18+$0x0], $0xffff  }
0x27d: {  	[tilespmem:s0+$0xFFFFFFF0] =	vst @p2 v4;
	v4 =	vld.idx.msk [tilespmem:v10+s18+$0x0], $0xffff  }
0x27e: {  	v63 =	vld.idx.msk [tilespmem:v18+s18+$0x0], $0xffff;
	[tilespmem:s28+$0xFFFFFFA0] =	vst v6  }
0x27f: {  	v6 =	vld.idx.msk [tilespmem:v11+s18+$0x0], $0xffff;
	[tilespmem:s28+$0xFFFFFFB0] =	vst v8  }
0x280: {  	[tilespmem:s28+$0xFFFFFFC0] =	vst v5  }
0x281: {  	[tilespmem:s28+$0xFFFFFFD0] =	vst v7  }
0x282: {  	[tilespmem:s28+$0xFFFFFFE0] =	vst v4  }
0x283: {  	[tilespmem:s28+$0xFFFFFF90] =	vst v63  }
0x284: {  	s29 =	simm.s32 $0x11470;
	[tilespmem:s28+$0xFFFFFFF0] =	vst v6  }
0x285: {  	v4 =	vld [tilespmem:s29+$0x0]  }
0x286: {  	v5 =	vld [tilespmem:s29+$0xFFFFFFA0]  }
0x287: {  	v6 =	vld [tilespmem:s29+$0xFFFFFFB0]  }
0x288: {  	v9 =	vld [tilespmem:s29+$0xFFFFFFD0]  }
0x289: {  	v10 =	vld [tilespmem:s29+$0xFFFFFFE0]  }
0x28a: {  	v11 =	vld [tilespmem:s29+$0xFFFFFFF0]  }
0x28b: {  	v7 =	vld [tilespmem:s29+$0xFFFFFFC0]  }
0x28c: {  	v4 =	vmul.f32 $2.560000000e+02, v4  }
0x28d: {  	v5 =	vmul.f32 $2.560000000e+02, v5  }
0x28e: {  	v12 =	vld [tilespmem:s29+$0xFFFFFF90];
	v8 =	vmul.f32 $2.560000000e+02, v6;
	v9 =	vmul.f32 $2.560000000e+02, v9;
	v4 =	vadd.f32 $1.261568000e+07, v4  }
0x28f: {  	v10 =	vmul.f32 $2.560000000e+02, v10;
	v11 =	vmul.f32 $2.560000000e+02, v11  }
0x290: {  	v6 =	vadd.f32 $1.261568000e+07, v5;
	v5 =	vmul.f32 $2.560000000e+02, v7;
	vm0 =	vgt.s32 v4, $0x4B400000  }
.Ltmp23:
0x291: {  	v8 =	vadd.f32 $1.261568000e+07, v8;
	v9 =	vadd.f32 $1.261568000e+07, v9;
	v4 =	vnsel vm0, $0x4B400000, v4;
	(pc) =	sbr.rel @!p1 .LBB2_45-.Ltmp23, $4  }
0x292: {  	v10 =	vadd.f32 $1.261568000e+07, v10;
	v11 =	vadd.f32 $1.261568000e+07, v11;
	v4 =	vmin.u32 v4, $0x4B40FFFF  }
0x293: {  	v7 =	vadd.f32 $1.261568000e+07, v5;
	v5 =	vand.u32 $0xFFFF, v4;
	v4 =	vmul.f32 $2.560000000e+02, v12  }
0x294: {  	vm2 =	vgt.s32 v6, $0x4B400000;
	vm4 =	vgt.s32 v8, $0x4B400000;
	vm3 =	vgt.s32 v9, $0x4B400000  }
0x295: {  	s28 =	simm.s32 $0x11870;
	vm0 =	vgt.s32 v10, $0x4B400000;
	vm1 =	vgt.s32 v7, $0x4B400000;
	v18 =	vadd.f32 $1.261568000e+07, v4  }
0x296: {  	v4 =	vld [tilespmem:s28+$0x0];
	v6 =	vnsel vm2, $0x4B400000, v6;
	v8 =	vnsel vm4, $0x4B400000, v8;
	vm2 =	vgt.s32 v11, $0x4B400000  }
0x297: {  	v7 =	vnsel vm1, $0x4B400000, v7;
	v9 =	vnsel vm3, $0x4B400000, v9;
	v12 =	vld [tilespmem:s28+$0xFFFFFFA0];
	v10 =	vnsel vm0, $0x4B400000, v10  }
0x298: {  	v14 =	vld [tilespmem:s28+$0xFFFFFFB0];
	vm4 =	vgt.s32 v18, $0x4B400000;
	v11 =	vnsel vm2, $0x4B400000, v11;
	v6 =	vmin.u32 v6, $0x4B40FFFF  }
0x299: {  	v15 =	vld [tilespmem:s28+$0xFFFFFFC0];
	v8 =	vmin.u32 v8, $0x4B40FFFF;
	v7 =	vmin.u32 v7, $0x4B40FFFF;
	v9 =	vmin.u32 v9, $0x4B40FFFF  }
0x29a: {  	v16 =	vld [tilespmem:s28+$0xFFFFFFD0];
	v10 =	vmin.u32 v10, $0x4B40FFFF;
	v13 =	vnsel vm4, $0x4B400000, v18;
	v11 =	vmin.u32 v11, $0x4B40FFFF  }
0x29b: {  	v17 =	vld [tilespmem:s28+$0xFFFFFFE0];
	v18 =	vand.u32 $0xFFFF, v6;
	v13 =	vmin.u32 v13, $0x4B40FFFF;
	v4 =	vmul.f32 $2.560000000e+02, v4  }
0x29c: {  	v22 =	vld [tilespmem:s28+$0xFFFFFF90];
	v19 =	vand.u32 $0xFFFF, v8;
	v20 =	vand.u32 $0xFFFF, v7;
	v13 =	vand.u32 $0xFFFF, v13  }
0x29d: {  	v21 =	vand.u32 $0xFFFF, v9;
	v6 =	vmul.f32 $2.560000000e+02, v12;
	v12 =	vld [tilespmem:s28+$0xFFFFFFF0];
	v7 =	vadd.f32 $1.261568000e+07, v4  }
0x29e: {  	v24 =	vld.idx.msk [tilespmem:v5+s18+$0x0], $0xffff;
	v23 =	vand.u32 $0xFFFF, v10;
	v8 =	vmul.f32 $2.560000000e+02, v14;
	v5 =	vmul.f32 $2.560000000e+02, v15  }
0x29f: {  	v9 =	vmul.f32 $2.560000000e+02, v16;
	v4 =	vand.u32 $0xFFFF, v11;
	vm0 =	vgt.s32 v7, $0x4B400000  }
0x2a0: {  	p1 =	por $0x1, $0x1;
	v6 =	vadd.f32 $1.261568000e+07, v6;
	v8 =	vadd.f32 $1.261568000e+07, v8;
	v14 =	vld.idx.msk [tilespmem:v18+s18+$0x0], $0xffff;
	v10 =	vnsel vm0, $0x4B400000, v7  }
.Ltmp24:
0x2a1: {  	v11 =	vmul.f32 $2.560000000e+02, v17;
	v16 =	vld.idx.msk [tilespmem:v13+s18+$0x0], $0xffff;
	v7 =	vadd.f32 $1.261568000e+07, v5;
	v5 =	vmin.u32 v10, $0x4B40FFFF;
	(pc) =	sbr.rel @!p1 .LBB2_47-.Ltmp24, $4  }
0x2a2: {  	v17 =	vmul.f32 $2.560000000e+02, v22;
	v13 =	vld.idx.msk [tilespmem:v20+s18+$0x0], $0xffff;
	v15 =	vmul.f32 $2.560000000e+02, v12;
	v5 =	vand.u32 $0xFFFF, v5  }
0x2a3: {  	v9 =	vadd.f32 $1.261568000e+07, v9;
	vm2 =	vgt.s32 v6, $0x4B400000;
	v12 =	vld.idx.msk [tilespmem:v19+s18+$0x0], $0xffff;
	v10 =	vadd.f32 $1.261568000e+07, v11  }
0x2a4: {  	vm4 =	vgt.s32 v8, $0x4B400000;
	v18 =	vadd.f32 $1.261568000e+07, v17;
	v17 =	vld.idx.msk [tilespmem:v23+s18+$0x0], $0xffff;
	v11 =	vadd.f32 $1.261568000e+07, v15  }
0x2a5: {  	s30 =	simm.s32 $0x8;
	s0 =	simm.s32 $0x11C70;
	p0 =	por $0x1, $0x1;
	[tilespmem:s29+$0x0] =	vst v24;
	vm3 =	vgt.s32 v9, $0x4B400000;
	vm1 =	vgt.s32 v7, $0x4B400000;
	v15 =	vld.idx.msk [tilespmem:v21+s18+$0x0], $0xffff;
	vm0 =	vgt.s32 v10, $0x4B400000  }
.LBB2_48:
0x2a6: {  	v19 =	vld [tilespmem:s0+$0x0];
	s30 =	sadd.s32 $0x8, s30;
	v6 =	vnsel vm2, $0x4B400000, v6;
	v8 =	vnsel vm4, $0x4B400000, v8;
	vm2 =	vgt.s32 v11, $0x4B400000;
	[tilespmem:s29+$0xFFFFFF90] =	vst v16  }
0x2a7: {  	v7 =	vnsel vm1, $0x4B400000, v7;
	v9 =	vnsel vm3, $0x4B400000, v9;
	p1 =	slt.u32 s30, $0x78;
	vm4 =	vgt.s32 v18, $0x4B400000;
	v5 =	vld.idx.msk [tilespmem:v5+s18+$0x0], $0xffff;
	[tilespmem:s29+$0xFFFFFFA0] =	vst v14  }
0x2a8: {  	v10 =	vnsel vm0, $0x4B400000, v10;
	v11 =	vnsel vm2, $0x4B400000, v11;
	v14 =	vld [tilespmem:s0+$0xFFFFFFA0];
	v16 =	vnsel vm4, $0x4B400000, v18;
	[tilespmem:s29+$0xFFFFFFB0] =	vst v12  }
0x2a9: {  	v6 =	vmin.u32 v6, $0x4B40FFFF;
	v8 =	vmin.u32 v8, $0x4B40FFFF;
	v12 =	vld [tilespmem:s0+$0xFFFFFFB0];
	v16 =	vmin.u32 v16, $0x4B40FFFF;
	[tilespmem:s29+$0xFFFFFFC0] =	vst v13  }
0x2aa: {  	v7 =	vmin.u32 v7, $0x4B40FFFF;
	v9 =	vmin.u32 v9, $0x4B40FFFF;
	v10 =	vmin.u32 v10, $0x4B40FFFF;
	v13 =	vld [tilespmem:s0+$0xFFFFFFC0];
	[tilespmem:s29+$0xFFFFFFD0] =	vst v15  }
0x2ab: {  	v11 =	vmin.u32 v11, $0x4B40FFFF;
	v16 =	vand.u32 $0xFFFF, v16;
	v15 =	vld [tilespmem:s0+$0xFFFFFFD0];
	v18 =	vmul.f32 $2.560000000e+02, v19;
	[tilespmem:s29+$0xFFFFFFE0] =	vst v17  }
0x2ac: {  	v20 =	vand.u32 $0xFFFF, v8;
	v21 =	vand.u32 $0xFFFF, v7;
	v19 =	vand.u32 $0xFFFF, v6;
	v17 =	vld [tilespmem:s0+$0xFFFFFFE0]  }
0x2ad: {  	v6 =	vmul.f32 $2.560000000e+02, v14;
	v22 =	vld [tilespmem:s0+$0xFFFFFFF0];
	v7 =	vadd.f32 $1.261568000e+07, v18;
	v18 =	vand.u32 $0xFFFF, v9;
	[tilespmem:s28+$0x0] =	vst v5  }
0x2ae: {  	v24 =	vand.u32 $0xFFFF, v10;
	v8 =	vand.u32 $0xFFFF, v11;
	v23 =	vld [tilespmem:s0+$0xFFFFFF90];
	v5 =	vmul.f32 $2.560000000e+02, v12  }
0x2af: {  	v6 =	vadd.f32 $1.261568000e+07, v6;
	v9 =	vmul.f32 $2.560000000e+02, v13;
	vm0 =	vgt.s32 v7, $0x4B400000;
	v25 =	vld.idx.msk [tilespmem:v4+s18+$0x0], $0xffff;
	v4 =	vmovc v8  }
0x2b0: {  	v8 =	vadd.f32 $1.261568000e+07, v5;
	v5 =	vmul.f32 $2.560000000e+02, v15;
	v10 =	vnsel vm0, $0x4B400000, v7;
	v16 =	vld.idx.msk [tilespmem:v16+s18+$0x0], $0xffff  }
.Ltmp25:
0x2b1: {  	v7 =	vadd.f32 $1.261568000e+07, v9;
	v11 =	vmul.f32 $2.560000000e+02, v17;
	v10 =	vmin.u32 v10, $0x4B40FFFF;
	v14 =	vld.idx.msk [tilespmem:v19+s18+$0x0], $0xffff;
	(pc) =	sbr.rel @p1 .LBB2_48-.Ltmp25, $4  }
0x2b2: {  	v9 =	vadd.f32 $1.261568000e+07, v5;
	v15 =	vmul.f32 $2.560000000e+02, v22;
	v5 =	vand.u32 $0xFFFF, v10;
	v12 =	vld.idx.msk [tilespmem:v20+s18+$0x0], $0xffff  }
0x2b3: {  	vm2 =	vgt.s32 v6, $0x4B400000;
	v17 =	vmul.f32 $2.560000000e+02, v23;
	v10 =	vadd.f32 $1.261568000e+07, v11;
	v13 =	vld.idx.msk [tilespmem:v21+s18+$0x0], $0xffff  }
0x2b4: {  	vm4 =	vgt.s32 v8, $0x4B400000;
	vm1 =	vgt.s32 v7, $0x4B400000;
	v11 =	vadd.f32 $1.261568000e+07, v15;
	v15 =	vld.idx.msk [tilespmem:v18+s18+$0x0], $0xffff  }
0x2b5: {  	vm3 =	vgt.s32 v9, $0x4B400000;
	v18 =	vadd.f32 $1.261568000e+07, v17;
	vm0 =	vgt.s32 v10, $0x4B400000;
	v17 =	vld.idx.msk [tilespmem:v24+s18+$0x0], $0xffff;
	[tilespmem:s29+$0xFFFFFFF0] =	vst v25;
	s29 =	smov.u32 s28;
	s28 =	smov.u32 s0;
	s0 =	sadd.s32 $0x400, s0  }
0x2b6: {  	s0 =	smov.u32 s29;
	s29 =	smov.u32 s28  }
.LBB2_50:
0x2b7: {  	vm5 =	vgt.s32 v18, $0x4B400000;
	v6 =	vnsel vm2, $0x4B400000, v6  }
0x2b8: {  	v8 =	vnsel vm4, $0x4B400000, v8;
	vm15 =	vgt.s32 v11, $0x4B400000;
	v6 =	vmin.u32 v6, $0x4B40FFFF  }
0x2b9: {  	v7 =	vnsel vm1, $0x4B400000, v7;
	v8 =	vmin.u32 v8, $0x4B40FFFF;
	v6 =	vand.u32 $0xFFFF, v6  }
0x2ba: {  	v9 =	vnsel vm3, $0x4B400000, v9;
	v7 =	vmin.u32 v7, $0x4B40FFFF;
	v8 =	vand.u32 $0xFFFF, v8  }
0x2bb: {  	[tilespmem:s0+$0xFFFFFF90] =	vst @p0 v16;
	v5 =	vld.idx.msk [tilespmem:v5+s18+$0x0], $0xffff;
	v10 =	vnsel vm0, $0x4B400000, v10;
	v9 =	vmin.u32 v9, $0x4B40FFFF;
	v7 =	vand.u32 $0xFFFF, v7  }
0x2bc: {  	[tilespmem:s0+$0xFFFFFFA0] =	vst @p0 v14;
	v18 =	vnsel vm5, $0x4B400000, v18;
	v10 =	vmin.u32 v10, $0x4B40FFFF;
	v9 =	vand.u32 $0xFFFF, v9  }
0x2bd: {  	[tilespmem:s0+$0xFFFFFFB0] =	vst @p0 v12;
	v4 =	vld.idx.msk @p0 [tilespmem:v4+s18+$0x0], $0xffff;
	v11 =	vnsel vm15, $0x4B400000, v11;
	v18 =	vmin.u32 v18, $0x4B40FFFF;
	v10 =	vand.u32 $0xFFFF, v10  }
0x2be: {  	[tilespmem:s0+$0xFFFFFFC0] =	vst @p0 v13;
	v11 =	vmin.u32 v11, $0x4B40FFFF;
	v18 =	vand.u32 $0xFFFF, v18;
	v6 =	vld.idx.msk [tilespmem:v6+s18+$0x0], $0xffff  }
0x2bf: {  	[tilespmem:s0+$0xFFFFFFD0] =	vst @p0 v15;
	v11 =	vand.u32 $0xFFFF, v11;
	v8 =	vld.idx.msk [tilespmem:v8+s18+$0x0], $0xffff  }
0x2c0: {  	[tilespmem:s29+$0x0] =	vst v5;
	v5 =	vld.idx.msk [tilespmem:v7+s18+$0x0], $0xffff  }
0x2c1: {  	[tilespmem:s0+$0xFFFFFFE0] =	vst @p0 v17;
	v62 =	vld.idx.msk [tilespmem:v9+s18+$0x0], $0xffff  }
0x2c2: {  	[tilespmem:s0+$0xFFFFFFF0] =	vst @p0 v4;
	v4 =	vld.idx.msk [tilespmem:v10+s18+$0x0], $0xffff  }
0x2c3: {  	v61 =	vld.idx.msk [tilespmem:v18+s18+$0x0], $0xffff;
	[tilespmem:s29+$0xFFFFFFA0] =	vst v6  }
0x2c4: {  	v63 =	vld.idx.msk [tilespmem:v11+s18+$0x0], $0xffff;
	[tilespmem:s29+$0xFFFFFFB0] =	vst v8  }
0x2c5: {  	s31 =	smul.u32 $0x18, s26;
	p0 =	seq.s32 s26, $0x0;
	[tilespmem:s29+$0xFFFFFFC0] =	vst v5  }
.Ltmp26:
0x2c6: {  	[tilespmem:s29+$0xFFFFFFD0] =	vst v62;
	(pc) =	sbr.rel @p0 .LBB2_53-.Ltmp26, $4  }
0x2c7: {  	s0 =	sadd.s32 s6, s31;
	[tilespmem:s29+$0xFFFFFFE0] =	vst v4  }
0x2c8: {  	s0 =	sshll.u32 s0, $0x8;
	[tilespmem:s29+$0xFFFFFF90] =	vst v61  }
0x2c9: {  	s0 =	sadd.s32 s4, s0;
	[tilespmem:s29+$0xFFFFFFF0] =	vst v63  }
0x2ca: {  	[hbm4b:s0+s5] =	stream.linear.scatter [tilespmem:s14], [sflag:$0x4], $0x4000, $0x38;
	[tilespmem:$0x1D080] =	vst v63  }
0x2cb: {  	p0 =	seq.s32 s26, $0x15  }
.Ltmp27:
0x2cc: {  	_ = 	snop;
	(pc) =	sbr.rel @p0 .LBB2_135-.Ltmp27, $1  }
0x2cd: {  	_ =	sdelay $0x3  }
0x2ce: {  	_ =	swait.ge [sflag:s24], $0x4000  }
0x2cf: {  	[sflag:s24] =	ssyncset.done $0x0  }
0x2d0: {  	[sflag:s24] =	ssyncadd.s32 $0xFFFFC000  }
.LBB2_53:
0x2d1: {  	s28 =	smul.u32 $0x3, s26;
	p0 =	seq.s32 s26, $0x15  }
.Ltmp28:
0x2d2: {  	_ = 	snop;
	(pc) =	sbr.rel @p0 .LBB2_135-.Ltmp28, $4  }
0x2d3: {  	s0 =	sadd.s32 s13, s28  }
0x2d4: {  	s29 =	sshll.u32 s0, $0xB  }
0x2d5: {  	s0 =	sadd.s32 s1, s29  }
0x2d6: {  	[tilespmem:s19], [sflag:$0x3] =	stream.linear.gather [hbm4b:s0+s5], $0x4000, $0x38;
	[tilespmem:$0x1D080] =	vst v63  }
0x2d7: {  	_ =	swait.ge [sflag:s20], $0x4000  }
0x2d8: {  	[sflag:s20] =	ssyncset.done $0x0  }
0x2d9: {  	s30 =	simm.s32 $0x150C0;
	[sflag:s20] =	ssyncadd.s32 $0xFFFFC000  }
0x2da: {  	v4 =	vld [tilespmem:s30+$0x30]  }
0x2db: {  	v5 =	vld [tilespmem:s30+$0xFFFFFFD0]  }
0x2dc: {  	v6 =	vld [tilespmem:s30+$0xFFFFFFE0]  }
0x2dd: {  	v7 =	vld [tilespmem:s30+$0xFFFFFFF0]  }
0x2de: {  	v8 =	vld [tilespmem:s30+$0x0]  }
0x2df: {  	v9 =	vld [tilespmem:s30+$0x10]  }
0x2e0: {  	v10 =	vld [tilespmem:s30+$0x20];
	_ =	sdelay $0x1  }
0x2e1: {  	v4 =	vmul.f32 $2.560000000e+02, v4;
	v5 =	vmul.f32 $2.560000000e+02, v5  }
0x2e2: {  	v6 =	vmul.f32 $2.560000000e+02, v6;
	v7 =	vmul.f32 $2.560000000e+02, v7  }
0x2e3: {  	v11 =	vld [tilespmem:s30+$0xFFFFFFC0];
	v8 =	vmul.f32 $2.560000000e+02, v8;
	v9 =	vmul.f32 $2.560000000e+02, v9;
	v4 =	vadd.f32 $1.261568000e+07, v4  }
0x2e4: {  	v10 =	vmul.f32 $2.560000000e+02, v10;
	v5 =	vadd.f32 $1.261568000e+07, v5;
	v6 =	vadd.f32 $1.261568000e+07, v6  }
0x2e5: {  	v7 =	vadd.f32 $1.261568000e+07, v7;
	v8 =	vadd.f32 $1.261568000e+07, v8;
	vm0 =	vgt.s32 v4, $0x4B400000  }
0x2e6: {  	v9 =	vadd.f32 $1.261568000e+07, v9;
	v10 =	vadd.f32 $1.261568000e+07, v10;
	v4 =	vnsel vm0, $0x4B400000, v4  }
0x2e7: {  	vm1 =	vgt.s32 v6, $0x4B400000;
	vm2 =	vgt.s32 v7, $0x4B400000;
	v4 =	vmin.u32 v4, $0x4B40FFFF  }
0x2e8: {  	vm3 =	vgt.s32 v8, $0x4B400000;
	v12 =	vand.u32 $0xFFFF, v4;
	v4 =	vmul.f32 $2.560000000e+02, v11  }
0x2e9: {  	s31 =	simm.s32 $0x154C0;
	vm4 =	vgt.s32 v9, $0x4B400000;
	vm0 =	vgt.s32 v5, $0x4B400000;
	v6 =	vnsel vm1, $0x4B400000, v6  }
0x2ea: {  	v7 =	vnsel vm2, $0x4B400000, v7;
	v8 =	vnsel vm3, $0x4B400000, v8;
	v11 =	vld [tilespmem:s31+$0x30];
	v4 =	vadd.f32 $1.261568000e+07, v4  }
0x2eb: {  	v13 =	vld [tilespmem:s31+$0xFFFFFFD0];
	v9 =	vnsel vm4, $0x4B400000, v9;
	v5 =	vnsel vm0, $0x4B400000, v5;
	vm0 =	vgt.s32 v10, $0x4B400000  }
0x2ec: {  	v14 =	vld [tilespmem:s31+$0xFFFFFFE0];
	v6 =	vmin.u32 v6, $0x4B40FFFF;
	v7 =	vmin.u32 v7, $0x4B40FFFF;
	vm1 =	vgt.s32 v4, $0x4B400000  }
0x2ed: {  	v16 =	vld [tilespmem:s31+$0x0];
	v8 =	vmin.u32 v8, $0x4B40FFFF;
	v9 =	vmin.u32 v9, $0x4B40FFFF;
	v4 =	vnsel vm1, $0x4B400000, v4  }
0x2ee: {  	v15 =	vld [tilespmem:s31+$0xFFFFFFF0];
	v10 =	vnsel vm0, $0x4B400000, v10;
	v5 =	vmin.u32 v5, $0x4B40FFFF;
	v4 =	vmin.u32 v4, $0x4B40FFFF  }
0x2ef: {  	v6 =	vand.u32 $0xFFFF, v6;
	v11 =	vmul.f32 $2.560000000e+02, v11;
	v17 =	vand.u32 $0xFFFF, v4  }
0x2f0: {  	v18 =	vand.u32 $0xFFFF, v7;
	v5 =	vand.u32 $0xFFFF, v5;
	v4 =	vmin.u32 v10, $0x4B40FFFF;
	v10 =	vld [tilespmem:s31+$0x10]  }
0x2f1: {  	v19 =	vld [tilespmem:s31+$0x20];
	v7 =	vmul.f32 $2.560000000e+02, v13;
	v8 =	vand.u32 $0xFFFF, v8;
	v11 =	vadd.f32 $1.261568000e+07, v11  }
0x2f2: {  	v20 =	vld [tilespmem:s31+$0xFFFFFFC0];
	v13 =	vmul.f32 $2.560000000e+02, v14;
	v21 =	vand.u32 $0xFFFF, v9;
	v14 =	vmul.f32 $2.560000000e+02, v16  }
0x2f3: {  	v9 =	vadd.f32 $1.261568000e+07, v7;
	v7 =	vmul.f32 $2.560000000e+02, v15;
	v22 =	vld.idx.msk [tilespmem:v12+s18+$0x0], $0xffff;
	vm0 =	vgt.s32 v11, $0x4B400000  }
0x2f4: {  	v13 =	vadd.f32 $1.261568000e+07, v13;
	v14 =	vadd.f32 $1.261568000e+07, v14;
	v15 =	vnsel vm0, $0x4B400000, v11;
	v11 =	vld.idx.msk [tilespmem:v17+s18+$0x0], $0xffff  }
0x2f5: {  	v12 =	vadd.f32 $1.261568000e+07, v7;
	v7 =	vmin.u32 v15, $0x4B40FFFF;
	v16 =	vmul.f32 $2.560000000e+02, v10;
	v10 =	vld.idx.msk [tilespmem:v5+s18+$0x0], $0xffff  }
0x2f6: {  	vm2 =	vgt.s32 v9, $0x4B400000;
	v5 =	vmul.f32 $2.560000000e+02, v19;
	v15 =	vand.u32 $0xFFFF, v7;
	v7 =	vld.idx.msk [tilespmem:v6+s18+$0x0], $0xffff  }
0x2f7: {  	vm4 =	vgt.s32 v13, $0x4B400000;
	v19 =	vmul.f32 $2.560000000e+02, v20;
	v6 =	vld.idx.msk [tilespmem:v18+s18+$0x0], $0xffff;
	v16 =	vadd.f32 $1.261568000e+07, v16  }
0x2f8: {  	vm3 =	vgt.s32 v14, $0x4B400000;
	vm1 =	vgt.s32 v12, $0x4B400000;
	v17 =	vadd.f32 $1.261568000e+07, v5;
	v5 =	vld.idx.msk [tilespmem:v8+s18+$0x0], $0xffff  }
0x2f9: {  	s0 =	simm.s32 $0x8;
	s2 =	simm.s32 $0x158C0;
	v4 =	vand.u32 $0xFFFF, v4;
	[tilespmem:s30+$0x30] =	vst v22;
	v18 =	vadd.f32 $1.261568000e+07, v19;
	v8 =	vld.idx.msk [tilespmem:v21+s18+$0x0], $0xffff;
	vm0 =	vgt.s32 v16, $0x4B400000  }
.LBB2_55:
0x2fa: {  	v19 =	vld [tilespmem:s2+$0x30];
	s0 =	sadd.s32 $0x8, s0;
	v9 =	vnsel vm2, $0x4B400000, v9;
	v13 =	vnsel vm4, $0x4B400000, v13;
	vm2 =	vgt.s32 v17, $0x4B400000;
	[tilespmem:s30+$0xFFFFFFC0] =	vst v11  }
0x2fb: {  	v11 =	vnsel vm1, $0x4B400000, v12;
	v12 =	vnsel vm3, $0x4B400000, v14;
	p0 =	slt.u32 s0, $0x78;
	vm4 =	vgt.s32 v18, $0x4B400000;
	v14 =	vld.idx.msk [tilespmem:v15+s18+$0x0], $0xffff;
	[tilespmem:s30+$0xFFFFFFD0] =	vst v10  }
0x2fc: {  	v16 =	vnsel vm0, $0x4B400000, v16;
	v17 =	vnsel vm2, $0x4B400000, v17;
	v10 =	vld [tilespmem:s2+$0xFFFFFFD0];
	v15 =	vnsel vm4, $0x4B400000, v18;
	[tilespmem:s30+$0xFFFFFFE0] =	vst v7  }
0x2fd: {  	v9 =	vmin.u32 v9, $0x4B40FFFF;
	v13 =	vmin.u32 v13, $0x4B40FFFF;
	v7 =	vld [tilespmem:s2+$0xFFFFFFE0];
	v15 =	vmin.u32 v15, $0x4B40FFFF;
	[tilespmem:s30+$0xFFFFFFF0] =	vst v6  }
0x2fe: {  	v11 =	vmin.u32 v11, $0x4B40FFFF;
	v12 =	vmin.u32 v12, $0x4B40FFFF;
	v16 =	vmin.u32 v16, $0x4B40FFFF;
	v6 =	vld [tilespmem:s2+$0xFFFFFFF0];
	[tilespmem:s30+$0x0] =	vst v5  }
0x2ff: {  	v17 =	vmin.u32 v17, $0x4B40FFFF;
	v15 =	vand.u32 $0xFFFF, v15;
	v5 =	vld [tilespmem:s2+$0x0];
	v18 =	vmul.f32 $2.560000000e+02, v19;
	[tilespmem:s30+$0x10] =	vst v8  }
0x300: {  	v20 =	vand.u32 $0xFFFF, v13;
	v21 =	vand.u32 $0xFFFF, v11;
	v19 =	vand.u32 $0xFFFF, v9;
	v8 =	vld [tilespmem:s2+$0x10]  }
0x301: {  	v9 =	vmul.f32 $2.560000000e+02, v10;
	v22 =	vld [tilespmem:s2+$0x20];
	v10 =	vadd.f32 $1.261568000e+07, v18;
	v18 =	vand.u32 $0xFFFF, v12;
	[tilespmem:s31+$0x30] =	vst v14  }
0x302: {  	v24 =	vand.u32 $0xFFFF, v16;
	v11 =	vand.u32 $0xFFFF, v17;
	v23 =	vld [tilespmem:s2+$0xFFFFFFC0];
	v7 =	vmul.f32 $2.560000000e+02, v7  }
0x303: {  	v9 =	vadd.f32 $1.261568000e+07, v9;
	v6 =	vmul.f32 $2.560000000e+02, v6;
	vm0 =	vgt.s32 v10, $0x4B400000;
	v25 =	vld.idx.msk [tilespmem:v4+s18+$0x0], $0xffff;
	v4 =	vmovc v11  }
0x304: {  	v13 =	vadd.f32 $1.261568000e+07, v7;
	v5 =	vmul.f32 $2.560000000e+02, v5;
	v7 =	vnsel vm0, $0x4B400000, v10;
	v11 =	vld.idx.msk [tilespmem:v15+s18+$0x0], $0xffff  }
.Ltmp29:
0x305: {  	v12 =	vadd.f32 $1.261568000e+07, v6;
	v6 =	vmul.f32 $2.560000000e+02, v8;
	v7 =	vmin.u32 v7, $0x4B40FFFF;
	v10 =	vld.idx.msk [tilespmem:v19+s18+$0x0], $0xffff;
	(pc) =	sbr.rel @p0 .LBB2_55-.Ltmp29, $4  }
0x306: {  	v14 =	vadd.f32 $1.261568000e+07, v5;
	v5 =	vmul.f32 $2.560000000e+02, v22;
	v15 =	vand.u32 $0xFFFF, v7;
	v7 =	vld.idx.msk [tilespmem:v20+s18+$0x0], $0xffff  }
0x307: {  	vm2 =	vgt.s32 v9, $0x4B400000;
	v8 =	vmul.f32 $2.560000000e+02, v23;
	v16 =	vadd.f32 $1.261568000e+07, v6;
	v6 =	vld.idx.msk [tilespmem:v21+s18+$0x0], $0xffff  }
0x308: {  	vm4 =	vgt.s32 v13, $0x4B400000;
	vm1 =	vgt.s32 v12, $0x4B400000;
	v17 =	vadd.f32 $1.261568000e+07, v5;
	v5 =	vld.idx.msk [tilespmem:v18+s18+$0x0], $0xffff  }
0x309: {  	vm3 =	vgt.s32 v14, $0x4B400000;
	v18 =	vadd.f32 $1.261568000e+07, v8;
	vm0 =	vgt.s32 v16, $0x4B400000;
	v8 =	vld.idx.msk [tilespmem:v24+s18+$0x0], $0xffff;
	[tilespmem:s30+$0x20] =	vst v25;
	s30 =	smov.u32 s31;
	s31 =	smov.u32 s2;
	s2 =	sadd.s32 $0x400, s2  }
0x30a: {  	v9 =	vnsel vm2, $0x4B400000, v9;
	v13 =	vnsel vm4, $0x4B400000, v13  }
0x30b: {  	vm2 =	vgt.s32 v17, $0x4B400000;
	v12 =	vnsel vm1, $0x4B400000, v12;
	v9 =	vmin.u32 v9, $0x4B40FFFF  }
0x30c: {  	[tilespmem:s30+$0xFFFFFFC0] =	vst v11;
	v11 =	vnsel vm3, $0x4B400000, v14;
	v13 =	vmin.u32 v13, $0x4B40FFFF;
	v9 =	vand.u32 $0xFFFF, v9  }
0x30d: {  	[tilespmem:s30+$0xFFFFFFD0] =	vst v10;
	v10 =	vnsel vm0, $0x4B400000, v16;
	v12 =	vmin.u32 v12, $0x4B40FFFF;
	v13 =	vand.u32 $0xFFFF, v13  }
0x30e: {  	vm5 =	vgt.s32 v18, $0x4B400000;
	v11 =	vmin.u32 v11, $0x4B40FFFF;
	v12 =	vand.u32 $0xFFFF, v12  }
0x30f: {  	v14 =	vld.idx.msk [tilespmem:v15+s18+$0x0], $0xffff;
	v15 =	vnsel vm2, $0x4B400000, v17;
	[tilespmem:s30+$0xFFFFFFE0] =	vst v7;
	v7 =	vmin.u32 v10, $0x4B40FFFF;
	v10 =	vand.u32 $0xFFFF, v11  }
0x310: {  	v4 =	vld.idx.msk [tilespmem:v4+s18+$0x0], $0xffff;
	v18 =	vnsel vm5, $0x4B400000, v18;
	[tilespmem:s30+$0xFFFFFFF0] =	vst v6;
	v6 =	vmin.u32 v15, $0x4B40FFFF;
	v7 =	vand.u32 $0xFFFF, v7  }
0x311: {  	v18 =	vmin.u32 v18, $0x4B40FFFF;
	[tilespmem:s30+$0x0] =	vst v5;
	v5 =	vand.u32 $0xFFFF, v6;
	v6 =	vld.idx.msk [tilespmem:v9+s18+$0x0], $0xffff  }
0x312: {  	v18 =	vand.u32 $0xFFFF, v18;
	[tilespmem:s30+$0x10] =	vst v8;
	v8 =	vld.idx.msk [tilespmem:v13+s18+$0x0], $0xffff  }
0x313: {  	v9 =	vld.idx.msk [tilespmem:v12+s18+$0x0], $0xffff  }
0x314: {  	[tilespmem:s31+$0x30] =	vst v14;
	v10 =	vld.idx.msk [tilespmem:v10+s18+$0x0], $0xffff  }
0x315: {  	[tilespmem:s30+$0x20] =	vst v4;
	v4 =	vld.idx.msk [tilespmem:v7+s18+$0x0], $0xffff  }
0x316: {  	v5 =	vld.idx.msk [tilespmem:v5+s18+$0x0], $0xffff;
	[tilespmem:s31+$0xFFFFFFD0] =	vst v6  }
0x317: {  	v11 =	vld.idx.msk [tilespmem:v18+s18+$0x0], $0xffff;
	[tilespmem:s31+$0xFFFFFFE0] =	vst v8  }
0x318: {  	[tilespmem:s31+$0xFFFFFFF0] =	vst v9  }
0x319: {  	[tilespmem:s31+$0x0] =	vst v10  }
0x31a: {  	[tilespmem:s31+$0x10] =	vst v4  }
0x31b: {  	[tilespmem:s31+$0x20] =	vst v5  }
0x31c: {  	s30 =	simm.s32 $0x15170;
	[tilespmem:s31+$0xFFFFFFC0] =	vst v11  }
0x31d: {  	v4 =	vld [tilespmem:s30+$0x0]  }
0x31e: {  	v5 =	vld [tilespmem:s30+$0xFFFFFFA0]  }
0x31f: {  	v6 =	vld [tilespmem:s30+$0xFFFFFFB0]  }
0x320: {  	v7 =	vld [tilespmem:s30+$0xFFFFFFC0]  }
0x321: {  	v8 =	vld [tilespmem:s30+$0xFFFFFFD0]  }
0x322: {  	v9 =	vld [tilespmem:s30+$0xFFFFFFE0]  }
0x323: {  	v10 =	vld [tilespmem:s30+$0xFFFFFFF0];
	_ =	sdelay $0x1  }
0x324: {  	v4 =	vmul.f32 $2.560000000e+02, v4;
	v5 =	vmul.f32 $2.560000000e+02, v5  }
0x325: {  	v6 =	vmul.f32 $2.560000000e+02, v6;
	v7 =	vmul.f32 $2.560000000e+02, v7  }
0x326: {  	v11 =	vld [tilespmem:s30+$0xFFFFFF90];
	v8 =	vmul.f32 $2.560000000e+02, v8;
	v9 =	vmul.f32 $2.560000000e+02, v9;
	v4 =	vadd.f32 $1.261568000e+07, v4  }
0x327: {  	v10 =	vmul.f32 $2.560000000e+02, v10;
	v5 =	vadd.f32 $1.261568000e+07, v5;
	v6 =	vadd.f32 $1.261568000e+07, v6  }
0x328: {  	v7 =	vadd.f32 $1.261568000e+07, v7;
	v8 =	vadd.f32 $1.261568000e+07, v8;
	vm0 =	vgt.s32 v4, $0x4B400000  }
0x329: {  	v9 =	vadd.f32 $1.261568000e+07, v9;
	v10 =	vadd.f32 $1.261568000e+07, v10;
	v4 =	vnsel vm0, $0x4B400000, v4  }
0x32a: {  	vm1 =	vgt.s32 v6, $0x4B400000;
	vm2 =	vgt.s32 v7, $0x4B400000;
	v4 =	vmin.u32 v4, $0x4B40FFFF  }
0x32b: {  	vm3 =	vgt.s32 v8, $0x4B400000;
	v12 =	vand.u32 $0xFFFF, v4;
	v4 =	vmul.f32 $2.560000000e+02, v11  }
0x32c: {  	s31 =	simm.s32 $0x15570;
	vm4 =	vgt.s32 v9, $0x4B400000;
	vm0 =	vgt.s32 v5, $0x4B400000;
	v6 =	vnsel vm1, $0x4B400000, v6  }
0x32d: {  	v7 =	vnsel vm2, $0x4B400000, v7;
	v8 =	vnsel vm3, $0x4B400000, v8;
	v11 =	vld [tilespmem:s31+$0x0];
	v4 =	vadd.f32 $1.261568000e+07, v4  }
0x32e: {  	v13 =	vld [tilespmem:s31+$0xFFFFFFA0];
	v9 =	vnsel vm4, $0x4B400000, v9;
	v5 =	vnsel vm0, $0x4B400000, v5;
	vm0 =	vgt.s32 v10, $0x4B400000  }
0x32f: {  	v14 =	vld [tilespmem:s31+$0xFFFFFFB0];
	v6 =	vmin.u32 v6, $0x4B40FFFF;
	v7 =	vmin.u32 v7, $0x4B40FFFF;
	vm1 =	vgt.s32 v4, $0x4B400000  }
0x330: {  	v16 =	vld [tilespmem:s31+$0xFFFFFFD0];
	v8 =	vmin.u32 v8, $0x4B40FFFF;
	v9 =	vmin.u32 v9, $0x4B40FFFF;
	v4 =	vnsel vm1, $0x4B400000, v4  }
0x331: {  	v15 =	vld [tilespmem:s31+$0xFFFFFFC0];
	v10 =	vnsel vm0, $0x4B400000, v10;
	v5 =	vmin.u32 v5, $0x4B40FFFF;
	v4 =	vmin.u32 v4, $0x4B40FFFF  }
0x332: {  	v6 =	vand.u32 $0xFFFF, v6;
	v11 =	vmul.f32 $2.560000000e+02, v11;
	v17 =	vand.u32 $0xFFFF, v4  }
0x333: {  	v18 =	vand.u32 $0xFFFF, v7;
	v5 =	vand.u32 $0xFFFF, v5;
	v4 =	vmin.u32 v10, $0x4B40FFFF;
	v10 =	vld [tilespmem:s31+$0xFFFFFFE0]  }
0x334: {  	v19 =	vld [tilespmem:s31+$0xFFFFFFF0];
	v7 =	vmul.f32 $2.560000000e+02, v13;
	v8 =	vand.u32 $0xFFFF, v8;
	v11 =	vadd.f32 $1.261568000e+07, v11  }
0x335: {  	v20 =	vld [tilespmem:s31+$0xFFFFFF90];
	v13 =	vmul.f32 $2.560000000e+02, v14;
	v21 =	vand.u32 $0xFFFF, v9;
	v14 =	vmul.f32 $2.560000000e+02, v16  }
0x336: {  	v9 =	vadd.f32 $1.261568000e+07, v7;
	v7 =	vmul.f32 $2.560000000e+02, v15;
	v22 =	vld.idx.msk [tilespmem:v12+s18+$0x0], $0xffff;
	vm0 =	vgt.s32 v11, $0x4B400000  }
0x337: {  	v13 =	vadd.f32 $1.261568000e+07, v13;
	v14 =	vadd.f32 $1.261568000e+07, v14;
	v15 =	vnsel vm0, $0x4B400000, v11;
	v11 =	vld.idx.msk [tilespmem:v17+s18+$0x0], $0xffff  }
0x338: {  	v12 =	vadd.f32 $1.261568000e+07, v7;
	v7 =	vmin.u32 v15, $0x4B40FFFF;
	v16 =	vmul.f32 $2.560000000e+02, v10;
	v10 =	vld.idx.msk [tilespmem:v5+s18+$0x0], $0xffff  }
0x339: {  	vm2 =	vgt.s32 v9, $0x4B400000;
	v5 =	vmul.f32 $2.560000000e+02, v19;
	v15 =	vand.u32 $0xFFFF, v7;
	v7 =	vld.idx.msk [tilespmem:v6+s18+$0x0], $0xffff  }
0x33a: {  	vm4 =	vgt.s32 v13, $0x4B400000;
	v19 =	vmul.f32 $2.560000000e+02, v20;
	v6 =	vld.idx.msk [tilespmem:v18+s18+$0x0], $0xffff;
	v16 =	vadd.f32 $1.261568000e+07, v16  }
0x33b: {  	vm3 =	vgt.s32 v14, $0x4B400000;
	vm1 =	vgt.s32 v12, $0x4B400000;
	v17 =	vadd.f32 $1.261568000e+07, v5;
	v5 =	vld.idx.msk [tilespmem:v8+s18+$0x0], $0xffff  }
0x33c: {  	s0 =	simm.s32 $0x8;
	s2 =	simm.s32 $0x15970;
	v4 =	vand.u32 $0xFFFF, v4;
	[tilespmem:s30+$0x0] =	vst v22;
	v18 =	vadd.f32 $1.261568000e+07, v19;
	v8 =	vld.idx.msk [tilespmem:v21+s18+$0x0], $0xffff;
	vm0 =	vgt.s32 v16, $0x4B400000  }
.LBB2_57:
0x33d: {  	v19 =	vld [tilespmem:s2+$0x0];
	s0 =	sadd.s32 $0x8, s0;
	v9 =	vnsel vm2, $0x4B400000, v9;
	v13 =	vnsel vm4, $0x4B400000, v13;
	vm2 =	vgt.s32 v17, $0x4B400000;
	[tilespmem:s30+$0xFFFFFF90] =	vst v11  }
0x33e: {  	v11 =	vnsel vm1, $0x4B400000, v12;
	v12 =	vnsel vm3, $0x4B400000, v14;
	p0 =	slt.u32 s0, $0x78;
	vm4 =	vgt.s32 v18, $0x4B400000;
	v14 =	vld.idx.msk [tilespmem:v15+s18+$0x0], $0xffff;
	[tilespmem:s30+$0xFFFFFFA0] =	vst v10  }
0x33f: {  	v16 =	vnsel vm0, $0x4B400000, v16;
	v17 =	vnsel vm2, $0x4B400000, v17;
	v10 =	vld [tilespmem:s2+$0xFFFFFFA0];
	v15 =	vnsel vm4, $0x4B400000, v18;
	[tilespmem:s30+$0xFFFFFFB0] =	vst v7  }
0x340: {  	v9 =	vmin.u32 v9, $0x4B40FFFF;
	v13 =	vmin.u32 v13, $0x4B40FFFF;
	v7 =	vld [tilespmem:s2+$0xFFFFFFB0];
	v15 =	vmin.u32 v15, $0x4B40FFFF;
	[tilespmem:s30+$0xFFFFFFC0] =	vst v6  }
0x341: {  	v11 =	vmin.u32 v11, $0x4B40FFFF;
	v12 =	vmin.u32 v12, $0x4B40FFFF;
	v16 =	vmin.u32 v16, $0x4B40FFFF;
	v6 =	vld [tilespmem:s2+$0xFFFFFFC0];
	[tilespmem:s30+$0xFFFFFFD0] =	vst v5  }
0x342: {  	v17 =	vmin.u32 v17, $0x4B40FFFF;
	v15 =	vand.u32 $0xFFFF, v15;
	v5 =	vld [tilespmem:s2+$0xFFFFFFD0];
	v18 =	vmul.f32 $2.560000000e+02, v19;
	[tilespmem:s30+$0xFFFFFFE0] =	vst v8  }
0x343: {  	v20 =	vand.u32 $0xFFFF, v13;
	v21 =	vand.u32 $0xFFFF, v11;
	v19 =	vand.u32 $0xFFFF, v9;
	v8 =	vld [tilespmem:s2+$0xFFFFFFE0]  }
0x344: {  	v9 =	vmul.f32 $2.560000000e+02, v10;
	v22 =	vld [tilespmem:s2+$0xFFFFFFF0];
	v10 =	vadd.f32 $1.261568000e+07, v18;
	v18 =	vand.u32 $0xFFFF, v12;
	[tilespmem:s31+$0x0] =	vst v14  }
0x345: {  	v24 =	vand.u32 $0xFFFF, v16;
	v11 =	vand.u32 $0xFFFF, v17;
	v23 =	vld [tilespmem:s2+$0xFFFFFF90];
	v7 =	vmul.f32 $2.560000000e+02, v7  }
0x346: {  	v9 =	vadd.f32 $1.261568000e+07, v9;
	v6 =	vmul.f32 $2.560000000e+02, v6;
	vm0 =	vgt.s32 v10, $0x4B400000;
	v25 =	vld.idx.msk [tilespmem:v4+s18+$0x0], $0xffff;
	v4 =	vmovc v11  }
0x347: {  	v13 =	vadd.f32 $1.261568000e+07, v7;
	v5 =	vmul.f32 $2.560000000e+02, v5;
	v7 =	vnsel vm0, $0x4B400000, v10;
	v11 =	vld.idx.msk [tilespmem:v15+s18+$0x0], $0xffff  }
.Ltmp30:
0x348: {  	v12 =	vadd.f32 $1.261568000e+07, v6;
	v6 =	vmul.f32 $2.560000000e+02, v8;
	v7 =	vmin.u32 v7, $0x4B40FFFF;
	v10 =	vld.idx.msk [tilespmem:v19+s18+$0x0], $0xffff;
	(pc) =	sbr.rel @p0 .LBB2_57-.Ltmp30, $4  }
0x349: {  	v14 =	vadd.f32 $1.261568000e+07, v5;
	v5 =	vmul.f32 $2.560000000e+02, v22;
	v15 =	vand.u32 $0xFFFF, v7;
	v7 =	vld.idx.msk [tilespmem:v20+s18+$0x0], $0xffff  }
0x34a: {  	vm2 =	vgt.s32 v9, $0x4B400000;
	v8 =	vmul.f32 $2.560000000e+02, v23;
	v16 =	vadd.f32 $1.261568000e+07, v6;
	v6 =	vld.idx.msk [tilespmem:v21+s18+$0x0], $0xffff  }
0x34b: {  	vm4 =	vgt.s32 v13, $0x4B400000;
	vm1 =	vgt.s32 v12, $0x4B400000;
	v17 =	vadd.f32 $1.261568000e+07, v5;
	v5 =	vld.idx.msk [tilespmem:v18+s18+$0x0], $0xffff  }
0x34c: {  	vm3 =	vgt.s32 v14, $0x4B400000;
	v18 =	vadd.f32 $1.261568000e+07, v8;
	vm0 =	vgt.s32 v16, $0x4B400000;
	v8 =	vld.idx.msk [tilespmem:v24+s18+$0x0], $0xffff;
	[tilespmem:s30+$0xFFFFFFF0] =	vst v25;
	s30 =	smov.u32 s31;
	s31 =	smov.u32 s2;
	s2 =	sadd.s32 $0x400, s2  }
0x34d: {  	v9 =	vnsel vm2, $0x4B400000, v9;
	v13 =	vnsel vm4, $0x4B400000, v13  }
0x34e: {  	vm2 =	vgt.s32 v17, $0x4B400000;
	v12 =	vnsel vm1, $0x4B400000, v12;
	v9 =	vmin.u32 v9, $0x4B40FFFF  }
0x34f: {  	[tilespmem:s30+$0xFFFFFF90] =	vst v11;
	v11 =	vnsel vm3, $0x4B400000, v14;
	v13 =	vmin.u32 v13, $0x4B40FFFF;
	v9 =	vand.u32 $0xFFFF, v9  }
0x350: {  	[tilespmem:s30+$0xFFFFFFA0] =	vst v10;
	v10 =	vnsel vm0, $0x4B400000, v16;
	v12 =	vmin.u32 v12, $0x4B40FFFF;
	v13 =	vand.u32 $0xFFFF, v13  }
0x351: {  	vm5 =	vgt.s32 v18, $0x4B400000;
	v11 =	vmin.u32 v11, $0x4B40FFFF;
	v12 =	vand.u32 $0xFFFF, v12  }
0x352: {  	v61 =	vld.idx.msk [tilespmem:v15+s18+$0x0], $0xffff;
	v62 =	vnsel vm2, $0x4B400000, v17;
	[tilespmem:s30+$0xFFFFFFB0] =	vst v7;
	v7 =	vmin.u32 v10, $0x4B40FFFF;
	v10 =	vand.u32 $0xFFFF, v11  }
0x353: {  	v4 =	vld.idx.msk [tilespmem:v4+s18+$0x0], $0xffff;
	v18 =	vnsel vm5, $0x4B400000, v18;
	[tilespmem:s30+$0xFFFFFFC0] =	vst v6;
	v6 =	vmin.u32 v62, $0x4B40FFFF;
	v7 =	vand.u32 $0xFFFF, v7  }
0x354: {  	v18 =	vmin.u32 v18, $0x4B40FFFF;
	[tilespmem:s30+$0xFFFFFFD0] =	vst v5;
	v5 =	vand.u32 $0xFFFF, v6;
	v6 =	vld.idx.msk [tilespmem:v9+s18+$0x0], $0xffff  }
0x355: {  	v18 =	vand.u32 $0xFFFF, v18;
	[tilespmem:s30+$0xFFFFFFE0] =	vst v8;
	v8 =	vld.idx.msk [tilespmem:v13+s18+$0x0], $0xffff  }
0x356: {  	v9 =	vld.idx.msk [tilespmem:v12+s18+$0x0], $0xffff  }
0x357: {  	[tilespmem:s31+$0x0] =	vst v61;
	v10 =	vld.idx.msk [tilespmem:v10+s18+$0x0], $0xffff  }
0x358: {  	[tilespmem:s30+$0xFFFFFFF0] =	vst v4;
	v4 =	vld.idx.msk [tilespmem:v7+s18+$0x0], $0xffff  }
0x359: {  	v5 =	vld.idx.msk [tilespmem:v5+s18+$0x0], $0xffff;
	[tilespmem:s31+$0xFFFFFFA0] =	vst v6  }
0x35a: {  	v11 =	vld.idx.msk [tilespmem:v18+s18+$0x0], $0xffff;
	[tilespmem:s31+$0xFFFFFFB0] =	vst v8  }
0x35b: {  	[tilespmem:s31+$0xFFFFFFC0] =	vst v9  }
0x35c: {  	[tilespmem:s31+$0xFFFFFFD0] =	vst v10  }
0x35d: {  	[tilespmem:s31+$0xFFFFFFE0] =	vst v4  }
0x35e: {  	[tilespmem:s31+$0xFFFFFFF0] =	vst v5  }
0x35f: {  	s30 =	simm.s32 $0x151F0;
	[tilespmem:s31+$0xFFFFFF90] =	vst v11  }
0x360: {  	v4 =	vld [tilespmem:s30+$0x0]  }
0x361: {  	v5 =	vld [tilespmem:s30+$0xFFFFFFA0]  }
0x362: {  	v6 =	vld [tilespmem:s30+$0xFFFFFFB0]  }
0x363: {  	v9 =	vld [tilespmem:s30+$0xFFFFFFD0]  }
0x364: {  	v10 =	vld [tilespmem:s30+$0xFFFFFFE0]  }
0x365: {  	v11 =	vld [tilespmem:s30+$0xFFFFFFF0]  }
0x366: {  	v7 =	vld [tilespmem:s30+$0xFFFFFFC0]  }
0x367: {  	v4 =	vmul.f32 $2.560000000e+02, v4  }
0x368: {  	v5 =	vmul.f32 $2.560000000e+02, v5  }
0x369: {  	v63 =	vld [tilespmem:s30+$0xFFFFFF90];
	v8 =	vmul.f32 $2.560000000e+02, v6;
	v9 =	vmul.f32 $2.560000000e+02, v9;
	v4 =	vadd.f32 $1.261568000e+07, v4  }
0x36a: {  	v10 =	vmul.f32 $2.560000000e+02, v10;
	v11 =	vmul.f32 $2.560000000e+02, v11  }
0x36b: {  	p1 =	por $0x1, $0x1;
	v6 =	vadd.f32 $1.261568000e+07, v5;
	v5 =	vmul.f32 $2.560000000e+02, v7;
	vm0 =	vgt.s32 v4, $0x4B400000  }
.Ltmp31:
0x36c: {  	v8 =	vadd.f32 $1.261568000e+07, v8;
	v9 =	vadd.f32 $1.261568000e+07, v9;
	v4 =	vnsel vm0, $0x4B400000, v4;
	(pc) =	sbr.rel @!p1 .LBB2_59-.Ltmp31, $4  }
0x36d: {  	v10 =	vadd.f32 $1.261568000e+07, v10;
	v11 =	vadd.f32 $1.261568000e+07, v11;
	v4 =	vmin.u32 v4, $0x4B40FFFF  }
0x36e: {  	v7 =	vadd.f32 $1.261568000e+07, v5;
	v5 =	vand.u32 $0xFFFF, v4;
	v4 =	vmul.f32 $2.560000000e+02, v63  }
0x36f: {  	vm2 =	vgt.s32 v6, $0x4B400000;
	vm4 =	vgt.s32 v8, $0x4B400000;
	vm3 =	vgt.s32 v9, $0x4B400000  }
0x370: {  	p0 =	por $0x0, $0x0;
	s31 =	simm.s32 $0x155F0;
	vm0 =	vgt.s32 v10, $0x4B400000;
	vm1 =	vgt.s32 v7, $0x4B400000;
	v18 =	vadd.f32 $1.261568000e+07, v4  }
0x371: {  	v4 =	vld [tilespmem:s31+$0x0];
	v6 =	vnsel vm2, $0x4B400000, v6;
	v8 =	vnsel vm4, $0x4B400000, v8;
	vm2 =	vgt.s32 v11, $0x4B400000  }
0x372: {  	v7 =	vnsel vm1, $0x4B400000, v7;
	v9 =	vnsel vm3, $0x4B400000, v9;
	v12 =	vld [tilespmem:s31+$0xFFFFFFA0];
	v10 =	vnsel vm0, $0x4B400000, v10  }
0x373: {  	v14 =	vld [tilespmem:s31+$0xFFFFFFB0];
	vm4 =	vgt.s32 v18, $0x4B400000;
	v11 =	vnsel vm2, $0x4B400000, v11;
	v6 =	vmin.u32 v6, $0x4B40FFFF  }
0x374: {  	v15 =	vld [tilespmem:s31+$0xFFFFFFC0];
	v8 =	vmin.u32 v8, $0x4B40FFFF;
	v7 =	vmin.u32 v7, $0x4B40FFFF;
	v9 =	vmin.u32 v9, $0x4B40FFFF  }
0x375: {  	v16 =	vld [tilespmem:s31+$0xFFFFFFD0];
	v10 =	vmin.u32 v10, $0x4B40FFFF;
	v13 =	vnsel vm4, $0x4B400000, v18;
	v11 =	vmin.u32 v11, $0x4B40FFFF  }
0x376: {  	v17 =	vld [tilespmem:s31+$0xFFFFFFE0];
	v18 =	vand.u32 $0xFFFF, v6;
	v13 =	vmin.u32 v13, $0x4B40FFFF;
	v4 =	vmul.f32 $2.560000000e+02, v4  }
0x377: {  	v22 =	vld [tilespmem:s31+$0xFFFFFF90];
	v19 =	vand.u32 $0xFFFF, v8;
	v20 =	vand.u32 $0xFFFF, v7;
	v13 =	vand.u32 $0xFFFF, v13  }
0x378: {  	v21 =	vand.u32 $0xFFFF, v9;
	v6 =	vmul.f32 $2.560000000e+02, v12;
	v12 =	vld [tilespmem:s31+$0xFFFFFFF0];
	v7 =	vadd.f32 $1.261568000e+07, v4  }
0x379: {  	v24 =	vld.idx.msk [tilespmem:v5+s18+$0x0], $0xffff;
	v23 =	vand.u32 $0xFFFF, v10;
	v8 =	vmul.f32 $2.560000000e+02, v14;
	v5 =	vmul.f32 $2.560000000e+02, v15  }
0x37a: {  	v9 =	vmul.f32 $2.560000000e+02, v16;
	v4 =	vand.u32 $0xFFFF, v11;
	vm0 =	vgt.s32 v7, $0x4B400000  }
0x37b: {  	p3 =	por $0x1, $0x1;
	v6 =	vadd.f32 $1.261568000e+07, v6;
	v8 =	vadd.f32 $1.261568000e+07, v8;
	v14 =	vld.idx.msk [tilespmem:v18+s18+$0x0], $0xffff;
	v10 =	vnsel vm0, $0x4B400000, v7  }
.Ltmp32:
0x37c: {  	v11 =	vmul.f32 $2.560000000e+02, v17;
	v16 =	vld.idx.msk [tilespmem:v13+s18+$0x0], $0xffff;
	v7 =	vadd.f32 $1.261568000e+07, v5;
	v5 =	vmin.u32 v10, $0x4B40FFFF;
	(pc) =	sbr.rel @!p3 .LBB2_61-.Ltmp32, $4  }
0x37d: {  	v17 =	vmul.f32 $2.560000000e+02, v22;
	v13 =	vld.idx.msk [tilespmem:v20+s18+$0x0], $0xffff;
	v15 =	vmul.f32 $2.560000000e+02, v12;
	v5 =	vand.u32 $0xFFFF, v5  }
0x37e: {  	v9 =	vadd.f32 $1.261568000e+07, v9;
	vm2 =	vgt.s32 v6, $0x4B400000;
	v12 =	vld.idx.msk [tilespmem:v19+s18+$0x0], $0xffff;
	v10 =	vadd.f32 $1.261568000e+07, v11  }
0x37f: {  	vm4 =	vgt.s32 v8, $0x4B400000;
	v18 =	vadd.f32 $1.261568000e+07, v17;
	v17 =	vld.idx.msk [tilespmem:v23+s18+$0x0], $0xffff;
	v11 =	vadd.f32 $1.261568000e+07, v15  }
0x380: {  	s0 =	simm.s32 $0x8;
	s2 =	simm.s32 $0x159F0;
	p2 =	por $0x1, $0x1;
	[tilespmem:s30+$0x0] =	vst v24;
	vm3 =	vgt.s32 v9, $0x4B400000;
	vm1 =	vgt.s32 v7, $0x4B400000;
	v15 =	vld.idx.msk [tilespmem:v21+s18+$0x0], $0xffff;
	vm0 =	vgt.s32 v10, $0x4B400000  }
.LBB2_62:
0x381: {  	v19 =	vld [tilespmem:s2+$0x0];
	s0 =	sadd.s32 $0x8, s0;
	v6 =	vnsel vm2, $0x4B400000, v6;
	v8 =	vnsel vm4, $0x4B400000, v8;
	vm2 =	vgt.s32 v11, $0x4B400000;
	[tilespmem:s30+$0xFFFFFF90] =	vst v16  }
0x382: {  	v7 =	vnsel vm1, $0x4B400000, v7;
	v9 =	vnsel vm3, $0x4B400000, v9;
	p3 =	slt.u32 s0, $0x78;
	vm4 =	vgt.s32 v18, $0x4B400000;
	v5 =	vld.idx.msk [tilespmem:v5+s18+$0x0], $0xffff;
	[tilespmem:s30+$0xFFFFFFA0] =	vst v14  }
0x383: {  	v10 =	vnsel vm0, $0x4B400000, v10;
	v11 =	vnsel vm2, $0x4B400000, v11;
	v14 =	vld [tilespmem:s2+$0xFFFFFFA0];
	v16 =	vnsel vm4, $0x4B400000, v18;
	[tilespmem:s30+$0xFFFFFFB0] =	vst v12  }
0x384: {  	v6 =	vmin.u32 v6, $0x4B40FFFF;
	v8 =	vmin.u32 v8, $0x4B40FFFF;
	v12 =	vld [tilespmem:s2+$0xFFFFFFB0];
	v16 =	vmin.u32 v16, $0x4B40FFFF;
	[tilespmem:s30+$0xFFFFFFC0] =	vst v13  }
0x385: {  	v7 =	vmin.u32 v7, $0x4B40FFFF;
	v9 =	vmin.u32 v9, $0x4B40FFFF;
	v10 =	vmin.u32 v10, $0x4B40FFFF;
	v13 =	vld [tilespmem:s2+$0xFFFFFFC0];
	[tilespmem:s30+$0xFFFFFFD0] =	vst v15  }
0x386: {  	v11 =	vmin.u32 v11, $0x4B40FFFF;
	v16 =	vand.u32 $0xFFFF, v16;
	v15 =	vld [tilespmem:s2+$0xFFFFFFD0];
	v18 =	vmul.f32 $2.560000000e+02, v19;
	[tilespmem:s30+$0xFFFFFFE0] =	vst v17  }
0x387: {  	v20 =	vand.u32 $0xFFFF, v8;
	v21 =	vand.u32 $0xFFFF, v7;
	v19 =	vand.u32 $0xFFFF, v6;
	v17 =	vld [tilespmem:s2+$0xFFFFFFE0]  }
0x388: {  	v6 =	vmul.f32 $2.560000000e+02, v14;
	v22 =	vld [tilespmem:s2+$0xFFFFFFF0];
	v7 =	vadd.f32 $1.261568000e+07, v18;
	v18 =	vand.u32 $0xFFFF, v9;
	[tilespmem:s31+$0x0] =	vst v5  }
0x389: {  	v24 =	vand.u32 $0xFFFF, v10;
	v8 =	vand.u32 $0xFFFF, v11;
	v23 =	vld [tilespmem:s2+$0xFFFFFF90];
	v5 =	vmul.f32 $2.560000000e+02, v12  }
0x38a: {  	v6 =	vadd.f32 $1.261568000e+07, v6;
	v9 =	vmul.f32 $2.560000000e+02, v13;
	vm0 =	vgt.s32 v7, $0x4B400000;
	v25 =	vld.idx.msk [tilespmem:v4+s18+$0x0], $0xffff;
	v4 =	vmovc v8  }
0x38b: {  	v8 =	vadd.f32 $1.261568000e+07, v5;
	v5 =	vmul.f32 $2.560000000e+02, v15;
	v10 =	vnsel vm0, $0x4B400000, v7;
	v16 =	vld.idx.msk [tilespmem:v16+s18+$0x0], $0xffff  }
.Ltmp33:
0x38c: {  	v7 =	vadd.f32 $1.261568000e+07, v9;
	v11 =	vmul.f32 $2.560000000e+02, v17;
	v10 =	vmin.u32 v10, $0x4B40FFFF;
	v14 =	vld.idx.msk [tilespmem:v19+s18+$0x0], $0xffff;
	(pc) =	sbr.rel @p3 .LBB2_62-.Ltmp33, $4  }
0x38d: {  	v9 =	vadd.f32 $1.261568000e+07, v5;
	v15 =	vmul.f32 $2.560000000e+02, v22;
	v5 =	vand.u32 $0xFFFF, v10;
	v12 =	vld.idx.msk [tilespmem:v20+s18+$0x0], $0xffff  }
0x38e: {  	vm2 =	vgt.s32 v6, $0x4B400000;
	v17 =	vmul.f32 $2.560000000e+02, v23;
	v10 =	vadd.f32 $1.261568000e+07, v11;
	v13 =	vld.idx.msk [tilespmem:v21+s18+$0x0], $0xffff  }
0x38f: {  	vm4 =	vgt.s32 v8, $0x4B400000;
	vm1 =	vgt.s32 v7, $0x4B400000;
	v11 =	vadd.f32 $1.261568000e+07, v15;
	v15 =	vld.idx.msk [tilespmem:v18+s18+$0x0], $0xffff  }
0x390: {  	vm3 =	vgt.s32 v9, $0x4B400000;
	v18 =	vadd.f32 $1.261568000e+07, v17;
	vm0 =	vgt.s32 v10, $0x4B400000;
	v17 =	vld.idx.msk [tilespmem:v24+s18+$0x0], $0xffff;
	[tilespmem:s30+$0xFFFFFFF0] =	vst v25;
	s30 =	smov.u32 s31;
	s31 =	smov.u32 s2;
	s2 =	sadd.s32 $0x400, s2  }
0x391: {  	s0 =	smov.u32 s30;
	s30 =	smov.u32 s31  }
.LBB2_64:
0x392: {  	vm5 =	vgt.s32 v18, $0x4B400000;
	v6 =	vnsel vm2, $0x4B400000, v6  }
0x393: {  	v8 =	vnsel vm4, $0x4B400000, v8;
	vm2 =	vgt.s32 v11, $0x4B400000;
	v6 =	vmin.u32 v6, $0x4B40FFFF  }
0x394: {  	v7 =	vnsel vm1, $0x4B400000, v7;
	v8 =	vmin.u32 v8, $0x4B40FFFF;
	v6 =	vand.u32 $0xFFFF, v6  }
0x395: {  	v9 =	vnsel vm3, $0x4B400000, v9;
	v7 =	vmin.u32 v7, $0x4B40FFFF;
	v8 =	vand.u32 $0xFFFF, v8  }
0x396: {  	[tilespmem:s0+$0xFFFFFF90] =	vst @p2 v16;
	v5 =	vld.idx.msk [tilespmem:v5+s18+$0x0], $0xffff;
	v10 =	vnsel vm0, $0x4B400000, v10;
	v9 =	vmin.u32 v9, $0x4B40FFFF;
	v7 =	vand.u32 $0xFFFF, v7  }
0x397: {  	[tilespmem:s0+$0xFFFFFFA0] =	vst @p2 v14;
	v18 =	vnsel vm5, $0x4B400000, v18;
	v10 =	vmin.u32 v10, $0x4B40FFFF;
	v9 =	vand.u32 $0xFFFF, v9  }
0x398: {  	[tilespmem:s0+$0xFFFFFFB0] =	vst @p2 v12;
	v4 =	vld.idx.msk @p2 [tilespmem:v4+s18+$0x0], $0xffff;
	v11 =	vnsel vm2, $0x4B400000, v11;
	v18 =	vmin.u32 v18, $0x4B40FFFF;
	v10 =	vand.u32 $0xFFFF, v10  }
0x399: {  	[tilespmem:s0+$0xFFFFFFC0] =	vst @p2 v13;
	v11 =	vmin.u32 v11, $0x4B40FFFF;
	v18 =	vand.u32 $0xFFFF, v18;
	v6 =	vld.idx.msk [tilespmem:v6+s18+$0x0], $0xffff  }
0x39a: {  	[tilespmem:s0+$0xFFFFFFD0] =	vst @p2 v15;
	v11 =	vand.u32 $0xFFFF, v11;
	v8 =	vld.idx.msk [tilespmem:v8+s18+$0x0], $0xffff  }
0x39b: {  	[tilespmem:s30+$0x0] =	vst v5;
	v5 =	vld.idx.msk [tilespmem:v7+s18+$0x0], $0xffff  }
0x39c: {  	[tilespmem:s0+$0xFFFFFFE0] =	vst @p2 v17;
	v7 =	vld.idx.msk [tilespmem:v9+s18+$0x0], $0xffff  }
0x39d: {  	[tilespmem:s0+$0xFFFFFFF0] =	vst @p2 v4;
	v4 =	vld.idx.msk [tilespmem:v10+s18+$0x0], $0xffff  }
0x39e: {  	v63 =	vld.idx.msk [tilespmem:v18+s18+$0x0], $0xffff;
	[tilespmem:s30+$0xFFFFFFA0] =	vst v6  }
0x39f: {  	v6 =	vld.idx.msk [tilespmem:v11+s18+$0x0], $0xffff;
	[tilespmem:s30+$0xFFFFFFB0] =	vst v8  }
0x3a0: {  	[tilespmem:s30+$0xFFFFFFC0] =	vst v5  }
0x3a1: {  	[tilespmem:s30+$0xFFFFFFD0] =	vst v7  }
0x3a2: {  	[tilespmem:s30+$0xFFFFFFE0] =	vst v4  }
0x3a3: {  	[tilespmem:s30+$0xFFFFFF90] =	vst v63  }
0x3a4: {  	s31 =	simm.s32 $0x15270;
	[tilespmem:s30+$0xFFFFFFF0] =	vst v6  }
0x3a5: {  	v4 =	vld [tilespmem:s31+$0x0]  }
0x3a6: {  	v5 =	vld [tilespmem:s31+$0xFFFFFFA0]  }
0x3a7: {  	v6 =	vld [tilespmem:s31+$0xFFFFFFB0]  }
0x3a8: {  	v9 =	vld [tilespmem:s31+$0xFFFFFFD0]  }
0x3a9: {  	v10 =	vld [tilespmem:s31+$0xFFFFFFE0]  }
0x3aa: {  	v11 =	vld [tilespmem:s31+$0xFFFFFFF0]  }
0x3ab: {  	v7 =	vld [tilespmem:s31+$0xFFFFFFC0]  }
0x3ac: {  	v4 =	vmul.f32 $2.560000000e+02, v4  }
0x3ad: {  	v5 =	vmul.f32 $2.560000000e+02, v5  }
0x3ae: {  	v12 =	vld [tilespmem:s31+$0xFFFFFF90];
	v8 =	vmul.f32 $2.560000000e+02, v6;
	v9 =	vmul.f32 $2.560000000e+02, v9;
	v4 =	vadd.f32 $1.261568000e+07, v4  }
0x3af: {  	v10 =	vmul.f32 $2.560000000e+02, v10;
	v11 =	vmul.f32 $2.560000000e+02, v11  }
0x3b0: {  	v6 =	vadd.f32 $1.261568000e+07, v5;
	v5 =	vmul.f32 $2.560000000e+02, v7;
	vm0 =	vgt.s32 v4, $0x4B400000  }
.Ltmp34:
0x3b1: {  	v8 =	vadd.f32 $1.261568000e+07, v8;
	v9 =	vadd.f32 $1.261568000e+07, v9;
	v4 =	vnsel vm0, $0x4B400000, v4;
	(pc) =	sbr.rel @!p1 .LBB2_65-.Ltmp34, $4  }
0x3b2: {  	v10 =	vadd.f32 $1.261568000e+07, v10;
	v11 =	vadd.f32 $1.261568000e+07, v11;
	v4 =	vmin.u32 v4, $0x4B40FFFF  }
0x3b3: {  	v7 =	vadd.f32 $1.261568000e+07, v5;
	v5 =	vand.u32 $0xFFFF, v4;
	v4 =	vmul.f32 $2.560000000e+02, v12  }
0x3b4: {  	vm2 =	vgt.s32 v6, $0x4B400000;
	vm4 =	vgt.s32 v8, $0x4B400000;
	vm3 =	vgt.s32 v9, $0x4B400000  }
0x3b5: {  	s30 =	simm.s32 $0x15670;
	vm0 =	vgt.s32 v10, $0x4B400000;
	vm1 =	vgt.s32 v7, $0x4B400000;
	v18 =	vadd.f32 $1.261568000e+07, v4  }
0x3b6: {  	v4 =	vld [tilespmem:s30+$0x0];
	v6 =	vnsel vm2, $0x4B400000, v6;
	v8 =	vnsel vm4, $0x4B400000, v8;
	vm2 =	vgt.s32 v11, $0x4B400000  }
0x3b7: {  	v7 =	vnsel vm1, $0x4B400000, v7;
	v9 =	vnsel vm3, $0x4B400000, v9;
	v12 =	vld [tilespmem:s30+$0xFFFFFFA0];
	v10 =	vnsel vm0, $0x4B400000, v10  }
0x3b8: {  	v14 =	vld [tilespmem:s30+$0xFFFFFFB0];
	vm4 =	vgt.s32 v18, $0x4B400000;
	v11 =	vnsel vm2, $0x4B400000, v11;
	v6 =	vmin.u32 v6, $0x4B40FFFF  }
0x3b9: {  	v15 =	vld [tilespmem:s30+$0xFFFFFFC0];
	v8 =	vmin.u32 v8, $0x4B40FFFF;
	v7 =	vmin.u32 v7, $0x4B40FFFF;
	v9 =	vmin.u32 v9, $0x4B40FFFF  }
0x3ba: {  	v16 =	vld [tilespmem:s30+$0xFFFFFFD0];
	v10 =	vmin.u32 v10, $0x4B40FFFF;
	v13 =	vnsel vm4, $0x4B400000, v18;
	v11 =	vmin.u32 v11, $0x4B40FFFF  }
0x3bb: {  	v17 =	vld [tilespmem:s30+$0xFFFFFFE0];
	v18 =	vand.u32 $0xFFFF, v6;
	v13 =	vmin.u32 v13, $0x4B40FFFF;
	v4 =	vmul.f32 $2.560000000e+02, v4  }
0x3bc: {  	v22 =	vld [tilespmem:s30+$0xFFFFFF90];
	v19 =	vand.u32 $0xFFFF, v8;
	v20 =	vand.u32 $0xFFFF, v7;
	v13 =	vand.u32 $0xFFFF, v13  }
0x3bd: {  	v21 =	vand.u32 $0xFFFF, v9;
	v6 =	vmul.f32 $2.560000000e+02, v12;
	v12 =	vld [tilespmem:s30+$0xFFFFFFF0];
	v7 =	vadd.f32 $1.261568000e+07, v4  }
0x3be: {  	v24 =	vld.idx.msk [tilespmem:v5+s18+$0x0], $0xffff;
	v23 =	vand.u32 $0xFFFF, v10;
	v8 =	vmul.f32 $2.560000000e+02, v14;
	v5 =	vmul.f32 $2.560000000e+02, v15  }
0x3bf: {  	v9 =	vmul.f32 $2.560000000e+02, v16;
	v4 =	vand.u32 $0xFFFF, v11;
	vm0 =	vgt.s32 v7, $0x4B400000  }
0x3c0: {  	p1 =	por $0x1, $0x1;
	v6 =	vadd.f32 $1.261568000e+07, v6;
	v8 =	vadd.f32 $1.261568000e+07, v8;
	v14 =	vld.idx.msk [tilespmem:v18+s18+$0x0], $0xffff;
	v10 =	vnsel vm0, $0x4B400000, v7  }
.Ltmp35:
0x3c1: {  	v11 =	vmul.f32 $2.560000000e+02, v17;
	v16 =	vld.idx.msk [tilespmem:v13+s18+$0x0], $0xffff;
	v7 =	vadd.f32 $1.261568000e+07, v5;
	v5 =	vmin.u32 v10, $0x4B40FFFF;
	(pc) =	sbr.rel @!p1 .LBB2_67-.Ltmp35, $4  }
0x3c2: {  	v17 =	vmul.f32 $2.560000000e+02, v22;
	v13 =	vld.idx.msk [tilespmem:v20+s18+$0x0], $0xffff;
	v15 =	vmul.f32 $2.560000000e+02, v12;
	v5 =	vand.u32 $0xFFFF, v5  }
0x3c3: {  	v9 =	vadd.f32 $1.261568000e+07, v9;
	vm2 =	vgt.s32 v6, $0x4B400000;
	v12 =	vld.idx.msk [tilespmem:v19+s18+$0x0], $0xffff;
	v10 =	vadd.f32 $1.261568000e+07, v11  }
0x3c4: {  	vm4 =	vgt.s32 v8, $0x4B400000;
	v18 =	vadd.f32 $1.261568000e+07, v17;
	v17 =	vld.idx.msk [tilespmem:v23+s18+$0x0], $0xffff;
	v11 =	vadd.f32 $1.261568000e+07, v15  }
0x3c5: {  	s0 =	simm.s32 $0x8;
	s2 =	simm.s32 $0x15A70;
	p0 =	por $0x1, $0x1;
	[tilespmem:s31+$0x0] =	vst v24;
	vm3 =	vgt.s32 v9, $0x4B400000;
	vm1 =	vgt.s32 v7, $0x4B400000;
	v15 =	vld.idx.msk [tilespmem:v21+s18+$0x0], $0xffff;
	vm0 =	vgt.s32 v10, $0x4B400000  }
.LBB2_68:
0x3c6: {  	v19 =	vld [tilespmem:s2+$0x0];
	s0 =	sadd.s32 $0x8, s0;
	v6 =	vnsel vm2, $0x4B400000, v6;
	v8 =	vnsel vm4, $0x4B400000, v8;
	vm2 =	vgt.s32 v11, $0x4B400000;
	[tilespmem:s31+$0xFFFFFF90] =	vst v16  }
0x3c7: {  	v7 =	vnsel vm1, $0x4B400000, v7;
	v9 =	vnsel vm3, $0x4B400000, v9;
	p1 =	slt.u32 s0, $0x78;
	vm4 =	vgt.s32 v18, $0x4B400000;
	v5 =	vld.idx.msk [tilespmem:v5+s18+$0x0], $0xffff;
	[tilespmem:s31+$0xFFFFFFA0] =	vst v14  }
0x3c8: {  	v10 =	vnsel vm0, $0x4B400000, v10;
	v11 =	vnsel vm2, $0x4B400000, v11;
	v14 =	vld [tilespmem:s2+$0xFFFFFFA0];
	v16 =	vnsel vm4, $0x4B400000, v18;
	[tilespmem:s31+$0xFFFFFFB0] =	vst v12  }
0x3c9: {  	v6 =	vmin.u32 v6, $0x4B40FFFF;
	v8 =	vmin.u32 v8, $0x4B40FFFF;
	v12 =	vld [tilespmem:s2+$0xFFFFFFB0];
	v16 =	vmin.u32 v16, $0x4B40FFFF;
	[tilespmem:s31+$0xFFFFFFC0] =	vst v13  }
0x3ca: {  	v7 =	vmin.u32 v7, $0x4B40FFFF;
	v9 =	vmin.u32 v9, $0x4B40FFFF;
	v10 =	vmin.u32 v10, $0x4B40FFFF;
	v13 =	vld [tilespmem:s2+$0xFFFFFFC0];
	[tilespmem:s31+$0xFFFFFFD0] =	vst v15  }
0x3cb: {  	v11 =	vmin.u32 v11, $0x4B40FFFF;
	v16 =	vand.u32 $0xFFFF, v16;
	v15 =	vld [tilespmem:s2+$0xFFFFFFD0];
	v18 =	vmul.f32 $2.560000000e+02, v19;
	[tilespmem:s31+$0xFFFFFFE0] =	vst v17  }
0x3cc: {  	v20 =	vand.u32 $0xFFFF, v8;
	v21 =	vand.u32 $0xFFFF, v7;
	v19 =	vand.u32 $0xFFFF, v6;
	v17 =	vld [tilespmem:s2+$0xFFFFFFE0]  }
0x3cd: {  	v6 =	vmul.f32 $2.560000000e+02, v14;
	v22 =	vld [tilespmem:s2+$0xFFFFFFF0];
	v7 =	vadd.f32 $1.261568000e+07, v18;
	v18 =	vand.u32 $0xFFFF, v9;
	[tilespmem:s30+$0x0] =	vst v5  }
0x3ce: {  	v24 =	vand.u32 $0xFFFF, v10;
	v8 =	vand.u32 $0xFFFF, v11;
	v23 =	vld [tilespmem:s2+$0xFFFFFF90];
	v5 =	vmul.f32 $2.560000000e+02, v12  }
0x3cf: {  	v6 =	vadd.f32 $1.261568000e+07, v6;
	v9 =	vmul.f32 $2.560000000e+02, v13;
	vm0 =	vgt.s32 v7, $0x4B400000;
	v25 =	vld.idx.msk [tilespmem:v4+s18+$0x0], $0xffff;
	v4 =	vmovc v8  }
0x3d0: {  	v8 =	vadd.f32 $1.261568000e+07, v5;
	v5 =	vmul.f32 $2.560000000e+02, v15;
	v10 =	vnsel vm0, $0x4B400000, v7;
	v16 =	vld.idx.msk [tilespmem:v16+s18+$0x0], $0xffff  }
.Ltmp36:
0x3d1: {  	v7 =	vadd.f32 $1.261568000e+07, v9;
	v11 =	vmul.f32 $2.560000000e+02, v17;
	v10 =	vmin.u32 v10, $0x4B40FFFF;
	v14 =	vld.idx.msk [tilespmem:v19+s18+$0x0], $0xffff;
	(pc) =	sbr.rel @p1 .LBB2_68-.Ltmp36, $4  }
0x3d2: {  	v9 =	vadd.f32 $1.261568000e+07, v5;
	v15 =	vmul.f32 $2.560000000e+02, v22;
	v5 =	vand.u32 $0xFFFF, v10;
	v12 =	vld.idx.msk [tilespmem:v20+s18+$0x0], $0xffff  }
0x3d3: {  	vm2 =	vgt.s32 v6, $0x4B400000;
	v17 =	vmul.f32 $2.560000000e+02, v23;
	v10 =	vadd.f32 $1.261568000e+07, v11;
	v13 =	vld.idx.msk [tilespmem:v21+s18+$0x0], $0xffff  }
0x3d4: {  	vm4 =	vgt.s32 v8, $0x4B400000;
	vm1 =	vgt.s32 v7, $0x4B400000;
	v11 =	vadd.f32 $1.261568000e+07, v15;
	v15 =	vld.idx.msk [tilespmem:v18+s18+$0x0], $0xffff  }
0x3d5: {  	vm3 =	vgt.s32 v9, $0x4B400000;
	v18 =	vadd.f32 $1.261568000e+07, v17;
	vm0 =	vgt.s32 v10, $0x4B400000;
	v17 =	vld.idx.msk [tilespmem:v24+s18+$0x0], $0xffff;
	[tilespmem:s31+$0xFFFFFFF0] =	vst v25;
	s31 =	smov.u32 s30;
	s30 =	smov.u32 s2;
	s2 =	sadd.s32 $0x400, s2  }
0x3d6: {  	s0 =	smov.u32 s31;
	s31 =	smov.u32 s30  }
.LBB2_70:
0x3d7: {  	vm5 =	vgt.s32 v18, $0x4B400000;
	v6 =	vnsel vm2, $0x4B400000, v6  }
0x3d8: {  	v8 =	vnsel vm4, $0x4B400000, v8;
	vm2 =	vgt.s32 v11, $0x4B400000;
	v6 =	vmin.u32 v6, $0x4B40FFFF  }
0x3d9: {  	v7 =	vnsel vm1, $0x4B400000, v7;
	v8 =	vmin.u32 v8, $0x4B40FFFF;
	v6 =	vand.u32 $0xFFFF, v6  }
0x3da: {  	v9 =	vnsel vm3, $0x4B400000, v9;
	v7 =	vmin.u32 v7, $0x4B40FFFF;
	v8 =	vand.u32 $0xFFFF, v8  }
0x3db: {  	[tilespmem:s0+$0xFFFFFF90] =	vst @p0 v16;
	v5 =	vld.idx.msk [tilespmem:v5+s18+$0x0], $0xffff;
	v10 =	vnsel vm0, $0x4B400000, v10;
	v9 =	vmin.u32 v9, $0x4B40FFFF;
	v7 =	vand.u32 $0xFFFF, v7  }
0x3dc: {  	[tilespmem:s0+$0xFFFFFFA0] =	vst @p0 v14;
	v18 =	vnsel vm5, $0x4B400000, v18;
	v10 =	vmin.u32 v10, $0x4B40FFFF;
	v9 =	vand.u32 $0xFFFF, v9  }
0x3dd: {  	[tilespmem:s0+$0xFFFFFFB0] =	vst @p0 v12;
	v4 =	vld.idx.msk @p0 [tilespmem:v4+s18+$0x0], $0xffff;
	v11 =	vnsel vm2, $0x4B400000, v11;
	v18 =	vmin.u32 v18, $0x4B40FFFF;
	v10 =	vand.u32 $0xFFFF, v10  }
0x3de: {  	[tilespmem:s0+$0xFFFFFFC0] =	vst @p0 v13;
	v11 =	vmin.u32 v11, $0x4B40FFFF;
	v18 =	vand.u32 $0xFFFF, v18;
	v6 =	vld.idx.msk [tilespmem:v6+s18+$0x0], $0xffff  }
0x3df: {  	[tilespmem:s0+$0xFFFFFFD0] =	vst @p0 v15;
	v11 =	vand.u32 $0xFFFF, v11;
	v8 =	vld.idx.msk [tilespmem:v8+s18+$0x0], $0xffff  }
0x3e0: {  	[tilespmem:s31+$0x0] =	vst v5;
	v5 =	vld.idx.msk [tilespmem:v7+s18+$0x0], $0xffff  }
0x3e1: {  	[tilespmem:s0+$0xFFFFFFE0] =	vst @p0 v17;
	v7 =	vld.idx.msk [tilespmem:v9+s18+$0x0], $0xffff  }
0x3e2: {  	[tilespmem:s0+$0xFFFFFFF0] =	vst @p0 v4;
	v4 =	vld.idx.msk [tilespmem:v10+s18+$0x0], $0xffff  }
0x3e3: {  	v63 =	vld.idx.msk [tilespmem:v18+s18+$0x0], $0xffff;
	[tilespmem:s31+$0xFFFFFFA0] =	vst v6  }
0x3e4: {  	v6 =	vld.idx.msk [tilespmem:v11+s18+$0x0], $0xffff;
	[tilespmem:s31+$0xFFFFFFB0] =	vst v8  }
0x3e5: {  	[tilespmem:s31+$0xFFFFFFC0] =	vst v5  }
0x3e6: {  	[tilespmem:s31+$0xFFFFFFD0] =	vst v7  }
0x3e7: {  	[tilespmem:s31+$0xFFFFFFE0] =	vst v4  }
0x3e8: {  	[tilespmem:s31+$0xFFFFFF90] =	vst v63  }
0x3e9: {  	s30 =	simm.s32 $0x152F0;
	[tilespmem:s31+$0xFFFFFFF0] =	vst v6  }
0x3ea: {  	v4 =	vld [tilespmem:s30+$0x0]  }
0x3eb: {  	v5 =	vld [tilespmem:s30+$0xFFFFFFA0]  }
0x3ec: {  	v6 =	vld [tilespmem:s30+$0xFFFFFFB0]  }
0x3ed: {  	v9 =	vld [tilespmem:s30+$0xFFFFFFD0]  }
0x3ee: {  	v10 =	vld [tilespmem:s30+$0xFFFFFFE0]  }
0x3ef: {  	v11 =	vld [tilespmem:s30+$0xFFFFFFF0]  }
0x3f0: {  	v7 =	vld [tilespmem:s30+$0xFFFFFFC0]  }
0x3f1: {  	v4 =	vmul.f32 $2.560000000e+02, v4  }
0x3f2: {  	v5 =	vmul.f32 $2.560000000e+02, v5  }
0x3f3: {  	v12 =	vld [tilespmem:s30+$0xFFFFFF90];
	v8 =	vmul.f32 $2.560000000e+02, v6;
	v9 =	vmul.f32 $2.560000000e+02, v9;
	v4 =	vadd.f32 $1.261568000e+07, v4  }
0x3f4: {  	v10 =	vmul.f32 $2.560000000e+02, v10;
	v11 =	vmul.f32 $2.560000000e+02, v11  }
0x3f5: {  	p1 =	por $0x1, $0x1;
	v6 =	vadd.f32 $1.261568000e+07, v5;
	v5 =	vmul.f32 $2.560000000e+02, v7;
	vm0 =	vgt.s32 v4, $0x4B400000  }
.Ltmp37:
0x3f6: {  	v8 =	vadd.f32 $1.261568000e+07, v8;
	v9 =	vadd.f32 $1.261568000e+07, v9;
	v4 =	vnsel vm0, $0x4B400000, v4;
	(pc) =	sbr.rel @!p1 .LBB2_71-.Ltmp37, $4  }
0x3f7: {  	v10 =	vadd.f32 $1.261568000e+07, v10;
	v11 =	vadd.f32 $1.261568000e+07, v11;
	v4 =	vmin.u32 v4, $0x4B40FFFF  }
0x3f8: {  	v7 =	vadd.f32 $1.261568000e+07, v5;
	v5 =	vand.u32 $0xFFFF, v4;
	v4 =	vmul.f32 $2.560000000e+02, v12  }
0x3f9: {  	vm2 =	vgt.s32 v6, $0x4B400000;
	vm4 =	vgt.s32 v8, $0x4B400000;
	vm3 =	vgt.s32 v9, $0x4B400000  }
0x3fa: {  	p0 =	por $0x0, $0x0;
	s31 =	simm.s32 $0x156F0;
	vm0 =	vgt.s32 v10, $0x4B400000;
	vm1 =	vgt.s32 v7, $0x4B400000;
	v18 =	vadd.f32 $1.261568000e+07, v4  }
0x3fb: {  	v4 =	vld [tilespmem:s31+$0x0];
	v6 =	vnsel vm2, $0x4B400000, v6;
	v8 =	vnsel vm4, $0x4B400000, v8;
	vm2 =	vgt.s32 v11, $0x4B400000  }
0x3fc: {  	v7 =	vnsel vm1, $0x4B400000, v7;
	v9 =	vnsel vm3, $0x4B400000, v9;
	v12 =	vld [tilespmem:s31+$0xFFFFFFA0];
	v10 =	vnsel vm0, $0x4B400000, v10  }
0x3fd: {  	v14 =	vld [tilespmem:s31+$0xFFFFFFB0];
	vm4 =	vgt.s32 v18, $0x4B400000;
	v11 =	vnsel vm2, $0x4B400000, v11;
	v6 =	vmin.u32 v6, $0x4B40FFFF  }
0x3fe: {  	v15 =	vld [tilespmem:s31+$0xFFFFFFC0];
	v8 =	vmin.u32 v8, $0x4B40FFFF;
	v7 =	vmin.u32 v7, $0x4B40FFFF;
	v9 =	vmin.u32 v9, $0x4B40FFFF  }
0x3ff: {  	v16 =	vld [tilespmem:s31+$0xFFFFFFD0];
	v10 =	vmin.u32 v10, $0x4B40FFFF;
	v13 =	vnsel vm4, $0x4B400000, v18;
	v11 =	vmin.u32 v11, $0x4B40FFFF  }
0x400: {  	v17 =	vld [tilespmem:s31+$0xFFFFFFE0];
	v18 =	vand.u32 $0xFFFF, v6;
	v13 =	vmin.u32 v13, $0x4B40FFFF;
	v4 =	vmul.f32 $2.560000000e+02, v4  }
0x401: {  	v22 =	vld [tilespmem:s31+$0xFFFFFF90];
	v19 =	vand.u32 $0xFFFF, v8;
	v20 =	vand.u32 $0xFFFF, v7;
	v13 =	vand.u32 $0xFFFF, v13  }
0x402: {  	v21 =	vand.u32 $0xFFFF, v9;
	v6 =	vmul.f32 $2.560000000e+02, v12;
	v12 =	vld [tilespmem:s31+$0xFFFFFFF0];
	v7 =	vadd.f32 $1.261568000e+07, v4  }
0x403: {  	v24 =	vld.idx.msk [tilespmem:v5+s18+$0x0], $0xffff;
	v23 =	vand.u32 $0xFFFF, v10;
	v8 =	vmul.f32 $2.560000000e+02, v14;
	v5 =	vmul.f32 $2.560000000e+02, v15  }
0x404: {  	v9 =	vmul.f32 $2.560000000e+02, v16;
	v4 =	vand.u32 $0xFFFF, v11;
	vm0 =	vgt.s32 v7, $0x4B400000  }
0x405: {  	p3 =	por $0x1, $0x1;
	v6 =	vadd.f32 $1.261568000e+07, v6;
	v8 =	vadd.f32 $1.261568000e+07, v8;
	v14 =	vld.idx.msk [tilespmem:v18+s18+$0x0], $0xffff;
	v10 =	vnsel vm0, $0x4B400000, v7  }
.Ltmp38:
0x406: {  	v11 =	vmul.f32 $2.560000000e+02, v17;
	v16 =	vld.idx.msk [tilespmem:v13+s18+$0x0], $0xffff;
	v7 =	vadd.f32 $1.261568000e+07, v5;
	v5 =	vmin.u32 v10, $0x4B40FFFF;
	(pc) =	sbr.rel @!p3 .LBB2_73-.Ltmp38, $4  }
0x407: {  	v17 =	vmul.f32 $2.560000000e+02, v22;
	v13 =	vld.idx.msk [tilespmem:v20+s18+$0x0], $0xffff;
	v15 =	vmul.f32 $2.560000000e+02, v12;
	v5 =	vand.u32 $0xFFFF, v5  }
0x408: {  	v9 =	vadd.f32 $1.261568000e+07, v9;
	vm2 =	vgt.s32 v6, $0x4B400000;
	v12 =	vld.idx.msk [tilespmem:v19+s18+$0x0], $0xffff;
	v10 =	vadd.f32 $1.261568000e+07, v11  }
0x409: {  	vm4 =	vgt.s32 v8, $0x4B400000;
	v18 =	vadd.f32 $1.261568000e+07, v17;
	v17 =	vld.idx.msk [tilespmem:v23+s18+$0x0], $0xffff;
	v11 =	vadd.f32 $1.261568000e+07, v15  }
0x40a: {  	s0 =	simm.s32 $0x8;
	s2 =	simm.s32 $0x15AF0;
	p2 =	por $0x1, $0x1;
	[tilespmem:s30+$0x0] =	vst v24;
	vm3 =	vgt.s32 v9, $0x4B400000;
	vm1 =	vgt.s32 v7, $0x4B400000;
	v15 =	vld.idx.msk [tilespmem:v21+s18+$0x0], $0xffff;
	vm0 =	vgt.s32 v10, $0x4B400000  }
.LBB2_74:
0x40b: {  	v19 =	vld [tilespmem:s2+$0x0];
	s0 =	sadd.s32 $0x8, s0;
	v6 =	vnsel vm2, $0x4B400000, v6;
	v8 =	vnsel vm4, $0x4B400000, v8;
	vm2 =	vgt.s32 v11, $0x4B400000;
	[tilespmem:s30+$0xFFFFFF90] =	vst v16  }
0x40c: {  	v7 =	vnsel vm1, $0x4B400000, v7;
	v9 =	vnsel vm3, $0x4B400000, v9;
	p3 =	slt.u32 s0, $0x78;
	vm4 =	vgt.s32 v18, $0x4B400000;
	v5 =	vld.idx.msk [tilespmem:v5+s18+$0x0], $0xffff;
	[tilespmem:s30+$0xFFFFFFA0] =	vst v14  }
0x40d: {  	v10 =	vnsel vm0, $0x4B400000, v10;
	v11 =	vnsel vm2, $0x4B400000, v11;
	v14 =	vld [tilespmem:s2+$0xFFFFFFA0];
	v16 =	vnsel vm4, $0x4B400000, v18;
	[tilespmem:s30+$0xFFFFFFB0] =	vst v12  }
0x40e: {  	v6 =	vmin.u32 v6, $0x4B40FFFF;
	v8 =	vmin.u32 v8, $0x4B40FFFF;
	v12 =	vld [tilespmem:s2+$0xFFFFFFB0];
	v16 =	vmin.u32 v16, $0x4B40FFFF;
	[tilespmem:s30+$0xFFFFFFC0] =	vst v13  }
0x40f: {  	v7 =	vmin.u32 v7, $0x4B40FFFF;
	v9 =	vmin.u32 v9, $0x4B40FFFF;
	v10 =	vmin.u32 v10, $0x4B40FFFF;
	v13 =	vld [tilespmem:s2+$0xFFFFFFC0];
	[tilespmem:s30+$0xFFFFFFD0] =	vst v15  }
0x410: {  	v11 =	vmin.u32 v11, $0x4B40FFFF;
	v16 =	vand.u32 $0xFFFF, v16;
	v15 =	vld [tilespmem:s2+$0xFFFFFFD0];
	v18 =	vmul.f32 $2.560000000e+02, v19;
	[tilespmem:s30+$0xFFFFFFE0] =	vst v17  }
0x411: {  	v20 =	vand.u32 $0xFFFF, v8;
	v21 =	vand.u32 $0xFFFF, v7;
	v19 =	vand.u32 $0xFFFF, v6;
	v17 =	vld [tilespmem:s2+$0xFFFFFFE0]  }
0x412: {  	v6 =	vmul.f32 $2.560000000e+02, v14;
	v22 =	vld [tilespmem:s2+$0xFFFFFFF0];
	v7 =	vadd.f32 $1.261568000e+07, v18;
	v18 =	vand.u32 $0xFFFF, v9;
	[tilespmem:s31+$0x0] =	vst v5  }
0x413: {  	v24 =	vand.u32 $0xFFFF, v10;
	v8 =	vand.u32 $0xFFFF, v11;
	v23 =	vld [tilespmem:s2+$0xFFFFFF90];
	v5 =	vmul.f32 $2.560000000e+02, v12  }
0x414: {  	v6 =	vadd.f32 $1.261568000e+07, v6;
	v9 =	vmul.f32 $2.560000000e+02, v13;
	vm0 =	vgt.s32 v7, $0x4B400000;
	v25 =	vld.idx.msk [tilespmem:v4+s18+$0x0], $0xffff;
	v4 =	vmovc v8  }
0x415: {  	v8 =	vadd.f32 $1.261568000e+07, v5;
	v5 =	vmul.f32 $2.560000000e+02, v15;
	v10 =	vnsel vm0, $0x4B400000, v7;
	v16 =	vld.idx.msk [tilespmem:v16+s18+$0x0], $0xffff  }
.Ltmp39:
0x416: {  	v7 =	vadd.f32 $1.261568000e+07, v9;
	v11 =	vmul.f32 $2.560000000e+02, v17;
	v10 =	vmin.u32 v10, $0x4B40FFFF;
	v14 =	vld.idx.msk [tilespmem:v19+s18+$0x0], $0xffff;
	(pc) =	sbr.rel @p3 .LBB2_74-.Ltmp39, $4  }
0x417: {  	v9 =	vadd.f32 $1.261568000e+07, v5;
	v15 =	vmul.f32 $2.560000000e+02, v22;
	v5 =	vand.u32 $0xFFFF, v10;
	v12 =	vld.idx.msk [tilespmem:v20+s18+$0x0], $0xffff  }
0x418: {  	vm2 =	vgt.s32 v6, $0x4B400000;
	v17 =	vmul.f32 $2.560000000e+02, v23;
	v10 =	vadd.f32 $1.261568000e+07, v11;
	v13 =	vld.idx.msk [tilespmem:v21+s18+$0x0], $0xffff  }
0x419: {  	vm4 =	vgt.s32 v8, $0x4B400000;
	vm1 =	vgt.s32 v7, $0x4B400000;
	v11 =	vadd.f32 $1.261568000e+07, v15;
	v15 =	vld.idx.msk [tilespmem:v18+s18+$0x0], $0xffff  }
0x41a: {  	vm3 =	vgt.s32 v9, $0x4B400000;
	v18 =	vadd.f32 $1.261568000e+07, v17;
	vm0 =	vgt.s32 v10, $0x4B400000;
	v17 =	vld.idx.msk [tilespmem:v24+s18+$0x0], $0xffff;
	[tilespmem:s30+$0xFFFFFFF0] =	vst v25;
	s30 =	smov.u32 s31;
	s31 =	smov.u32 s2;
	s2 =	sadd.s32 $0x400, s2  }
0x41b: {  	s0 =	smov.u32 s30;
	s30 =	smov.u32 s31  }
.LBB2_76:
0x41c: {  	vm5 =	vgt.s32 v18, $0x4B400000;
	v6 =	vnsel vm2, $0x4B400000, v6  }
0x41d: {  	v8 =	vnsel vm4, $0x4B400000, v8;
	vm2 =	vgt.s32 v11, $0x4B400000;
	v6 =	vmin.u32 v6, $0x4B40FFFF  }
0x41e: {  	v7 =	vnsel vm1, $0x4B400000, v7;
	v8 =	vmin.u32 v8, $0x4B40FFFF;
	v6 =	vand.u32 $0xFFFF, v6  }
0x41f: {  	v9 =	vnsel vm3, $0x4B400000, v9;
	v7 =	vmin.u32 v7, $0x4B40FFFF;
	v8 =	vand.u32 $0xFFFF, v8  }
0x420: {  	[tilespmem:s0+$0xFFFFFF90] =	vst @p2 v16;
	v5 =	vld.idx.msk [tilespmem:v5+s18+$0x0], $0xffff;
	v10 =	vnsel vm0, $0x4B400000, v10;
	v9 =	vmin.u32 v9, $0x4B40FFFF;
	v7 =	vand.u32 $0xFFFF, v7  }
0x421: {  	[tilespmem:s0+$0xFFFFFFA0] =	vst @p2 v14;
	v18 =	vnsel vm5, $0x4B400000, v18;
	v10 =	vmin.u32 v10, $0x4B40FFFF;
	v9 =	vand.u32 $0xFFFF, v9  }
0x422: {  	[tilespmem:s0+$0xFFFFFFB0] =	vst @p2 v12;
	v4 =	vld.idx.msk @p2 [tilespmem:v4+s18+$0x0], $0xffff;
	v11 =	vnsel vm2, $0x4B400000, v11;
	v18 =	vmin.u32 v18, $0x4B40FFFF;
	v10 =	vand.u32 $0xFFFF, v10  }
0x423: {  	[tilespmem:s0+$0xFFFFFFC0] =	vst @p2 v13;
	v11 =	vmin.u32 v11, $0x4B40FFFF;
	v18 =	vand.u32 $0xFFFF, v18;
	v6 =	vld.idx.msk [tilespmem:v6+s18+$0x0], $0xffff  }
0x424: {  	[tilespmem:s0+$0xFFFFFFD0] =	vst @p2 v15;
	v11 =	vand.u32 $0xFFFF, v11;
	v8 =	vld.idx.msk [tilespmem:v8+s18+$0x0], $0xffff  }
0x425: {  	[tilespmem:s30+$0x0] =	vst v5;
	v5 =	vld.idx.msk [tilespmem:v7+s18+$0x0], $0xffff  }
0x426: {  	[tilespmem:s0+$0xFFFFFFE0] =	vst @p2 v17;
	v7 =	vld.idx.msk [tilespmem:v9+s18+$0x0], $0xffff  }
0x427: {  	[tilespmem:s0+$0xFFFFFFF0] =	vst @p2 v4;
	v4 =	vld.idx.msk [tilespmem:v10+s18+$0x0], $0xffff  }
0x428: {  	v63 =	vld.idx.msk [tilespmem:v18+s18+$0x0], $0xffff;
	[tilespmem:s30+$0xFFFFFFA0] =	vst v6  }
0x429: {  	v6 =	vld.idx.msk [tilespmem:v11+s18+$0x0], $0xffff;
	[tilespmem:s30+$0xFFFFFFB0] =	vst v8  }
0x42a: {  	[tilespmem:s30+$0xFFFFFFC0] =	vst v5  }
0x42b: {  	[tilespmem:s30+$0xFFFFFFD0] =	vst v7  }
0x42c: {  	[tilespmem:s30+$0xFFFFFFE0] =	vst v4  }
0x42d: {  	[tilespmem:s30+$0xFFFFFF90] =	vst v63  }
0x42e: {  	s31 =	simm.s32 $0x15370;
	[tilespmem:s30+$0xFFFFFFF0] =	vst v6  }
0x42f: {  	v4 =	vld [tilespmem:s31+$0x0]  }
0x430: {  	v5 =	vld [tilespmem:s31+$0xFFFFFFA0]  }
0x431: {  	v6 =	vld [tilespmem:s31+$0xFFFFFFB0]  }
0x432: {  	v9 =	vld [tilespmem:s31+$0xFFFFFFD0]  }
0x433: {  	v10 =	vld [tilespmem:s31+$0xFFFFFFE0]  }
0x434: {  	v11 =	vld [tilespmem:s31+$0xFFFFFFF0]  }
0x435: {  	v7 =	vld [tilespmem:s31+$0xFFFFFFC0]  }
0x436: {  	v4 =	vmul.f32 $2.560000000e+02, v4  }
0x437: {  	v5 =	vmul.f32 $2.560000000e+02, v5  }
0x438: {  	v12 =	vld [tilespmem:s31+$0xFFFFFF90];
	v8 =	vmul.f32 $2.560000000e+02, v6;
	v9 =	vmul.f32 $2.560000000e+02, v9;
	v4 =	vadd.f32 $1.261568000e+07, v4  }
0x439: {  	v10 =	vmul.f32 $2.560000000e+02, v10;
	v11 =	vmul.f32 $2.560000000e+02, v11  }
0x43a: {  	v6 =	vadd.f32 $1.261568000e+07, v5;
	v5 =	vmul.f32 $2.560000000e+02, v7;
	vm0 =	vgt.s32 v4, $0x4B400000  }
.Ltmp40:
0x43b: {  	v8 =	vadd.f32 $1.261568000e+07, v8;
	v9 =	vadd.f32 $1.261568000e+07, v9;
	v4 =	vnsel vm0, $0x4B400000, v4;
	(pc) =	sbr.rel @!p1 .LBB2_77-.Ltmp40, $4  }
0x43c: {  	v10 =	vadd.f32 $1.261568000e+07, v10;
	v11 =	vadd.f32 $1.261568000e+07, v11;
	v4 =	vmin.u32 v4, $0x4B40FFFF  }
0x43d: {  	v7 =	vadd.f32 $1.261568000e+07, v5;
	v5 =	vand.u32 $0xFFFF, v4;
	v4 =	vmul.f32 $2.560000000e+02, v12  }
0x43e: {  	vm2 =	vgt.s32 v6, $0x4B400000;
	vm4 =	vgt.s32 v8, $0x4B400000;
	vm3 =	vgt.s32 v9, $0x4B400000  }
0x43f: {  	s30 =	simm.s32 $0x15770;
	vm0 =	vgt.s32 v10, $0x4B400000;
	vm1 =	vgt.s32 v7, $0x4B400000;
	v18 =	vadd.f32 $1.261568000e+07, v4  }
0x440: {  	v4 =	vld [tilespmem:s30+$0x0];
	v6 =	vnsel vm2, $0x4B400000, v6;
	v8 =	vnsel vm4, $0x4B400000, v8;
	vm2 =	vgt.s32 v11, $0x4B400000  }
0x441: {  	v7 =	vnsel vm1, $0x4B400000, v7;
	v9 =	vnsel vm3, $0x4B400000, v9;
	v12 =	vld [tilespmem:s30+$0xFFFFFFA0];
	v10 =	vnsel vm0, $0x4B400000, v10  }
0x442: {  	v14 =	vld [tilespmem:s30+$0xFFFFFFB0];
	vm4 =	vgt.s32 v18, $0x4B400000;
	v11 =	vnsel vm2, $0x4B400000, v11;
	v6 =	vmin.u32 v6, $0x4B40FFFF  }
0x443: {  	v15 =	vld [tilespmem:s30+$0xFFFFFFC0];
	v8 =	vmin.u32 v8, $0x4B40FFFF;
	v7 =	vmin.u32 v7, $0x4B40FFFF;
	v9 =	vmin.u32 v9, $0x4B40FFFF  }
0x444: {  	v16 =	vld [tilespmem:s30+$0xFFFFFFD0];
	v10 =	vmin.u32 v10, $0x4B40FFFF;
	v13 =	vnsel vm4, $0x4B400000, v18;
	v11 =	vmin.u32 v11, $0x4B40FFFF  }
0x445: {  	v17 =	vld [tilespmem:s30+$0xFFFFFFE0];
	v18 =	vand.u32 $0xFFFF, v6;
	v13 =	vmin.u32 v13, $0x4B40FFFF;
	v4 =	vmul.f32 $2.560000000e+02, v4  }
0x446: {  	v22 =	vld [tilespmem:s30+$0xFFFFFF90];
	v19 =	vand.u32 $0xFFFF, v8;
	v20 =	vand.u32 $0xFFFF, v7;
	v13 =	vand.u32 $0xFFFF, v13  }
0x447: {  	v21 =	vand.u32 $0xFFFF, v9;
	v6 =	vmul.f32 $2.560000000e+02, v12;
	v12 =	vld [tilespmem:s30+$0xFFFFFFF0];
	v7 =	vadd.f32 $1.261568000e+07, v4  }
0x448: {  	v24 =	vld.idx.msk [tilespmem:v5+s18+$0x0], $0xffff;
	v23 =	vand.u32 $0xFFFF, v10;
	v8 =	vmul.f32 $2.560000000e+02, v14;
	v5 =	vmul.f32 $2.560000000e+02, v15  }
0x449: {  	v9 =	vmul.f32 $2.560000000e+02, v16;
	v4 =	vand.u32 $0xFFFF, v11;
	vm0 =	vgt.s32 v7, $0x4B400000  }
0x44a: {  	p1 =	por $0x1, $0x1;
	v6 =	vadd.f32 $1.261568000e+07, v6;
	v8 =	vadd.f32 $1.261568000e+07, v8;
	v14 =	vld.idx.msk [tilespmem:v18+s18+$0x0], $0xffff;
	v10 =	vnsel vm0, $0x4B400000, v7  }
.Ltmp41:
0x44b: {  	v11 =	vmul.f32 $2.560000000e+02, v17;
	v16 =	vld.idx.msk [tilespmem:v13+s18+$0x0], $0xffff;
	v7 =	vadd.f32 $1.261568000e+07, v5;
	v5 =	vmin.u32 v10, $0x4B40FFFF;
	(pc) =	sbr.rel @!p1 .LBB2_79-.Ltmp41, $4  }
0x44c: {  	v17 =	vmul.f32 $2.560000000e+02, v22;
	v13 =	vld.idx.msk [tilespmem:v20+s18+$0x0], $0xffff;
	v15 =	vmul.f32 $2.560000000e+02, v12;
	v5 =	vand.u32 $0xFFFF, v5  }
0x44d: {  	v9 =	vadd.f32 $1.261568000e+07, v9;
	vm2 =	vgt.s32 v6, $0x4B400000;
	v12 =	vld.idx.msk [tilespmem:v19+s18+$0x0], $0xffff;
	v10 =	vadd.f32 $1.261568000e+07, v11  }
0x44e: {  	vm4 =	vgt.s32 v8, $0x4B400000;
	v18 =	vadd.f32 $1.261568000e+07, v17;
	v17 =	vld.idx.msk [tilespmem:v23+s18+$0x0], $0xffff;
	v11 =	vadd.f32 $1.261568000e+07, v15  }
0x44f: {  	s0 =	simm.s32 $0x8;
	s2 =	simm.s32 $0x15B70;
	p0 =	por $0x1, $0x1;
	[tilespmem:s31+$0x0] =	vst v24;
	vm3 =	vgt.s32 v9, $0x4B400000;
	vm1 =	vgt.s32 v7, $0x4B400000;
	v15 =	vld.idx.msk [tilespmem:v21+s18+$0x0], $0xffff;
	vm0 =	vgt.s32 v10, $0x4B400000  }
.LBB2_80:
0x450: {  	v19 =	vld [tilespmem:s2+$0x0];
	s0 =	sadd.s32 $0x8, s0;
	v6 =	vnsel vm2, $0x4B400000, v6;
	v8 =	vnsel vm4, $0x4B400000, v8;
	vm2 =	vgt.s32 v11, $0x4B400000;
	[tilespmem:s31+$0xFFFFFF90] =	vst v16  }
0x451: {  	v7 =	vnsel vm1, $0x4B400000, v7;
	v9 =	vnsel vm3, $0x4B400000, v9;
	p1 =	slt.u32 s0, $0x78;
	vm4 =	vgt.s32 v18, $0x4B400000;
	v5 =	vld.idx.msk [tilespmem:v5+s18+$0x0], $0xffff;
	[tilespmem:s31+$0xFFFFFFA0] =	vst v14  }
0x452: {  	v10 =	vnsel vm0, $0x4B400000, v10;
	v11 =	vnsel vm2, $0x4B400000, v11;
	v14 =	vld [tilespmem:s2+$0xFFFFFFA0];
	v16 =	vnsel vm4, $0x4B400000, v18;
	[tilespmem:s31+$0xFFFFFFB0] =	vst v12  }
0x453: {  	v6 =	vmin.u32 v6, $0x4B40FFFF;
	v8 =	vmin.u32 v8, $0x4B40FFFF;
	v12 =	vld [tilespmem:s2+$0xFFFFFFB0];
	v16 =	vmin.u32 v16, $0x4B40FFFF;
	[tilespmem:s31+$0xFFFFFFC0] =	vst v13  }
0x454: {  	v7 =	vmin.u32 v7, $0x4B40FFFF;
	v9 =	vmin.u32 v9, $0x4B40FFFF;
	v10 =	vmin.u32 v10, $0x4B40FFFF;
	v13 =	vld [tilespmem:s2+$0xFFFFFFC0];
	[tilespmem:s31+$0xFFFFFFD0] =	vst v15  }
0x455: {  	v11 =	vmin.u32 v11, $0x4B40FFFF;
	v16 =	vand.u32 $0xFFFF, v16;
	v15 =	vld [tilespmem:s2+$0xFFFFFFD0];
	v18 =	vmul.f32 $2.560000000e+02, v19;
	[tilespmem:s31+$0xFFFFFFE0] =	vst v17  }
0x456: {  	v20 =	vand.u32 $0xFFFF, v8;
	v21 =	vand.u32 $0xFFFF, v7;
	v19 =	vand.u32 $0xFFFF, v6;
	v17 =	vld [tilespmem:s2+$0xFFFFFFE0]  }
0x457: {  	v6 =	vmul.f32 $2.560000000e+02, v14;
	v22 =	vld [tilespmem:s2+$0xFFFFFFF0];
	v7 =	vadd.f32 $1.261568000e+07, v18;
	v18 =	vand.u32 $0xFFFF, v9;
	[tilespmem:s30+$0x0] =	vst v5  }
0x458: {  	v24 =	vand.u32 $0xFFFF, v10;
	v8 =	vand.u32 $0xFFFF, v11;
	v23 =	vld [tilespmem:s2+$0xFFFFFF90];
	v5 =	vmul.f32 $2.560000000e+02, v12  }
0x459: {  	v6 =	vadd.f32 $1.261568000e+07, v6;
	v9 =	vmul.f32 $2.560000000e+02, v13;
	vm0 =	vgt.s32 v7, $0x4B400000;
	v25 =	vld.idx.msk [tilespmem:v4+s18+$0x0], $0xffff;
	v4 =	vmovc v8  }
0x45a: {  	v8 =	vadd.f32 $1.261568000e+07, v5;
	v5 =	vmul.f32 $2.560000000e+02, v15;
	v10 =	vnsel vm0, $0x4B400000, v7;
	v16 =	vld.idx.msk [tilespmem:v16+s18+$0x0], $0xffff  }
.Ltmp42:
0x45b: {  	v7 =	vadd.f32 $1.261568000e+07, v9;
	v11 =	vmul.f32 $2.560000000e+02, v17;
	v10 =	vmin.u32 v10, $0x4B40FFFF;
	v14 =	vld.idx.msk [tilespmem:v19+s18+$0x0], $0xffff;
	(pc) =	sbr.rel @p1 .LBB2_80-.Ltmp42, $4  }
0x45c: {  	v9 =	vadd.f32 $1.261568000e+07, v5;
	v15 =	vmul.f32 $2.560000000e+02, v22;
	v5 =	vand.u32 $0xFFFF, v10;
	v12 =	vld.idx.msk [tilespmem:v20+s18+$0x0], $0xffff  }
0x45d: {  	vm2 =	vgt.s32 v6, $0x4B400000;
	v17 =	vmul.f32 $2.560000000e+02, v23;
	v10 =	vadd.f32 $1.261568000e+07, v11;
	v13 =	vld.idx.msk [tilespmem:v21+s18+$0x0], $0xffff  }
0x45e: {  	vm4 =	vgt.s32 v8, $0x4B400000;
	vm1 =	vgt.s32 v7, $0x4B400000;
	v11 =	vadd.f32 $1.261568000e+07, v15;
	v15 =	vld.idx.msk [tilespmem:v18+s18+$0x0], $0xffff  }
0x45f: {  	vm3 =	vgt.s32 v9, $0x4B400000;
	v18 =	vadd.f32 $1.261568000e+07, v17;
	vm0 =	vgt.s32 v10, $0x4B400000;
	v17 =	vld.idx.msk [tilespmem:v24+s18+$0x0], $0xffff;
	[tilespmem:s31+$0xFFFFFFF0] =	vst v25;
	s31 =	smov.u32 s30;
	s30 =	smov.u32 s2;
	s2 =	sadd.s32 $0x400, s2  }
0x460: {  	s0 =	smov.u32 s31;
	s31 =	smov.u32 s30  }
.LBB2_82:
0x461: {  	vm5 =	vgt.s32 v18, $0x4B400000;
	v6 =	vnsel vm2, $0x4B400000, v6  }
0x462: {  	v8 =	vnsel vm4, $0x4B400000, v8;
	vm2 =	vgt.s32 v11, $0x4B400000;
	v6 =	vmin.u32 v6, $0x4B40FFFF  }
0x463: {  	v7 =	vnsel vm1, $0x4B400000, v7;
	v8 =	vmin.u32 v8, $0x4B40FFFF;
	v6 =	vand.u32 $0xFFFF, v6  }
0x464: {  	v9 =	vnsel vm3, $0x4B400000, v9;
	v7 =	vmin.u32 v7, $0x4B40FFFF;
	v8 =	vand.u32 $0xFFFF, v8  }
0x465: {  	[tilespmem:s0+$0xFFFFFF90] =	vst @p0 v16;
	v5 =	vld.idx.msk [tilespmem:v5+s18+$0x0], $0xffff;
	v10 =	vnsel vm0, $0x4B400000, v10;
	v9 =	vmin.u32 v9, $0x4B40FFFF;
	v7 =	vand.u32 $0xFFFF, v7  }
0x466: {  	[tilespmem:s0+$0xFFFFFFA0] =	vst @p0 v14;
	v18 =	vnsel vm5, $0x4B400000, v18;
	v10 =	vmin.u32 v10, $0x4B40FFFF;
	v9 =	vand.u32 $0xFFFF, v9  }
0x467: {  	[tilespmem:s0+$0xFFFFFFB0] =	vst @p0 v12;
	v4 =	vld.idx.msk @p0 [tilespmem:v4+s18+$0x0], $0xffff;
	v11 =	vnsel vm2, $0x4B400000, v11;
	v18 =	vmin.u32 v18, $0x4B40FFFF;
	v10 =	vand.u32 $0xFFFF, v10  }
0x468: {  	[tilespmem:s0+$0xFFFFFFC0] =	vst @p0 v13;
	v11 =	vmin.u32 v11, $0x4B40FFFF;
	v18 =	vand.u32 $0xFFFF, v18;
	v6 =	vld.idx.msk [tilespmem:v6+s18+$0x0], $0xffff  }
0x469: {  	[tilespmem:s0+$0xFFFFFFD0] =	vst @p0 v15;
	v11 =	vand.u32 $0xFFFF, v11;
	v8 =	vld.idx.msk [tilespmem:v8+s18+$0x0], $0xffff  }
0x46a: {  	[tilespmem:s31+$0x0] =	vst v5;
	v5 =	vld.idx.msk [tilespmem:v7+s18+$0x0], $0xffff  }
0x46b: {  	[tilespmem:s0+$0xFFFFFFE0] =	vst @p0 v17;
	v7 =	vld.idx.msk [tilespmem:v9+s18+$0x0], $0xffff  }
0x46c: {  	[tilespmem:s0+$0xFFFFFFF0] =	vst @p0 v4;
	v4 =	vld.idx.msk [tilespmem:v10+s18+$0x0], $0xffff  }
0x46d: {  	v63 =	vld.idx.msk [tilespmem:v18+s18+$0x0], $0xffff;
	[tilespmem:s31+$0xFFFFFFA0] =	vst v6  }
0x46e: {  	v6 =	vld.idx.msk [tilespmem:v11+s18+$0x0], $0xffff;
	[tilespmem:s31+$0xFFFFFFB0] =	vst v8  }
0x46f: {  	[tilespmem:s31+$0xFFFFFFC0] =	vst v5  }
0x470: {  	[tilespmem:s31+$0xFFFFFFD0] =	vst v7  }
0x471: {  	[tilespmem:s31+$0xFFFFFFE0] =	vst v4  }
0x472: {  	[tilespmem:s31+$0xFFFFFF90] =	vst v63  }
0x473: {  	s30 =	simm.s32 $0x153F0;
	[tilespmem:s31+$0xFFFFFFF0] =	vst v6  }
0x474: {  	v4 =	vld [tilespmem:s30+$0x0]  }
0x475: {  	v5 =	vld [tilespmem:s30+$0xFFFFFFA0]  }
0x476: {  	v6 =	vld [tilespmem:s30+$0xFFFFFFB0]  }
0x477: {  	v9 =	vld [tilespmem:s30+$0xFFFFFFD0]  }
0x478: {  	v10 =	vld [tilespmem:s30+$0xFFFFFFE0]  }
0x479: {  	v11 =	vld [tilespmem:s30+$0xFFFFFFF0]  }
0x47a: {  	v7 =	vld [tilespmem:s30+$0xFFFFFFC0]  }
0x47b: {  	v4 =	vmul.f32 $2.560000000e+02, v4  }
0x47c: {  	v5 =	vmul.f32 $2.560000000e+02, v5  }
0x47d: {  	v12 =	vld [tilespmem:s30+$0xFFFFFF90];
	v8 =	vmul.f32 $2.560000000e+02, v6;
	v9 =	vmul.f32 $2.560000000e+02, v9;
	v4 =	vadd.f32 $1.261568000e+07, v4  }
0x47e: {  	v10 =	vmul.f32 $2.560000000e+02, v10;
	v11 =	vmul.f32 $2.560000000e+02, v11  }
0x47f: {  	p1 =	por $0x1, $0x1;
	v6 =	vadd.f32 $1.261568000e+07, v5;
	v5 =	vmul.f32 $2.560000000e+02, v7;
	vm0 =	vgt.s32 v4, $0x4B400000  }
.Ltmp43:
0x480: {  	v8 =	vadd.f32 $1.261568000e+07, v8;
	v9 =	vadd.f32 $1.261568000e+07, v9;
	v4 =	vnsel vm0, $0x4B400000, v4;
	(pc) =	sbr.rel @!p1 .LBB2_83-.Ltmp43, $4  }
0x481: {  	v10 =	vadd.f32 $1.261568000e+07, v10;
	v11 =	vadd.f32 $1.261568000e+07, v11;
	v4 =	vmin.u32 v4, $0x4B40FFFF  }
0x482: {  	v7 =	vadd.f32 $1.261568000e+07, v5;
	v5 =	vand.u32 $0xFFFF, v4;
	v4 =	vmul.f32 $2.560000000e+02, v12  }
0x483: {  	vm2 =	vgt.s32 v6, $0x4B400000;
	vm4 =	vgt.s32 v8, $0x4B400000;
	vm3 =	vgt.s32 v9, $0x4B400000  }
0x484: {  	p0 =	por $0x0, $0x0;
	s31 =	simm.s32 $0x157F0;
	vm0 =	vgt.s32 v10, $0x4B400000;
	vm1 =	vgt.s32 v7, $0x4B400000;
	v18 =	vadd.f32 $1.261568000e+07, v4  }
0x485: {  	v4 =	vld [tilespmem:s31+$0x0];
	v6 =	vnsel vm2, $0x4B400000, v6;
	v8 =	vnsel vm4, $0x4B400000, v8;
	vm2 =	vgt.s32 v11, $0x4B400000  }
0x486: {  	v7 =	vnsel vm1, $0x4B400000, v7;
	v9 =	vnsel vm3, $0x4B400000, v9;
	v12 =	vld [tilespmem:s31+$0xFFFFFFA0];
	v10 =	vnsel vm0, $0x4B400000, v10  }
0x487: {  	v14 =	vld [tilespmem:s31+$0xFFFFFFB0];
	vm4 =	vgt.s32 v18, $0x4B400000;
	v11 =	vnsel vm2, $0x4B400000, v11;
	v6 =	vmin.u32 v6, $0x4B40FFFF  }
0x488: {  	v15 =	vld [tilespmem:s31+$0xFFFFFFC0];
	v8 =	vmin.u32 v8, $0x4B40FFFF;
	v7 =	vmin.u32 v7, $0x4B40FFFF;
	v9 =	vmin.u32 v9, $0x4B40FFFF  }
0x489: {  	v16 =	vld [tilespmem:s31+$0xFFFFFFD0];
	v10 =	vmin.u32 v10, $0x4B40FFFF;
	v13 =	vnsel vm4, $0x4B400000, v18;
	v11 =	vmin.u32 v11, $0x4B40FFFF  }
0x48a: {  	v17 =	vld [tilespmem:s31+$0xFFFFFFE0];
	v18 =	vand.u32 $0xFFFF, v6;
	v13 =	vmin.u32 v13, $0x4B40FFFF;
	v4 =	vmul.f32 $2.560000000e+02, v4  }
0x48b: {  	v22 =	vld [tilespmem:s31+$0xFFFFFF90];
	v19 =	vand.u32 $0xFFFF, v8;
	v20 =	vand.u32 $0xFFFF, v7;
	v13 =	vand.u32 $0xFFFF, v13  }
0x48c: {  	v21 =	vand.u32 $0xFFFF, v9;
	v6 =	vmul.f32 $2.560000000e+02, v12;
	v12 =	vld [tilespmem:s31+$0xFFFFFFF0];
	v7 =	vadd.f32 $1.261568000e+07, v4  }
0x48d: {  	v24 =	vld.idx.msk [tilespmem:v5+s18+$0x0], $0xffff;
	v23 =	vand.u32 $0xFFFF, v10;
	v8 =	vmul.f32 $2.560000000e+02, v14;
	v5 =	vmul.f32 $2.560000000e+02, v15  }
0x48e: {  	v9 =	vmul.f32 $2.560000000e+02, v16;
	v4 =	vand.u32 $0xFFFF, v11;
	vm0 =	vgt.s32 v7, $0x4B400000  }
0x48f: {  	p3 =	por $0x1, $0x1;
	v6 =	vadd.f32 $1.261568000e+07, v6;
	v8 =	vadd.f32 $1.261568000e+07, v8;
	v14 =	vld.idx.msk [tilespmem:v18+s18+$0x0], $0xffff;
	v10 =	vnsel vm0, $0x4B400000, v7  }
.Ltmp44:
0x490: {  	v11 =	vmul.f32 $2.560000000e+02, v17;
	v16 =	vld.idx.msk [tilespmem:v13+s18+$0x0], $0xffff;
	v7 =	vadd.f32 $1.261568000e+07, v5;
	v5 =	vmin.u32 v10, $0x4B40FFFF;
	(pc) =	sbr.rel @!p3 .LBB2_85-.Ltmp44, $4  }
0x491: {  	v17 =	vmul.f32 $2.560000000e+02, v22;
	v13 =	vld.idx.msk [tilespmem:v20+s18+$0x0], $0xffff;
	v15 =	vmul.f32 $2.560000000e+02, v12;
	v5 =	vand.u32 $0xFFFF, v5  }
0x492: {  	v9 =	vadd.f32 $1.261568000e+07, v9;
	vm2 =	vgt.s32 v6, $0x4B400000;
	v12 =	vld.idx.msk [tilespmem:v19+s18+$0x0], $0xffff;
	v10 =	vadd.f32 $1.261568000e+07, v11  }
0x493: {  	vm4 =	vgt.s32 v8, $0x4B400000;
	v18 =	vadd.f32 $1.261568000e+07, v17;
	v17 =	vld.idx.msk [tilespmem:v23+s18+$0x0], $0xffff;
	v11 =	vadd.f32 $1.261568000e+07, v15  }
0x494: {  	s0 =	simm.s32 $0x8;
	s2 =	simm.s32 $0x15BF0;
	p2 =	por $0x1, $0x1;
	[tilespmem:s30+$0x0] =	vst v24;
	vm3 =	vgt.s32 v9, $0x4B400000;
	vm1 =	vgt.s32 v7, $0x4B400000;
	v15 =	vld.idx.msk [tilespmem:v21+s18+$0x0], $0xffff;
	vm0 =	vgt.s32 v10, $0x4B400000  }
.LBB2_86:
0x495: {  	v19 =	vld [tilespmem:s2+$0x0];
	s0 =	sadd.s32 $0x8, s0;
	v6 =	vnsel vm2, $0x4B400000, v6;
	v8 =	vnsel vm4, $0x4B400000, v8;
	vm2 =	vgt.s32 v11, $0x4B400000;
	[tilespmem:s30+$0xFFFFFF90] =	vst v16  }
0x496: {  	v7 =	vnsel vm1, $0x4B400000, v7;
	v9 =	vnsel vm3, $0x4B400000, v9;
	p3 =	slt.u32 s0, $0x78;
	vm4 =	vgt.s32 v18, $0x4B400000;
	v5 =	vld.idx.msk [tilespmem:v5+s18+$0x0], $0xffff;
	[tilespmem:s30+$0xFFFFFFA0] =	vst v14  }
0x497: {  	v10 =	vnsel vm0, $0x4B400000, v10;
	v11 =	vnsel vm2, $0x4B400000, v11;
	v14 =	vld [tilespmem:s2+$0xFFFFFFA0];
	v16 =	vnsel vm4, $0x4B400000, v18;
	[tilespmem:s30+$0xFFFFFFB0] =	vst v12  }
0x498: {  	v6 =	vmin.u32 v6, $0x4B40FFFF;
	v8 =	vmin.u32 v8, $0x4B40FFFF;
	v12 =	vld [tilespmem:s2+$0xFFFFFFB0];
	v16 =	vmin.u32 v16, $0x4B40FFFF;
	[tilespmem:s30+$0xFFFFFFC0] =	vst v13  }
0x499: {  	v7 =	vmin.u32 v7, $0x4B40FFFF;
	v9 =	vmin.u32 v9, $0x4B40FFFF;
	v10 =	vmin.u32 v10, $0x4B40FFFF;
	v13 =	vld [tilespmem:s2+$0xFFFFFFC0];
	[tilespmem:s30+$0xFFFFFFD0] =	vst v15  }
0x49a: {  	v11 =	vmin.u32 v11, $0x4B40FFFF;
	v16 =	vand.u32 $0xFFFF, v16;
	v15 =	vld [tilespmem:s2+$0xFFFFFFD0];
	v18 =	vmul.f32 $2.560000000e+02, v19;
	[tilespmem:s30+$0xFFFFFFE0] =	vst v17  }
0x49b: {  	v20 =	vand.u32 $0xFFFF, v8;
	v21 =	vand.u32 $0xFFFF, v7;
	v19 =	vand.u32 $0xFFFF, v6;
	v17 =	vld [tilespmem:s2+$0xFFFFFFE0]  }
0x49c: {  	v6 =	vmul.f32 $2.560000000e+02, v14;
	v22 =	vld [tilespmem:s2+$0xFFFFFFF0];
	v7 =	vadd.f32 $1.261568000e+07, v18;
	v18 =	vand.u32 $0xFFFF, v9;
	[tilespmem:s31+$0x0] =	vst v5  }
0x49d: {  	v24 =	vand.u32 $0xFFFF, v10;
	v8 =	vand.u32 $0xFFFF, v11;
	v23 =	vld [tilespmem:s2+$0xFFFFFF90];
	v5 =	vmul.f32 $2.560000000e+02, v12  }
0x49e: {  	v6 =	vadd.f32 $1.261568000e+07, v6;
	v9 =	vmul.f32 $2.560000000e+02, v13;
	vm0 =	vgt.s32 v7, $0x4B400000;
	v25 =	vld.idx.msk [tilespmem:v4+s18+$0x0], $0xffff;
	v4 =	vmovc v8  }
0x49f: {  	v8 =	vadd.f32 $1.261568000e+07, v5;
	v5 =	vmul.f32 $2.560000000e+02, v15;
	v10 =	vnsel vm0, $0x4B400000, v7;
	v16 =	vld.idx.msk [tilespmem:v16+s18+$0x0], $0xffff  }
.Ltmp45:
0x4a0: {  	v7 =	vadd.f32 $1.261568000e+07, v9;
	v11 =	vmul.f32 $2.560000000e+02, v17;
	v10 =	vmin.u32 v10, $0x4B40FFFF;
	v14 =	vld.idx.msk [tilespmem:v19+s18+$0x0], $0xffff;
	(pc) =	sbr.rel @p3 .LBB2_86-.Ltmp45, $4  }
0x4a1: {  	v9 =	vadd.f32 $1.261568000e+07, v5;
	v15 =	vmul.f32 $2.560000000e+02, v22;
	v5 =	vand.u32 $0xFFFF, v10;
	v12 =	vld.idx.msk [tilespmem:v20+s18+$0x0], $0xffff  }
0x4a2: {  	vm2 =	vgt.s32 v6, $0x4B400000;
	v17 =	vmul.f32 $2.560000000e+02, v23;
	v10 =	vadd.f32 $1.261568000e+07, v11;
	v13 =	vld.idx.msk [tilespmem:v21+s18+$0x0], $0xffff  }
0x4a3: {  	vm4 =	vgt.s32 v8, $0x4B400000;
	vm1 =	vgt.s32 v7, $0x4B400000;
	v11 =	vadd.f32 $1.261568000e+07, v15;
	v15 =	vld.idx.msk [tilespmem:v18+s18+$0x0], $0xffff  }
0x4a4: {  	vm3 =	vgt.s32 v9, $0x4B400000;
	v18 =	vadd.f32 $1.261568000e+07, v17;
	vm0 =	vgt.s32 v10, $0x4B400000;
	v17 =	vld.idx.msk [tilespmem:v24+s18+$0x0], $0xffff;
	[tilespmem:s30+$0xFFFFFFF0] =	vst v25;
	s30 =	smov.u32 s31;
	s31 =	smov.u32 s2;
	s2 =	sadd.s32 $0x400, s2  }
0x4a5: {  	s0 =	smov.u32 s30;
	s30 =	smov.u32 s31  }
.LBB2_88:
0x4a6: {  	vm5 =	vgt.s32 v18, $0x4B400000;
	v6 =	vnsel vm2, $0x4B400000, v6  }
0x4a7: {  	v8 =	vnsel vm4, $0x4B400000, v8;
	vm2 =	vgt.s32 v11, $0x4B400000;
	v6 =	vmin.u32 v6, $0x4B40FFFF  }
0x4a8: {  	v7 =	vnsel vm1, $0x4B400000, v7;
	v8 =	vmin.u32 v8, $0x4B40FFFF;
	v6 =	vand.u32 $0xFFFF, v6  }
0x4a9: {  	v9 =	vnsel vm3, $0x4B400000, v9;
	v7 =	vmin.u32 v7, $0x4B40FFFF;
	v8 =	vand.u32 $0xFFFF, v8  }
0x4aa: {  	[tilespmem:s0+$0xFFFFFF90] =	vst @p2 v16;
	v5 =	vld.idx.msk [tilespmem:v5+s18+$0x0], $0xffff;
	v10 =	vnsel vm0, $0x4B400000, v10;
	v9 =	vmin.u32 v9, $0x4B40FFFF;
	v7 =	vand.u32 $0xFFFF, v7  }
0x4ab: {  	[tilespmem:s0+$0xFFFFFFA0] =	vst @p2 v14;
	v18 =	vnsel vm5, $0x4B400000, v18;
	v10 =	vmin.u32 v10, $0x4B40FFFF;
	v9 =	vand.u32 $0xFFFF, v9  }
0x4ac: {  	[tilespmem:s0+$0xFFFFFFB0] =	vst @p2 v12;
	v4 =	vld.idx.msk @p2 [tilespmem:v4+s18+$0x0], $0xffff;
	v11 =	vnsel vm2, $0x4B400000, v11;
	v18 =	vmin.u32 v18, $0x4B40FFFF;
	v10 =	vand.u32 $0xFFFF, v10  }
0x4ad: {  	[tilespmem:s0+$0xFFFFFFC0] =	vst @p2 v13;
	v11 =	vmin.u32 v11, $0x4B40FFFF;
	v18 =	vand.u32 $0xFFFF, v18;
	v6 =	vld.idx.msk [tilespmem:v6+s18+$0x0], $0xffff  }
0x4ae: {  	[tilespmem:s0+$0xFFFFFFD0] =	vst @p2 v15;
	v11 =	vand.u32 $0xFFFF, v11;
	v8 =	vld.idx.msk [tilespmem:v8+s18+$0x0], $0xffff  }
0x4af: {  	[tilespmem:s30+$0x0] =	vst v5;
	v5 =	vld.idx.msk [tilespmem:v7+s18+$0x0], $0xffff  }
0x4b0: {  	[tilespmem:s0+$0xFFFFFFE0] =	vst @p2 v17;
	v7 =	vld.idx.msk [tilespmem:v9+s18+$0x0], $0xffff  }
0x4b1: {  	[tilespmem:s0+$0xFFFFFFF0] =	vst @p2 v4;
	v4 =	vld.idx.msk [tilespmem:v10+s18+$0x0], $0xffff  }
0x4b2: {  	v63 =	vld.idx.msk [tilespmem:v18+s18+$0x0], $0xffff;
	[tilespmem:s30+$0xFFFFFFA0] =	vst v6  }
0x4b3: {  	v6 =	vld.idx.msk [tilespmem:v11+s18+$0x0], $0xffff;
	[tilespmem:s30+$0xFFFFFFB0] =	vst v8  }
0x4b4: {  	[tilespmem:s30+$0xFFFFFFC0] =	vst v5  }
0x4b5: {  	[tilespmem:s30+$0xFFFFFFD0] =	vst v7  }
0x4b6: {  	[tilespmem:s30+$0xFFFFFFE0] =	vst v4  }
0x4b7: {  	[tilespmem:s30+$0xFFFFFF90] =	vst v63  }
0x4b8: {  	s31 =	simm.s32 $0x15470;
	[tilespmem:s30+$0xFFFFFFF0] =	vst v6  }
0x4b9: {  	v4 =	vld [tilespmem:s31+$0x0]  }
0x4ba: {  	v5 =	vld [tilespmem:s31+$0xFFFFFFA0]  }
0x4bb: {  	v6 =	vld [tilespmem:s31+$0xFFFFFFB0]  }
0x4bc: {  	v9 =	vld [tilespmem:s31+$0xFFFFFFD0]  }
0x4bd: {  	v10 =	vld [tilespmem:s31+$0xFFFFFFE0]  }
0x4be: {  	v11 =	vld [tilespmem:s31+$0xFFFFFFF0]  }
0x4bf: {  	v7 =	vld [tilespmem:s31+$0xFFFFFFC0]  }
0x4c0: {  	v4 =	vmul.f32 $2.560000000e+02, v4  }
0x4c1: {  	v5 =	vmul.f32 $2.560000000e+02, v5  }
0x4c2: {  	v12 =	vld [tilespmem:s31+$0xFFFFFF90];
	v8 =	vmul.f32 $2.560000000e+02, v6;
	v9 =	vmul.f32 $2.560000000e+02, v9;
	v4 =	vadd.f32 $1.261568000e+07, v4  }
0x4c3: {  	v10 =	vmul.f32 $2.560000000e+02, v10;
	v11 =	vmul.f32 $2.560000000e+02, v11  }
0x4c4: {  	v6 =	vadd.f32 $1.261568000e+07, v5;
	v5 =	vmul.f32 $2.560000000e+02, v7;
	vm0 =	vgt.s32 v4, $0x4B400000  }
.Ltmp46:
0x4c5: {  	v8 =	vadd.f32 $1.261568000e+07, v8;
	v9 =	vadd.f32 $1.261568000e+07, v9;
	v4 =	vnsel vm0, $0x4B400000, v4;
	(pc) =	sbr.rel @!p1 .LBB2_89-.Ltmp46, $4  }
0x4c6: {  	v10 =	vadd.f32 $1.261568000e+07, v10;
	v11 =	vadd.f32 $1.261568000e+07, v11;
	v4 =	vmin.u32 v4, $0x4B40FFFF  }
0x4c7: {  	v7 =	vadd.f32 $1.261568000e+07, v5;
	v5 =	vand.u32 $0xFFFF, v4;
	v4 =	vmul.f32 $2.560000000e+02, v12  }
0x4c8: {  	vm2 =	vgt.s32 v6, $0x4B400000;
	vm4 =	vgt.s32 v8, $0x4B400000;
	vm3 =	vgt.s32 v9, $0x4B400000  }
0x4c9: {  	s30 =	simm.s32 $0x15870;
	vm0 =	vgt.s32 v10, $0x4B400000;
	vm1 =	vgt.s32 v7, $0x4B400000;
	v18 =	vadd.f32 $1.261568000e+07, v4  }
0x4ca: {  	v4 =	vld [tilespmem:s30+$0x0];
	v6 =	vnsel vm2, $0x4B400000, v6;
	v8 =	vnsel vm4, $0x4B400000, v8;
	vm2 =	vgt.s32 v11, $0x4B400000  }
0x4cb: {  	v7 =	vnsel vm1, $0x4B400000, v7;
	v9 =	vnsel vm3, $0x4B400000, v9;
	v12 =	vld [tilespmem:s30+$0xFFFFFFA0];
	v10 =	vnsel vm0, $0x4B400000, v10  }
0x4cc: {  	v14 =	vld [tilespmem:s30+$0xFFFFFFB0];
	vm4 =	vgt.s32 v18, $0x4B400000;
	v11 =	vnsel vm2, $0x4B400000, v11;
	v6 =	vmin.u32 v6, $0x4B40FFFF  }
0x4cd: {  	v15 =	vld [tilespmem:s30+$0xFFFFFFC0];
	v8 =	vmin.u32 v8, $0x4B40FFFF;
	v7 =	vmin.u32 v7, $0x4B40FFFF;
	v9 =	vmin.u32 v9, $0x4B40FFFF  }
0x4ce: {  	v16 =	vld [tilespmem:s30+$0xFFFFFFD0];
	v10 =	vmin.u32 v10, $0x4B40FFFF;
	v13 =	vnsel vm4, $0x4B400000, v18;
	v11 =	vmin.u32 v11, $0x4B40FFFF  }
0x4cf: {  	v17 =	vld [tilespmem:s30+$0xFFFFFFE0];
	v18 =	vand.u32 $0xFFFF, v6;
	v13 =	vmin.u32 v13, $0x4B40FFFF;
	v4 =	vmul.f32 $2.560000000e+02, v4  }
0x4d0: {  	v22 =	vld [tilespmem:s30+$0xFFFFFF90];
	v19 =	vand.u32 $0xFFFF, v8;
	v20 =	vand.u32 $0xFFFF, v7;
	v13 =	vand.u32 $0xFFFF, v13  }
0x4d1: {  	v21 =	vand.u32 $0xFFFF, v9;
	v6 =	vmul.f32 $2.560000000e+02, v12;
	v12 =	vld [tilespmem:s30+$0xFFFFFFF0];
	v7 =	vadd.f32 $1.261568000e+07, v4  }
0x4d2: {  	v24 =	vld.idx.msk [tilespmem:v5+s18+$0x0], $0xffff;
	v23 =	vand.u32 $0xFFFF, v10;
	v8 =	vmul.f32 $2.560000000e+02, v14;
	v5 =	vmul.f32 $2.560000000e+02, v15  }
0x4d3: {  	v9 =	vmul.f32 $2.560000000e+02, v16;
	v4 =	vand.u32 $0xFFFF, v11;
	vm0 =	vgt.s32 v7, $0x4B400000  }
0x4d4: {  	p1 =	por $0x1, $0x1;
	v6 =	vadd.f32 $1.261568000e+07, v6;
	v8 =	vadd.f32 $1.261568000e+07, v8;
	v14 =	vld.idx.msk [tilespmem:v18+s18+$0x0], $0xffff;
	v10 =	vnsel vm0, $0x4B400000, v7  }
.Ltmp47:
0x4d5: {  	v11 =	vmul.f32 $2.560000000e+02, v17;
	v16 =	vld.idx.msk [tilespmem:v13+s18+$0x0], $0xffff;
	v7 =	vadd.f32 $1.261568000e+07, v5;
	v5 =	vmin.u32 v10, $0x4B40FFFF;
	(pc) =	sbr.rel @!p1 .LBB2_91-.Ltmp47, $4  }
0x4d6: {  	v17 =	vmul.f32 $2.560000000e+02, v22;
	v13 =	vld.idx.msk [tilespmem:v20+s18+$0x0], $0xffff;
	v15 =	vmul.f32 $2.560000000e+02, v12;
	v5 =	vand.u32 $0xFFFF, v5  }
0x4d7: {  	v9 =	vadd.f32 $1.261568000e+07, v9;
	vm2 =	vgt.s32 v6, $0x4B400000;
	v12 =	vld.idx.msk [tilespmem:v19+s18+$0x0], $0xffff;
	v10 =	vadd.f32 $1.261568000e+07, v11  }
0x4d8: {  	vm4 =	vgt.s32 v8, $0x4B400000;
	v18 =	vadd.f32 $1.261568000e+07, v17;
	v17 =	vld.idx.msk [tilespmem:v23+s18+$0x0], $0xffff;
	v11 =	vadd.f32 $1.261568000e+07, v15  }
0x4d9: {  	s0 =	simm.s32 $0x8;
	s2 =	simm.s32 $0x15C70;
	p0 =	por $0x1, $0x1;
	[tilespmem:s31+$0x0] =	vst v24;
	vm3 =	vgt.s32 v9, $0x4B400000;
	vm1 =	vgt.s32 v7, $0x4B400000;
	v15 =	vld.idx.msk [tilespmem:v21+s18+$0x0], $0xffff;
	vm0 =	vgt.s32 v10, $0x4B400000  }
.LBB2_92:
0x4da: {  	v19 =	vld [tilespmem:s2+$0x0];
	s0 =	sadd.s32 $0x8, s0;
	v6 =	vnsel vm2, $0x4B400000, v6;
	v8 =	vnsel vm4, $0x4B400000, v8;
	vm2 =	vgt.s32 v11, $0x4B400000;
	[tilespmem:s31+$0xFFFFFF90] =	vst v16  }
0x4db: {  	v7 =	vnsel vm1, $0x4B400000, v7;
	v9 =	vnsel vm3, $0x4B400000, v9;
	p1 =	slt.u32 s0, $0x78;
	vm4 =	vgt.s32 v18, $0x4B400000;
	v5 =	vld.idx.msk [tilespmem:v5+s18+$0x0], $0xffff;
	[tilespmem:s31+$0xFFFFFFA0] =	vst v14  }
0x4dc: {  	v10 =	vnsel vm0, $0x4B400000, v10;
	v11 =	vnsel vm2, $0x4B400000, v11;
	v14 =	vld [tilespmem:s2+$0xFFFFFFA0];
	v16 =	vnsel vm4, $0x4B400000, v18;
	[tilespmem:s31+$0xFFFFFFB0] =	vst v12  }
0x4dd: {  	v6 =	vmin.u32 v6, $0x4B40FFFF;
	v8 =	vmin.u32 v8, $0x4B40FFFF;
	v12 =	vld [tilespmem:s2+$0xFFFFFFB0];
	v16 =	vmin.u32 v16, $0x4B40FFFF;
	[tilespmem:s31+$0xFFFFFFC0] =	vst v13  }
0x4de: {  	v7 =	vmin.u32 v7, $0x4B40FFFF;
	v9 =	vmin.u32 v9, $0x4B40FFFF;
	v10 =	vmin.u32 v10, $0x4B40FFFF;
	v13 =	vld [tilespmem:s2+$0xFFFFFFC0];
	[tilespmem:s31+$0xFFFFFFD0] =	vst v15  }
0x4df: {  	v11 =	vmin.u32 v11, $0x4B40FFFF;
	v16 =	vand.u32 $0xFFFF, v16;
	v15 =	vld [tilespmem:s2+$0xFFFFFFD0];
	v18 =	vmul.f32 $2.560000000e+02, v19;
	[tilespmem:s31+$0xFFFFFFE0] =	vst v17  }
0x4e0: {  	v20 =	vand.u32 $0xFFFF, v8;
	v21 =	vand.u32 $0xFFFF, v7;
	v19 =	vand.u32 $0xFFFF, v6;
	v17 =	vld [tilespmem:s2+$0xFFFFFFE0]  }
0x4e1: {  	v6 =	vmul.f32 $2.560000000e+02, v14;
	v22 =	vld [tilespmem:s2+$0xFFFFFFF0];
	v7 =	vadd.f32 $1.261568000e+07, v18;
	v18 =	vand.u32 $0xFFFF, v9;
	[tilespmem:s30+$0x0] =	vst v5  }
0x4e2: {  	v24 =	vand.u32 $0xFFFF, v10;
	v8 =	vand.u32 $0xFFFF, v11;
	v23 =	vld [tilespmem:s2+$0xFFFFFF90];
	v5 =	vmul.f32 $2.560000000e+02, v12  }
0x4e3: {  	v6 =	vadd.f32 $1.261568000e+07, v6;
	v9 =	vmul.f32 $2.560000000e+02, v13;
	vm0 =	vgt.s32 v7, $0x4B400000;
	v25 =	vld.idx.msk [tilespmem:v4+s18+$0x0], $0xffff;
	v4 =	vmovc v8  }
0x4e4: {  	v8 =	vadd.f32 $1.261568000e+07, v5;
	v5 =	vmul.f32 $2.560000000e+02, v15;
	v10 =	vnsel vm0, $0x4B400000, v7;
	v16 =	vld.idx.msk [tilespmem:v16+s18+$0x0], $0xffff  }
.Ltmp48:
0x4e5: {  	v7 =	vadd.f32 $1.261568000e+07, v9;
	v11 =	vmul.f32 $2.560000000e+02, v17;
	v10 =	vmin.u32 v10, $0x4B40FFFF;
	v14 =	vld.idx.msk [tilespmem:v19+s18+$0x0], $0xffff;
	(pc) =	sbr.rel @p1 .LBB2_92-.Ltmp48, $4  }
0x4e6: {  	v9 =	vadd.f32 $1.261568000e+07, v5;
	v15 =	vmul.f32 $2.560000000e+02, v22;
	v5 =	vand.u32 $0xFFFF, v10;
	v12 =	vld.idx.msk [tilespmem:v20+s18+$0x0], $0xffff  }
0x4e7: {  	vm2 =	vgt.s32 v6, $0x4B400000;
	v17 =	vmul.f32 $2.560000000e+02, v23;
	v10 =	vadd.f32 $1.261568000e+07, v11;
	v13 =	vld.idx.msk [tilespmem:v21+s18+$0x0], $0xffff  }
0x4e8: {  	vm4 =	vgt.s32 v8, $0x4B400000;
	vm1 =	vgt.s32 v7, $0x4B400000;
	v11 =	vadd.f32 $1.261568000e+07, v15;
	v15 =	vld.idx.msk [tilespmem:v18+s18+$0x0], $0xffff  }
0x4e9: {  	vm3 =	vgt.s32 v9, $0x4B400000;
	v18 =	vadd.f32 $1.261568000e+07, v17;
	vm0 =	vgt.s32 v10, $0x4B400000;
	v17 =	vld.idx.msk [tilespmem:v24+s18+$0x0], $0xffff;
	[tilespmem:s31+$0xFFFFFFF0] =	vst v25;
	s31 =	smov.u32 s30;
	s30 =	smov.u32 s2;
	s2 =	sadd.s32 $0x400, s2  }
0x4ea: {  	s0 =	smov.u32 s31;
	s31 =	smov.u32 s30  }
.LBB2_94:
0x4eb: {  	vm5 =	vgt.s32 v18, $0x4B400000;
	v6 =	vnsel vm2, $0x4B400000, v6  }
0x4ec: {  	v8 =	vnsel vm4, $0x4B400000, v8;
	vm2 =	vgt.s32 v11, $0x4B400000;
	v6 =	vmin.u32 v6, $0x4B40FFFF  }
0x4ed: {  	v7 =	vnsel vm1, $0x4B400000, v7;
	v8 =	vmin.u32 v8, $0x4B40FFFF;
	v6 =	vand.u32 $0xFFFF, v6  }
0x4ee: {  	v9 =	vnsel vm3, $0x4B400000, v9;
	v7 =	vmin.u32 v7, $0x4B40FFFF;
	v8 =	vand.u32 $0xFFFF, v8  }
0x4ef: {  	[tilespmem:s0+$0xFFFFFF90] =	vst @p0 v16;
	v5 =	vld.idx.msk [tilespmem:v5+s18+$0x0], $0xffff;
	v10 =	vnsel vm0, $0x4B400000, v10;
	v9 =	vmin.u32 v9, $0x4B40FFFF;
	v7 =	vand.u32 $0xFFFF, v7  }
0x4f0: {  	[tilespmem:s0+$0xFFFFFFA0] =	vst @p0 v14;
	v18 =	vnsel vm5, $0x4B400000, v18;
	v10 =	vmin.u32 v10, $0x4B40FFFF;
	v9 =	vand.u32 $0xFFFF, v9  }
0x4f1: {  	[tilespmem:s0+$0xFFFFFFB0] =	vst @p0 v12;
	v4 =	vld.idx.msk @p0 [tilespmem:v4+s18+$0x0], $0xffff;
	v11 =	vnsel vm2, $0x4B400000, v11;
	v18 =	vmin.u32 v18, $0x4B40FFFF;
	v10 =	vand.u32 $0xFFFF, v10  }
0x4f2: {  	[tilespmem:s0+$0xFFFFFFC0] =	vst @p0 v13;
	v11 =	vmin.u32 v11, $0x4B40FFFF;
	v18 =	vand.u32 $0xFFFF, v18;
	v6 =	vld.idx.msk [tilespmem:v6+s18+$0x0], $0xffff  }
0x4f3: {  	[tilespmem:s0+$0xFFFFFFD0] =	vst @p0 v15;
	v11 =	vand.u32 $0xFFFF, v11;
	v8 =	vld.idx.msk [tilespmem:v8+s18+$0x0], $0xffff  }
0x4f4: {  	[tilespmem:s31+$0x0] =	vst v5;
	v5 =	vld.idx.msk [tilespmem:v7+s18+$0x0], $0xffff  }
0x4f5: {  	[tilespmem:s0+$0xFFFFFFE0] =	vst @p0 v17;
	v7 =	vld.idx.msk [tilespmem:v9+s18+$0x0], $0xffff  }
0x4f6: {  	[tilespmem:s0+$0xFFFFFFF0] =	vst @p0 v4;
	v4 =	vld.idx.msk [tilespmem:v10+s18+$0x0], $0xffff  }
0x4f7: {  	v12 =	vld.idx.msk [tilespmem:v18+s18+$0x0], $0xffff;
	[tilespmem:s31+$0xFFFFFFA0] =	vst v6  }
0x4f8: {  	v6 =	vld.idx.msk [tilespmem:v11+s18+$0x0], $0xffff;
	[tilespmem:s31+$0xFFFFFFB0] =	vst v8  }
0x4f9: {  	[tilespmem:s31+$0xFFFFFFC0] =	vst v5  }
0x4fa: {  	[tilespmem:s31+$0xFFFFFFD0] =	vst v7  }
0x4fb: {  	s2 =	sadd.s32 s28, s9;
	[tilespmem:s31+$0xFFFFFFE0] =	vst v4  }
0x4fc: {  	s0 =	sshll.u32 s2, $0xB;
	[tilespmem:s31+$0xFFFFFF90] =	vst v12  }
0x4fd: {  	s0 =	sadd.s32 s4, s0;
	[tilespmem:s31+$0xFFFFFFF0] =	vst v6  }
0x4fe: {  	[hbm4b:s0+s5] =	stream.linear.scatter [tilespmem:s15], [sflag:$0x5], $0x4000, $0x38;
	[tilespmem:$0x1D080] =	vst v63  }
0x4ff: {  	s3 =	sadd.s32 s28, s10;
	_ =	swait.ge [sflag:s21], $0x4000  }
0x500: {  	s0 =	sshll.u32 s3, $0xB;
	[sflag:s21] =	ssyncset.done $0x0  }
0x501: {  	s0 =	sadd.s32 s1, s0;
	[sflag:s21] =	ssyncadd.s32 $0xFFFFC000  }
0x502: {  	[tilespmem:s14], [sflag:$0x1] =	stream.linear.gather [hbm4b:s0+s5], $0x4000, $0x38;
	[tilespmem:$0x1D080] =	vst v63  }
0x503: {  	_ =	swait.ge [sflag:s22], $0x4000  }
0x504: {  	[sflag:s22] =	ssyncset.done $0x0  }
0x505: {  	s30 =	simm.s32 $0x190C0;
	[sflag:s22] =	ssyncadd.s32 $0xFFFFC000  }
0x506: {  	v4 =	vld [tilespmem:s30+$0x30]  }
0x507: {  	v5 =	vld [tilespmem:s30+$0xFFFFFFD0]  }
0x508: {  	v6 =	vld [tilespmem:s30+$0xFFFFFFE0]  }
0x509: {  	v7 =	vld [tilespmem:s30+$0xFFFFFFF0]  }
0x50a: {  	v8 =	vld [tilespmem:s30+$0x0]  }
0x50b: {  	v9 =	vld [tilespmem:s30+$0x10]  }
0x50c: {  	v10 =	vld [tilespmem:s30+$0x20];
	_ =	sdelay $0x1  }
0x50d: {  	v4 =	vmul.f32 $2.560000000e+02, v4;
	v5 =	vmul.f32 $2.560000000e+02, v5  }
0x50e: {  	v6 =	vmul.f32 $2.560000000e+02, v6;
	v7 =	vmul.f32 $2.560000000e+02, v7  }
0x50f: {  	v11 =	vld [tilespmem:s30+$0xFFFFFFC0];
	v8 =	vmul.f32 $2.560000000e+02, v8;
	v9 =	vmul.f32 $2.560000000e+02, v9;
	v4 =	vadd.f32 $1.261568000e+07, v4  }
0x510: {  	v10 =	vmul.f32 $2.560000000e+02, v10;
	v5 =	vadd.f32 $1.261568000e+07, v5;
	v6 =	vadd.f32 $1.261568000e+07, v6  }
0x511: {  	v7 =	vadd.f32 $1.261568000e+07, v7;
	v8 =	vadd.f32 $1.261568000e+07, v8;
	vm0 =	vgt.s32 v4, $0x4B400000  }
0x512: {  	v9 =	vadd.f32 $1.261568000e+07, v9;
	v10 =	vadd.f32 $1.261568000e+07, v10;
	v4 =	vnsel vm0, $0x4B400000, v4  }
0x513: {  	vm1 =	vgt.s32 v6, $0x4B400000;
	vm2 =	vgt.s32 v7, $0x4B400000;
	v4 =	vmin.u32 v4, $0x4B40FFFF  }
0x514: {  	vm3 =	vgt.s32 v8, $0x4B400000;
	v12 =	vand.u32 $0xFFFF, v4;
	v4 =	vmul.f32 $2.560000000e+02, v11  }
0x515: {  	s31 =	simm.s32 $0x194C0;
	vm4 =	vgt.s32 v9, $0x4B400000;
	vm0 =	vgt.s32 v5, $0x4B400000;
	v6 =	vnsel vm1, $0x4B400000, v6  }
0x516: {  	v7 =	vnsel vm2, $0x4B400000, v7;
	v8 =	vnsel vm3, $0x4B400000, v8;
	v11 =	vld [tilespmem:s31+$0x30];
	v4 =	vadd.f32 $1.261568000e+07, v4  }
0x517: {  	v13 =	vld [tilespmem:s31+$0xFFFFFFD0];
	v9 =	vnsel vm4, $0x4B400000, v9;
	v5 =	vnsel vm0, $0x4B400000, v5;
	vm0 =	vgt.s32 v10, $0x4B400000  }
0x518: {  	v14 =	vld [tilespmem:s31+$0xFFFFFFE0];
	v6 =	vmin.u32 v6, $0x4B40FFFF;
	v7 =	vmin.u32 v7, $0x4B40FFFF;
	vm1 =	vgt.s32 v4, $0x4B400000  }
0x519: {  	v16 =	vld [tilespmem:s31+$0x0];
	v8 =	vmin.u32 v8, $0x4B40FFFF;
	v9 =	vmin.u32 v9, $0x4B40FFFF;
	v4 =	vnsel vm1, $0x4B400000, v4  }
0x51a: {  	v15 =	vld [tilespmem:s31+$0xFFFFFFF0];
	v10 =	vnsel vm0, $0x4B400000, v10;
	v5 =	vmin.u32 v5, $0x4B40FFFF;
	v4 =	vmin.u32 v4, $0x4B40FFFF  }
0x51b: {  	v6 =	vand.u32 $0xFFFF, v6;
	v11 =	vmul.f32 $2.560000000e+02, v11;
	v17 =	vand.u32 $0xFFFF, v4  }
0x51c: {  	v18 =	vand.u32 $0xFFFF, v7;
	v5 =	vand.u32 $0xFFFF, v5;
	v4 =	vmin.u32 v10, $0x4B40FFFF;
	v10 =	vld [tilespmem:s31+$0x10]  }
0x51d: {  	v19 =	vld [tilespmem:s31+$0x20];
	v7 =	vmul.f32 $2.560000000e+02, v13;
	v8 =	vand.u32 $0xFFFF, v8;
	v11 =	vadd.f32 $1.261568000e+07, v11  }
0x51e: {  	v20 =	vld [tilespmem:s31+$0xFFFFFFC0];
	v13 =	vmul.f32 $2.560000000e+02, v14;
	v21 =	vand.u32 $0xFFFF, v9;
	v14 =	vmul.f32 $2.560000000e+02, v16  }
0x51f: {  	v9 =	vadd.f32 $1.261568000e+07, v7;
	v7 =	vmul.f32 $2.560000000e+02, v15;
	v22 =	vld.idx.msk [tilespmem:v12+s18+$0x0], $0xffff;
	vm0 =	vgt.s32 v11, $0x4B400000  }
0x520: {  	v13 =	vadd.f32 $1.261568000e+07, v13;
	v14 =	vadd.f32 $1.261568000e+07, v14;
	v15 =	vnsel vm0, $0x4B400000, v11;
	v11 =	vld.idx.msk [tilespmem:v17+s18+$0x0], $0xffff  }
0x521: {  	v12 =	vadd.f32 $1.261568000e+07, v7;
	v7 =	vmin.u32 v15, $0x4B40FFFF;
	v16 =	vmul.f32 $2.560000000e+02, v10;
	v10 =	vld.idx.msk [tilespmem:v5+s18+$0x0], $0xffff  }
0x522: {  	vm2 =	vgt.s32 v9, $0x4B400000;
	v5 =	vmul.f32 $2.560000000e+02, v19;
	v15 =	vand.u32 $0xFFFF, v7;
	v7 =	vld.idx.msk [tilespmem:v6+s18+$0x0], $0xffff  }
0x523: {  	vm4 =	vgt.s32 v13, $0x4B400000;
	v19 =	vmul.f32 $2.560000000e+02, v20;
	v6 =	vld.idx.msk [tilespmem:v18+s18+$0x0], $0xffff;
	v16 =	vadd.f32 $1.261568000e+07, v16  }
0x524: {  	vm3 =	vgt.s32 v14, $0x4B400000;
	vm1 =	vgt.s32 v12, $0x4B400000;
	v17 =	vadd.f32 $1.261568000e+07, v5;
	v5 =	vld.idx.msk [tilespmem:v8+s18+$0x0], $0xffff  }
0x525: {  	s2 =	simm.s32 $0x198C0;
	s0 =	simm.s32 $0x8;
	v4 =	vand.u32 $0xFFFF, v4;
	[tilespmem:s30+$0x30] =	vst v22;
	v18 =	vadd.f32 $1.261568000e+07, v19;
	v8 =	vld.idx.msk [tilespmem:v21+s18+$0x0], $0xffff;
	vm0 =	vgt.s32 v16, $0x4B400000  }
.LBB2_95:
0x526: {  	v19 =	vld [tilespmem:s2+$0x30];
	s0 =	sadd.s32 $0x8, s0;
	v9 =	vnsel vm2, $0x4B400000, v9;
	v13 =	vnsel vm4, $0x4B400000, v13;
	vm2 =	vgt.s32 v17, $0x4B400000;
	[tilespmem:s30+$0xFFFFFFC0] =	vst v11  }
0x527: {  	v11 =	vnsel vm1, $0x4B400000, v12;
	v12 =	vnsel vm3, $0x4B400000, v14;
	p0 =	slt.u32 s0, $0x78;
	vm4 =	vgt.s32 v18, $0x4B400000;
	v14 =	vld.idx.msk [tilespmem:v15+s18+$0x0], $0xffff;
	[tilespmem:s30+$0xFFFFFFD0] =	vst v10  }
0x528: {  	v16 =	vnsel vm0, $0x4B400000, v16;
	v17 =	vnsel vm2, $0x4B400000, v17;
	v10 =	vld [tilespmem:s2+$0xFFFFFFD0];
	v15 =	vnsel vm4, $0x4B400000, v18;
	[tilespmem:s30+$0xFFFFFFE0] =	vst v7  }
0x529: {  	v9 =	vmin.u32 v9, $0x4B40FFFF;
	v13 =	vmin.u32 v13, $0x4B40FFFF;
	v7 =	vld [tilespmem:s2+$0xFFFFFFE0];
	v15 =	vmin.u32 v15, $0x4B40FFFF;
	[tilespmem:s30+$0xFFFFFFF0] =	vst v6  }
0x52a: {  	v11 =	vmin.u32 v11, $0x4B40FFFF;
	v12 =	vmin.u32 v12, $0x4B40FFFF;
	v16 =	vmin.u32 v16, $0x4B40FFFF;
	v6 =	vld [tilespmem:s2+$0xFFFFFFF0];
	[tilespmem:s30+$0x0] =	vst v5  }
0x52b: {  	v17 =	vmin.u32 v17, $0x4B40FFFF;
	v15 =	vand.u32 $0xFFFF, v15;
	v5 =	vld [tilespmem:s2+$0x0];
	v18 =	vmul.f32 $2.560000000e+02, v19;
	[tilespmem:s30+$0x10] =	vst v8  }
0x52c: {  	v20 =	vand.u32 $0xFFFF, v13;
	v21 =	vand.u32 $0xFFFF, v11;
	v19 =	vand.u32 $0xFFFF, v9;
	v8 =	vld [tilespmem:s2+$0x10]  }
0x52d: {  	v9 =	vmul.f32 $2.560000000e+02, v10;
	v22 =	vld [tilespmem:s2+$0x20];
	v10 =	vadd.f32 $1.261568000e+07, v18;
	v18 =	vand.u32 $0xFFFF, v12;
	[tilespmem:s31+$0x30] =	vst v14  }
0x52e: {  	v24 =	vand.u32 $0xFFFF, v16;
	v11 =	vand.u32 $0xFFFF, v17;
	v23 =	vld [tilespmem:s2+$0xFFFFFFC0];
	v7 =	vmul.f32 $2.560000000e+02, v7  }
0x52f: {  	v9 =	vadd.f32 $1.261568000e+07, v9;
	v6 =	vmul.f32 $2.560000000e+02, v6;
	vm0 =	vgt.s32 v10, $0x4B400000;
	v25 =	vld.idx.msk [tilespmem:v4+s18+$0x0], $0xffff;
	v4 =	vmovc v11  }
0x530: {  	v13 =	vadd.f32 $1.261568000e+07, v7;
	v5 =	vmul.f32 $2.560000000e+02, v5;
	v7 =	vnsel vm0, $0x4B400000, v10;
	v11 =	vld.idx.msk [tilespmem:v15+s18+$0x0], $0xffff  }
.Ltmp49:
0x531: {  	v12 =	vadd.f32 $1.261568000e+07, v6;
	v6 =	vmul.f32 $2.560000000e+02, v8;
	v7 =	vmin.u32 v7, $0x4B40FFFF;
	v10 =	vld.idx.msk [tilespmem:v19+s18+$0x0], $0xffff;
	(pc) =	sbr.rel @p0 .LBB2_95-.Ltmp49, $4  }
0x532: {  	v14 =	vadd.f32 $1.261568000e+07, v5;
	v5 =	vmul.f32 $2.560000000e+02, v22;
	v15 =	vand.u32 $0xFFFF, v7;
	v7 =	vld.idx.msk [tilespmem:v20+s18+$0x0], $0xffff  }
0x533: {  	vm2 =	vgt.s32 v9, $0x4B400000;
	v8 =	vmul.f32 $2.560000000e+02, v23;
	v16 =	vadd.f32 $1.261568000e+07, v6;
	v6 =	vld.idx.msk [tilespmem:v21+s18+$0x0], $0xffff  }
0x534: {  	vm4 =	vgt.s32 v13, $0x4B400000;
	vm1 =	vgt.s32 v12, $0x4B400000;
	v17 =	vadd.f32 $1.261568000e+07, v5;
	v5 =	vld.idx.msk [tilespmem:v18+s18+$0x0], $0xffff  }
0x535: {  	vm3 =	vgt.s32 v14, $0x4B400000;
	v18 =	vadd.f32 $1.261568000e+07, v8;
	vm0 =	vgt.s32 v16, $0x4B400000;
	v8 =	vld.idx.msk [tilespmem:v24+s18+$0x0], $0xffff;
	[tilespmem:s30+$0x20] =	vst v25;
	s30 =	smov.u32 s31;
	s31 =	smov.u32 s2;
	s2 =	sadd.s32 $0x400, s2  }
0x536: {  	v9 =	vnsel vm2, $0x4B400000, v9;
	v13 =	vnsel vm4, $0x4B400000, v13  }
0x537: {  	vm2 =	vgt.s32 v17, $0x4B400000;
	v12 =	vnsel vm1, $0x4B400000, v12;
	v9 =	vmin.u32 v9, $0x4B40FFFF  }
0x538: {  	[tilespmem:s30+$0xFFFFFFC0] =	vst v11;
	v11 =	vnsel vm3, $0x4B400000, v14;
	v13 =	vmin.u32 v13, $0x4B40FFFF;
	v9 =	vand.u32 $0xFFFF, v9  }
0x539: {  	[tilespmem:s30+$0xFFFFFFD0] =	vst v10;
	v10 =	vnsel vm0, $0x4B400000, v16;
	v12 =	vmin.u32 v12, $0x4B40FFFF;
	v13 =	vand.u32 $0xFFFF, v13  }
0x53a: {  	vm5 =	vgt.s32 v18, $0x4B400000;
	v11 =	vmin.u32 v11, $0x4B40FFFF;
	v12 =	vand.u32 $0xFFFF, v12  }
0x53b: {  	v14 =	vld.idx.msk [tilespmem:v15+s18+$0x0], $0xffff;
	v15 =	vnsel vm2, $0x4B400000, v17;
	[tilespmem:s30+$0xFFFFFFE0] =	vst v7;
	v7 =	vmin.u32 v10, $0x4B40FFFF;
	v10 =	vand.u32 $0xFFFF, v11  }
0x53c: {  	v4 =	vld.idx.msk [tilespmem:v4+s18+$0x0], $0xffff;
	v18 =	vnsel vm5, $0x4B400000, v18;
	[tilespmem:s30+$0xFFFFFFF0] =	vst v6;
	v6 =	vmin.u32 v15, $0x4B40FFFF;
	v7 =	vand.u32 $0xFFFF, v7  }
0x53d: {  	v18 =	vmin.u32 v18, $0x4B40FFFF;
	[tilespmem:s30+$0x0] =	vst v5;
	v5 =	vand.u32 $0xFFFF, v6;
	v6 =	vld.idx.msk [tilespmem:v9+s18+$0x0], $0xffff  }
0x53e: {  	v18 =	vand.u32 $0xFFFF, v18;
	[tilespmem:s30+$0x10] =	vst v8;
	v8 =	vld.idx.msk [tilespmem:v13+s18+$0x0], $0xffff  }
0x53f: {  	v9 =	vld.idx.msk [tilespmem:v12+s18+$0x0], $0xffff  }
0x540: {  	[tilespmem:s31+$0x30] =	vst v14;
	v10 =	vld.idx.msk [tilespmem:v10+s18+$0x0], $0xffff  }
0x541: {  	[tilespmem:s30+$0x20] =	vst v4;
	v4 =	vld.idx.msk [tilespmem:v7+s18+$0x0], $0xffff  }
0x542: {  	v5 =	vld.idx.msk [tilespmem:v5+s18+$0x0], $0xffff;
	[tilespmem:s31+$0xFFFFFFD0] =	vst v6  }
0x543: {  	v11 =	vld.idx.msk [tilespmem:v18+s18+$0x0], $0xffff;
	[tilespmem:s31+$0xFFFFFFE0] =	vst v8  }
0x544: {  	[tilespmem:s31+$0xFFFFFFF0] =	vst v9  }
0x545: {  	[tilespmem:s31+$0x0] =	vst v10  }
0x546: {  	[tilespmem:s31+$0x10] =	vst v4  }
0x547: {  	[tilespmem:s31+$0x20] =	vst v5  }
0x548: {  	s30 =	simm.s32 $0x19170;
	[tilespmem:s31+$0xFFFFFFC0] =	vst v11  }
0x549: {  	v4 =	vld [tilespmem:s30+$0x0]  }
0x54a: {  	v5 =	vld [tilespmem:s30+$0xFFFFFFA0]  }
0x54b: {  	v6 =	vld [tilespmem:s30+$0xFFFFFFB0]  }
0x54c: {  	v7 =	vld [tilespmem:s30+$0xFFFFFFC0]  }
0x54d: {  	v8 =	vld [tilespmem:s30+$0xFFFFFFD0]  }
0x54e: {  	v9 =	vld [tilespmem:s30+$0xFFFFFFE0]  }
0x54f: {  	v10 =	vld [tilespmem:s30+$0xFFFFFFF0];
	_ =	sdelay $0x1  }
0x550: {  	v4 =	vmul.f32 $2.560000000e+02, v4;
	v5 =	vmul.f32 $2.560000000e+02, v5  }
0x551: {  	v6 =	vmul.f32 $2.560000000e+02, v6;
	v7 =	vmul.f32 $2.560000000e+02, v7  }
0x552: {  	v11 =	vld [tilespmem:s30+$0xFFFFFF90];
	v8 =	vmul.f32 $2.560000000e+02, v8;
	v9 =	vmul.f32 $2.560000000e+02, v9;
	v4 =	vadd.f32 $1.261568000e+07, v4  }
0x553: {  	v10 =	vmul.f32 $2.560000000e+02, v10;
	v5 =	vadd.f32 $1.261568000e+07, v5;
	v6 =	vadd.f32 $1.261568000e+07, v6  }
0x554: {  	v7 =	vadd.f32 $1.261568000e+07, v7;
	v8 =	vadd.f32 $1.261568000e+07, v8;
	vm0 =	vgt.s32 v4, $0x4B400000  }
0x555: {  	v9 =	vadd.f32 $1.261568000e+07, v9;
	v10 =	vadd.f32 $1.261568000e+07, v10;
	v4 =	vnsel vm0, $0x4B400000, v4  }
0x556: {  	vm1 =	vgt.s32 v6, $0x4B400000;
	vm2 =	vgt.s32 v7, $0x4B400000;
	v4 =	vmin.u32 v4, $0x4B40FFFF  }
0x557: {  	vm3 =	vgt.s32 v8, $0x4B400000;
	v12 =	vand.u32 $0xFFFF, v4;
	v4 =	vmul.f32 $2.560000000e+02, v11  }
0x558: {  	s31 =	simm.s32 $0x19570;
	vm4 =	vgt.s32 v9, $0x4B400000;
	vm0 =	vgt.s32 v5, $0x4B400000;
	v6 =	vnsel vm1, $0x4B400000, v6  }
0x559: {  	v7 =	vnsel vm2, $0x4B400000, v7;
	v8 =	vnsel vm3, $0x4B400000, v8;
	v11 =	vld [tilespmem:s31+$0x0];
	v4 =	vadd.f32 $1.261568000e+07, v4  }
0x55a: {  	v13 =	vld [tilespmem:s31+$0xFFFFFFA0];
	v9 =	vnsel vm4, $0x4B400000, v9;
	v5 =	vnsel vm0, $0x4B400000, v5;
	vm0 =	vgt.s32 v10, $0x4B400000  }
0x55b: {  	v14 =	vld [tilespmem:s31+$0xFFFFFFB0];
	v6 =	vmin.u32 v6, $0x4B40FFFF;
	v7 =	vmin.u32 v7, $0x4B40FFFF;
	vm1 =	vgt.s32 v4, $0x4B400000  }
0x55c: {  	v16 =	vld [tilespmem:s31+$0xFFFFFFD0];
	v8 =	vmin.u32 v8, $0x4B40FFFF;
	v9 =	vmin.u32 v9, $0x4B40FFFF;
	v4 =	vnsel vm1, $0x4B400000, v4  }
0x55d: {  	v15 =	vld [tilespmem:s31+$0xFFFFFFC0];
	v10 =	vnsel vm0, $0x4B400000, v10;
	v5 =	vmin.u32 v5, $0x4B40FFFF;
	v4 =	vmin.u32 v4, $0x4B40FFFF  }
0x55e: {  	v6 =	vand.u32 $0xFFFF, v6;
	v11 =	vmul.f32 $2.560000000e+02, v11;
	v17 =	vand.u32 $0xFFFF, v4  }
0x55f: {  	v18 =	vand.u32 $0xFFFF, v7;
	v5 =	vand.u32 $0xFFFF, v5;
	v4 =	vmin.u32 v10, $0x4B40FFFF;
	v10 =	vld [tilespmem:s31+$0xFFFFFFE0]  }
0x560: {  	v19 =	vld [tilespmem:s31+$0xFFFFFFF0];
	v7 =	vmul.f32 $2.560000000e+02, v13;
	v8 =	vand.u32 $0xFFFF, v8;
	v11 =	vadd.f32 $1.261568000e+07, v11  }
0x561: {  	v20 =	vld [tilespmem:s31+$0xFFFFFF90];
	v13 =	vmul.f32 $2.560000000e+02, v14;
	v21 =	vand.u32 $0xFFFF, v9;
	v14 =	vmul.f32 $2.560000000e+02, v16  }
0x562: {  	v9 =	vadd.f32 $1.261568000e+07, v7;
	v7 =	vmul.f32 $2.560000000e+02, v15;
	v22 =	vld.idx.msk [tilespmem:v12+s18+$0x0], $0xffff;
	vm0 =	vgt.s32 v11, $0x4B400000  }
0x563: {  	v13 =	vadd.f32 $1.261568000e+07, v13;
	v14 =	vadd.f32 $1.261568000e+07, v14;
	v15 =	vnsel vm0, $0x4B400000, v11;
	v11 =	vld.idx.msk [tilespmem:v17+s18+$0x0], $0xffff  }
0x564: {  	v12 =	vadd.f32 $1.261568000e+07, v7;
	v7 =	vmin.u32 v15, $0x4B40FFFF;
	v16 =	vmul.f32 $2.560000000e+02, v10;
	v10 =	vld.idx.msk [tilespmem:v5+s18+$0x0], $0xffff  }
0x565: {  	vm2 =	vgt.s32 v9, $0x4B400000;
	v5 =	vmul.f32 $2.560000000e+02, v19;
	v15 =	vand.u32 $0xFFFF, v7;
	v7 =	vld.idx.msk [tilespmem:v6+s18+$0x0], $0xffff  }
0x566: {  	vm4 =	vgt.s32 v13, $0x4B400000;
	v19 =	vmul.f32 $2.560000000e+02, v20;
	v6 =	vld.idx.msk [tilespmem:v18+s18+$0x0], $0xffff;
	v16 =	vadd.f32 $1.261568000e+07, v16  }
0x567: {  	vm3 =	vgt.s32 v14, $0x4B400000;
	vm1 =	vgt.s32 v12, $0x4B400000;
	v17 =	vadd.f32 $1.261568000e+07, v5;
	v5 =	vld.idx.msk [tilespmem:v8+s18+$0x0], $0xffff  }
0x568: {  	s0 =	simm.s32 $0x8;
	s2 =	simm.s32 $0x19970;
	v4 =	vand.u32 $0xFFFF, v4;
	[tilespmem:s30+$0x0] =	vst v22;
	v18 =	vadd.f32 $1.261568000e+07, v19;
	v8 =	vld.idx.msk [tilespmem:v21+s18+$0x0], $0xffff;
	vm0 =	vgt.s32 v16, $0x4B400000  }
.LBB2_97:
0x569: {  	v19 =	vld [tilespmem:s2+$0x0];
	s0 =	sadd.s32 $0x8, s0;
	v9 =	vnsel vm2, $0x4B400000, v9;
	v13 =	vnsel vm4, $0x4B400000, v13;
	vm2 =	vgt.s32 v17, $0x4B400000;
	[tilespmem:s30+$0xFFFFFF90] =	vst v11  }
0x56a: {  	v11 =	vnsel vm1, $0x4B400000, v12;
	v12 =	vnsel vm3, $0x4B400000, v14;
	p0 =	slt.u32 s0, $0x78;
	vm4 =	vgt.s32 v18, $0x4B400000;
	v14 =	vld.idx.msk [tilespmem:v15+s18+$0x0], $0xffff;
	[tilespmem:s30+$0xFFFFFFA0] =	vst v10  }
0x56b: {  	v16 =	vnsel vm0, $0x4B400000, v16;
	v17 =	vnsel vm2, $0x4B400000, v17;
	v10 =	vld [tilespmem:s2+$0xFFFFFFA0];
	v15 =	vnsel vm4, $0x4B400000, v18;
	[tilespmem:s30+$0xFFFFFFB0] =	vst v7  }
0x56c: {  	v9 =	vmin.u32 v9, $0x4B40FFFF;
	v13 =	vmin.u32 v13, $0x4B40FFFF;
	v7 =	vld [tilespmem:s2+$0xFFFFFFB0];
	v15 =	vmin.u32 v15, $0x4B40FFFF;
	[tilespmem:s30+$0xFFFFFFC0] =	vst v6  }
0x56d: {  	v11 =	vmin.u32 v11, $0x4B40FFFF;
	v12 =	vmin.u32 v12, $0x4B40FFFF;
	v16 =	vmin.u32 v16, $0x4B40FFFF;
	v6 =	vld [tilespmem:s2+$0xFFFFFFC0];
	[tilespmem:s30+$0xFFFFFFD0] =	vst v5  }
0x56e: {  	v17 =	vmin.u32 v17, $0x4B40FFFF;
	v15 =	vand.u32 $0xFFFF, v15;
	v5 =	vld [tilespmem:s2+$0xFFFFFFD0];
	v18 =	vmul.f32 $2.560000000e+02, v19;
	[tilespmem:s30+$0xFFFFFFE0] =	vst v8  }
0x56f: {  	v20 =	vand.u32 $0xFFFF, v13;
	v21 =	vand.u32 $0xFFFF, v11;
	v19 =	vand.u32 $0xFFFF, v9;
	v8 =	vld [tilespmem:s2+$0xFFFFFFE0]  }
0x570: {  	v9 =	vmul.f32 $2.560000000e+02, v10;
	v22 =	vld [tilespmem:s2+$0xFFFFFFF0];
	v10 =	vadd.f32 $1.261568000e+07, v18;
	v18 =	vand.u32 $0xFFFF, v12;
	[tilespmem:s31+$0x0] =	vst v14  }
0x571: {  	v24 =	vand.u32 $0xFFFF, v16;
	v11 =	vand.u32 $0xFFFF, v17;
	v23 =	vld [tilespmem:s2+$0xFFFFFF90];
	v7 =	vmul.f32 $2.560000000e+02, v7  }
0x572: {  	v9 =	vadd.f32 $1.261568000e+07, v9;
	v6 =	vmul.f32 $2.560000000e+02, v6;
	vm0 =	vgt.s32 v10, $0x4B400000;
	v25 =	vld.idx.msk [tilespmem:v4+s18+$0x0], $0xffff;
	v4 =	vmovc v11  }
0x573: {  	v13 =	vadd.f32 $1.261568000e+07, v7;
	v5 =	vmul.f32 $2.560000000e+02, v5;
	v7 =	vnsel vm0, $0x4B400000, v10;
	v11 =	vld.idx.msk [tilespmem:v15+s18+$0x0], $0xffff  }
.Ltmp50:
0x574: {  	v12 =	vadd.f32 $1.261568000e+07, v6;
	v6 =	vmul.f32 $2.560000000e+02, v8;
	v7 =	vmin.u32 v7, $0x4B40FFFF;
	v10 =	vld.idx.msk [tilespmem:v19+s18+$0x0], $0xffff;
	(pc) =	sbr.rel @p0 .LBB2_97-.Ltmp50, $4  }
0x575: {  	v14 =	vadd.f32 $1.261568000e+07, v5;
	v5 =	vmul.f32 $2.560000000e+02, v22;
	v15 =	vand.u32 $0xFFFF, v7;
	v7 =	vld.idx.msk [tilespmem:v20+s18+$0x0], $0xffff  }
0x576: {  	vm2 =	vgt.s32 v9, $0x4B400000;
	v8 =	vmul.f32 $2.560000000e+02, v23;
	v16 =	vadd.f32 $1.261568000e+07, v6;
	v6 =	vld.idx.msk [tilespmem:v21+s18+$0x0], $0xffff  }
0x577: {  	vm4 =	vgt.s32 v13, $0x4B400000;
	vm1 =	vgt.s32 v12, $0x4B400000;
	v17 =	vadd.f32 $1.261568000e+07, v5;
	v5 =	vld.idx.msk [tilespmem:v18+s18+$0x0], $0xffff  }
0x578: {  	vm3 =	vgt.s32 v14, $0x4B400000;
	v18 =	vadd.f32 $1.261568000e+07, v8;
	vm0 =	vgt.s32 v16, $0x4B400000;
	v8 =	vld.idx.msk [tilespmem:v24+s18+$0x0], $0xffff;
	[tilespmem:s30+$0xFFFFFFF0] =	vst v25;
	s30 =	smov.u32 s31;
	s31 =	smov.u32 s2;
	s2 =	sadd.s32 $0x400, s2  }
0x579: {  	v9 =	vnsel vm2, $0x4B400000, v9;
	v13 =	vnsel vm4, $0x4B400000, v13  }
0x57a: {  	vm2 =	vgt.s32 v17, $0x4B400000;
	v12 =	vnsel vm1, $0x4B400000, v12;
	v9 =	vmin.u32 v9, $0x4B40FFFF  }
0x57b: {  	[tilespmem:s30+$0xFFFFFF90] =	vst v11;
	v11 =	vnsel vm3, $0x4B400000, v14;
	v13 =	vmin.u32 v13, $0x4B40FFFF;
	v9 =	vand.u32 $0xFFFF, v9  }
0x57c: {  	[tilespmem:s30+$0xFFFFFFA0] =	vst v10;
	v10 =	vnsel vm0, $0x4B400000, v16;
	v12 =	vmin.u32 v12, $0x4B40FFFF;
	v13 =	vand.u32 $0xFFFF, v13  }
0x57d: {  	vm5 =	vgt.s32 v18, $0x4B400000;
	v11 =	vmin.u32 v11, $0x4B40FFFF;
	v12 =	vand.u32 $0xFFFF, v12  }
0x57e: {  	v61 =	vld.idx.msk [tilespmem:v15+s18+$0x0], $0xffff;
	v62 =	vnsel vm2, $0x4B400000, v17;
	[tilespmem:s30+$0xFFFFFFB0] =	vst v7;
	v7 =	vmin.u32 v10, $0x4B40FFFF;
	v10 =	vand.u32 $0xFFFF, v11  }
0x57f: {  	v4 =	vld.idx.msk [tilespmem:v4+s18+$0x0], $0xffff;
	v18 =	vnsel vm5, $0x4B400000, v18;
	[tilespmem:s30+$0xFFFFFFC0] =	vst v6;
	v6 =	vmin.u32 v62, $0x4B40FFFF;
	v7 =	vand.u32 $0xFFFF, v7  }
0x580: {  	v18 =	vmin.u32 v18, $0x4B40FFFF;
	[tilespmem:s30+$0xFFFFFFD0] =	vst v5;
	v5 =	vand.u32 $0xFFFF, v6;
	v6 =	vld.idx.msk [tilespmem:v9+s18+$0x0], $0xffff  }
0x581: {  	v18 =	vand.u32 $0xFFFF, v18;
	[tilespmem:s30+$0xFFFFFFE0] =	vst v8;
	v8 =	vld.idx.msk [tilespmem:v13+s18+$0x0], $0xffff  }
0x582: {  	v9 =	vld.idx.msk [tilespmem:v12+s18+$0x0], $0xffff  }
0x583: {  	[tilespmem:s31+$0x0] =	vst v61;
	v10 =	vld.idx.msk [tilespmem:v10+s18+$0x0], $0xffff  }
0x584: {  	[tilespmem:s30+$0xFFFFFFF0] =	vst v4;
	v4 =	vld.idx.msk [tilespmem:v7+s18+$0x0], $0xffff  }
0x585: {  	v5 =	vld.idx.msk [tilespmem:v5+s18+$0x0], $0xffff;
	[tilespmem:s31+$0xFFFFFFA0] =	vst v6  }
0x586: {  	v11 =	vld.idx.msk [tilespmem:v18+s18+$0x0], $0xffff;
	[tilespmem:s31+$0xFFFFFFB0] =	vst v8  }
0x587: {  	[tilespmem:s31+$0xFFFFFFC0] =	vst v9  }
0x588: {  	[tilespmem:s31+$0xFFFFFFD0] =	vst v10  }
0x589: {  	[tilespmem:s31+$0xFFFFFFE0] =	vst v4  }
0x58a: {  	[tilespmem:s31+$0xFFFFFFF0] =	vst v5  }
0x58b: {  	s30 =	simm.s32 $0x191F0;
	[tilespmem:s31+$0xFFFFFF90] =	vst v11  }
0x58c: {  	v4 =	vld [tilespmem:s30+$0x0]  }
0x58d: {  	v5 =	vld [tilespmem:s30+$0xFFFFFFA0]  }
0x58e: {  	v6 =	vld [tilespmem:s30+$0xFFFFFFB0]  }
0x58f: {  	v9 =	vld [tilespmem:s30+$0xFFFFFFD0]  }
0x590: {  	v10 =	vld [tilespmem:s30+$0xFFFFFFE0]  }
0x591: {  	v11 =	vld [tilespmem:s30+$0xFFFFFFF0]  }
0x592: {  	v7 =	vld [tilespmem:s30+$0xFFFFFFC0]  }
0x593: {  	v4 =	vmul.f32 $2.560000000e+02, v4  }
0x594: {  	v5 =	vmul.f32 $2.560000000e+02, v5  }
0x595: {  	v63 =	vld [tilespmem:s30+$0xFFFFFF90];
	v8 =	vmul.f32 $2.560000000e+02, v6;
	v9 =	vmul.f32 $2.560000000e+02, v9;
	v4 =	vadd.f32 $1.261568000e+07, v4  }
0x596: {  	v10 =	vmul.f32 $2.560000000e+02, v10;
	v11 =	vmul.f32 $2.560000000e+02, v11  }
0x597: {  	p1 =	por $0x1, $0x1;
	v6 =	vadd.f32 $1.261568000e+07, v5;
	v5 =	vmul.f32 $2.560000000e+02, v7;
	vm0 =	vgt.s32 v4, $0x4B400000  }
.Ltmp51:
0x598: {  	v8 =	vadd.f32 $1.261568000e+07, v8;
	v9 =	vadd.f32 $1.261568000e+07, v9;
	v4 =	vnsel vm0, $0x4B400000, v4;
	(pc) =	sbr.rel @!p1 .LBB2_99-.Ltmp51, $4  }
0x599: {  	v10 =	vadd.f32 $1.261568000e+07, v10;
	v11 =	vadd.f32 $1.261568000e+07, v11;
	v4 =	vmin.u32 v4, $0x4B40FFFF  }
0x59a: {  	v7 =	vadd.f32 $1.261568000e+07, v5;
	v5 =	vand.u32 $0xFFFF, v4;
	v4 =	vmul.f32 $2.560000000e+02, v63  }
0x59b: {  	vm2 =	vgt.s32 v6, $0x4B400000;
	vm4 =	vgt.s32 v8, $0x4B400000;
	vm3 =	vgt.s32 v9, $0x4B400000  }
0x59c: {  	p0 =	por $0x0, $0x0;
	s31 =	simm.s32 $0x195F0;
	vm0 =	vgt.s32 v10, $0x4B400000;
	vm1 =	vgt.s32 v7, $0x4B400000;
	v18 =	vadd.f32 $1.261568000e+07, v4  }
0x59d: {  	v4 =	vld [tilespmem:s31+$0x0];
	v6 =	vnsel vm2, $0x4B400000, v6;
	v8 =	vnsel vm4, $0x4B400000, v8;
	vm2 =	vgt.s32 v11, $0x4B400000  }
0x59e: {  	v7 =	vnsel vm1, $0x4B400000, v7;
	v9 =	vnsel vm3, $0x4B400000, v9;
	v12 =	vld [tilespmem:s31+$0xFFFFFFA0];
	v10 =	vnsel vm0, $0x4B400000, v10  }
0x59f: {  	v14 =	vld [tilespmem:s31+$0xFFFFFFB0];
	vm4 =	vgt.s32 v18, $0x4B400000;
	v11 =	vnsel vm2, $0x4B400000, v11;
	v6 =	vmin.u32 v6, $0x4B40FFFF  }
0x5a0: {  	v15 =	vld [tilespmem:s31+$0xFFFFFFC0];
	v8 =	vmin.u32 v8, $0x4B40FFFF;
	v7 =	vmin.u32 v7, $0x4B40FFFF;
	v9 =	vmin.u32 v9, $0x4B40FFFF  }
0x5a1: {  	v16 =	vld [tilespmem:s31+$0xFFFFFFD0];
	v10 =	vmin.u32 v10, $0x4B40FFFF;
	v13 =	vnsel vm4, $0x4B400000, v18;
	v11 =	vmin.u32 v11, $0x4B40FFFF  }
0x5a2: {  	v17 =	vld [tilespmem:s31+$0xFFFFFFE0];
	v18 =	vand.u32 $0xFFFF, v6;
	v13 =	vmin.u32 v13, $0x4B40FFFF;
	v4 =	vmul.f32 $2.560000000e+02, v4  }
0x5a3: {  	v22 =	vld [tilespmem:s31+$0xFFFFFF90];
	v19 =	vand.u32 $0xFFFF, v8;
	v20 =	vand.u32 $0xFFFF, v7;
	v13 =	vand.u32 $0xFFFF, v13  }
0x5a4: {  	v21 =	vand.u32 $0xFFFF, v9;
	v6 =	vmul.f32 $2.560000000e+02, v12;
	v12 =	vld [tilespmem:s31+$0xFFFFFFF0];
	v7 =	vadd.f32 $1.261568000e+07, v4  }
0x5a5: {  	v24 =	vld.idx.msk [tilespmem:v5+s18+$0x0], $0xffff;
	v23 =	vand.u32 $0xFFFF, v10;
	v8 =	vmul.f32 $2.560000000e+02, v14;
	v5 =	vmul.f32 $2.560000000e+02, v15  }
0x5a6: {  	v9 =	vmul.f32 $2.560000000e+02, v16;
	v4 =	vand.u32 $0xFFFF, v11;
	vm0 =	vgt.s32 v7, $0x4B400000  }
0x5a7: {  	p3 =	por $0x1, $0x1;
	v6 =	vadd.f32 $1.261568000e+07, v6;
	v8 =	vadd.f32 $1.261568000e+07, v8;
	v14 =	vld.idx.msk [tilespmem:v18+s18+$0x0], $0xffff;
	v10 =	vnsel vm0, $0x4B400000, v7  }
.Ltmp52:
0x5a8: {  	v11 =	vmul.f32 $2.560000000e+02, v17;
	v16 =	vld.idx.msk [tilespmem:v13+s18+$0x0], $0xffff;
	v7 =	vadd.f32 $1.261568000e+07, v5;
	v5 =	vmin.u32 v10, $0x4B40FFFF;
	(pc) =	sbr.rel @!p3 .LBB2_101-.Ltmp52, $4  }
0x5a9: {  	v17 =	vmul.f32 $2.560000000e+02, v22;
	v13 =	vld.idx.msk [tilespmem:v20+s18+$0x0], $0xffff;
	v15 =	vmul.f32 $2.560000000e+02, v12;
	v5 =	vand.u32 $0xFFFF, v5  }
0x5aa: {  	v9 =	vadd.f32 $1.261568000e+07, v9;
	vm2 =	vgt.s32 v6, $0x4B400000;
	v12 =	vld.idx.msk [tilespmem:v19+s18+$0x0], $0xffff;
	v10 =	vadd.f32 $1.261568000e+07, v11  }
0x5ab: {  	vm4 =	vgt.s32 v8, $0x4B400000;
	v18 =	vadd.f32 $1.261568000e+07, v17;
	v17 =	vld.idx.msk [tilespmem:v23+s18+$0x0], $0xffff;
	v11 =	vadd.f32 $1.261568000e+07, v15  }
0x5ac: {  	s0 =	simm.s32 $0x8;
	s2 =	simm.s32 $0x199F0;
	p2 =	por $0x1, $0x1;
	[tilespmem:s30+$0x0] =	vst v24;
	vm3 =	vgt.s32 v9, $0x4B400000;
	vm1 =	vgt.s32 v7, $0x4B400000;
	v15 =	vld.idx.msk [tilespmem:v21+s18+$0x0], $0xffff;
	vm0 =	vgt.s32 v10, $0x4B400000  }
.LBB2_102:
0x5ad: {  	v19 =	vld [tilespmem:s2+$0x0];
	s0 =	sadd.s32 $0x8, s0;
	v6 =	vnsel vm2, $0x4B400000, v6;
	v8 =	vnsel vm4, $0x4B400000, v8;
	vm2 =	vgt.s32 v11, $0x4B400000;
	[tilespmem:s30+$0xFFFFFF90] =	vst v16  }
0x5ae: {  	v7 =	vnsel vm1, $0x4B400000, v7;
	v9 =	vnsel vm3, $0x4B400000, v9;
	p3 =	slt.u32 s0, $0x78;
	vm4 =	vgt.s32 v18, $0x4B400000;
	v5 =	vld.idx.msk [tilespmem:v5+s18+$0x0], $0xffff;
	[tilespmem:s30+$0xFFFFFFA0] =	vst v14  }
0x5af: {  	v10 =	vnsel vm0, $0x4B400000, v10;
	v11 =	vnsel vm2, $0x4B400000, v11;
	v14 =	vld [tilespmem:s2+$0xFFFFFFA0];
	v16 =	vnsel vm4, $0x4B400000, v18;
	[tilespmem:s30+$0xFFFFFFB0] =	vst v12  }
0x5b0: {  	v6 =	vmin.u32 v6, $0x4B40FFFF;
	v8 =	vmin.u32 v8, $0x4B40FFFF;
	v12 =	vld [tilespmem:s2+$0xFFFFFFB0];
	v16 =	vmin.u32 v16, $0x4B40FFFF;
	[tilespmem:s30+$0xFFFFFFC0] =	vst v13  }
0x5b1: {  	v7 =	vmin.u32 v7, $0x4B40FFFF;
	v9 =	vmin.u32 v9, $0x4B40FFFF;
	v10 =	vmin.u32 v10, $0x4B40FFFF;
	v13 =	vld [tilespmem:s2+$0xFFFFFFC0];
	[tilespmem:s30+$0xFFFFFFD0] =	vst v15  }
0x5b2: {  	v11 =	vmin.u32 v11, $0x4B40FFFF;
	v16 =	vand.u32 $0xFFFF, v16;
	v15 =	vld [tilespmem:s2+$0xFFFFFFD0];
	v18 =	vmul.f32 $2.560000000e+02, v19;
	[tilespmem:s30+$0xFFFFFFE0] =	vst v17  }
0x5b3: {  	v20 =	vand.u32 $0xFFFF, v8;
	v21 =	vand.u32 $0xFFFF, v7;
	v19 =	vand.u32 $0xFFFF, v6;
	v17 =	vld [tilespmem:s2+$0xFFFFFFE0]  }
0x5b4: {  	v6 =	vmul.f32 $2.560000000e+02, v14;
	v22 =	vld [tilespmem:s2+$0xFFFFFFF0];
	v7 =	vadd.f32 $1.261568000e+07, v18;
	v18 =	vand.u32 $0xFFFF, v9;
	[tilespmem:s31+$0x0] =	vst v5  }
0x5b5: {  	v24 =	vand.u32 $0xFFFF, v10;
	v8 =	vand.u32 $0xFFFF, v11;
	v23 =	vld [tilespmem:s2+$0xFFFFFF90];
	v5 =	vmul.f32 $2.560000000e+02, v12  }
0x5b6: {  	v6 =	vadd.f32 $1.261568000e+07, v6;
	v9 =	vmul.f32 $2.560000000e+02, v13;
	vm0 =	vgt.s32 v7, $0x4B400000;
	v25 =	vld.idx.msk [tilespmem:v4+s18+$0x0], $0xffff;
	v4 =	vmovc v8  }
0x5b7: {  	v8 =	vadd.f32 $1.261568000e+07, v5;
	v5 =	vmul.f32 $2.560000000e+02, v15;
	v10 =	vnsel vm0, $0x4B400000, v7;
	v16 =	vld.idx.msk [tilespmem:v16+s18+$0x0], $0xffff  }
.Ltmp53:
0x5b8: {  	v7 =	vadd.f32 $1.261568000e+07, v9;
	v11 =	vmul.f32 $2.560000000e+02, v17;
	v10 =	vmin.u32 v10, $0x4B40FFFF;
	v14 =	vld.idx.msk [tilespmem:v19+s18+$0x0], $0xffff;
	(pc) =	sbr.rel @p3 .LBB2_102-.Ltmp53, $4  }
0x5b9: {  	v9 =	vadd.f32 $1.261568000e+07, v5;
	v15 =	vmul.f32 $2.560000000e+02, v22;
	v5 =	vand.u32 $0xFFFF, v10;
	v12 =	vld.idx.msk [tilespmem:v20+s18+$0x0], $0xffff  }
0x5ba: {  	vm2 =	vgt.s32 v6, $0x4B400000;
	v17 =	vmul.f32 $2.560000000e+02, v23;
	v10 =	vadd.f32 $1.261568000e+07, v11;
	v13 =	vld.idx.msk [tilespmem:v21+s18+$0x0], $0xffff  }
0x5bb: {  	vm4 =	vgt.s32 v8, $0x4B400000;
	vm1 =	vgt.s32 v7, $0x4B400000;
	v11 =	vadd.f32 $1.261568000e+07, v15;
	v15 =	vld.idx.msk [tilespmem:v18+s18+$0x0], $0xffff  }
0x5bc: {  	vm3 =	vgt.s32 v9, $0x4B400000;
	v18 =	vadd.f32 $1.261568000e+07, v17;
	vm0 =	vgt.s32 v10, $0x4B400000;
	v17 =	vld.idx.msk [tilespmem:v24+s18+$0x0], $0xffff;
	[tilespmem:s30+$0xFFFFFFF0] =	vst v25;
	s30 =	smov.u32 s31;
	s31 =	smov.u32 s2;
	s2 =	sadd.s32 $0x400, s2  }
0x5bd: {  	s0 =	smov.u32 s30;
	s30 =	smov.u32 s31  }
.LBB2_104:
0x5be: {  	vm5 =	vgt.s32 v18, $0x4B400000;
	v6 =	vnsel vm2, $0x4B400000, v6  }
0x5bf: {  	v8 =	vnsel vm4, $0x4B400000, v8;
	vm2 =	vgt.s32 v11, $0x4B400000;
	v6 =	vmin.u32 v6, $0x4B40FFFF  }
0x5c0: {  	v7 =	vnsel vm1, $0x4B400000, v7;
	v8 =	vmin.u32 v8, $0x4B40FFFF;
	v6 =	vand.u32 $0xFFFF, v6  }
0x5c1: {  	v9 =	vnsel vm3, $0x4B400000, v9;
	v7 =	vmin.u32 v7, $0x4B40FFFF;
	v8 =	vand.u32 $0xFFFF, v8  }
0x5c2: {  	[tilespmem:s0+$0xFFFFFF90] =	vst @p2 v16;
	v5 =	vld.idx.msk [tilespmem:v5+s18+$0x0], $0xffff;
	v10 =	vnsel vm0, $0x4B400000, v10;
	v9 =	vmin.u32 v9, $0x4B40FFFF;
	v7 =	vand.u32 $0xFFFF, v7  }
0x5c3: {  	[tilespmem:s0+$0xFFFFFFA0] =	vst @p2 v14;
	v18 =	vnsel vm5, $0x4B400000, v18;
	v10 =	vmin.u32 v10, $0x4B40FFFF;
	v9 =	vand.u32 $0xFFFF, v9  }
0x5c4: {  	[tilespmem:s0+$0xFFFFFFB0] =	vst @p2 v12;
	v4 =	vld.idx.msk @p2 [tilespmem:v4+s18+$0x0], $0xffff;
	v11 =	vnsel vm2, $0x4B400000, v11;
	v18 =	vmin.u32 v18, $0x4B40FFFF;
	v10 =	vand.u32 $0xFFFF, v10  }
0x5c5: {  	[tilespmem:s0+$0xFFFFFFC0] =	vst @p2 v13;
	v11 =	vmin.u32 v11, $0x4B40FFFF;
	v18 =	vand.u32 $0xFFFF, v18;
	v6 =	vld.idx.msk [tilespmem:v6+s18+$0x0], $0xffff  }
0x5c6: {  	[tilespmem:s0+$0xFFFFFFD0] =	vst @p2 v15;
	v11 =	vand.u32 $0xFFFF, v11;
	v8 =	vld.idx.msk [tilespmem:v8+s18+$0x0], $0xffff  }
0x5c7: {  	[tilespmem:s30+$0x0] =	vst v5;
	v5 =	vld.idx.msk [tilespmem:v7+s18+$0x0], $0xffff  }
0x5c8: {  	[tilespmem:s0+$0xFFFFFFE0] =	vst @p2 v17;
	v7 =	vld.idx.msk [tilespmem:v9+s18+$0x0], $0xffff  }
0x5c9: {  	[tilespmem:s0+$0xFFFFFFF0] =	vst @p2 v4;
	v4 =	vld.idx.msk [tilespmem:v10+s18+$0x0], $0xffff  }
0x5ca: {  	v63 =	vld.idx.msk [tilespmem:v18+s18+$0x0], $0xffff;
	[tilespmem:s30+$0xFFFFFFA0] =	vst v6  }
0x5cb: {  	v6 =	vld.idx.msk [tilespmem:v11+s18+$0x0], $0xffff;
	[tilespmem:s30+$0xFFFFFFB0] =	vst v8  }
0x5cc: {  	[tilespmem:s30+$0xFFFFFFC0] =	vst v5  }
0x5cd: {  	[tilespmem:s30+$0xFFFFFFD0] =	vst v7  }
0x5ce: {  	[tilespmem:s30+$0xFFFFFFE0] =	vst v4  }
0x5cf: {  	[tilespmem:s30+$0xFFFFFF90] =	vst v63  }
0x5d0: {  	s31 =	simm.s32 $0x19270;
	[tilespmem:s30+$0xFFFFFFF0] =	vst v6  }
0x5d1: {  	v4 =	vld [tilespmem:s31+$0x0]  }
0x5d2: {  	v5 =	vld [tilespmem:s31+$0xFFFFFFA0]  }
0x5d3: {  	v6 =	vld [tilespmem:s31+$0xFFFFFFB0]  }
0x5d4: {  	v9 =	vld [tilespmem:s31+$0xFFFFFFD0]  }
0x5d5: {  	v10 =	vld [tilespmem:s31+$0xFFFFFFE0]  }
0x5d6: {  	v11 =	vld [tilespmem:s31+$0xFFFFFFF0]  }
0x5d7: {  	v7 =	vld [tilespmem:s31+$0xFFFFFFC0]  }
0x5d8: {  	v4 =	vmul.f32 $2.560000000e+02, v4  }
0x5d9: {  	v5 =	vmul.f32 $2.560000000e+02, v5  }
0x5da: {  	v12 =	vld [tilespmem:s31+$0xFFFFFF90];
	v8 =	vmul.f32 $2.560000000e+02, v6;
	v9 =	vmul.f32 $2.560000000e+02, v9;
	v4 =	vadd.f32 $1.261568000e+07, v4  }
0x5db: {  	v10 =	vmul.f32 $2.560000000e+02, v10;
	v11 =	vmul.f32 $2.560000000e+02, v11  }
0x5dc: {  	v6 =	vadd.f32 $1.261568000e+07, v5;
	v5 =	vmul.f32 $2.560000000e+02, v7;
	vm0 =	vgt.s32 v4, $0x4B400000  }
.Ltmp54:
0x5dd: {  	v8 =	vadd.f32 $1.261568000e+07, v8;
	v9 =	vadd.f32 $1.261568000e+07, v9;
	v4 =	vnsel vm0, $0x4B400000, v4;
	(pc) =	sbr.rel @!p1 .LBB2_105-.Ltmp54, $4  }
0x5de: {  	v10 =	vadd.f32 $1.261568000e+07, v10;
	v11 =	vadd.f32 $1.261568000e+07, v11;
	v4 =	vmin.u32 v4, $0x4B40FFFF  }
0x5df: {  	v7 =	vadd.f32 $1.261568000e+07, v5;
	v5 =	vand.u32 $0xFFFF, v4;
	v4 =	vmul.f32 $2.560000000e+02, v12  }
0x5e0: {  	vm2 =	vgt.s32 v6, $0x4B400000;
	vm4 =	vgt.s32 v8, $0x4B400000;
	vm3 =	vgt.s32 v9, $0x4B400000  }
0x5e1: {  	s30 =	simm.s32 $0x19670;
	vm0 =	vgt.s32 v10, $0x4B400000;
	vm1 =	vgt.s32 v7, $0x4B400000;
	v18 =	vadd.f32 $1.261568000e+07, v4  }
0x5e2: {  	v4 =	vld [tilespmem:s30+$0x0];
	v6 =	vnsel vm2, $0x4B400000, v6;
	v8 =	vnsel vm4, $0x4B400000, v8;
	vm2 =	vgt.s32 v11, $0x4B400000  }
0x5e3: {  	v7 =	vnsel vm1, $0x4B400000, v7;
	v9 =	vnsel vm3, $0x4B400000, v9;
	v12 =	vld [tilespmem:s30+$0xFFFFFFA0];
	v10 =	vnsel vm0, $0x4B400000, v10  }
0x5e4: {  	v14 =	vld [tilespmem:s30+$0xFFFFFFB0];
	vm4 =	vgt.s32 v18, $0x4B400000;
	v11 =	vnsel vm2, $0x4B400000, v11;
	v6 =	vmin.u32 v6, $0x4B40FFFF  }
0x5e5: {  	v15 =	vld [tilespmem:s30+$0xFFFFFFC0];
	v8 =	vmin.u32 v8, $0x4B40FFFF;
	v7 =	vmin.u32 v7, $0x4B40FFFF;
	v9 =	vmin.u32 v9, $0x4B40FFFF  }
0x5e6: {  	v16 =	vld [tilespmem:s30+$0xFFFFFFD0];
	v10 =	vmin.u32 v10, $0x4B40FFFF;
	v13 =	vnsel vm4, $0x4B400000, v18;
	v11 =	vmin.u32 v11, $0x4B40FFFF  }
0x5e7: {  	v17 =	vld [tilespmem:s30+$0xFFFFFFE0];
	v18 =	vand.u32 $0xFFFF, v6;
	v13 =	vmin.u32 v13, $0x4B40FFFF;
	v4 =	vmul.f32 $2.560000000e+02, v4  }
0x5e8: {  	v22 =	vld [tilespmem:s30+$0xFFFFFF90];
	v19 =	vand.u32 $0xFFFF, v8;
	v20 =	vand.u32 $0xFFFF, v7;
	v13 =	vand.u32 $0xFFFF, v13  }
0x5e9: {  	v21 =	vand.u32 $0xFFFF, v9;
	v6 =	vmul.f32 $2.560000000e+02, v12;
	v12 =	vld [tilespmem:s30+$0xFFFFFFF0];
	v7 =	vadd.f32 $1.261568000e+07, v4  }
0x5ea: {  	v24 =	vld.idx.msk [tilespmem:v5+s18+$0x0], $0xffff;
	v23 =	vand.u32 $0xFFFF, v10;
	v8 =	vmul.f32 $2.560000000e+02, v14;
	v5 =	vmul.f32 $2.560000000e+02, v15  }
0x5eb: {  	v9 =	vmul.f32 $2.560000000e+02, v16;
	v4 =	vand.u32 $0xFFFF, v11;
	vm0 =	vgt.s32 v7, $0x4B400000  }
0x5ec: {  	p1 =	por $0x1, $0x1;
	v6 =	vadd.f32 $1.261568000e+07, v6;
	v8 =	vadd.f32 $1.261568000e+07, v8;
	v14 =	vld.idx.msk [tilespmem:v18+s18+$0x0], $0xffff;
	v10 =	vnsel vm0, $0x4B400000, v7  }
.Ltmp55:
0x5ed: {  	v11 =	vmul.f32 $2.560000000e+02, v17;
	v16 =	vld.idx.msk [tilespmem:v13+s18+$0x0], $0xffff;
	v7 =	vadd.f32 $1.261568000e+07, v5;
	v5 =	vmin.u32 v10, $0x4B40FFFF;
	(pc) =	sbr.rel @!p1 .LBB2_107-.Ltmp55, $4  }
0x5ee: {  	v17 =	vmul.f32 $2.560000000e+02, v22;
	v13 =	vld.idx.msk [tilespmem:v20+s18+$0x0], $0xffff;
	v15 =	vmul.f32 $2.560000000e+02, v12;
	v5 =	vand.u32 $0xFFFF, v5  }
0x5ef: {  	v9 =	vadd.f32 $1.261568000e+07, v9;
	vm2 =	vgt.s32 v6, $0x4B400000;
	v12 =	vld.idx.msk [tilespmem:v19+s18+$0x0], $0xffff;
	v10 =	vadd.f32 $1.261568000e+07, v11  }
0x5f0: {  	vm4 =	vgt.s32 v8, $0x4B400000;
	v18 =	vadd.f32 $1.261568000e+07, v17;
	v17 =	vld.idx.msk [tilespmem:v23+s18+$0x0], $0xffff;
	v11 =	vadd.f32 $1.261568000e+07, v15  }
0x5f1: {  	s0 =	simm.s32 $0x8;
	s2 =	simm.s32 $0x19A70;
	p0 =	por $0x1, $0x1;
	[tilespmem:s31+$0x0] =	vst v24;
	vm3 =	vgt.s32 v9, $0x4B400000;
	vm1 =	vgt.s32 v7, $0x4B400000;
	v15 =	vld.idx.msk [tilespmem:v21+s18+$0x0], $0xffff;
	vm0 =	vgt.s32 v10, $0x4B400000  }
.LBB2_108:
0x5f2: {  	v19 =	vld [tilespmem:s2+$0x0];
	s0 =	sadd.s32 $0x8, s0;
	v6 =	vnsel vm2, $0x4B400000, v6;
	v8 =	vnsel vm4, $0x4B400000, v8;
	vm2 =	vgt.s32 v11, $0x4B400000;
	[tilespmem:s31+$0xFFFFFF90] =	vst v16  }
0x5f3: {  	v7 =	vnsel vm1, $0x4B400000, v7;
	v9 =	vnsel vm3, $0x4B400000, v9;
	p1 =	slt.u32 s0, $0x78;
	vm4 =	vgt.s32 v18, $0x4B400000;
	v5 =	vld.idx.msk [tilespmem:v5+s18+$0x0], $0xffff;
	[tilespmem:s31+$0xFFFFFFA0] =	vst v14  }
0x5f4: {  	v10 =	vnsel vm0, $0x4B400000, v10;
	v11 =	vnsel vm2, $0x4B400000, v11;
	v14 =	vld [tilespmem:s2+$0xFFFFFFA0];
	v16 =	vnsel vm4, $0x4B400000, v18;
	[tilespmem:s31+$0xFFFFFFB0] =	vst v12  }
0x5f5: {  	v6 =	vmin.u32 v6, $0x4B40FFFF;
	v8 =	vmin.u32 v8, $0x4B40FFFF;
	v12 =	vld [tilespmem:s2+$0xFFFFFFB0];
	v16 =	vmin.u32 v16, $0x4B40FFFF;
	[tilespmem:s31+$0xFFFFFFC0] =	vst v13  }
0x5f6: {  	v7 =	vmin.u32 v7, $0x4B40FFFF;
	v9 =	vmin.u32 v9, $0x4B40FFFF;
	v10 =	vmin.u32 v10, $0x4B40FFFF;
	v13 =	vld [tilespmem:s2+$0xFFFFFFC0];
	[tilespmem:s31+$0xFFFFFFD0] =	vst v15  }
0x5f7: {  	v11 =	vmin.u32 v11, $0x4B40FFFF;
	v16 =	vand.u32 $0xFFFF, v16;
	v15 =	vld [tilespmem:s2+$0xFFFFFFD0];
	v18 =	vmul.f32 $2.560000000e+02, v19;
	[tilespmem:s31+$0xFFFFFFE0] =	vst v17  }
0x5f8: {  	v20 =	vand.u32 $0xFFFF, v8;
	v21 =	vand.u32 $0xFFFF, v7;
	v19 =	vand.u32 $0xFFFF, v6;
	v17 =	vld [tilespmem:s2+$0xFFFFFFE0]  }
0x5f9: {  	v6 =	vmul.f32 $2.560000000e+02, v14;
	v22 =	vld [tilespmem:s2+$0xFFFFFFF0];
	v7 =	vadd.f32 $1.261568000e+07, v18;
	v18 =	vand.u32 $0xFFFF, v9;
	[tilespmem:s30+$0x0] =	vst v5  }
0x5fa: {  	v24 =	vand.u32 $0xFFFF, v10;
	v8 =	vand.u32 $0xFFFF, v11;
	v23 =	vld [tilespmem:s2+$0xFFFFFF90];
	v5 =	vmul.f32 $2.560000000e+02, v12  }
0x5fb: {  	v6 =	vadd.f32 $1.261568000e+07, v6;
	v9 =	vmul.f32 $2.560000000e+02, v13;
	vm0 =	vgt.s32 v7, $0x4B400000;
	v25 =	vld.idx.msk [tilespmem:v4+s18+$0x0], $0xffff;
	v4 =	vmovc v8  }
0x5fc: {  	v8 =	vadd.f32 $1.261568000e+07, v5;
	v5 =	vmul.f32 $2.560000000e+02, v15;
	v10 =	vnsel vm0, $0x4B400000, v7;
	v16 =	vld.idx.msk [tilespmem:v16+s18+$0x0], $0xffff  }
.Ltmp56:
0x5fd: {  	v7 =	vadd.f32 $1.261568000e+07, v9;
	v11 =	vmul.f32 $2.560000000e+02, v17;
	v10 =	vmin.u32 v10, $0x4B40FFFF;
	v14 =	vld.idx.msk [tilespmem:v19+s18+$0x0], $0xffff;
	(pc) =	sbr.rel @p1 .LBB2_108-.Ltmp56, $4  }
0x5fe: {  	v9 =	vadd.f32 $1.261568000e+07, v5;
	v15 =	vmul.f32 $2.560000000e+02, v22;
	v5 =	vand.u32 $0xFFFF, v10;
	v12 =	vld.idx.msk [tilespmem:v20+s18+$0x0], $0xffff  }
0x5ff: {  	vm2 =	vgt.s32 v6, $0x4B400000;
	v17 =	vmul.f32 $2.560000000e+02, v23;
	v10 =	vadd.f32 $1.261568000e+07, v11;
	v13 =	vld.idx.msk [tilespmem:v21+s18+$0x0], $0xffff  }
0x600: {  	vm4 =	vgt.s32 v8, $0x4B400000;
	vm1 =	vgt.s32 v7, $0x4B400000;
	v11 =	vadd.f32 $1.261568000e+07, v15;
	v15 =	vld.idx.msk [tilespmem:v18+s18+$0x0], $0xffff  }
0x601: {  	vm3 =	vgt.s32 v9, $0x4B400000;
	v18 =	vadd.f32 $1.261568000e+07, v17;
	vm0 =	vgt.s32 v10, $0x4B400000;
	v17 =	vld.idx.msk [tilespmem:v24+s18+$0x0], $0xffff;
	[tilespmem:s31+$0xFFFFFFF0] =	vst v25;
	s31 =	smov.u32 s30;
	s30 =	smov.u32 s2;
	s2 =	sadd.s32 $0x400, s2  }
0x602: {  	s0 =	smov.u32 s31;
	s31 =	smov.u32 s30  }
.LBB2_110:
0x603: {  	vm5 =	vgt.s32 v18, $0x4B400000;
	v6 =	vnsel vm2, $0x4B400000, v6  }
0x604: {  	v8 =	vnsel vm4, $0x4B400000, v8;
	vm2 =	vgt.s32 v11, $0x4B400000;
	v6 =	vmin.u32 v6, $0x4B40FFFF  }
0x605: {  	v7 =	vnsel vm1, $0x4B400000, v7;
	v8 =	vmin.u32 v8, $0x4B40FFFF;
	v6 =	vand.u32 $0xFFFF, v6  }
0x606: {  	v9 =	vnsel vm3, $0x4B400000, v9;
	v7 =	vmin.u32 v7, $0x4B40FFFF;
	v8 =	vand.u32 $0xFFFF, v8  }
0x607: {  	[tilespmem:s0+$0xFFFFFF90] =	vst @p0 v16;
	v5 =	vld.idx.msk [tilespmem:v5+s18+$0x0], $0xffff;
	v10 =	vnsel vm0, $0x4B400000, v10;
	v9 =	vmin.u32 v9, $0x4B40FFFF;
	v7 =	vand.u32 $0xFFFF, v7  }
0x608: {  	[tilespmem:s0+$0xFFFFFFA0] =	vst @p0 v14;
	v18 =	vnsel vm5, $0x4B400000, v18;
	v10 =	vmin.u32 v10, $0x4B40FFFF;
	v9 =	vand.u32 $0xFFFF, v9  }
0x609: {  	[tilespmem:s0+$0xFFFFFFB0] =	vst @p0 v12;
	v4 =	vld.idx.msk @p0 [tilespmem:v4+s18+$0x0], $0xffff;
	v11 =	vnsel vm2, $0x4B400000, v11;
	v18 =	vmin.u32 v18, $0x4B40FFFF;
	v10 =	vand.u32 $0xFFFF, v10  }
0x60a: {  	[tilespmem:s0+$0xFFFFFFC0] =	vst @p0 v13;
	v11 =	vmin.u32 v11, $0x4B40FFFF;
	v18 =	vand.u32 $0xFFFF, v18;
	v6 =	vld.idx.msk [tilespmem:v6+s18+$0x0], $0xffff  }
0x60b: {  	[tilespmem:s0+$0xFFFFFFD0] =	vst @p0 v15;
	v11 =	vand.u32 $0xFFFF, v11;
	v8 =	vld.idx.msk [tilespmem:v8+s18+$0x0], $0xffff  }
0x60c: {  	[tilespmem:s31+$0x0] =	vst v5;
	v5 =	vld.idx.msk [tilespmem:v7+s18+$0x0], $0xffff  }
0x60d: {  	[tilespmem:s0+$0xFFFFFFE0] =	vst @p0 v17;
	v7 =	vld.idx.msk [tilespmem:v9+s18+$0x0], $0xffff  }
0x60e: {  	[tilespmem:s0+$0xFFFFFFF0] =	vst @p0 v4;
	v4 =	vld.idx.msk [tilespmem:v10+s18+$0x0], $0xffff  }
0x60f: {  	v63 =	vld.idx.msk [tilespmem:v18+s18+$0x0], $0xffff;
	[tilespmem:s31+$0xFFFFFFA0] =	vst v6  }
0x610: {  	v6 =	vld.idx.msk [tilespmem:v11+s18+$0x0], $0xffff;
	[tilespmem:s31+$0xFFFFFFB0] =	vst v8  }
0x611: {  	[tilespmem:s31+$0xFFFFFFC0] =	vst v5  }
0x612: {  	[tilespmem:s31+$0xFFFFFFD0] =	vst v7  }
0x613: {  	[tilespmem:s31+$0xFFFFFFE0] =	vst v4  }
0x614: {  	[tilespmem:s31+$0xFFFFFF90] =	vst v63  }
0x615: {  	s30 =	simm.s32 $0x192F0;
	[tilespmem:s31+$0xFFFFFFF0] =	vst v6  }
0x616: {  	v4 =	vld [tilespmem:s30+$0x0]  }
0x617: {  	v5 =	vld [tilespmem:s30+$0xFFFFFFA0]  }
0x618: {  	v6 =	vld [tilespmem:s30+$0xFFFFFFB0]  }
0x619: {  	v9 =	vld [tilespmem:s30+$0xFFFFFFD0]  }
0x61a: {  	v10 =	vld [tilespmem:s30+$0xFFFFFFE0]  }
0x61b: {  	v11 =	vld [tilespmem:s30+$0xFFFFFFF0]  }
0x61c: {  	v7 =	vld [tilespmem:s30+$0xFFFFFFC0]  }
0x61d: {  	v4 =	vmul.f32 $2.560000000e+02, v4  }
0x61e: {  	v5 =	vmul.f32 $2.560000000e+02, v5  }
0x61f: {  	v12 =	vld [tilespmem:s30+$0xFFFFFF90];
	v8 =	vmul.f32 $2.560000000e+02, v6;
	v9 =	vmul.f32 $2.560000000e+02, v9;
	v4 =	vadd.f32 $1.261568000e+07, v4  }
0x620: {  	v10 =	vmul.f32 $2.560000000e+02, v10;
	v11 =	vmul.f32 $2.560000000e+02, v11  }
0x621: {  	p1 =	por $0x1, $0x1;
	v6 =	vadd.f32 $1.261568000e+07, v5;
	v5 =	vmul.f32 $2.560000000e+02, v7;
	vm0 =	vgt.s32 v4, $0x4B400000  }
.Ltmp57:
0x622: {  	v8 =	vadd.f32 $1.261568000e+07, v8;
	v9 =	vadd.f32 $1.261568000e+07, v9;
	v4 =	vnsel vm0, $0x4B400000, v4;
	(pc) =	sbr.rel @!p1 .LBB2_111-.Ltmp57, $4  }
0x623: {  	v10 =	vadd.f32 $1.261568000e+07, v10;
	v11 =	vadd.f32 $1.261568000e+07, v11;
	v4 =	vmin.u32 v4, $0x4B40FFFF  }
0x624: {  	v7 =	vadd.f32 $1.261568000e+07, v5;
	v5 =	vand.u32 $0xFFFF, v4;
	v4 =	vmul.f32 $2.560000000e+02, v12  }
0x625: {  	vm2 =	vgt.s32 v6, $0x4B400000;
	vm4 =	vgt.s32 v8, $0x4B400000;
	vm3 =	vgt.s32 v9, $0x4B400000  }
0x626: {  	p0 =	por $0x0, $0x0;
	s31 =	simm.s32 $0x196F0;
	vm0 =	vgt.s32 v10, $0x4B400000;
	vm1 =	vgt.s32 v7, $0x4B400000;
	v18 =	vadd.f32 $1.261568000e+07, v4  }
0x627: {  	v4 =	vld [tilespmem:s31+$0x0];
	v6 =	vnsel vm2, $0x4B400000, v6;
	v8 =	vnsel vm4, $0x4B400000, v8;
	vm2 =	vgt.s32 v11, $0x4B400000  }
0x628: {  	v7 =	vnsel vm1, $0x4B400000, v7;
	v9 =	vnsel vm3, $0x4B400000, v9;
	v12 =	vld [tilespmem:s31+$0xFFFFFFA0];
	v10 =	vnsel vm0, $0x4B400000, v10  }
0x629: {  	v14 =	vld [tilespmem:s31+$0xFFFFFFB0];
	vm4 =	vgt.s32 v18, $0x4B400000;
	v11 =	vnsel vm2, $0x4B400000, v11;
	v6 =	vmin.u32 v6, $0x4B40FFFF  }
0x62a: {  	v15 =	vld [tilespmem:s31+$0xFFFFFFC0];
	v8 =	vmin.u32 v8, $0x4B40FFFF;
	v7 =	vmin.u32 v7, $0x4B40FFFF;
	v9 =	vmin.u32 v9, $0x4B40FFFF  }
0x62b: {  	v16 =	vld [tilespmem:s31+$0xFFFFFFD0];
	v10 =	vmin.u32 v10, $0x4B40FFFF;
	v13 =	vnsel vm4, $0x4B400000, v18;
	v11 =	vmin.u32 v11, $0x4B40FFFF  }
0x62c: {  	v17 =	vld [tilespmem:s31+$0xFFFFFFE0];
	v18 =	vand.u32 $0xFFFF, v6;
	v13 =	vmin.u32 v13, $0x4B40FFFF;
	v4 =	vmul.f32 $2.560000000e+02, v4  }
0x62d: {  	v22 =	vld [tilespmem:s31+$0xFFFFFF90];
	v19 =	vand.u32 $0xFFFF, v8;
	v20 =	vand.u32 $0xFFFF, v7;
	v13 =	vand.u32 $0xFFFF, v13  }
0x62e: {  	v21 =	vand.u32 $0xFFFF, v9;
	v6 =	vmul.f32 $2.560000000e+02, v12;
	v12 =	vld [tilespmem:s31+$0xFFFFFFF0];
	v7 =	vadd.f32 $1.261568000e+07, v4  }
0x62f: {  	v24 =	vld.idx.msk [tilespmem:v5+s18+$0x0], $0xffff;
	v23 =	vand.u32 $0xFFFF, v10;
	v8 =	vmul.f32 $2.560000000e+02, v14;
	v5 =	vmul.f32 $2.560000000e+02, v15  }
0x630: {  	v9 =	vmul.f32 $2.560000000e+02, v16;
	v4 =	vand.u32 $0xFFFF, v11;
	vm0 =	vgt.s32 v7, $0x4B400000  }
0x631: {  	p3 =	por $0x1, $0x1;
	v6 =	vadd.f32 $1.261568000e+07, v6;
	v8 =	vadd.f32 $1.261568000e+07, v8;
	v14 =	vld.idx.msk [tilespmem:v18+s18+$0x0], $0xffff;
	v10 =	vnsel vm0, $0x4B400000, v7  }
.Ltmp58:
0x632: {  	v11 =	vmul.f32 $2.560000000e+02, v17;
	v16 =	vld.idx.msk [tilespmem:v13+s18+$0x0], $0xffff;
	v7 =	vadd.f32 $1.261568000e+07, v5;
	v5 =	vmin.u32 v10, $0x4B40FFFF;
	(pc) =	sbr.rel @!p3 .LBB2_113-.Ltmp58, $4  }
0x633: {  	v17 =	vmul.f32 $2.560000000e+02, v22;
	v13 =	vld.idx.msk [tilespmem:v20+s18+$0x0], $0xffff;
	v15 =	vmul.f32 $2.560000000e+02, v12;
	v5 =	vand.u32 $0xFFFF, v5  }
0x634: {  	v9 =	vadd.f32 $1.261568000e+07, v9;
	vm2 =	vgt.s32 v6, $0x4B400000;
	v12 =	vld.idx.msk [tilespmem:v19+s18+$0x0], $0xffff;
	v10 =	vadd.f32 $1.261568000e+07, v11  }
0x635: {  	vm4 =	vgt.s32 v8, $0x4B400000;
	v18 =	vadd.f32 $1.261568000e+07, v17;
	v17 =	vld.idx.msk [tilespmem:v23+s18+$0x0], $0xffff;
	v11 =	vadd.f32 $1.261568000e+07, v15  }
0x636: {  	s0 =	simm.s32 $0x8;
	s2 =	simm.s32 $0x19AF0;
	p2 =	por $0x1, $0x1;
	[tilespmem:s30+$0x0] =	vst v24;
	vm3 =	vgt.s32 v9, $0x4B400000;
	vm1 =	vgt.s32 v7, $0x4B400000;
	v15 =	vld.idx.msk [tilespmem:v21+s18+$0x0], $0xffff;
	vm0 =	vgt.s32 v10, $0x4B400000  }
.LBB2_114:
0x637: {  	v19 =	vld [tilespmem:s2+$0x0];
	s0 =	sadd.s32 $0x8, s0;
	v6 =	vnsel vm2, $0x4B400000, v6;
	v8 =	vnsel vm4, $0x4B400000, v8;
	vm2 =	vgt.s32 v11, $0x4B400000;
	[tilespmem:s30+$0xFFFFFF90] =	vst v16  }
0x638: {  	v7 =	vnsel vm1, $0x4B400000, v7;
	v9 =	vnsel vm3, $0x4B400000, v9;
	p3 =	slt.u32 s0, $0x78;
	vm4 =	vgt.s32 v18, $0x4B400000;
	v5 =	vld.idx.msk [tilespmem:v5+s18+$0x0], $0xffff;
	[tilespmem:s30+$0xFFFFFFA0] =	vst v14  }
0x639: {  	v10 =	vnsel vm0, $0x4B400000, v10;
	v11 =	vnsel vm2, $0x4B400000, v11;
	v14 =	vld [tilespmem:s2+$0xFFFFFFA0];
	v16 =	vnsel vm4, $0x4B400000, v18;
	[tilespmem:s30+$0xFFFFFFB0] =	vst v12  }
0x63a: {  	v6 =	vmin.u32 v6, $0x4B40FFFF;
	v8 =	vmin.u32 v8, $0x4B40FFFF;
	v12 =	vld [tilespmem:s2+$0xFFFFFFB0];
	v16 =	vmin.u32 v16, $0x4B40FFFF;
	[tilespmem:s30+$0xFFFFFFC0] =	vst v13  }
0x63b: {  	v7 =	vmin.u32 v7, $0x4B40FFFF;
	v9 =	vmin.u32 v9, $0x4B40FFFF;
	v10 =	vmin.u32 v10, $0x4B40FFFF;
	v13 =	vld [tilespmem:s2+$0xFFFFFFC0];
	[tilespmem:s30+$0xFFFFFFD0] =	vst v15  }
0x63c: {  	v11 =	vmin.u32 v11, $0x4B40FFFF;
	v16 =	vand.u32 $0xFFFF, v16;
	v15 =	vld [tilespmem:s2+$0xFFFFFFD0];
	v18 =	vmul.f32 $2.560000000e+02, v19;
	[tilespmem:s30+$0xFFFFFFE0] =	vst v17  }
0x63d: {  	v20 =	vand.u32 $0xFFFF, v8;
	v21 =	vand.u32 $0xFFFF, v7;
	v19 =	vand.u32 $0xFFFF, v6;
	v17 =	vld [tilespmem:s2+$0xFFFFFFE0]  }
0x63e: {  	v6 =	vmul.f32 $2.560000000e+02, v14;
	v22 =	vld [tilespmem:s2+$0xFFFFFFF0];
	v7 =	vadd.f32 $1.261568000e+07, v18;
	v18 =	vand.u32 $0xFFFF, v9;
	[tilespmem:s31+$0x0] =	vst v5  }
0x63f: {  	v24 =	vand.u32 $0xFFFF, v10;
	v8 =	vand.u32 $0xFFFF, v11;
	v23 =	vld [tilespmem:s2+$0xFFFFFF90];
	v5 =	vmul.f32 $2.560000000e+02, v12  }
0x640: {  	v6 =	vadd.f32 $1.261568000e+07, v6;
	v9 =	vmul.f32 $2.560000000e+02, v13;
	vm0 =	vgt.s32 v7, $0x4B400000;
	v25 =	vld.idx.msk [tilespmem:v4+s18+$0x0], $0xffff;
	v4 =	vmovc v8  }
0x641: {  	v8 =	vadd.f32 $1.261568000e+07, v5;
	v5 =	vmul.f32 $2.560000000e+02, v15;
	v10 =	vnsel vm0, $0x4B400000, v7;
	v16 =	vld.idx.msk [tilespmem:v16+s18+$0x0], $0xffff  }
.Ltmp59:
0x642: {  	v7 =	vadd.f32 $1.261568000e+07, v9;
	v11 =	vmul.f32 $2.560000000e+02, v17;
	v10 =	vmin.u32 v10, $0x4B40FFFF;
	v14 =	vld.idx.msk [tilespmem:v19+s18+$0x0], $0xffff;
	(pc) =	sbr.rel @p3 .LBB2_114-.Ltmp59, $4  }
0x643: {  	v9 =	vadd.f32 $1.261568000e+07, v5;
	v15 =	vmul.f32 $2.560000000e+02, v22;
	v5 =	vand.u32 $0xFFFF, v10;
	v12 =	vld.idx.msk [tilespmem:v20+s18+$0x0], $0xffff  }
0x644: {  	vm2 =	vgt.s32 v6, $0x4B400000;
	v17 =	vmul.f32 $2.560000000e+02, v23;
	v10 =	vadd.f32 $1.261568000e+07, v11;
	v13 =	vld.idx.msk [tilespmem:v21+s18+$0x0], $0xffff  }
0x645: {  	vm4 =	vgt.s32 v8, $0x4B400000;
	vm1 =	vgt.s32 v7, $0x4B400000;
	v11 =	vadd.f32 $1.261568000e+07, v15;
	v15 =	vld.idx.msk [tilespmem:v18+s18+$0x0], $0xffff  }
0x646: {  	vm3 =	vgt.s32 v9, $0x4B400000;
	v18 =	vadd.f32 $1.261568000e+07, v17;
	vm0 =	vgt.s32 v10, $0x4B400000;
	v17 =	vld.idx.msk [tilespmem:v24+s18+$0x0], $0xffff;
	[tilespmem:s30+$0xFFFFFFF0] =	vst v25;
	s30 =	smov.u32 s31;
	s31 =	smov.u32 s2;
	s2 =	sadd.s32 $0x400, s2  }
0x647: {  	s0 =	smov.u32 s30;
	s30 =	smov.u32 s31  }
.LBB2_116:
0x648: {  	vm5 =	vgt.s32 v18, $0x4B400000;
	v6 =	vnsel vm2, $0x4B400000, v6  }
0x649: {  	v8 =	vnsel vm4, $0x4B400000, v8;
	vm2 =	vgt.s32 v11, $0x4B400000;
	v6 =	vmin.u32 v6, $0x4B40FFFF  }
0x64a: {  	v7 =	vnsel vm1, $0x4B400000, v7;
	v8 =	vmin.u32 v8, $0x4B40FFFF;
	v6 =	vand.u32 $0xFFFF, v6  }
0x64b: {  	v9 =	vnsel vm3, $0x4B400000, v9;
	v7 =	vmin.u32 v7, $0x4B40FFFF;
	v8 =	vand.u32 $0xFFFF, v8  }
0x64c: {  	[tilespmem:s0+$0xFFFFFF90] =	vst @p2 v16;
	v5 =	vld.idx.msk [tilespmem:v5+s18+$0x0], $0xffff;
	v10 =	vnsel vm0, $0x4B400000, v10;
	v9 =	vmin.u32 v9, $0x4B40FFFF;
	v7 =	vand.u32 $0xFFFF, v7  }
0x64d: {  	[tilespmem:s0+$0xFFFFFFA0] =	vst @p2 v14;
	v18 =	vnsel vm5, $0x4B400000, v18;
	v10 =	vmin.u32 v10, $0x4B40FFFF;
	v9 =	vand.u32 $0xFFFF, v9  }
0x64e: {  	[tilespmem:s0+$0xFFFFFFB0] =	vst @p2 v12;
	v4 =	vld.idx.msk @p2 [tilespmem:v4+s18+$0x0], $0xffff;
	v11 =	vnsel vm2, $0x4B400000, v11;
	v18 =	vmin.u32 v18, $0x4B40FFFF;
	v10 =	vand.u32 $0xFFFF, v10  }
0x64f: {  	[tilespmem:s0+$0xFFFFFFC0] =	vst @p2 v13;
	v11 =	vmin.u32 v11, $0x4B40FFFF;
	v18 =	vand.u32 $0xFFFF, v18;
	v6 =	vld.idx.msk [tilespmem:v6+s18+$0x0], $0xffff  }
0x650: {  	[tilespmem:s0+$0xFFFFFFD0] =	vst @p2 v15;
	v11 =	vand.u32 $0xFFFF, v11;
	v8 =	vld.idx.msk [tilespmem:v8+s18+$0x0], $0xffff  }
0x651: {  	[tilespmem:s30+$0x0] =	vst v5;
	v5 =	vld.idx.msk [tilespmem:v7+s18+$0x0], $0xffff  }
0x652: {  	[tilespmem:s0+$0xFFFFFFE0] =	vst @p2 v17;
	v7 =	vld.idx.msk [tilespmem:v9+s18+$0x0], $0xffff  }
0x653: {  	[tilespmem:s0+$0xFFFFFFF0] =	vst @p2 v4;
	v4 =	vld.idx.msk [tilespmem:v10+s18+$0x0], $0xffff  }
0x654: {  	v63 =	vld.idx.msk [tilespmem:v18+s18+$0x0], $0xffff;
	[tilespmem:s30+$0xFFFFFFA0] =	vst v6  }
0x655: {  	v6 =	vld.idx.msk [tilespmem:v11+s18+$0x0], $0xffff;
	[tilespmem:s30+$0xFFFFFFB0] =	vst v8  }
0x656: {  	[tilespmem:s30+$0xFFFFFFC0] =	vst v5  }
0x657: {  	[tilespmem:s30+$0xFFFFFFD0] =	vst v7  }
0x658: {  	[tilespmem:s30+$0xFFFFFFE0] =	vst v4  }
0x659: {  	[tilespmem:s30+$0xFFFFFF90] =	vst v63  }
0x65a: {  	s31 =	simm.s32 $0x19370;
	[tilespmem:s30+$0xFFFFFFF0] =	vst v6  }
0x65b: {  	v4 =	vld [tilespmem:s31+$0x0]  }
0x65c: {  	v5 =	vld [tilespmem:s31+$0xFFFFFFA0]  }
0x65d: {  	v6 =	vld [tilespmem:s31+$0xFFFFFFB0]  }
0x65e: {  	v9 =	vld [tilespmem:s31+$0xFFFFFFD0]  }
0x65f: {  	v10 =	vld [tilespmem:s31+$0xFFFFFFE0]  }
0x660: {  	v11 =	vld [tilespmem:s31+$0xFFFFFFF0]  }
0x661: {  	v7 =	vld [tilespmem:s31+$0xFFFFFFC0]  }
0x662: {  	v4 =	vmul.f32 $2.560000000e+02, v4  }
0x663: {  	v5 =	vmul.f32 $2.560000000e+02, v5  }
0x664: {  	v12 =	vld [tilespmem:s31+$0xFFFFFF90];
	v8 =	vmul.f32 $2.560000000e+02, v6;
	v9 =	vmul.f32 $2.560000000e+02, v9;
	v4 =	vadd.f32 $1.261568000e+07, v4  }
0x665: {  	v10 =	vmul.f32 $2.560000000e+02, v10;
	v11 =	vmul.f32 $2.560000000e+02, v11  }
0x666: {  	v6 =	vadd.f32 $1.261568000e+07, v5;
	v5 =	vmul.f32 $2.560000000e+02, v7;
	vm0 =	vgt.s32 v4, $0x4B400000  }
.Ltmp60:
0x667: {  	v8 =	vadd.f32 $1.261568000e+07, v8;
	v9 =	vadd.f32 $1.261568000e+07, v9;
	v4 =	vnsel vm0, $0x4B400000, v4;
	(pc) =	sbr.rel @!p1 .LBB2_117-.Ltmp60, $4  }
0x668: {  	v10 =	vadd.f32 $1.261568000e+07, v10;
	v11 =	vadd.f32 $1.261568000e+07, v11;
	v4 =	vmin.u32 v4, $0x4B40FFFF  }
0x669: {  	v7 =	vadd.f32 $1.261568000e+07, v5;
	v5 =	vand.u32 $0xFFFF, v4;
	v4 =	vmul.f32 $2.560000000e+02, v12  }
0x66a: {  	vm2 =	vgt.s32 v6, $0x4B400000;
	vm4 =	vgt.s32 v8, $0x4B400000;
	vm3 =	vgt.s32 v9, $0x4B400000  }
0x66b: {  	s30 =	simm.s32 $0x19770;
	vm0 =	vgt.s32 v10, $0x4B400000;
	vm1 =	vgt.s32 v7, $0x4B400000;
	v18 =	vadd.f32 $1.261568000e+07, v4  }
0x66c: {  	v4 =	vld [tilespmem:s30+$0x0];
	v6 =	vnsel vm2, $0x4B400000, v6;
	v8 =	vnsel vm4, $0x4B400000, v8;
	vm2 =	vgt.s32 v11, $0x4B400000  }
0x66d: {  	v7 =	vnsel vm1, $0x4B400000, v7;
	v9 =	vnsel vm3, $0x4B400000, v9;
	v12 =	vld [tilespmem:s30+$0xFFFFFFA0];
	v10 =	vnsel vm0, $0x4B400000, v10  }
0x66e: {  	v14 =	vld [tilespmem:s30+$0xFFFFFFB0];
	vm4 =	vgt.s32 v18, $0x4B400000;
	v11 =	vnsel vm2, $0x4B400000, v11;
	v6 =	vmin.u32 v6, $0x4B40FFFF  }
0x66f: {  	v15 =	vld [tilespmem:s30+$0xFFFFFFC0];
	v8 =	vmin.u32 v8, $0x4B40FFFF;
	v7 =	vmin.u32 v7, $0x4B40FFFF;
	v9 =	vmin.u32 v9, $0x4B40FFFF  }
0x670: {  	v16 =	vld [tilespmem:s30+$0xFFFFFFD0];
	v10 =	vmin.u32 v10, $0x4B40FFFF;
	v13 =	vnsel vm4, $0x4B400000, v18;
	v11 =	vmin.u32 v11, $0x4B40FFFF  }
0x671: {  	v17 =	vld [tilespmem:s30+$0xFFFFFFE0];
	v18 =	vand.u32 $0xFFFF, v6;
	v13 =	vmin.u32 v13, $0x4B40FFFF;
	v4 =	vmul.f32 $2.560000000e+02, v4  }
0x672: {  	v22 =	vld [tilespmem:s30+$0xFFFFFF90];
	v19 =	vand.u32 $0xFFFF, v8;
	v20 =	vand.u32 $0xFFFF, v7;
	v13 =	vand.u32 $0xFFFF, v13  }
0x673: {  	v21 =	vand.u32 $0xFFFF, v9;
	v6 =	vmul.f32 $2.560000000e+02, v12;
	v12 =	vld [tilespmem:s30+$0xFFFFFFF0];
	v7 =	vadd.f32 $1.261568000e+07, v4  }
0x674: {  	v24 =	vld.idx.msk [tilespmem:v5+s18+$0x0], $0xffff;
	v23 =	vand.u32 $0xFFFF, v10;
	v8 =	vmul.f32 $2.560000000e+02, v14;
	v5 =	vmul.f32 $2.560000000e+02, v15  }
0x675: {  	v9 =	vmul.f32 $2.560000000e+02, v16;
	v4 =	vand.u32 $0xFFFF, v11;
	vm0 =	vgt.s32 v7, $0x4B400000  }
0x676: {  	p1 =	por $0x1, $0x1;
	v6 =	vadd.f32 $1.261568000e+07, v6;
	v8 =	vadd.f32 $1.261568000e+07, v8;
	v14 =	vld.idx.msk [tilespmem:v18+s18+$0x0], $0xffff;
	v10 =	vnsel vm0, $0x4B400000, v7  }
.Ltmp61:
0x677: {  	v11 =	vmul.f32 $2.560000000e+02, v17;
	v16 =	vld.idx.msk [tilespmem:v13+s18+$0x0], $0xffff;
	v7 =	vadd.f32 $1.261568000e+07, v5;
	v5 =	vmin.u32 v10, $0x4B40FFFF;
	(pc) =	sbr.rel @!p1 .LBB2_119-.Ltmp61, $4  }
0x678: {  	v17 =	vmul.f32 $2.560000000e+02, v22;
	v13 =	vld.idx.msk [tilespmem:v20+s18+$0x0], $0xffff;
	v15 =	vmul.f32 $2.560000000e+02, v12;
	v5 =	vand.u32 $0xFFFF, v5  }
0x679: {  	v9 =	vadd.f32 $1.261568000e+07, v9;
	vm2 =	vgt.s32 v6, $0x4B400000;
	v12 =	vld.idx.msk [tilespmem:v19+s18+$0x0], $0xffff;
	v10 =	vadd.f32 $1.261568000e+07, v11  }
0x67a: {  	vm4 =	vgt.s32 v8, $0x4B400000;
	v18 =	vadd.f32 $1.261568000e+07, v17;
	v17 =	vld.idx.msk [tilespmem:v23+s18+$0x0], $0xffff;
	v11 =	vadd.f32 $1.261568000e+07, v15  }
0x67b: {  	s0 =	simm.s32 $0x8;
	s2 =	simm.s32 $0x19B70;
	p0 =	por $0x1, $0x1;
	[tilespmem:s31+$0x0] =	vst v24;
	vm3 =	vgt.s32 v9, $0x4B400000;
	vm1 =	vgt.s32 v7, $0x4B400000;
	v15 =	vld.idx.msk [tilespmem:v21+s18+$0x0], $0xffff;
	vm0 =	vgt.s32 v10, $0x4B400000  }
.LBB2_120:
0x67c: {  	v19 =	vld [tilespmem:s2+$0x0];
	s0 =	sadd.s32 $0x8, s0;
	v6 =	vnsel vm2, $0x4B400000, v6;
	v8 =	vnsel vm4, $0x4B400000, v8;
	vm2 =	vgt.s32 v11, $0x4B400000;
	[tilespmem:s31+$0xFFFFFF90] =	vst v16  }
0x67d: {  	v7 =	vnsel vm1, $0x4B400000, v7;
	v9 =	vnsel vm3, $0x4B400000, v9;
	p1 =	slt.u32 s0, $0x78;
	vm4 =	vgt.s32 v18, $0x4B400000;
	v5 =	vld.idx.msk [tilespmem:v5+s18+$0x0], $0xffff;
	[tilespmem:s31+$0xFFFFFFA0] =	vst v14  }
0x67e: {  	v10 =	vnsel vm0, $0x4B400000, v10;
	v11 =	vnsel vm2, $0x4B400000, v11;
	v14 =	vld [tilespmem:s2+$0xFFFFFFA0];
	v16 =	vnsel vm4, $0x4B400000, v18;
	[tilespmem:s31+$0xFFFFFFB0] =	vst v12  }
0x67f: {  	v6 =	vmin.u32 v6, $0x4B40FFFF;
	v8 =	vmin.u32 v8, $0x4B40FFFF;
	v12 =	vld [tilespmem:s2+$0xFFFFFFB0];
	v16 =	vmin.u32 v16, $0x4B40FFFF;
	[tilespmem:s31+$0xFFFFFFC0] =	vst v13  }
0x680: {  	v7 =	vmin.u32 v7, $0x4B40FFFF;
	v9 =	vmin.u32 v9, $0x4B40FFFF;
	v10 =	vmin.u32 v10, $0x4B40FFFF;
	v13 =	vld [tilespmem:s2+$0xFFFFFFC0];
	[tilespmem:s31+$0xFFFFFFD0] =	vst v15  }
0x681: {  	v11 =	vmin.u32 v11, $0x4B40FFFF;
	v16 =	vand.u32 $0xFFFF, v16;
	v15 =	vld [tilespmem:s2+$0xFFFFFFD0];
	v18 =	vmul.f32 $2.560000000e+02, v19;
	[tilespmem:s31+$0xFFFFFFE0] =	vst v17  }
0x682: {  	v20 =	vand.u32 $0xFFFF, v8;
	v21 =	vand.u32 $0xFFFF, v7;
	v19 =	vand.u32 $0xFFFF, v6;
	v17 =	vld [tilespmem:s2+$0xFFFFFFE0]  }
0x683: {  	v6 =	vmul.f32 $2.560000000e+02, v14;
	v22 =	vld [tilespmem:s2+$0xFFFFFFF0];
	v7 =	vadd.f32 $1.261568000e+07, v18;
	v18 =	vand.u32 $0xFFFF, v9;
	[tilespmem:s30+$0x0] =	vst v5  }
0x684: {  	v24 =	vand.u32 $0xFFFF, v10;
	v8 =	vand.u32 $0xFFFF, v11;
	v23 =	vld [tilespmem:s2+$0xFFFFFF90];
	v5 =	vmul.f32 $2.560000000e+02, v12  }
0x685: {  	v6 =	vadd.f32 $1.261568000e+07, v6;
	v9 =	vmul.f32 $2.560000000e+02, v13;
	vm0 =	vgt.s32 v7, $0x4B400000;
	v25 =	vld.idx.msk [tilespmem:v4+s18+$0x0], $0xffff;
	v4 =	vmovc v8  }
0x686: {  	v8 =	vadd.f32 $1.261568000e+07, v5;
	v5 =	vmul.f32 $2.560000000e+02, v15;
	v10 =	vnsel vm0, $0x4B400000, v7;
	v16 =	vld.idx.msk [tilespmem:v16+s18+$0x0], $0xffff  }
.Ltmp62:
0x687: {  	v7 =	vadd.f32 $1.261568000e+07, v9;
	v11 =	vmul.f32 $2.560000000e+02, v17;
	v10 =	vmin.u32 v10, $0x4B40FFFF;
	v14 =	vld.idx.msk [tilespmem:v19+s18+$0x0], $0xffff;
	(pc) =	sbr.rel @p1 .LBB2_120-.Ltmp62, $4  }
0x688: {  	v9 =	vadd.f32 $1.261568000e+07, v5;
	v15 =	vmul.f32 $2.560000000e+02, v22;
	v5 =	vand.u32 $0xFFFF, v10;
	v12 =	vld.idx.msk [tilespmem:v20+s18+$0x0], $0xffff  }
0x689: {  	vm2 =	vgt.s32 v6, $0x4B400000;
	v17 =	vmul.f32 $2.560000000e+02, v23;
	v10 =	vadd.f32 $1.261568000e+07, v11;
	v13 =	vld.idx.msk [tilespmem:v21+s18+$0x0], $0xffff  }
0x68a: {  	vm4 =	vgt.s32 v8, $0x4B400000;
	vm1 =	vgt.s32 v7, $0x4B400000;
	v11 =	vadd.f32 $1.261568000e+07, v15;
	v15 =	vld.idx.msk [tilespmem:v18+s18+$0x0], $0xffff  }
0x68b: {  	vm3 =	vgt.s32 v9, $0x4B400000;
	v18 =	vadd.f32 $1.261568000e+07, v17;
	vm0 =	vgt.s32 v10, $0x4B400000;
	v17 =	vld.idx.msk [tilespmem:v24+s18+$0x0], $0xffff;
	[tilespmem:s31+$0xFFFFFFF0] =	vst v25;
	s31 =	smov.u32 s30;
	s30 =	smov.u32 s2;
	s2 =	sadd.s32 $0x400, s2  }
0x68c: {  	s0 =	smov.u32 s31;
	s31 =	smov.u32 s30  }
.LBB2_122:
0x68d: {  	vm5 =	vgt.s32 v18, $0x4B400000;
	v6 =	vnsel vm2, $0x4B400000, v6  }
0x68e: {  	v8 =	vnsel vm4, $0x4B400000, v8;
	vm2 =	vgt.s32 v11, $0x4B400000;
	v6 =	vmin.u32 v6, $0x4B40FFFF  }
0x68f: {  	v7 =	vnsel vm1, $0x4B400000, v7;
	v8 =	vmin.u32 v8, $0x4B40FFFF;
	v6 =	vand.u32 $0xFFFF, v6  }
0x690: {  	v9 =	vnsel vm3, $0x4B400000, v9;
	v7 =	vmin.u32 v7, $0x4B40FFFF;
	v8 =	vand.u32 $0xFFFF, v8  }
0x691: {  	[tilespmem:s0+$0xFFFFFF90] =	vst @p0 v16;
	v5 =	vld.idx.msk [tilespmem:v5+s18+$0x0], $0xffff;
	v10 =	vnsel vm0, $0x4B400000, v10;
	v9 =	vmin.u32 v9, $0x4B40FFFF;
	v7 =	vand.u32 $0xFFFF, v7  }
0x692: {  	[tilespmem:s0+$0xFFFFFFA0] =	vst @p0 v14;
	v18 =	vnsel vm5, $0x4B400000, v18;
	v10 =	vmin.u32 v10, $0x4B40FFFF;
	v9 =	vand.u32 $0xFFFF, v9  }
0x693: {  	[tilespmem:s0+$0xFFFFFFB0] =	vst @p0 v12;
	v4 =	vld.idx.msk @p0 [tilespmem:v4+s18+$0x0], $0xffff;
	v11 =	vnsel vm2, $0x4B400000, v11;
	v18 =	vmin.u32 v18, $0x4B40FFFF;
	v10 =	vand.u32 $0xFFFF, v10  }
0x694: {  	[tilespmem:s0+$0xFFFFFFC0] =	vst @p0 v13;
	v11 =	vmin.u32 v11, $0x4B40FFFF;
	v18 =	vand.u32 $0xFFFF, v18;
	v6 =	vld.idx.msk [tilespmem:v6+s18+$0x0], $0xffff  }
0x695: {  	[tilespmem:s0+$0xFFFFFFD0] =	vst @p0 v15;
	v11 =	vand.u32 $0xFFFF, v11;
	v8 =	vld.idx.msk [tilespmem:v8+s18+$0x0], $0xffff  }
0x696: {  	[tilespmem:s31+$0x0] =	vst v5;
	v5 =	vld.idx.msk [tilespmem:v7+s18+$0x0], $0xffff  }
0x697: {  	[tilespmem:s0+$0xFFFFFFE0] =	vst @p0 v17;
	v7 =	vld.idx.msk [tilespmem:v9+s18+$0x0], $0xffff  }
0x698: {  	[tilespmem:s0+$0xFFFFFFF0] =	vst @p0 v4;
	v4 =	vld.idx.msk [tilespmem:v10+s18+$0x0], $0xffff  }
0x699: {  	v63 =	vld.idx.msk [tilespmem:v18+s18+$0x0], $0xffff;
	[tilespmem:s31+$0xFFFFFFA0] =	vst v6  }
0x69a: {  	v6 =	vld.idx.msk [tilespmem:v11+s18+$0x0], $0xffff;
	[tilespmem:s31+$0xFFFFFFB0] =	vst v8  }
0x69b: {  	[tilespmem:s31+$0xFFFFFFC0] =	vst v5  }
0x69c: {  	[tilespmem:s31+$0xFFFFFFD0] =	vst v7  }
0x69d: {  	[tilespmem:s31+$0xFFFFFFE0] =	vst v4  }
0x69e: {  	[tilespmem:s31+$0xFFFFFF90] =	vst v63  }
0x69f: {  	s30 =	simm.s32 $0x193F0;
	[tilespmem:s31+$0xFFFFFFF0] =	vst v6  }
0x6a0: {  	v4 =	vld [tilespmem:s30+$0x0]  }
0x6a1: {  	v5 =	vld [tilespmem:s30+$0xFFFFFFA0]  }
0x6a2: {  	v6 =	vld [tilespmem:s30+$0xFFFFFFB0]  }
0x6a3: {  	v9 =	vld [tilespmem:s30+$0xFFFFFFD0]  }
0x6a4: {  	v10 =	vld [tilespmem:s30+$0xFFFFFFE0]  }
0x6a5: {  	v11 =	vld [tilespmem:s30+$0xFFFFFFF0]  }
0x6a6: {  	v7 =	vld [tilespmem:s30+$0xFFFFFFC0]  }
0x6a7: {  	v4 =	vmul.f32 $2.560000000e+02, v4  }
0x6a8: {  	v5 =	vmul.f32 $2.560000000e+02, v5  }
0x6a9: {  	v12 =	vld [tilespmem:s30+$0xFFFFFF90];
	v8 =	vmul.f32 $2.560000000e+02, v6;
	v9 =	vmul.f32 $2.560000000e+02, v9;
	v4 =	vadd.f32 $1.261568000e+07, v4  }
0x6aa: {  	v10 =	vmul.f32 $2.560000000e+02, v10;
	v11 =	vmul.f32 $2.560000000e+02, v11  }
0x6ab: {  	p1 =	por $0x1, $0x1;
	v6 =	vadd.f32 $1.261568000e+07, v5;
	v5 =	vmul.f32 $2.560000000e+02, v7;
	vm0 =	vgt.s32 v4, $0x4B400000  }
.Ltmp63:
0x6ac: {  	v8 =	vadd.f32 $1.261568000e+07, v8;
	v9 =	vadd.f32 $1.261568000e+07, v9;
	v4 =	vnsel vm0, $0x4B400000, v4;
	(pc) =	sbr.rel @!p1 .LBB2_123-.Ltmp63, $4  }
0x6ad: {  	v10 =	vadd.f32 $1.261568000e+07, v10;
	v11 =	vadd.f32 $1.261568000e+07, v11;
	v4 =	vmin.u32 v4, $0x4B40FFFF  }
0x6ae: {  	v7 =	vadd.f32 $1.261568000e+07, v5;
	v5 =	vand.u32 $0xFFFF, v4;
	v4 =	vmul.f32 $2.560000000e+02, v12  }
0x6af: {  	vm2 =	vgt.s32 v6, $0x4B400000;
	vm4 =	vgt.s32 v8, $0x4B400000;
	vm3 =	vgt.s32 v9, $0x4B400000  }
0x6b0: {  	p0 =	por $0x0, $0x0;
	s31 =	simm.s32 $0x197F0;
	vm0 =	vgt.s32 v10, $0x4B400000;
	vm1 =	vgt.s32 v7, $0x4B400000;
	v18 =	vadd.f32 $1.261568000e+07, v4  }
0x6b1: {  	v4 =	vld [tilespmem:s31+$0x0];
	v6 =	vnsel vm2, $0x4B400000, v6;
	v8 =	vnsel vm4, $0x4B400000, v8;
	vm2 =	vgt.s32 v11, $0x4B400000  }
0x6b2: {  	v7 =	vnsel vm1, $0x4B400000, v7;
	v9 =	vnsel vm3, $0x4B400000, v9;
	v12 =	vld [tilespmem:s31+$0xFFFFFFA0];
	v10 =	vnsel vm0, $0x4B400000, v10  }
0x6b3: {  	v14 =	vld [tilespmem:s31+$0xFFFFFFB0];
	vm4 =	vgt.s32 v18, $0x4B400000;
	v11 =	vnsel vm2, $0x4B400000, v11;
	v6 =	vmin.u32 v6, $0x4B40FFFF  }
0x6b4: {  	v15 =	vld [tilespmem:s31+$0xFFFFFFC0];
	v8 =	vmin.u32 v8, $0x4B40FFFF;
	v7 =	vmin.u32 v7, $0x4B40FFFF;
	v9 =	vmin.u32 v9, $0x4B40FFFF  }
0x6b5: {  	v16 =	vld [tilespmem:s31+$0xFFFFFFD0];
	v10 =	vmin.u32 v10, $0x4B40FFFF;
	v13 =	vnsel vm4, $0x4B400000, v18;
	v11 =	vmin.u32 v11, $0x4B40FFFF  }
0x6b6: {  	v17 =	vld [tilespmem:s31+$0xFFFFFFE0];
	v18 =	vand.u32 $0xFFFF, v6;
	v13 =	vmin.u32 v13, $0x4B40FFFF;
	v4 =	vmul.f32 $2.560000000e+02, v4  }
0x6b7: {  	v22 =	vld [tilespmem:s31+$0xFFFFFF90];
	v19 =	vand.u32 $0xFFFF, v8;
	v20 =	vand.u32 $0xFFFF, v7;
	v13 =	vand.u32 $0xFFFF, v13  }
0x6b8: {  	v21 =	vand.u32 $0xFFFF, v9;
	v6 =	vmul.f32 $2.560000000e+02, v12;
	v12 =	vld [tilespmem:s31+$0xFFFFFFF0];
	v7 =	vadd.f32 $1.261568000e+07, v4  }
0x6b9: {  	v24 =	vld.idx.msk [tilespmem:v5+s18+$0x0], $0xffff;
	v23 =	vand.u32 $0xFFFF, v10;
	v8 =	vmul.f32 $2.560000000e+02, v14;
	v5 =	vmul.f32 $2.560000000e+02, v15  }
0x6ba: {  	v9 =	vmul.f32 $2.560000000e+02, v16;
	v4 =	vand.u32 $0xFFFF, v11;
	vm0 =	vgt.s32 v7, $0x4B400000  }
0x6bb: {  	p3 =	por $0x1, $0x1;
	v6 =	vadd.f32 $1.261568000e+07, v6;
	v8 =	vadd.f32 $1.261568000e+07, v8;
	v14 =	vld.idx.msk [tilespmem:v18+s18+$0x0], $0xffff;
	v10 =	vnsel vm0, $0x4B400000, v7  }
.Ltmp64:
0x6bc: {  	v11 =	vmul.f32 $2.560000000e+02, v17;
	v16 =	vld.idx.msk [tilespmem:v13+s18+$0x0], $0xffff;
	v7 =	vadd.f32 $1.261568000e+07, v5;
	v5 =	vmin.u32 v10, $0x4B40FFFF;
	(pc) =	sbr.rel @!p3 .LBB2_125-.Ltmp64, $4  }
0x6bd: {  	v17 =	vmul.f32 $2.560000000e+02, v22;
	v13 =	vld.idx.msk [tilespmem:v20+s18+$0x0], $0xffff;
	v15 =	vmul.f32 $2.560000000e+02, v12;
	v5 =	vand.u32 $0xFFFF, v5  }
0x6be: {  	v9 =	vadd.f32 $1.261568000e+07, v9;
	vm2 =	vgt.s32 v6, $0x4B400000;
	v12 =	vld.idx.msk [tilespmem:v19+s18+$0x0], $0xffff;
	v10 =	vadd.f32 $1.261568000e+07, v11  }
0x6bf: {  	vm4 =	vgt.s32 v8, $0x4B400000;
	v18 =	vadd.f32 $1.261568000e+07, v17;
	v17 =	vld.idx.msk [tilespmem:v23+s18+$0x0], $0xffff;
	v11 =	vadd.f32 $1.261568000e+07, v15  }
0x6c0: {  	s0 =	simm.s32 $0x8;
	s2 =	simm.s32 $0x19BF0;
	p2 =	por $0x1, $0x1;
	[tilespmem:s30+$0x0] =	vst v24;
	vm3 =	vgt.s32 v9, $0x4B400000;
	vm1 =	vgt.s32 v7, $0x4B400000;
	v15 =	vld.idx.msk [tilespmem:v21+s18+$0x0], $0xffff;
	vm0 =	vgt.s32 v10, $0x4B400000  }
.LBB2_126:
0x6c1: {  	v19 =	vld [tilespmem:s2+$0x0];
	s0 =	sadd.s32 $0x8, s0;
	v6 =	vnsel vm2, $0x4B400000, v6;
	v8 =	vnsel vm4, $0x4B400000, v8;
	vm2 =	vgt.s32 v11, $0x4B400000;
	[tilespmem:s30+$0xFFFFFF90] =	vst v16  }
0x6c2: {  	v7 =	vnsel vm1, $0x4B400000, v7;
	v9 =	vnsel vm3, $0x4B400000, v9;
	p3 =	slt.u32 s0, $0x78;
	vm4 =	vgt.s32 v18, $0x4B400000;
	v5 =	vld.idx.msk [tilespmem:v5+s18+$0x0], $0xffff;
	[tilespmem:s30+$0xFFFFFFA0] =	vst v14  }
0x6c3: {  	v10 =	vnsel vm0, $0x4B400000, v10;
	v11 =	vnsel vm2, $0x4B400000, v11;
	v14 =	vld [tilespmem:s2+$0xFFFFFFA0];
	v16 =	vnsel vm4, $0x4B400000, v18;
	[tilespmem:s30+$0xFFFFFFB0] =	vst v12  }
0x6c4: {  	v6 =	vmin.u32 v6, $0x4B40FFFF;
	v8 =	vmin.u32 v8, $0x4B40FFFF;
	v12 =	vld [tilespmem:s2+$0xFFFFFFB0];
	v16 =	vmin.u32 v16, $0x4B40FFFF;
	[tilespmem:s30+$0xFFFFFFC0] =	vst v13  }
0x6c5: {  	v7 =	vmin.u32 v7, $0x4B40FFFF;
	v9 =	vmin.u32 v9, $0x4B40FFFF;
	v10 =	vmin.u32 v10, $0x4B40FFFF;
	v13 =	vld [tilespmem:s2+$0xFFFFFFC0];
	[tilespmem:s30+$0xFFFFFFD0] =	vst v15  }
0x6c6: {  	v11 =	vmin.u32 v11, $0x4B40FFFF;
	v16 =	vand.u32 $0xFFFF, v16;
	v15 =	vld [tilespmem:s2+$0xFFFFFFD0];
	v18 =	vmul.f32 $2.560000000e+02, v19;
	[tilespmem:s30+$0xFFFFFFE0] =	vst v17  }
0x6c7: {  	v20 =	vand.u32 $0xFFFF, v8;
	v21 =	vand.u32 $0xFFFF, v7;
	v19 =	vand.u32 $0xFFFF, v6;
	v17 =	vld [tilespmem:s2+$0xFFFFFFE0]  }
0x6c8: {  	v6 =	vmul.f32 $2.560000000e+02, v14;
	v22 =	vld [tilespmem:s2+$0xFFFFFFF0];
	v7 =	vadd.f32 $1.261568000e+07, v18;
	v18 =	vand.u32 $0xFFFF, v9;
	[tilespmem:s31+$0x0] =	vst v5  }
0x6c9: {  	v24 =	vand.u32 $0xFFFF, v10;
	v8 =	vand.u32 $0xFFFF, v11;
	v23 =	vld [tilespmem:s2+$0xFFFFFF90];
	v5 =	vmul.f32 $2.560000000e+02, v12  }
0x6ca: {  	v6 =	vadd.f32 $1.261568000e+07, v6;
	v9 =	vmul.f32 $2.560000000e+02, v13;
	vm0 =	vgt.s32 v7, $0x4B400000;
	v25 =	vld.idx.msk [tilespmem:v4+s18+$0x0], $0xffff;
	v4 =	vmovc v8  }
0x6cb: {  	v8 =	vadd.f32 $1.261568000e+07, v5;
	v5 =	vmul.f32 $2.560000000e+02, v15;
	v10 =	vnsel vm0, $0x4B400000, v7;
	v16 =	vld.idx.msk [tilespmem:v16+s18+$0x0], $0xffff  }
.Ltmp65:
0x6cc: {  	v7 =	vadd.f32 $1.261568000e+07, v9;
	v11 =	vmul.f32 $2.560000000e+02, v17;
	v10 =	vmin.u32 v10, $0x4B40FFFF;
	v14 =	vld.idx.msk [tilespmem:v19+s18+$0x0], $0xffff;
	(pc) =	sbr.rel @p3 .LBB2_126-.Ltmp65, $4  }
0x6cd: {  	v9 =	vadd.f32 $1.261568000e+07, v5;
	v15 =	vmul.f32 $2.560000000e+02, v22;
	v5 =	vand.u32 $0xFFFF, v10;
	v12 =	vld.idx.msk [tilespmem:v20+s18+$0x0], $0xffff  }
0x6ce: {  	vm2 =	vgt.s32 v6, $0x4B400000;
	v17 =	vmul.f32 $2.560000000e+02, v23;
	v10 =	vadd.f32 $1.261568000e+07, v11;
	v13 =	vld.idx.msk [tilespmem:v21+s18+$0x0], $0xffff  }
0x6cf: {  	vm4 =	vgt.s32 v8, $0x4B400000;
	vm1 =	vgt.s32 v7, $0x4B400000;
	v11 =	vadd.f32 $1.261568000e+07, v15;
	v15 =	vld.idx.msk [tilespmem:v18+s18+$0x0], $0xffff  }
0x6d0: {  	vm3 =	vgt.s32 v9, $0x4B400000;
	v18 =	vadd.f32 $1.261568000e+07, v17;
	vm0 =	vgt.s32 v10, $0x4B400000;
	v17 =	vld.idx.msk [tilespmem:v24+s18+$0x0], $0xffff;
	[tilespmem:s30+$0xFFFFFFF0] =	vst v25;
	s30 =	smov.u32 s31;
	s31 =	smov.u32 s2;
	s2 =	sadd.s32 $0x400, s2  }
0x6d1: {  	s0 =	smov.u32 s30;
	s30 =	smov.u32 s31  }
.LBB2_128:
0x6d2: {  	vm5 =	vgt.s32 v18, $0x4B400000;
	v6 =	vnsel vm2, $0x4B400000, v6  }
0x6d3: {  	v8 =	vnsel vm4, $0x4B400000, v8;
	vm2 =	vgt.s32 v11, $0x4B400000;
	v6 =	vmin.u32 v6, $0x4B40FFFF  }
0x6d4: {  	v7 =	vnsel vm1, $0x4B400000, v7;
	v8 =	vmin.u32 v8, $0x4B40FFFF;
	v6 =	vand.u32 $0xFFFF, v6  }
0x6d5: {  	v9 =	vnsel vm3, $0x4B400000, v9;
	v7 =	vmin.u32 v7, $0x4B40FFFF;
	v8 =	vand.u32 $0xFFFF, v8  }
0x6d6: {  	[tilespmem:s0+$0xFFFFFF90] =	vst @p2 v16;
	v5 =	vld.idx.msk [tilespmem:v5+s18+$0x0], $0xffff;
	v10 =	vnsel vm0, $0x4B400000, v10;
	v9 =	vmin.u32 v9, $0x4B40FFFF;
	v7 =	vand.u32 $0xFFFF, v7  }
0x6d7: {  	[tilespmem:s0+$0xFFFFFFA0] =	vst @p2 v14;
	v18 =	vnsel vm5, $0x4B400000, v18;
	v10 =	vmin.u32 v10, $0x4B40FFFF;
	v9 =	vand.u32 $0xFFFF, v9  }
0x6d8: {  	[tilespmem:s0+$0xFFFFFFB0] =	vst @p2 v12;
	v4 =	vld.idx.msk @p2 [tilespmem:v4+s18+$0x0], $0xffff;
	v11 =	vnsel vm2, $0x4B400000, v11;
	v18 =	vmin.u32 v18, $0x4B40FFFF;
	v10 =	vand.u32 $0xFFFF, v10  }
0x6d9: {  	[tilespmem:s0+$0xFFFFFFC0] =	vst @p2 v13;
	v11 =	vmin.u32 v11, $0x4B40FFFF;
	v18 =	vand.u32 $0xFFFF, v18;
	v6 =	vld.idx.msk [tilespmem:v6+s18+$0x0], $0xffff  }
0x6da: {  	[tilespmem:s0+$0xFFFFFFD0] =	vst @p2 v15;
	v11 =	vand.u32 $0xFFFF, v11;
	v8 =	vld.idx.msk [tilespmem:v8+s18+$0x0], $0xffff  }
0x6db: {  	[tilespmem:s30+$0x0] =	vst v5;
	v5 =	vld.idx.msk [tilespmem:v7+s18+$0x0], $0xffff  }
0x6dc: {  	[tilespmem:s0+$0xFFFFFFE0] =	vst @p2 v17;
	v7 =	vld.idx.msk [tilespmem:v9+s18+$0x0], $0xffff  }
0x6dd: {  	[tilespmem:s0+$0xFFFFFFF0] =	vst @p2 v4;
	v4 =	vld.idx.msk [tilespmem:v10+s18+$0x0], $0xffff  }
0x6de: {  	v63 =	vld.idx.msk [tilespmem:v18+s18+$0x0], $0xffff;
	[tilespmem:s30+$0xFFFFFFA0] =	vst v6  }
0x6df: {  	v6 =	vld.idx.msk [tilespmem:v11+s18+$0x0], $0xffff;
	[tilespmem:s30+$0xFFFFFFB0] =	vst v8  }
0x6e0: {  	[tilespmem:s30+$0xFFFFFFC0] =	vst v5  }
0x6e1: {  	[tilespmem:s30+$0xFFFFFFD0] =	vst v7  }
0x6e2: {  	[tilespmem:s30+$0xFFFFFFE0] =	vst v4  }
0x6e3: {  	[tilespmem:s30+$0xFFFFFF90] =	vst v63  }
0x6e4: {  	s31 =	simm.s32 $0x19470;
	[tilespmem:s30+$0xFFFFFFF0] =	vst v6  }
0x6e5: {  	v4 =	vld [tilespmem:s31+$0x0]  }
0x6e6: {  	v5 =	vld [tilespmem:s31+$0xFFFFFFA0]  }
0x6e7: {  	v6 =	vld [tilespmem:s31+$0xFFFFFFB0]  }
0x6e8: {  	v9 =	vld [tilespmem:s31+$0xFFFFFFD0]  }
0x6e9: {  	v10 =	vld [tilespmem:s31+$0xFFFFFFE0]  }
0x6ea: {  	v11 =	vld [tilespmem:s31+$0xFFFFFFF0]  }
0x6eb: {  	v7 =	vld [tilespmem:s31+$0xFFFFFFC0]  }
0x6ec: {  	v4 =	vmul.f32 $2.560000000e+02, v4  }
0x6ed: {  	v5 =	vmul.f32 $2.560000000e+02, v5  }
0x6ee: {  	v12 =	vld [tilespmem:s31+$0xFFFFFF90];
	v8 =	vmul.f32 $2.560000000e+02, v6;
	v9 =	vmul.f32 $2.560000000e+02, v9;
	v4 =	vadd.f32 $1.261568000e+07, v4  }
0x6ef: {  	v10 =	vmul.f32 $2.560000000e+02, v10;
	v11 =	vmul.f32 $2.560000000e+02, v11  }
0x6f0: {  	v6 =	vadd.f32 $1.261568000e+07, v5;
	v5 =	vmul.f32 $2.560000000e+02, v7;
	vm0 =	vgt.s32 v4, $0x4B400000  }
.Ltmp66:
0x6f1: {  	v8 =	vadd.f32 $1.261568000e+07, v8;
	v9 =	vadd.f32 $1.261568000e+07, v9;
	v4 =	vnsel vm0, $0x4B400000, v4;
	(pc) =	sbr.rel @!p1 .LBB2_129-.Ltmp66, $4  }
0x6f2: {  	v10 =	vadd.f32 $1.261568000e+07, v10;
	v11 =	vadd.f32 $1.261568000e+07, v11;
	v4 =	vmin.u32 v4, $0x4B40FFFF  }
0x6f3: {  	v7 =	vadd.f32 $1.261568000e+07, v5;
	v5 =	vand.u32 $0xFFFF, v4;
	v4 =	vmul.f32 $2.560000000e+02, v12  }
0x6f4: {  	vm2 =	vgt.s32 v6, $0x4B400000;
	vm4 =	vgt.s32 v8, $0x4B400000;
	vm3 =	vgt.s32 v9, $0x4B400000  }
0x6f5: {  	s30 =	simm.s32 $0x19870;
	vm0 =	vgt.s32 v10, $0x4B400000;
	vm1 =	vgt.s32 v7, $0x4B400000;
	v18 =	vadd.f32 $1.261568000e+07, v4  }
0x6f6: {  	v4 =	vld [tilespmem:s30+$0x0];
	v6 =	vnsel vm2, $0x4B400000, v6;
	v8 =	vnsel vm4, $0x4B400000, v8;
	vm2 =	vgt.s32 v11, $0x4B400000  }
0x6f7: {  	v7 =	vnsel vm1, $0x4B400000, v7;
	v9 =	vnsel vm3, $0x4B400000, v9;
	v12 =	vld [tilespmem:s30+$0xFFFFFFA0];
	v10 =	vnsel vm0, $0x4B400000, v10  }
0x6f8: {  	v14 =	vld [tilespmem:s30+$0xFFFFFFB0];
	vm4 =	vgt.s32 v18, $0x4B400000;
	v11 =	vnsel vm2, $0x4B400000, v11;
	v6 =	vmin.u32 v6, $0x4B40FFFF  }
0x6f9: {  	v15 =	vld [tilespmem:s30+$0xFFFFFFC0];
	v8 =	vmin.u32 v8, $0x4B40FFFF;
	v7 =	vmin.u32 v7, $0x4B40FFFF;
	v9 =	vmin.u32 v9, $0x4B40FFFF  }
0x6fa: {  	v16 =	vld [tilespmem:s30+$0xFFFFFFD0];
	v10 =	vmin.u32 v10, $0x4B40FFFF;
	v13 =	vnsel vm4, $0x4B400000, v18;
	v11 =	vmin.u32 v11, $0x4B40FFFF  }
0x6fb: {  	v17 =	vld [tilespmem:s30+$0xFFFFFFE0];
	v18 =	vand.u32 $0xFFFF, v6;
	v13 =	vmin.u32 v13, $0x4B40FFFF;
	v4 =	vmul.f32 $2.560000000e+02, v4  }
0x6fc: {  	v22 =	vld [tilespmem:s30+$0xFFFFFF90];
	v19 =	vand.u32 $0xFFFF, v8;
	v20 =	vand.u32 $0xFFFF, v7;
	v13 =	vand.u32 $0xFFFF, v13  }
0x6fd: {  	v21 =	vand.u32 $0xFFFF, v9;
	v6 =	vmul.f32 $2.560000000e+02, v12;
	v12 =	vld [tilespmem:s30+$0xFFFFFFF0];
	v7 =	vadd.f32 $1.261568000e+07, v4  }
0x6fe: {  	v24 =	vld.idx.msk [tilespmem:v5+s18+$0x0], $0xffff;
	v23 =	vand.u32 $0xFFFF, v10;
	v8 =	vmul.f32 $2.560000000e+02, v14;
	v5 =	vmul.f32 $2.560000000e+02, v15  }
0x6ff: {  	v9 =	vmul.f32 $2.560000000e+02, v16;
	v4 =	vand.u32 $0xFFFF, v11;
	vm0 =	vgt.s32 v7, $0x4B400000  }
0x700: {  	p1 =	por $0x1, $0x1;
	v6 =	vadd.f32 $1.261568000e+07, v6;
	v8 =	vadd.f32 $1.261568000e+07, v8;
	v14 =	vld.idx.msk [tilespmem:v18+s18+$0x0], $0xffff;
	v10 =	vnsel vm0, $0x4B400000, v7  }
.Ltmp67:
0x701: {  	v11 =	vmul.f32 $2.560000000e+02, v17;
	v16 =	vld.idx.msk [tilespmem:v13+s18+$0x0], $0xffff;
	v7 =	vadd.f32 $1.261568000e+07, v5;
	v5 =	vmin.u32 v10, $0x4B40FFFF;
	(pc) =	sbr.rel @!p1 .LBB2_131-.Ltmp67, $4  }
0x702: {  	v17 =	vmul.f32 $2.560000000e+02, v22;
	v13 =	vld.idx.msk [tilespmem:v20+s18+$0x0], $0xffff;
	v15 =	vmul.f32 $2.560000000e+02, v12;
	v5 =	vand.u32 $0xFFFF, v5  }
0x703: {  	v9 =	vadd.f32 $1.261568000e+07, v9;
	vm2 =	vgt.s32 v6, $0x4B400000;
	v12 =	vld.idx.msk [tilespmem:v19+s18+$0x0], $0xffff;
	v10 =	vadd.f32 $1.261568000e+07, v11  }
0x704: {  	vm4 =	vgt.s32 v8, $0x4B400000;
	v18 =	vadd.f32 $1.261568000e+07, v17;
	v17 =	vld.idx.msk [tilespmem:v23+s18+$0x0], $0xffff;
	v11 =	vadd.f32 $1.261568000e+07, v15  }
0x705: {  	s0 =	simm.s32 $0x8;
	s2 =	simm.s32 $0x19C70;
	p0 =	por $0x1, $0x1;
	[tilespmem:s31+$0x0] =	vst v24;
	vm3 =	vgt.s32 v9, $0x4B400000;
	vm1 =	vgt.s32 v7, $0x4B400000;
	v15 =	vld.idx.msk [tilespmem:v21+s18+$0x0], $0xffff;
	vm0 =	vgt.s32 v10, $0x4B400000  }
.LBB2_132:
0x706: {  	v19 =	vld [tilespmem:s2+$0x0];
	s0 =	sadd.s32 $0x8, s0;
	v6 =	vnsel vm2, $0x4B400000, v6;
	v8 =	vnsel vm4, $0x4B400000, v8;
	vm2 =	vgt.s32 v11, $0x4B400000;
	[tilespmem:s31+$0xFFFFFF90] =	vst v16  }
0x707: {  	v7 =	vnsel vm1, $0x4B400000, v7;
	v9 =	vnsel vm3, $0x4B400000, v9;
	p1 =	slt.u32 s0, $0x78;
	vm4 =	vgt.s32 v18, $0x4B400000;
	v5 =	vld.idx.msk [tilespmem:v5+s18+$0x0], $0xffff;
	[tilespmem:s31+$0xFFFFFFA0] =	vst v14  }
0x708: {  	v10 =	vnsel vm0, $0x4B400000, v10;
	v11 =	vnsel vm2, $0x4B400000, v11;
	v14 =	vld [tilespmem:s2+$0xFFFFFFA0];
	v16 =	vnsel vm4, $0x4B400000, v18;
	[tilespmem:s31+$0xFFFFFFB0] =	vst v12  }
0x709: {  	v6 =	vmin.u32 v6, $0x4B40FFFF;
	v8 =	vmin.u32 v8, $0x4B40FFFF;
	v12 =	vld [tilespmem:s2+$0xFFFFFFB0];
	v16 =	vmin.u32 v16, $0x4B40FFFF;
	[tilespmem:s31+$0xFFFFFFC0] =	vst v13  }
0x70a: {  	v7 =	vmin.u32 v7, $0x4B40FFFF;
	v9 =	vmin.u32 v9, $0x4B40FFFF;
	v10 =	vmin.u32 v10, $0x4B40FFFF;
	v13 =	vld [tilespmem:s2+$0xFFFFFFC0];
	[tilespmem:s31+$0xFFFFFFD0] =	vst v15  }
0x70b: {  	v11 =	vmin.u32 v11, $0x4B40FFFF;
	v16 =	vand.u32 $0xFFFF, v16;
	v15 =	vld [tilespmem:s2+$0xFFFFFFD0];
	v18 =	vmul.f32 $2.560000000e+02, v19;
	[tilespmem:s31+$0xFFFFFFE0] =	vst v17  }
0x70c: {  	v20 =	vand.u32 $0xFFFF, v8;
	v21 =	vand.u32 $0xFFFF, v7;
	v19 =	vand.u32 $0xFFFF, v6;
	v17 =	vld [tilespmem:s2+$0xFFFFFFE0]  }
0x70d: {  	v6 =	vmul.f32 $2.560000000e+02, v14;
	v22 =	vld [tilespmem:s2+$0xFFFFFFF0];
	v7 =	vadd.f32 $1.261568000e+07, v18;
	v18 =	vand.u32 $0xFFFF, v9;
	[tilespmem:s30+$0x0] =	vst v5  }
0x70e: {  	v24 =	vand.u32 $0xFFFF, v10;
	v8 =	vand.u32 $0xFFFF, v11;
	v23 =	vld [tilespmem:s2+$0xFFFFFF90];
	v5 =	vmul.f32 $2.560000000e+02, v12  }
0x70f: {  	v6 =	vadd.f32 $1.261568000e+07, v6;
	v9 =	vmul.f32 $2.560000000e+02, v13;
	vm0 =	vgt.s32 v7, $0x4B400000;
	v25 =	vld.idx.msk [tilespmem:v4+s18+$0x0], $0xffff;
	v4 =	vmovc v8  }
0x710: {  	v8 =	vadd.f32 $1.261568000e+07, v5;
	v5 =	vmul.f32 $2.560000000e+02, v15;
	v10 =	vnsel vm0, $0x4B400000, v7;
	v16 =	vld.idx.msk [tilespmem:v16+s18+$0x0], $0xffff  }
.Ltmp68:
0x711: {  	v7 =	vadd.f32 $1.261568000e+07, v9;
	v11 =	vmul.f32 $2.560000000e+02, v17;
	v10 =	vmin.u32 v10, $0x4B40FFFF;
	v14 =	vld.idx.msk [tilespmem:v19+s18+$0x0], $0xffff;
	(pc) =	sbr.rel @p1 .LBB2_132-.Ltmp68, $4  }
0x712: {  	v9 =	vadd.f32 $1.261568000e+07, v5;
	v15 =	vmul.f32 $2.560000000e+02, v22;
	v5 =	vand.u32 $0xFFFF, v10;
	v12 =	vld.idx.msk [tilespmem:v20+s18+$0x0], $0xffff  }
0x713: {  	vm2 =	vgt.s32 v6, $0x4B400000;
	v17 =	vmul.f32 $2.560000000e+02, v23;
	v10 =	vadd.f32 $1.261568000e+07, v11;
	v13 =	vld.idx.msk [tilespmem:v21+s18+$0x0], $0xffff  }
0x714: {  	vm4 =	vgt.s32 v8, $0x4B400000;
	vm1 =	vgt.s32 v7, $0x4B400000;
	v11 =	vadd.f32 $1.261568000e+07, v15;
	v15 =	vld.idx.msk [tilespmem:v18+s18+$0x0], $0xffff  }
0x715: {  	vm3 =	vgt.s32 v9, $0x4B400000;
	v18 =	vadd.f32 $1.261568000e+07, v17;
	vm0 =	vgt.s32 v10, $0x4B400000;
	v17 =	vld.idx.msk [tilespmem:v24+s18+$0x0], $0xffff;
	[tilespmem:s31+$0xFFFFFFF0] =	vst v25;
	s31 =	smov.u32 s30;
	s30 =	smov.u32 s2;
	s2 =	sadd.s32 $0x400, s2  }
0x716: {  	s0 =	smov.u32 s31;
	s31 =	smov.u32 s30  }
.LBB2_134:
0x717: {  	vm5 =	vgt.s32 v18, $0x4B400000;
	v6 =	vnsel vm2, $0x4B400000, v6  }
0x718: {  	v8 =	vnsel vm4, $0x4B400000, v8;
	vm15 =	vgt.s32 v11, $0x4B400000;
	v6 =	vmin.u32 v6, $0x4B40FFFF  }
0x719: {  	v7 =	vnsel vm1, $0x4B400000, v7;
	v8 =	vmin.u32 v8, $0x4B40FFFF;
	v6 =	vand.u32 $0xFFFF, v6  }
0x71a: {  	v9 =	vnsel vm3, $0x4B400000, v9;
	v7 =	vmin.u32 v7, $0x4B40FFFF;
	v8 =	vand.u32 $0xFFFF, v8  }
0x71b: {  	[tilespmem:s0+$0xFFFFFF90] =	vst @p0 v16;
	v5 =	vld.idx.msk [tilespmem:v5+s18+$0x0], $0xffff;
	v10 =	vnsel vm0, $0x4B400000, v10;
	v9 =	vmin.u32 v9, $0x4B40FFFF;
	v7 =	vand.u32 $0xFFFF, v7  }
0x71c: {  	[tilespmem:s0+$0xFFFFFFA0] =	vst @p0 v14;
	v18 =	vnsel vm5, $0x4B400000, v18;
	v10 =	vmin.u32 v10, $0x4B40FFFF;
	v9 =	vand.u32 $0xFFFF, v9  }
0x71d: {  	[tilespmem:s0+$0xFFFFFFB0] =	vst @p0 v12;
	v4 =	vld.idx.msk @p0 [tilespmem:v4+s18+$0x0], $0xffff;
	v11 =	vnsel vm15, $0x4B400000, v11;
	v18 =	vmin.u32 v18, $0x4B40FFFF;
	v10 =	vand.u32 $0xFFFF, v10  }
0x71e: {  	[tilespmem:s0+$0xFFFFFFC0] =	vst @p0 v13;
	v11 =	vmin.u32 v11, $0x4B40FFFF;
	v18 =	vand.u32 $0xFFFF, v18;
	v6 =	vld.idx.msk [tilespmem:v6+s18+$0x0], $0xffff  }
0x71f: {  	[tilespmem:s0+$0xFFFFFFD0] =	vst @p0 v15;
	v11 =	vand.u32 $0xFFFF, v11;
	v8 =	vld.idx.msk [tilespmem:v8+s18+$0x0], $0xffff  }
0x720: {  	[tilespmem:s31+$0x0] =	vst v5;
	v5 =	vld.idx.msk [tilespmem:v7+s18+$0x0], $0xffff  }
0x721: {  	[tilespmem:s0+$0xFFFFFFE0] =	vst @p0 v17;
	v62 =	vld.idx.msk [tilespmem:v9+s18+$0x0], $0xffff  }
0x722: {  	[tilespmem:s0+$0xFFFFFFF0] =	vst @p0 v4;
	v4 =	vld.idx.msk [tilespmem:v10+s18+$0x0], $0xffff  }
0x723: {  	v61 =	vld.idx.msk [tilespmem:v18+s18+$0x0], $0xffff;
	[tilespmem:s31+$0xFFFFFFA0] =	vst v6  }
0x724: {  	v63 =	vld.idx.msk [tilespmem:v11+s18+$0x0], $0xffff;
	[tilespmem:s31+$0xFFFFFFB0] =	vst v8  }
0x725: {  	[tilespmem:s31+$0xFFFFFFC0] =	vst v5  }
0x726: {  	[tilespmem:s31+$0xFFFFFFD0] =	vst v62  }
0x727: {  	[tilespmem:s31+$0xFFFFFFE0] =	vst v4  }
0x728: {  	p0 =	sgt.u32 s26, $0x13;
	[tilespmem:s31+$0xFFFFFF90] =	vst v61  }
0x729: {  	s0 =	simm.s32 @!p0 $0x5;
	[tilespmem:s31+$0xFFFFFFF0] =	vst v63;
	s31 =	sadd.s32 s4, s29  }
0x72a: {  	[hbm4b:s31+s5] =	stream.linear.scatter [tilespmem:s19], [sflag:$0x6], $0x4000, $0x38;
	[tilespmem:$0x1D080] =	vst v63  }
0x72b: {  	_ =	swait.ge @!p0 [sflag:s0], $0x4000  }
0x72c: {  	s2 =	sadd.s32 @!p0 s28, s11;
	[sflag:s0] =	ssyncset.done @!p0 $0x0  }
0x72d: {  	s26 =	sadd.s32 $0x1, s26;
	[sflag:s0] =	ssyncadd.s32 @!p0 $0xFFFFC000;
	s0 =	sshll.u32 @!p0 s2, $0xB  }
0x72e: {  	s3 =	simm.s32 @!p0 $0x15080;
	s2 =	simm.s32 @!p0 $0x0;
	s0 =	sadd.s32 @!p0 s1, s0  }
0x72f: {  	[tilespmem:s3], [sflag:$0x2] =	stream.linear.gather @!p0 [hbm4b:s0+s2], $0x4000, $0x38;
	[tilespmem:$0x1D080] =	vst v63  }
0x730: {  	p0 =	sne.s32 s26, $0x16  }
.Ltmp69:
0x731: {  	_ = 	snop;
	(pc) =	sbr.rel @p0 .LBB2_10-.Ltmp69, $4  }
.Ltmp70:
0x732: {  	_ = 	snop;
	(pc) =	sbr.rel @!p0 .LBB2_135-.Ltmp70, $4  }
0x733: {  	_ = 	snop  }
0x734: {  	_ = 	snop  }
0x735: {  	_ = 	snop  }
0x736: {  	_ = 	snop  }
.LBB2_15:
.Ltmp71:
0x737: {  	(pc) =	sbr.rel .LBB2_20-.Ltmp71, $2  }
0x738: {  	_ =	sdelay $0x2  }
0x739: {  	p2 =	por $0x0, $0x0  }
.LBB2_21:
.Ltmp72:
0x73a: {  	(pc) =	sbr.rel .LBB2_26-.Ltmp72, $2  }
0x73b: {  	_ =	sdelay $0x2  }
0x73c: {  	_ = 	snop  }
.LBB2_27:
.Ltmp73:
0x73d: {  	(pc) =	sbr.rel .LBB2_32-.Ltmp73, $2  }
0x73e: {  	_ =	sdelay $0x2  }
0x73f: {  	p2 =	por $0x0, $0x0  }
.LBB2_33:
.Ltmp74:
0x740: {  	(pc) =	sbr.rel .LBB2_38-.Ltmp74, $2  }
0x741: {  	_ =	sdelay $0x2  }
0x742: {  	_ = 	snop  }
.LBB2_39:
.Ltmp75:
0x743: {  	(pc) =	sbr.rel .LBB2_44-.Ltmp75, $2  }
0x744: {  	_ =	sdelay $0x2  }
0x745: {  	p2 =	por $0x0, $0x0  }
.LBB2_45:
.Ltmp76:
0x746: {  	(pc) =	sbr.rel .LBB2_50-.Ltmp76, $2  }
0x747: {  	_ =	sdelay $0x2  }
0x748: {  	_ = 	snop  }
.LBB2_17:
.Ltmp77:
0x749: {  	(pc) =	sbr.rel .LBB2_20-.Ltmp77, $2  }
0x74a: {  	_ =	sdelay $0x2  }
0x74b: {  	s0 =	simm.s32 $0x111F0;
	s28 =	simm.s32 $0x115F0  }
.LBB2_23:
.Ltmp78:
0x74c: {  	(pc) =	sbr.rel .LBB2_26-.Ltmp78, $2  }
0x74d: {  	_ =	sdelay $0x2  }
0x74e: {  	s0 =	simm.s32 $0x11270;
	s29 =	simm.s32 $0x11670  }
.LBB2_29:
.Ltmp79:
0x74f: {  	(pc) =	sbr.rel .LBB2_32-.Ltmp79, $2  }
0x750: {  	_ =	sdelay $0x2  }
0x751: {  	s0 =	simm.s32 $0x112F0;
	s28 =	simm.s32 $0x116F0  }
.LBB2_35:
.Ltmp80:
0x752: {  	(pc) =	sbr.rel .LBB2_38-.Ltmp80, $2  }
0x753: {  	_ =	sdelay $0x2  }
0x754: {  	s0 =	simm.s32 $0x11370;
	s29 =	simm.s32 $0x11770  }
.LBB2_41:
.Ltmp81:
0x755: {  	(pc) =	sbr.rel .LBB2_44-.Ltmp81, $2  }
0x756: {  	_ =	sdelay $0x2  }
0x757: {  	s0 =	simm.s32 $0x113F0;
	s28 =	simm.s32 $0x117F0  }
.LBB2_47:
.Ltmp82:
0x758: {  	(pc) =	sbr.rel .LBB2_50-.Ltmp82, $2  }
0x759: {  	_ =	sdelay $0x2  }
0x75a: {  	s0 =	simm.s32 $0x11470;
	s29 =	simm.s32 $0x11870  }
.LBB2_59:
.Ltmp83:
0x75b: {  	(pc) =	sbr.rel .LBB2_64-.Ltmp83, $2  }
0x75c: {  	_ =	sdelay $0x2  }
0x75d: {  	p2 =	por $0x0, $0x0  }
.LBB2_65:
.Ltmp84:
0x75e: {  	(pc) =	sbr.rel .LBB2_70-.Ltmp84, $2  }
0x75f: {  	_ =	sdelay $0x2  }
0x760: {  	_ = 	snop  }
.LBB2_71:
.Ltmp85:
0x761: {  	(pc) =	sbr.rel .LBB2_76-.Ltmp85, $2  }
0x762: {  	_ =	sdelay $0x2  }
0x763: {  	p2 =	por $0x0, $0x0  }
.LBB2_77:
.Ltmp86:
0x764: {  	(pc) =	sbr.rel .LBB2_82-.Ltmp86, $2  }
0x765: {  	_ =	sdelay $0x2  }
0x766: {  	_ = 	snop  }
.LBB2_83:
.Ltmp87:
0x767: {  	(pc) =	sbr.rel .LBB2_88-.Ltmp87, $2  }
0x768: {  	_ =	sdelay $0x2  }
0x769: {  	p2 =	por $0x0, $0x0  }
.LBB2_89:
.Ltmp88:
0x76a: {  	(pc) =	sbr.rel .LBB2_94-.Ltmp88, $2  }
0x76b: {  	_ =	sdelay $0x2  }
0x76c: {  	_ = 	snop  }
.LBB2_99:
.Ltmp89:
0x76d: {  	(pc) =	sbr.rel .LBB2_104-.Ltmp89, $2  }
0x76e: {  	_ =	sdelay $0x2  }
0x76f: {  	p2 =	por $0x0, $0x0  }
.LBB2_105:
.Ltmp90:
0x770: {  	(pc) =	sbr.rel .LBB2_110-.Ltmp90, $2  }
0x771: {  	_ =	sdelay $0x2  }
0x772: {  	_ = 	snop  }
.LBB2_111:
.Ltmp91:
0x773: {  	(pc) =	sbr.rel .LBB2_116-.Ltmp91, $2  }
0x774: {  	_ =	sdelay $0x2  }
0x775: {  	p2 =	por $0x0, $0x0  }
.LBB2_117:
.Ltmp92:
0x776: {  	(pc) =	sbr.rel .LBB2_122-.Ltmp92, $2  }
0x777: {  	_ =	sdelay $0x2  }
0x778: {  	_ = 	snop  }
.LBB2_123:
.Ltmp93:
0x779: {  	(pc) =	sbr.rel .LBB2_128-.Ltmp93, $2  }
0x77a: {  	_ =	sdelay $0x2  }
0x77b: {  	p2 =	por $0x0, $0x0  }
.LBB2_129:
.Ltmp94:
0x77c: {  	(pc) =	sbr.rel .LBB2_134-.Ltmp94, $2  }
0x77d: {  	_ =	sdelay $0x2  }
0x77e: {  	_ = 	snop  }
.LBB2_61:
.Ltmp95:
0x77f: {  	(pc) =	sbr.rel .LBB2_64-.Ltmp95, $2  }
0x780: {  	_ =	sdelay $0x2  }
0x781: {  	s0 =	simm.s32 $0x151F0;
	s30 =	simm.s32 $0x155F0  }
.LBB2_67:
.Ltmp96:
0x782: {  	(pc) =	sbr.rel .LBB2_70-.Ltmp96, $2  }
0x783: {  	_ =	sdelay $0x2  }
0x784: {  	s0 =	simm.s32 $0x15270;
	s31 =	simm.s32 $0x15670  }
.LBB2_73:
.Ltmp97:
0x785: {  	(pc) =	sbr.rel .LBB2_76-.Ltmp97, $2  }
0x786: {  	_ =	sdelay $0x2  }
0x787: {  	s0 =	simm.s32 $0x152F0;
	s30 =	simm.s32 $0x156F0  }
.LBB2_79:
.Ltmp98:
0x788: {  	(pc) =	sbr.rel .LBB2_82-.Ltmp98, $2  }
0x789: {  	_ =	sdelay $0x2  }
0x78a: {  	s0 =	simm.s32 $0x15370;
	s31 =	simm.s32 $0x15770  }
.LBB2_85:
.Ltmp99:
0x78b: {  	(pc) =	sbr.rel .LBB2_88-.Ltmp99, $2  }
0x78c: {  	_ =	sdelay $0x2  }
0x78d: {  	s0 =	simm.s32 $0x153F0;
	s30 =	simm.s32 $0x157F0  }
.LBB2_91:
.Ltmp100:
0x78e: {  	(pc) =	sbr.rel .LBB2_94-.Ltmp100, $2  }
0x78f: {  	_ =	sdelay $0x2  }
0x790: {  	s0 =	simm.s32 $0x15470;
	s31 =	simm.s32 $0x15870  }
.LBB2_101:
.Ltmp101:
0x791: {  	(pc) =	sbr.rel .LBB2_104-.Ltmp101, $2  }
0x792: {  	_ =	sdelay $0x2  }
0x793: {  	s0 =	simm.s32 $0x191F0;
	s30 =	simm.s32 $0x195F0  }
.LBB2_107:
.Ltmp102:
0x794: {  	(pc) =	sbr.rel .LBB2_110-.Ltmp102, $2  }
0x795: {  	_ =	sdelay $0x2  }
0x796: {  	s0 =	simm.s32 $0x19270;
	s31 =	simm.s32 $0x19670  }
.LBB2_113:
.Ltmp103:
0x797: {  	(pc) =	sbr.rel .LBB2_116-.Ltmp103, $2  }
0x798: {  	_ =	sdelay $0x2  }
0x799: {  	s0 =	simm.s32 $0x192F0;
	s30 =	simm.s32 $0x196F0  }
.LBB2_119:
.Ltmp104:
0x79a: {  	(pc) =	sbr.rel .LBB2_122-.Ltmp104, $2  }
0x79b: {  	_ =	sdelay $0x2  }
0x79c: {  	s0 =	simm.s32 $0x19370;
	s31 =	simm.s32 $0x19770  }
.LBB2_125:
.Ltmp105:
0x79d: {  	(pc) =	sbr.rel .LBB2_128-.Ltmp105, $2  }
0x79e: {  	_ =	sdelay $0x2  }
0x79f: {  	s0 =	simm.s32 $0x193F0;
	s30 =	simm.s32 $0x197F0  }
.LBB2_131:
.Ltmp106:
0x7a0: {  	(pc) =	sbr.rel .LBB2_134-.Ltmp106, $2  }
0x7a1: {  	_ =	sdelay $0x2  }
0x7a2: {  	s0 =	simm.s32 $0x19470;
	s31 =	simm.s32 $0x19870  }
.LBB2_136:
0x7a3: {  	_ =	sfence.sel $0x180000  }
0x7a4: {  	[bflag:$0x0] =	sbarrier.arrive $0xFFFF  }
0x7a5: {  	_ =	strace $0x90000047  }
0x7a6: {  	s0 =	stileid.u32;
	[bflag:$0x2] =	sbarrier.arrive $0xFFFF  }
0x7a7: {  	p0 =	sne.s32 s0, $0x0;
	s0 =	rddreg [dreg:$0x3]  }
0x7a8: {  	s0 =	sadd.s32 @!p0 $0x100000, s0  }
0x7a9: {  	[sflag:s0] =	ssyncadd.tile.s32 @!p0 $0x1;
	_ =	shalt  }
.Lfunc_end2:
_tile_overlayer_lowered:
.L_overlay_start_2:
0x7aa: {  	(tag) =	ssettag $0x2  }
0x7ab: {  	s0 =	rddreg [dreg:$0x0];
	s2 =	stileid.u32  }
0x7ac: {  	s1 =	rddreg [dreg:$0x1];
	p0 =	sne.s32 s2, $0x0  }
0x7ad: {  	s3 =	rddreg [dreg:$0x2];
	[bflag:$0x3] =	sbarrier.arrive $0xFFFF;
	s2 =	simm.s32 @!p0 $0x1C07  }
0x7ae: {  	[timem:s3], [sflag:s2] =	dma.local @!p0 [hbm:s0], s1  }
0x7af: {  	s0 =	simm.s32 @!p0 $0x7  }
0x7b0: {  	_ =	swait.ge @!p0 [sflag:s0], s1  }
0x7b1: {  	s1 =	ssub.s32 @!p0 $0x0, s1;
	[sflag:s0] =	ssyncset.done @!p0 $0x0  }
0x7b2: {  	[sflag:s0] =	ssyncadd.s32 @!p0 s1  }
0x7b3: {  	[bflag:$0x3] =	sbarrier.arrive $0xFFFF  }
0x7b4: {  	_ =	shalt  }

</sc_bundles>
